<compile_context>
chip_gen: v7x
topology: tpu7x:2x2x1
jax: 0.10.2.dev20260603
libtpu: 0.0.44.dev20260713+nightly
codegen_flags: <defaults>
</compile_context>

<pallas_src>
import functools

import jax
import jax.numpy as jnp
from jax import lax
from jax.experimental import pallas as pl
from jax.experimental.pallas import tpu as pltpu
from jax.experimental.pallas import tpu_sc as plsc

C = 4880
CS = 48
G = 32
H = 270
A = 32
V = 400
E = 400
B, T, NEV, LEV = 8, 4, 6, 40
BT = B * T
K1 = 32
K2 = 64
K = K1 + K2
NV = C // 16
CP = 4992
EP = 128


def _dot(a, b):
    return jnp.dot(a, b, preferred_element_type=jnp.float32)



def _sc_gather(idx1a, idx2a, adj, c_emb, n_emb, u_emb):
    mesh = plsc.VectorSubcoreMesh(core_axis_name="c", subcore_axis_name="s")

    @functools.partial(
        pl.kernel, mesh=mesh,
        out_type=[
            jax.ShapeDtypeStruct((BT, K, CP), jnp.float32),
            jax.ShapeDtypeStruct((BT, K, EP), jnp.float32),
            jax.ShapeDtypeStruct((BT, K2, EP), jnp.float32),
        ],
        scratch_types=[
            pltpu.VMEM((K1,), jnp.int32),
            pltpu.VMEM((K2,), jnp.int32),
            pltpu.VMEM((16, CP), jnp.float32),
            pltpu.VMEM((K, EP), jnp.float32),
            pltpu.VMEM((K2, EP), jnp.float32),
            pltpu.SemaphoreType.DMA,
        ],
    )
    def k(idx1_h, idx2_h, adj_h, cemb_h, nemb_h, uemb_h,
          rows_h, emb_h, uem_h,
          idx1, idx2, rowbuf, embbuf, uembbuf, sem):
        wid = lax.axis_index("s") * 2 + lax.axis_index("c")

        pltpu.sync_copy(idx1_h.at[wid], idx1)
        pltpu.sync_copy(idx2_h.at[wid], idx2)

        pltpu.async_copy(cemb_h.at[idx1], embbuf.at[pl.ds(0, K1)], sem).wait()
        pltpu.async_copy(nemb_h.at[idx2], embbuf.at[pl.ds(K1, K2)], sem).wait()
        pltpu.sync_copy(embbuf, emb_h.at[wid])
        pltpu.async_copy(uemb_h.at[idx2], uembbuf, sem).wait()
        pltpu.sync_copy(uembbuf, uem_h.at[wid])

        for c in range(K1 // 16):
            pltpu.async_copy(adj_h.at[idx1.at[pl.ds(c * 16, 16)]],
                             rowbuf, sem).wait()
            pltpu.sync_copy(rowbuf, rows_h.at[wid, pl.ds(c * 16, 16)])
        for c in range(K2 // 16):
            pltpu.async_copy(adj_h.at[idx2.at[pl.ds(c * 16, 16)]],
                             rowbuf, sem).wait()
            pltpu.sync_copy(rowbuf, rows_h.at[wid, pl.ds(K1 + c * 16, 16)])

    return k(idx1a, idx2a, adj, c_emb, n_emb, u_emb)



def _sparse_body(rows_ref, emb_ref, uem_ref, m23v_ref, cnt_ref,
                 nmask_ref, cmask_ref, m23n_ref, c_emb_ref, n_emb_ref,
                 wg_ref, wtq_ref, wtk_ref,
                 pers_ref, m1s_ref, u_ref, z_ref, u0_ref):
    f32 = jnp.float32
    rows = rows_ref[0, :, :C]
    cnt1 = cnt_ref[0, 0, 0]
    cnt2 = cnt_ref[0, 0, 1]
    nm = nmask_ref[0, 0, :]
    cm = cmask_ref[0, 0, :]
    x = jnp.concatenate([nm[:, None] * n_emb_ref[...],
                         cm[:, None] * c_emb_ref[...]], axis=1)
    agg = _dot(rows, x)
    emb = emb_ref[0, :, :CS]
    wg = wg_ref[...]

    aggc = jnp.maximum(agg[:K1, :CS] + emb[:K1], 0.0)
    co = jnp.maximum(_dot(aggc, wg), 0.0)
    rid1 = jax.lax.broadcasted_iota(jnp.int32, (K1, G), 0)
    co = jnp.where(rid1 < cnt1, co, 0.0)
    pers_ref[0, 0, :] = jnp.sum(co, axis=0)
    m1s_ref[0, 0, :] = jnp.full((G,), cnt1.astype(f32))

    aggn = jnp.maximum(agg[K1:, CS:] + emb[K1:], 0.0)
    no = jnp.maximum(_dot(aggn, wg), 0.0)
    rid2 = jax.lax.broadcasted_iota(jnp.int32, (K2, G), 0)
    no = jnp.where(rid2 < cnt2, no, 0.0)

    q = _dot(uem_ref[0, :, :G], wtq_ref[...])
    k = _dot(no, wtk_ref[...])
    s = jnp.sum(q * k, axis=1) * (1.0 / (A ** 0.5))
    lane = jax.lax.broadcasted_iota(jnp.int32, (K2,), 0)
    m23v = jnp.where(lane < cnt2, m23v_ref[0, 0, :], 0.0)
    e = m23v * jnp.exp(s)
    u_ref[0, 0, :] = _dot(e[None, :], no)[0]
    m23tot = jnp.sum(m23n_ref[0, 0, :])
    z_val = jnp.sum(e) + (m23tot - jnp.sum(m23v))
    z_ref[0, 0, :] = jnp.full((G,), z_val)
    u0_ref[0, 0, :] = jnp.sum(no, axis=0)


def _sparse_call(rows, emb, uem, m23v, cnt, nmask, cmask, m23n,
                 c_emb, n_emb, wg, wtq, wtk):
    out3 = pl.BlockSpec((1, 1, G), lambda i: (i, 0, 0))
    call = pl.pallas_call(
        _sparse_body,
        grid=(BT,),
        in_specs=[
            pl.BlockSpec((1, K, CP), lambda i: (i, 0, 0)),
            pl.BlockSpec((1, K, EP), lambda i: (i, 0, 0)),
            pl.BlockSpec((1, K2, EP), lambda i: (i, 0, 0)),
            pl.BlockSpec((1, 1, K2), lambda i: (i, 0, 0)),
            pl.BlockSpec((1, 1, 16), lambda i: (i, 0, 0)),
            pl.BlockSpec((1, 1, C), lambda i: (i, 0, 0)),
            pl.BlockSpec((1, 1, C), lambda i: (i, 0, 0)),
            pl.BlockSpec((1, 1, C), lambda i: (i, 0, 0)),
            pl.BlockSpec((C, CS), lambda i: (0, 0)),
            pl.BlockSpec((C, CS), lambda i: (0, 0)),
            pl.BlockSpec((CS, G), lambda i: (0, 0)),
            pl.BlockSpec((G, A), lambda i: (0, 0)),
            pl.BlockSpec((G, A), lambda i: (0, 0)),
        ],
        out_specs=[out3, out3, out3, out3, out3],
        out_shape=[jax.ShapeDtypeStruct((BT, 1, G), jnp.float32)] * 5,
    )
    r3 = lambda a: a.reshape(BT, 1, -1)
    return call(rows, emb, uem, r3(m23v), r3(cnt), r3(nmask), r3(cmask),
                r3(m23n), c_emb, n_emb, wg, wtq, wtk)



def _seq_body(pers_ref, m1s_ref, u_ref, z_ref, u0_ref, events_ref,
              wih_ref, whh_ref, bg_ref, wtv_ref,
              watt_ref, batt_ref, uatt_ref, eemb_ref, wev_ref, bev_ref,
              wcls_ref, bcls_ref, out_ref):
    f32 = jnp.float32

    wtv = wtv_ref[...]
    watt = watt_ref[...]
    batt = batt_ref[...]
    uatt = uatt_ref[...]
    eemb = eemb_ref[...]
    wev = wev_ref[...]
    bev = bev_ref[...]
    wih = wih_ref[...]
    whh = whh_ref[...]
    bg = bg_ref[...]

    def dot_att(x):
        tt = jnp.tanh(_dot(x, watt) + batt)
        sc = jnp.sum(tt * uatt, axis=1)
        sc = sc - jnp.max(sc)
        e = jnp.exp(sc)
        a = e / jnp.sum(e)
        return jnp.sum(a[:, None] * x, axis=0, keepdims=True)

    h = jnp.zeros((B, H), f32)
    visits = []
    for t in range(T):
        pers = pers_ref[:, t, :] / jnp.maximum(m1s_ref[:, t, :], 1.0)
        gi = _dot(pers, wih) + bg
        gh = _dot(h, whh)
        r = jax.nn.sigmoid(gi[:, :H] + gh[:, :H])
        z = jax.nn.sigmoid(gi[:, H:2 * H] + gh[:, H:2 * H])
        n = jnp.tanh(gi[:, 2 * H:] + r * gh[:, 2 * H:])
        h = (1.0 - z) * n + z * h

        if t == 0:
            out_t = h
        else:
            uu = u_ref[:, t - 1, :]
            zz = z_ref[:, t - 1, :]
            u0 = u0_ref[:, t - 1, :]
            ano = jnp.where(zz > 0.0, uu / jnp.maximum(zz, 1e-30), u0 / C)
            out_t = h + _dot(ano, wtv)

        ev_idx = events_ref[:, t, :, :]
        vocab = jax.lax.broadcasted_iota(jnp.int32, (B, NEV, LEV, V), 3)
        cnt = jnp.sum((ev_idx[:, :, :, None] == vocab).astype(f32), axis=2)
        pooled = _dot(cnt.reshape(B * NEV, V), eemb) * (1.0 / LEV)
        ev = jnp.tanh(_dot(pooled, wev) + bev)

        vis_t = []
        for b in range(B):
            stacked = jnp.concatenate(
                [out_t[b:b + 1, :], ev[b * NEV:(b + 1) * NEV, :]], axis=0)
            vis_t.append(dot_att(stacked))
        visits.append(vis_t)

    rows = []
    for b in range(B):
        vis_b = jnp.concatenate([visits[t][b] for t in range(T)], axis=0)
        patient = dot_att(vis_b)
        rows.append(_dot(patient, wcls_ref[...]) + bcls_ref[...])
    out_ref[...] = jnp.concatenate(rows, axis=0)


def _seq_call(pers, m1s, u, z, u0, events, wih, whh, bg, wtv,
              watt, batt, uatt, eemb, wev, bev, wcls, bcls):
    full = lambda *shape: pl.BlockSpec(shape, lambda: tuple(0 for _ in shape))
    return pl.pallas_call(
        _seq_body,
        in_specs=[
            full(B, T, G), full(B, T, G), full(B, T, G), full(B, T, G),
            full(B, T, G), full(B, T, NEV, LEV), full(G, 3 * H),
            full(H, 3 * H), full(1, 3 * H), full(G, H), full(H, 64),
            full(1, 64), full(1, 64), full(V, E), full(E, H), full(1, H),
            full(H, 1), full(1, 1),
        ],
        out_specs=full(B, 1),
        out_shape=jax.ShapeDtypeStruct((B, 1), jnp.float32),
    )(pers, m1s, u, z, u0, events, wih, whh, bg, wtv,
      watt, batt, uatt, eemb, wev, bev, wcls, bcls)


@jax.jit
def kernel(code_x, divided, neighbors, lens, events, c_emb, n_emb, u_emb, adj,
           W_graph, W_gru_ih, W_gru_hh, b_gru, W_tq, W_tk, W_tv, W_att, b_att,
           u_att, event_emb, W_ev, b_ev, W_cls, b_cls):
    del lens
    f32 = jnp.float32
    cmask = code_x.astype(f32).reshape(BT, C)
    nmask = neighbors.astype(f32).reshape(BT, C)
    m1 = divided[..., 0].astype(f32).reshape(BT, C)
    m23 = jnp.minimum(divided[..., 1] + divided[..., 2], 1.0).astype(f32)
    m23 = m23.reshape(BT, C)
    m23n = jnp.concatenate([m23.reshape(B, T, C)[:, 1:, :],
                            jnp.zeros((B, 1, C), f32)], axis=1).reshape(BT, C)

    def active_idx(mask, kcap):
        keys = mask.astype(jnp.int32) * (2 * C) - jnp.arange(C, dtype=jnp.int32)
        _, idx = jax.lax.top_k(keys, kcap)
        cnt = jnp.sum(mask, axis=1).astype(jnp.int32)
        lane = jnp.arange(kcap, dtype=jnp.int32)[None, :]
        idx = jnp.where(lane < cnt[:, None], idx.astype(jnp.int32), 0)
        return idx, cnt

    idx1a, c1 = active_idx(m1, K1)
    idx2a, c2 = active_idx(nmask, K2)
    cnt = jnp.concatenate(
        [c1[:, None], c2[:, None], jnp.zeros((BT, 14), jnp.int32)], axis=1)

    m23v = jnp.take_along_axis(m23n, idx2a, axis=1)
    padc = lambda a, w: jnp.pad(a.astype(f32), ((0, 0), (0, w - a.shape[1])))
    rows, emb, uem = _sc_gather(
        idx1a, idx2a, padc(adj, CP), padc(c_emb, EP),
        padc(n_emb, EP), padc(u_emb, EP))

    pers, m1s, u, z, u0 = _sparse_call(
        rows, emb, uem, m23v, cnt, nmask, cmask, m23n,
        c_emb.astype(f32), n_emb.astype(f32), W_graph.astype(f32),
        W_tq.astype(f32), W_tk.astype(f32))

    rs = lambda a: a.reshape(B, T, G)
    out = _seq_call(
        rs(pers), rs(m1s), rs(u), rs(z), rs(u0), events.astype(jnp.int32),
        W_gru_ih.astype(f32), W_gru_hh.astype(f32),
        b_gru.astype(f32).reshape(1, 3 * H),
        W_tv.astype(f32), W_att.astype(f32), b_att.astype(f32).reshape(1, 64),
        u_att.astype(f32).reshape(1, 64), event_emb.astype(f32),
        W_ev.astype(f32), b_ev.astype(f32).reshape(1, H),
        W_cls.astype(f32), b_cls.astype(f32).reshape(1, 1))
    return out

# --- scband reference (transcript-rebuilt; emitter-appended) ---
"""Pipeline reference for scband-model-29798483099757 (READ-ONLY COPY).

The authoritative reference and input builder live on the scoring server;
editing this copy changes nothing except your own understanding.
"""

import jax, jax.numpy as jnp
import numpy as np

CODE_NUM = 4880
CODE_SIZE = 48
GRAPH_SIZE = 32
HIDDEN = 270
ATTN = 32
VOCAB = 400
EMB = 400
B, T, NEV, LEV = 8, 4, 6, 40

# This reference is a faithful jax re-implementation of the (unreferenced)
# Chet-style layers the torch Model depends on: EmbeddingLayer, GraphLayer,
# TransitionLayer (GRU over persistent codes + attention over emerging codes),
# DotProductAttention, SentimentModel (embedding + mean-pooled rnn proxy),
# CrossAttention is unused in forward. Classifier is a plain Linear.

def setup_inputs(seed: int = 0) -> dict:
    key = jax.random.key(seed)
    ks = jax.random.split(key, 20)
    inp = {}
    inp['code_x'] = (jax.random.uniform(ks[0], (B, T, CODE_NUM)) < 0.003).astype(jnp.float32)
    d = (jax.random.uniform(ks[1], (B, T, CODE_NUM, 3)) < 0.3).astype(jnp.float32)
    inp['divided'] = d * inp['code_x'][..., None]
    inp['neighbors'] = (jax.random.uniform(ks[2], (B, T, CODE_NUM)) < 0.006).astype(jnp.float32)
    inp['lens'] = jnp.full((B,), T, dtype=jnp.int64)
    inp['events'] = jax.random.randint(ks[3], (B, T, NEV, LEV), 0, VOCAB).astype(jnp.int64)
    # parameters
    inp['c_emb'] = jax.random.normal(ks[4], (CODE_NUM, CODE_SIZE)) * 0.02
    inp['n_emb'] = jax.random.normal(ks[5], (CODE_NUM, CODE_SIZE)) * 0.02
    inp['u_emb'] = jax.random.normal(ks[6], (CODE_NUM, GRAPH_SIZE)) * 0.02
    inp['adj'] = (jax.random.uniform(ks[7], (CODE_NUM, CODE_NUM)) < 0.002).astype(jnp.float32)
    inp['W_graph'] = jax.random.normal(ks[8], (CODE_SIZE, GRAPH_SIZE)) * 0.05
    # GRU cell params (input GRAPH_SIZE -> HIDDEN)
    inp['W_gru_ih'] = jax.random.normal(ks[9], (GRAPH_SIZE, 3 * HIDDEN)) * 0.05
    inp['W_gru_hh'] = jax.random.normal(ks[10], (HIDDEN, 3 * HIDDEN)) * 0.05
    inp['b_gru'] = jnp.zeros((3 * HIDDEN,))
    # transition attention over unrelated/emerging codes
    inp['W_tq'] = jax.random.normal(ks[11], (GRAPH_SIZE, ATTN)) * 0.05
    inp['W_tk'] = jax.random.normal(ks[12], (GRAPH_SIZE, ATTN)) * 0.05
    inp['W_tv'] = jax.random.normal(ks[13], (GRAPH_SIZE, HIDDEN)) * 0.05
    # dot-product attention (hidden 270 -> 64 ctx)
    inp['W_att'] = jax.random.normal(ks[14], (HIDDEN, 64)) * 0.05
    inp['b_att'] = jnp.zeros((64,))
    inp['u_att'] = jax.random.normal(ks[15], (64,)) * 0.05
    # sentiment model: token embedding + projection to HIDDEN
    inp['event_emb'] = jax.random.normal(ks[16], (VOCAB, EMB)) * 0.02
    inp['W_ev'] = jax.random.normal(ks[17], (EMB, HIDDEN)) * 0.05
    inp['b_ev'] = jnp.zeros((HIDDEN,))
    # classifier
    inp['W_cls'] = jax.random.normal(ks[18], (HIDDEN, 1)) * 0.05
    inp['b_cls'] = jnp.zeros((1,))
    return inp


def _forward(code_x, divided, neighbors, events,
             c_emb, n_emb, u_emb, adj, W_graph,
             W_gru_ih, W_gru_hh, b_gru, W_tq, W_tk, W_tv,
             W_att, b_att, u_att, event_emb, W_ev, b_ev, W_cls, b_cls):
    def dot_attention(x):  # x: [L, HIDDEN] -> [HIDDEN]
        t = jnp.tanh(x @ W_att + b_att)          # [L, 64]
        score = t @ u_att                         # [L]
        a = jax.nn.softmax(score)
        return (a[:, None] * x).sum(axis=0)

    def graph_layer(c_it, n_it):
        # masked graph conv: gather embeddings of active codes and neighbors
        center = c_it[:, None] * c_emb            # [C, code_size]
        neigh = n_it[:, None] * n_emb
        agg_c = jnp.maximum(adj @ neigh + center, 0.0)
        agg_n = jnp.maximum(adj @ center + neigh, 0.0)
        co = jnp.maximum((c_it[:, None] * agg_c) @ W_graph, 0.0)   # [C, GRAPH]
        no = jnp.maximum((n_it[:, None] * agg_n) @ W_graph, 0.0)
        return co, no

    def gru_cell(x, h):  # x:[GRAPH], h:[HIDDEN]
        gi = x @ W_gru_ih + b_gru
        gh = h @ W_gru_hh
        ir, iz, inn = jnp.split(gi, 3)
        hr, hz, hnn = jnp.split(gh, 3)
        r = jax.nn.sigmoid(ir + hr)
        z = jax.nn.sigmoid(iz + hz)
        n = jnp.tanh(inn + r * hnn)
        return (1.0 - z) * n + z * h

    def transition(t, co, d_it, no_prev, h_t):
        # persistent codes -> mean embedding -> GRU step
        m1, m2, m3 = d_it[:, 0], d_it[:, 1], d_it[:, 2]
        denom1 = jnp.maximum(m1.sum(), 1.0)
        pers = (m1[:, None] * co).sum(axis=0) / denom1          # [GRAPH]
        h_new = gru_cell(pers, h_t)
        # emerging codes via attention between u_emb and prev neighbor emb
        m23 = jnp.clip(m2 + m3, 0.0, 1.0)
        emerging_u = m23[:, None] * u_emb                        # [C, GRAPH]
        src = no_prev                                            # [C, GRAPH]
        q = emerging_u @ W_tq                                    # [C, A]
        k = src @ W_tk                                           # [C, A]
        score = (q * k).sum(axis=-1) / jnp.sqrt(float(ATTN))     # [C]
        score = jnp.where(m23 > 0, score, -1e9)
        a = jax.nn.softmax(score)
        emerg = a @ (src @ W_tv)                                 # [HIDDEN]
        out = h_new + emerg
        return out, h_new

    def event_model(events_it):  # [NEV, LEV] -> [NEV, HIDDEN]
        e = event_emb[events_it]                                 # gather [NEV, LEV, EMB]
        pooled = e.mean(axis=1)                                  # [NEV, EMB]
        return jnp.tanh(pooled @ W_ev + b_ev)

    def per_patient(code_x_i, divided_i, neighbor_i, events_i):
        def step(carry, xs):
            h_t, no_prev, t = carry
            c_it, d_it, n_it, events_it = xs
            co, no = graph_layer(c_it, n_it)
            out_it, h_new = transition(t, co, d_it, no_prev, h_t)  # [HIDDEN]
            ev = event_model(events_it)                            # [NEV, HIDDEN]
            stacked = jnp.concatenate([out_it[None, :], ev], axis=0)  # [1+NEV, H]
            visit_vec = dot_attention(stacked)                     # [HIDDEN]
            return (h_new, no, t + 1), visit_vec

        init = (jnp.zeros((HIDDEN,)), jnp.zeros((CODE_NUM, GRAPH_SIZE)), 0)
        _, visits = jax.lax.scan(step, init, (code_x_i, divided_i, neighbor_i, events_i))
        patient = dot_attention(visits)                            # [HIDDEN]
        return patient

    patient_vecs = jax.vmap(per_patient)(code_x, divided, neighbors, events)  # [B, H]
    return patient_vecs @ W_cls + b_cls                            # [B, 1]


def reference(code_x, divided, neighbors, lens, events,
              c_emb, n_emb, u_emb, adj, W_graph,
              W_gru_ih, W_gru_hh, b_gru, W_tq, W_tk, W_tv,
              W_att, b_att, u_att, event_emb, W_ev, b_ev, W_cls, b_cls):
    return _forward(code_x, divided, neighbors, events,
                    c_emb, n_emb, u_emb, adj, W_graph,
                    W_gru_ih, W_gru_hh, b_gru, W_tq, W_tk, W_tv,
                    W_att, b_att, u_att, event_emb, W_ev, b_ev, W_cls, b_cls)

if __name__ == "__main__":
    import jax
    _d = setup_inputs()
    print(jax.jit(kernel)(*tuple(_d.values())))

</pallas_src>

<mosaic_0001>
#map = affine_map<(d0, d1) -> (0, 0)>
#map1 = affine_map<(d0, d1) -> (0, 0, 0)>
module attributes {stable_mosaic.version = 14 : i64} {
  func.func @k(%arg0: i32, %arg1: i32, %arg2: memref<32x32xi32, #tpu.memory_space<hbm>>, %arg3: memref<32x64xi32, #tpu.memory_space<hbm>>, %arg4: memref<4880x4992xf32, #tpu.memory_space<hbm>>, %arg5: memref<4880x128xf32, #tpu.memory_space<hbm>>, %arg6: memref<4880x128xf32, #tpu.memory_space<hbm>>, %arg7: memref<4880x128xf32, #tpu.memory_space<hbm>>, %arg8: memref<32x96x4992xf32, #tpu.memory_space<hbm>>, %arg9: memref<32x96x128xf32, #tpu.memory_space<hbm>>, %arg10: memref<32x64x128xf32, #tpu.memory_space<hbm>>, %arg11: memref<32xi32, #tpu.memory_space<vmem>>, %arg12: memref<64xi32, #tpu.memory_space<vmem>>, %arg13: memref<16x4992xf32, #tpu.memory_space<vmem>>, %arg14: memref<96x128xf32, #tpu.memory_space<vmem>>, %arg15: memref<64x128xf32, #tpu.memory_space<vmem>>, %arg16: memref<!tpu.dma_semaphore, #tpu.memory_space<semaphore_mem>>) attributes {dimension_semantics = [#tpu.dimension_semantics<core_parallel>, #tpu.dimension_semantics<subcore_parallel>], iteration_bounds = array<i64: 2, 16>, scalar_prefetch = 0 : i64, scratch_operands = 6 : i64, tpu.core_type = #tpu.core_type<sc_vector_subcore>, window_params = [{transform_indices = #map}, {transform_indices = #map}, {transform_indices = #map}, {transform_indices = #map}, {transform_indices = #map}, {transform_indices = #map}, {transform_indices = #map1}, {transform_indices = #map1}, {transform_indices = #map1}]} {
    %mul3A = arith.constant 2 : i32
    %mul3A_0 = arith.muli %arg1, %mul3A : i32
    %add3A = arith.addi %mul3A_0, %arg0 : i32
    "tpu.region"() ({
      %run_scoped3A = tpu.sem_alloc : memref<!tpu.dma_semaphore, #tpu.memory_space<semaphore_mem>>
      %dma_start3A_89 = arith.constant 0 : i32
      %dma_start3A_90 = tpu.memref_slice %arg2[%add3A, %dma_start3A_89] : memref<32x32xi32, #tpu.memory_space<hbm>> -> memref<1x32xi32, #tpu.memory_space<hbm>>
      %dma_start3A_91 = tpu.memref_squeeze %dma_start3A_90 : memref<1x32xi32, #tpu.memory_space<hbm>> -> memref<32xi32, #tpu.memory_space<hbm>>
      %dma_start3A_92 = arith.constant 0 : i32
      %dma_start3A_93 = tpu.memref_slice %arg2[%add3A, %dma_start3A_92] : memref<32x32xi32, #tpu.memory_space<hbm>> -> memref<1x32xi32, #tpu.memory_space<hbm>>
      %dma_start3A_94 = tpu.memref_squeeze %dma_start3A_93 : memref<1x32xi32, #tpu.memory_space<hbm>> -> memref<32xi32, #tpu.memory_space<hbm>>
      tpu.enqueue_dma source(%dma_start3A_94 : memref<32xi32, #tpu.memory_space<hbm>>) target(%arg11 : memref<32xi32, #tpu.memory_space<vmem>>) target_semaphore(%run_scoped3A : memref<!tpu.dma_semaphore, #tpu.memory_space<semaphore_mem>>)
      %dma_wait3A_95 = arith.constant 0 : i32
      %dma_wait3A_96 = tpu.memref_slice %arg2[%add3A, %dma_wait3A_95] : memref<32x32xi32, #tpu.memory_space<hbm>> -> memref<1x32xi32, #tpu.memory_space<hbm>>
      %dma_wait3A_97 = tpu.memref_squeeze %dma_wait3A_96 : memref<1x32xi32, #tpu.memory_space<hbm>> -> memref<32xi32, #tpu.memory_space<hbm>>
      %dma_wait3A_98 = arith.constant 0 : i32
      %dma_wait3A_99 = tpu.memref_slice %arg2[%add3A, %dma_wait3A_98] : memref<32x32xi32, #tpu.memory_space<hbm>> -> memref<1x32xi32, #tpu.memory_space<hbm>>
      %dma_wait3A_100 = tpu.memref_squeeze %dma_wait3A_99 : memref<1x32xi32, #tpu.memory_space<hbm>> -> memref<32xi32, #tpu.memory_space<hbm>>
      tpu.wait_dma2 semaphore(%run_scoped3A : memref<!tpu.dma_semaphore, #tpu.memory_space<semaphore_mem>>) src(%dma_wait3A_100 : memref<32xi32, #tpu.memory_space<hbm>>) dst(%arg11 : memref<32xi32, #tpu.memory_space<vmem>>)
      tpu.yield
    }) : () -> ()
    "tpu.region"() ({
      %run_scoped3A = tpu.sem_alloc : memref<!tpu.dma_semaphore, #tpu.memory_space<semaphore_mem>>
      %dma_start3A_89 = arith.constant 0 : i32
      %dma_start3A_90 = tpu.memref_slice %arg3[%add3A, %dma_start3A_89] : memref<32x64xi32, #tpu.memory_space<hbm>> -> memref<1x64xi32, #tpu.memory_space<hbm>>
      %dma_start3A_91 = tpu.memref_squeeze %dma_start3A_90 : memref<1x64xi32, #tpu.memory_space<hbm>> -> memref<64xi32, #tpu.memory_space<hbm>>
      %dma_start3A_92 = arith.constant 0 : i32
      %dma_start3A_93 = tpu.memref_slice %arg3[%add3A, %dma_start3A_92] : memref<32x64xi32, #tpu.memory_space<hbm>> -> memref<1x64xi32, #tpu.memory_space<hbm>>
      %dma_start3A_94 = tpu.memref_squeeze %dma_start3A_93 : memref<1x64xi32, #tpu.memory_space<hbm>> -> memref<64xi32, #tpu.memory_space<hbm>>
      tpu.enqueue_dma source(%dma_start3A_94 : memref<64xi32, #tpu.memory_space<hbm>>) target(%arg12 : memref<64xi32, #tpu.memory_space<vmem>>) target_semaphore(%run_scoped3A : memref<!tpu.dma_semaphore, #tpu.memory_space<semaphore_mem>>)
      %dma_wait3A_95 = arith.constant 0 : i32
      %dma_wait3A_96 = tpu.memref_slice %arg3[%add3A, %dma_wait3A_95] : memref<32x64xi32, #tpu.memory_space<hbm>> -> memref<1x64xi32, #tpu.memory_space<hbm>>
      %dma_wait3A_97 = tpu.memref_squeeze %dma_wait3A_96 : memref<1x64xi32, #tpu.memory_space<hbm>> -> memref<64xi32, #tpu.memory_space<hbm>>
      %dma_wait3A_98 = arith.constant 0 : i32
      %dma_wait3A_99 = tpu.memref_slice %arg3[%add3A, %dma_wait3A_98] : memref<32x64xi32, #tpu.memory_space<hbm>> -> memref<1x64xi32, #tpu.memory_space<hbm>>
      %dma_wait3A_100 = tpu.memref_squeeze %dma_wait3A_99 : memref<1x64xi32, #tpu.memory_space<hbm>> -> memref<64xi32, #tpu.memory_space<hbm>>
      tpu.wait_dma2 semaphore(%run_scoped3A : memref<!tpu.dma_semaphore, #tpu.memory_space<semaphore_mem>>) src(%dma_wait3A_100 : memref<64xi32, #tpu.memory_space<hbm>>) dst(%arg12 : memref<64xi32, #tpu.memory_space<vmem>>)
      tpu.yield
    }) : () -> ()
    %dma_start3A = arith.constant 0 : i32
    %dma_start3A_1 = arith.constant 0 : i32
    %dma_start3A_2 = tpu.memref_slice %arg14[%dma_start3A, %dma_start3A_1] : memref<96x128xf32, #tpu.memory_space<vmem>> -> memref<32x128xf32, #tpu.memory_space<vmem>>
    %dma_start3A_3 = arith.constant 0 : i32
    %dma_start3A_4 = arith.constant 0 : i32
    %dma_start3A_5 = tpu.memref_slice %arg5[%dma_start3A_3, %dma_start3A_4] : memref<4880x128xf32, #tpu.memory_space<hbm>> -> memref<4880x128xf32, #tpu.memory_space<hbm>>
    tpu.enqueue_indirect_dma source(%dma_start3A_5 : memref<4880x128xf32, #tpu.memory_space<hbm>>) target(%dma_start3A_2 : memref<32x128xf32, #tpu.memory_space<vmem>>) offsets(%arg11 : memref<32xi32, #tpu.memory_space<vmem>>) semaphore(%arg16 : memref<!tpu.dma_semaphore, #tpu.memory_space<semaphore_mem>>)
    %dma_wait3A = arith.constant 0 : i32
    %dma_wait3A_6 = arith.constant 0 : i32
    %dma_wait3A_7 = tpu.memref_slice %arg14[%dma_wait3A, %dma_wait3A_6] : memref<96x128xf32, #tpu.memory_space<vmem>> -> memref<32x128xf32, #tpu.memory_space<vmem>>
    %dma_wait3A_8 = arith.constant 0 : i32
    %dma_wait3A_9 = arith.constant 0 : i32
    %dma_wait3A_10 = tpu.memref_slice %arg5[%dma_wait3A_8, %dma_wait3A_9] : memref<4880x128xf32, #tpu.memory_space<hbm>> -> memref<4880x128xf32, #tpu.memory_space<hbm>>
    tpu.wait_indirect_dma semaphore(%arg16 : memref<!tpu.dma_semaphore, #tpu.memory_space<semaphore_mem>>) src(%dma_wait3A_10 : memref<4880x128xf32, #tpu.memory_space<hbm>>) dst(%dma_wait3A_7 : memref<32x128xf32, #tpu.memory_space<vmem>>)
    %dma_start3A_11 = arith.constant 32 : i32
    %dma_start3A_12 = arith.constant 0 : i32
    %dma_start3A_13 = tpu.memref_slice %arg14[%dma_start3A_11, %dma_start3A_12] : memref<96x128xf32, #tpu.memory_space<vmem>> -> memref<64x128xf32, #tpu.memory_space<vmem>>
    %dma_start3A_14 = arith.constant 0 : i32
    %dma_start3A_15 = arith.constant 0 : i32
    %dma_start3A_16 = tpu.memref_slice %arg6[%dma_start3A_14, %dma_start3A_15] : memref<4880x128xf32, #tpu.memory_space<hbm>> -> memref<4880x128xf32, #tpu.memory_space<hbm>>
    tpu.enqueue_indirect_dma source(%dma_start3A_16 : memref<4880x128xf32, #tpu.memory_space<hbm>>) target(%dma_start3A_13 : memref<64x128xf32, #tpu.memory_space<vmem>>) offsets(%arg12 : memref<64xi32, #tpu.memory_space<vmem>>) semaphore(%arg16 : memref<!tpu.dma_semaphore, #tpu.memory_space<semaphore_mem>>)
    %dma_wait3A_17 = arith.constant 32 : i32
    %dma_wait3A_18 = arith.constant 0 : i32
    %dma_wait3A_19 = tpu.memref_slice %arg14[%dma_wait3A_17, %dma_wait3A_18] : memref<96x128xf32, #tpu.memory_space<vmem>> -> memref<64x128xf32, #tpu.memory_space<vmem>>
    %dma_wait3A_20 = arith.constant 0 : i32
    %dma_wait3A_21 = arith.constant 0 : i32
    %dma_wait3A_22 = tpu.memref_slice %arg6[%dma_wait3A_20, %dma_wait3A_21] : memref<4880x128xf32, #tpu.memory_space<hbm>> -> memref<4880x128xf32, #tpu.memory_space<hbm>>
    tpu.wait_indirect_dma semaphore(%arg16 : memref<!tpu.dma_semaphore, #tpu.memory_space<semaphore_mem>>) src(%dma_wait3A_22 : memref<4880x128xf32, #tpu.memory_space<hbm>>) dst(%dma_wait3A_19 : memref<64x128xf32, #tpu.memory_space<vmem>>)
    "tpu.region"() ({
      %run_scoped3A = tpu.sem_alloc : memref<!tpu.dma_semaphore, #tpu.memory_space<semaphore_mem>>
      %dma_start3A_89 = arith.constant 0 : i32
      %dma_start3A_90 = arith.constant 0 : i32
      %dma_start3A_91 = tpu.memref_slice %arg9[%add3A, %dma_start3A_89, %dma_start3A_90] : memref<32x96x128xf32, #tpu.memory_space<hbm>> -> memref<1x96x128xf32, #tpu.memory_space<hbm>>
      %dma_start3A_92 = tpu.memref_squeeze %dma_start3A_91 : memref<1x96x128xf32, #tpu.memory_space<hbm>> -> memref<96x128xf32, #tpu.memory_space<hbm>>
      %dma_start3A_93 = arith.constant 0 : i32
      %dma_start3A_94 = arith.constant 0 : i32
      %dma_start3A_95 = tpu.memref_slice %arg9[%add3A, %dma_start3A_93, %dma_start3A_94] : memref<32x96x128xf32, #tpu.memory_space<hbm>> -> memref<1x96x128xf32, #tpu.memory_space<hbm>>
      %dma_start3A_96 = tpu.memref_squeeze %dma_start3A_95 : memref<1x96x128xf32, #tpu.memory_space<hbm>> -> memref<96x128xf32, #tpu.memory_space<hbm>>
      tpu.enqueue_dma source(%arg14 : memref<96x128xf32, #tpu.memory_space<vmem>>) target(%dma_start3A_96 : memref<96x128xf32, #tpu.memory_space<hbm>>) target_semaphore(%run_scoped3A : memref<!tpu.dma_semaphore, #tpu.memory_space<semaphore_mem>>)
      %dma_wait3A_97 = arith.constant 0 : i32
      %dma_wait3A_98 = arith.constant 0 : i32
      %dma_wait3A_99 = tpu.memref_slice %arg9[%add3A, %dma_wait3A_97, %dma_wait3A_98] : memref<32x96x128xf32, #tpu.memory_space<hbm>> -> memref<1x96x128xf32, #tpu.memory_space<hbm>>
      %dma_wait3A_100 = tpu.memref_squeeze %dma_wait3A_99 : memref<1x96x128xf32, #tpu.memory_space<hbm>> -> memref<96x128xf32, #tpu.memory_space<hbm>>
      %dma_wait3A_101 = arith.constant 0 : i32
      %dma_wait3A_102 = arith.constant 0 : i32
      %dma_wait3A_103 = tpu.memref_slice %arg9[%add3A, %dma_wait3A_101, %dma_wait3A_102] : memref<32x96x128xf32, #tpu.memory_space<hbm>> -> memref<1x96x128xf32, #tpu.memory_space<hbm>>
      %dma_wait3A_104 = tpu.memref_squeeze %dma_wait3A_103 : memref<1x96x128xf32, #tpu.memory_space<hbm>> -> memref<96x128xf32, #tpu.memory_space<hbm>>
      tpu.wait_dma2 semaphore(%run_scoped3A : memref<!tpu.dma_semaphore, #tpu.memory_space<semaphore_mem>>) src(%arg14 : memref<96x128xf32, #tpu.memory_space<vmem>>) dst(%dma_wait3A_104 : memref<96x128xf32, #tpu.memory_space<hbm>>)
      tpu.yield
    }) : () -> ()
    %dma_start3A_23 = arith.constant 0 : i32
    %dma_start3A_24 = arith.constant 0 : i32
    %dma_start3A_25 = tpu.memref_slice %arg7[%dma_start3A_23, %dma_start3A_24] : memref<4880x128xf32, #tpu.memory_space<hbm>> -> memref<4880x128xf32, #tpu.memory_space<hbm>>
    tpu.enqueue_indirect_dma source(%dma_start3A_25 : memref<4880x128xf32, #tpu.memory_space<hbm>>) target(%arg15 : memref<64x128xf32, #tpu.memory_space<vmem>>) offsets(%arg12 : memref<64xi32, #tpu.memory_space<vmem>>) semaphore(%arg16 : memref<!tpu.dma_semaphore, #tpu.memory_space<semaphore_mem>>)
    %dma_wait3A_26 = arith.constant 0 : i32
    %dma_wait3A_27 = arith.constant 0 : i32
    %dma_wait3A_28 = tpu.memref_slice %arg7[%dma_wait3A_26, %dma_wait3A_27] : memref<4880x128xf32, #tpu.memory_space<hbm>> -> memref<4880x128xf32, #tpu.memory_space<hbm>>
    tpu.wait_indirect_dma semaphore(%arg16 : memref<!tpu.dma_semaphore, #tpu.memory_space<semaphore_mem>>) src(%dma_wait3A_28 : memref<4880x128xf32, #tpu.memory_space<hbm>>) dst(%arg15 : memref<64x128xf32, #tpu.memory_space<vmem>>)
    "tpu.region"() ({
      %run_scoped3A = tpu.sem_alloc : memref<!tpu.dma_semaphore, #tpu.memory_space<semaphore_mem>>
      %dma_start3A_89 = arith.constant 0 : i32
      %dma_start3A_90 = arith.constant 0 : i32
      %dma_start3A_91 = tpu.memref_slice %arg10[%add3A, %dma_start3A_89, %dma_start3A_90] : memref<32x64x128xf32, #tpu.memory_space<hbm>> -> memref<1x64x128xf32, #tpu.memory_space<hbm>>
      %dma_start3A_92 = tpu.memref_squeeze %dma_start3A_91 : memref<1x64x128xf32, #tpu.memory_space<hbm>> -> memref<64x128xf32, #tpu.memory_space<hbm>>
      %dma_start3A_93 = arith.constant 0 : i32
      %dma_start3A_94 = arith.constant 0 : i32
      %dma_start3A_95 = tpu.memref_slice %arg10[%add3A, %dma_start3A_93, %dma_start3A_94] : memref<32x64x128xf32, #tpu.memory_space<hbm>> -> memref<1x64x128xf32, #tpu.memory_space<hbm>>
      %dma_start3A_96 = tpu.memref_squeeze %dma_start3A_95 : memref<1x64x128xf32, #tpu.memory_space<hbm>> -> memref<64x128xf32, #tpu.memory_space<hbm>>
      tpu.enqueue_dma source(%arg15 : memref<64x128xf32, #tpu.memory_space<vmem>>) target(%dma_start3A_96 : memref<64x128xf32, #tpu.memory_space<hbm>>) target_semaphore(%run_scoped3A : memref<!tpu.dma_semaphore, #tpu.memory_space<semaphore_mem>>)
      %dma_wait3A_97 = arith.constant 0 : i32
      %dma_wait3A_98 = arith.constant 0 : i32
      %dma_wait3A_99 = tpu.memref_slice %arg10[%add3A, %dma_wait3A_97, %dma_wait3A_98] : memref<32x64x128xf32, #tpu.memory_space<hbm>> -> memref<1x64x128xf32, #tpu.memory_space<hbm>>
      %dma_wait3A_100 = tpu.memref_squeeze %dma_wait3A_99 : memref<1x64x128xf32, #tpu.memory_space<hbm>> -> memref<64x128xf32, #tpu.memory_space<hbm>>
      %dma_wait3A_101 = arith.constant 0 : i32
      %dma_wait3A_102 = arith.constant 0 : i32
      %dma_wait3A_103 = tpu.memref_slice %arg10[%add3A, %dma_wait3A_101, %dma_wait3A_102] : memref<32x64x128xf32, #tpu.memory_space<hbm>> -> memref<1x64x128xf32, #tpu.memory_space<hbm>>
      %dma_wait3A_104 = tpu.memref_squeeze %dma_wait3A_103 : memref<1x64x128xf32, #tpu.memory_space<hbm>> -> memref<64x128xf32, #tpu.memory_space<hbm>>
      tpu.wait_dma2 semaphore(%run_scoped3A : memref<!tpu.dma_semaphore, #tpu.memory_space<semaphore_mem>>) src(%arg15 : memref<64x128xf32, #tpu.memory_space<vmem>>) dst(%dma_wait3A_104 : memref<64x128xf32, #tpu.memory_space<hbm>>)
      tpu.yield
    }) : () -> ()
    %dma_start3A_29 = arith.constant 0 : i32
    %dma_start3A_30 = tpu.memref_slice %arg11[%dma_start3A_29] : memref<32xi32, #tpu.memory_space<vmem>> -> memref<16xi32, #tpu.memory_space<vmem>>
    %dma_start3A_31 = arith.constant 0 : i32
    %dma_start3A_32 = arith.constant 0 : i32
    %dma_start3A_33 = tpu.memref_slice %arg4[%dma_start3A_31, %dma_start3A_32] : memref<4880x4992xf32, #tpu.memory_space<hbm>> -> memref<4880x4992xf32, #tpu.memory_space<hbm>>
    tpu.enqueue_indirect_dma source(%dma_start3A_33 : memref<4880x4992xf32, #tpu.memory_space<hbm>>) target(%arg13 : memref<16x4992xf32, #tpu.memory_space<vmem>>) offsets(%dma_start3A_30 : memref<16xi32, #tpu.memory_space<vmem>>) semaphore(%arg16 : memref<!tpu.dma_semaphore, #tpu.memory_space<semaphore_mem>>)
    %dma_wait3A_34 = arith.constant 0 : i32
    %dma_wait3A_35 = tpu.memref_slice %arg11[%dma_wait3A_34] : memref<32xi32, #tpu.memory_space<vmem>> -> memref<16xi32, #tpu.memory_space<vmem>>
    %dma_wait3A_36 = arith.constant 0 : i32
    %dma_wait3A_37 = arith.constant 0 : i32
    %dma_wait3A_38 = tpu.memref_slice %arg4[%dma_wait3A_36, %dma_wait3A_37] : memref<4880x4992xf32, #tpu.memory_space<hbm>> -> memref<4880x4992xf32, #tpu.memory_space<hbm>>
    tpu.wait_indirect_dma semaphore(%arg16 : memref<!tpu.dma_semaphore, #tpu.memory_space<semaphore_mem>>) src(%dma_wait3A_38 : memref<4880x4992xf32, #tpu.memory_space<hbm>>) dst(%arg13 : memref<16x4992xf32, #tpu.memory_space<vmem>>)
    "tpu.region"() ({
      %run_scoped3A = tpu.sem_alloc : memref<!tpu.dma_semaphore, #tpu.memory_space<semaphore_mem>>
      %dma_start3A_89 = arith.constant 0 : i32
      %dma_start3A_90 = arith.constant 0 : i32
      %dma_start3A_91 = tpu.memref_slice %arg8[%add3A, %dma_start3A_89, %dma_start3A_90] : memref<32x96x4992xf32, #tpu.memory_space<hbm>> -> memref<1x16x4992xf32, #tpu.memory_space<hbm>>
      %dma_start3A_92 = tpu.memref_squeeze %dma_start3A_91 : memref<1x16x4992xf32, #tpu.memory_space<hbm>> -> memref<16x4992xf32, #tpu.memory_space<hbm>>
      %dma_start3A_93 = arith.constant 0 : i32
      %dma_start3A_94 = arith.constant 0 : i32
      %dma_start3A_95 = tpu.memref_slice %arg8[%add3A, %dma_start3A_93, %dma_start3A_94] : memref<32x96x4992xf32, #tpu.memory_space<hbm>> -> memref<1x16x4992xf32, #tpu.memory_space<hbm>>
      %dma_start3A_96 = tpu.memref_squeeze %dma_start3A_95 : memref<1x16x4992xf32, #tpu.memory_space<hbm>> -> memref<16x4992xf32, #tpu.memory_space<hbm>>
      tpu.enqueue_dma source(%arg13 : memref<16x4992xf32, #tpu.memory_space<vmem>>) target(%dma_start3A_96 : memref<16x4992xf32, #tpu.memory_space<hbm>>) target_semaphore(%run_scoped3A : memref<!tpu.dma_semaphore, #tpu.memory_space<semaphore_mem>>)
      %dma_wait3A_97 = arith.constant 0 : i32
      %dma_wait3A_98 = arith.constant 0 : i32
      %dma_wait3A_99 = tpu.memref_slice %arg8[%add3A, %dma_wait3A_97, %dma_wait3A_98] : memref<32x96x4992xf32, #tpu.memory_space<hbm>> -> memref<1x16x4992xf32, #tpu.memory_space<hbm>>
      %dma_wait3A_100 = tpu.memref_squeeze %dma_wait3A_99 : memref<1x16x4992xf32, #tpu.memory_space<hbm>> -> memref<16x4992xf32, #tpu.memory_space<hbm>>
      %dma_wait3A_101 = arith.constant 0 : i32
      %dma_wait3A_102 = arith.constant 0 : i32
      %dma_wait3A_103 = tpu.memref_slice %arg8[%add3A, %dma_wait3A_101, %dma_wait3A_102] : memref<32x96x4992xf32, #tpu.memory_space<hbm>> -> memref<1x16x4992xf32, #tpu.memory_space<hbm>>
      %dma_wait3A_104 = tpu.memref_squeeze %dma_wait3A_103 : memref<1x16x4992xf32, #tpu.memory_space<hbm>> -> memref<16x4992xf32, #tpu.memory_space<hbm>>
      tpu.wait_dma2 semaphore(%run_scoped3A : memref<!tpu.dma_semaphore, #tpu.memory_space<semaphore_mem>>) src(%arg13 : memref<16x4992xf32, #tpu.memory_space<vmem>>) dst(%dma_wait3A_104 : memref<16x4992xf32, #tpu.memory_space<hbm>>)
      tpu.yield
    }) : () -> ()
    %dma_start3A_39 = arith.constant 16 : i32
    %dma_start3A_40 = tpu.memref_slice %arg11[%dma_start3A_39] : memref<32xi32, #tpu.memory_space<vmem>> -> memref<16xi32, #tpu.memory_space<vmem>>
    %dma_start3A_41 = arith.constant 0 : i32
    %dma_start3A_42 = arith.constant 0 : i32
    %dma_start3A_43 = tpu.memref_slice %arg4[%dma_start3A_41, %dma_start3A_42] : memref<4880x4992xf32, #tpu.memory_space<hbm>> -> memref<4880x4992xf32, #tpu.memory_space<hbm>>
    tpu.enqueue_indirect_dma source(%dma_start3A_43 : memref<4880x4992xf32, #tpu.memory_space<hbm>>) target(%arg13 : memref<16x4992xf32, #tpu.memory_space<vmem>>) offsets(%dma_start3A_40 : memref<16xi32, #tpu.memory_space<vmem>>) semaphore(%arg16 : memref<!tpu.dma_semaphore, #tpu.memory_space<semaphore_mem>>)
    %dma_wait3A_44 = arith.constant 16 : i32
    %dma_wait3A_45 = tpu.memref_slice %arg11[%dma_wait3A_44] : memref<32xi32, #tpu.memory_space<vmem>> -> memref<16xi32, #tpu.memory_space<vmem>>
    %dma_wait3A_46 = arith.constant 0 : i32
    %dma_wait3A_47 = arith.constant 0 : i32
    %dma_wait3A_48 = tpu.memref_slice %arg4[%dma_wait3A_46, %dma_wait3A_47] : memref<4880x4992xf32, #tpu.memory_space<hbm>> -> memref<4880x4992xf32, #tpu.memory_space<hbm>>
    tpu.wait_indirect_dma semaphore(%arg16 : memref<!tpu.dma_semaphore, #tpu.memory_space<semaphore_mem>>) src(%dma_wait3A_48 : memref<4880x4992xf32, #tpu.memory_space<hbm>>) dst(%arg13 : memref<16x4992xf32, #tpu.memory_space<vmem>>)
    "tpu.region"() ({
      %run_scoped3A = tpu.sem_alloc : memref<!tpu.dma_semaphore, #tpu.memory_space<semaphore_mem>>
      %dma_start3A_89 = arith.constant 16 : i32
      %dma_start3A_90 = arith.constant 0 : i32
      %dma_start3A_91 = tpu.memref_slice %arg8[%add3A, %dma_start3A_89, %dma_start3A_90] : memref<32x96x4992xf32, #tpu.memory_space<hbm>> -> memref<1x16x4992xf32, #tpu.memory_space<hbm>>
      %dma_start3A_92 = tpu.memref_squeeze %dma_start3A_91 : memref<1x16x4992xf32, #tpu.memory_space<hbm>> -> memref<16x4992xf32, #tpu.memory_space<hbm>>
      %dma_start3A_93 = arith.constant 16 : i32
      %dma_start3A_94 = arith.constant 0 : i32
      %dma_start3A_95 = tpu.memref_slice %arg8[%add3A, %dma_start3A_93, %dma_start3A_94] : memref<32x96x4992xf32, #tpu.memory_space<hbm>> -> memref<1x16x4992xf32, #tpu.memory_space<hbm>>
      %dma_start3A_96 = tpu.memref_squeeze %dma_start3A_95 : memref<1x16x4992xf32, #tpu.memory_space<hbm>> -> memref<16x4992xf32, #tpu.memory_space<hbm>>
      tpu.enqueue_dma source(%arg13 : memref<16x4992xf32, #tpu.memory_space<vmem>>) target(%dma_start3A_96 : memref<16x4992xf32, #tpu.memory_space<hbm>>) target_semaphore(%run_scoped3A : memref<!tpu.dma_semaphore, #tpu.memory_space<semaphore_mem>>)
      %dma_wait3A_97 = arith.constant 16 : i32
      %dma_wait3A_98 = arith.constant 0 : i32
      %dma_wait3A_99 = tpu.memref_slice %arg8[%add3A, %dma_wait3A_97, %dma_wait3A_98] : memref<32x96x4992xf32, #tpu.memory_space<hbm>> -> memref<1x16x4992xf32, #tpu.memory_space<hbm>>
      %dma_wait3A_100 = tpu.memref_squeeze %dma_wait3A_99 : memref<1x16x4992xf32, #tpu.memory_space<hbm>> -> memref<16x4992xf32, #tpu.memory_space<hbm>>
      %dma_wait3A_101 = arith.constant 16 : i32
      %dma_wait3A_102 = arith.constant 0 : i32
      %dma_wait3A_103 = tpu.memref_slice %arg8[%add3A, %dma_wait3A_101, %dma_wait3A_102] : memref<32x96x4992xf32, #tpu.memory_space<hbm>> -> memref<1x16x4992xf32, #tpu.memory_space<hbm>>
      %dma_wait3A_104 = tpu.memref_squeeze %dma_wait3A_103 : memref<1x16x4992xf32, #tpu.memory_space<hbm>> -> memref<16x4992xf32, #tpu.memory_space<hbm>>
      tpu.wait_dma2 semaphore(%run_scoped3A : memref<!tpu.dma_semaphore, #tpu.memory_space<semaphore_mem>>) src(%arg13 : memref<16x4992xf32, #tpu.memory_space<vmem>>) dst(%dma_wait3A_104 : memref<16x4992xf32, #tpu.memory_space<hbm>>)
      tpu.yield
    }) : () -> ()
    %dma_start3A_49 = arith.constant 0 : i32
    %dma_start3A_50 = tpu.memref_slice %arg12[%dma_start3A_49] : memref<64xi32, #tpu.memory_space<vmem>> -> memref<16xi32, #tpu.memory_space<vmem>>
    %dma_start3A_51 = arith.constant 0 : i32
    %dma_start3A_52 = arith.constant 0 : i32
    %dma_start3A_53 = tpu.memref_slice %arg4[%dma_start3A_51, %dma_start3A_52] : memref<4880x4992xf32, #tpu.memory_space<hbm>> -> memref<4880x4992xf32, #tpu.memory_space<hbm>>
    tpu.enqueue_indirect_dma source(%dma_start3A_53 : memref<4880x4992xf32, #tpu.memory_space<hbm>>) target(%arg13 : memref<16x4992xf32, #tpu.memory_space<vmem>>) offsets(%dma_start3A_50 : memref<16xi32, #tpu.memory_space<vmem>>) semaphore(%arg16 : memref<!tpu.dma_semaphore, #tpu.memory_space<semaphore_mem>>)
    %dma_wait3A_54 = arith.constant 0 : i32
    %dma_wait3A_55 = tpu.memref_slice %arg12[%dma_wait3A_54] : memref<64xi32, #tpu.memory_space<vmem>> -> memref<16xi32, #tpu.memory_space<vmem>>
    %dma_wait3A_56 = arith.constant 0 : i32
    %dma_wait3A_57 = arith.constant 0 : i32
    %dma_wait3A_58 = tpu.memref_slice %arg4[%dma_wait3A_56, %dma_wait3A_57] : memref<4880x4992xf32, #tpu.memory_space<hbm>> -> memref<4880x4992xf32, #tpu.memory_space<hbm>>
    tpu.wait_indirect_dma semaphore(%arg16 : memref<!tpu.dma_semaphore, #tpu.memory_space<semaphore_mem>>) src(%dma_wait3A_58 : memref<4880x4992xf32, #tpu.memory_space<hbm>>) dst(%arg13 : memref<16x4992xf32, #tpu.memory_space<vmem>>)
    "tpu.region"() ({
      %run_scoped3A = tpu.sem_alloc : memref<!tpu.dma_semaphore, #tpu.memory_space<semaphore_mem>>
      %dma_start3A_89 = arith.constant 32 : i32
      %dma_start3A_90 = arith.constant 0 : i32
      %dma_start3A_91 = tpu.memref_slice %arg8[%add3A, %dma_start3A_89, %dma_start3A_90] : memref<32x96x4992xf32, #tpu.memory_space<hbm>> -> memref<1x16x4992xf32, #tpu.memory_space<hbm>>
      %dma_start3A_92 = tpu.memref_squeeze %dma_start3A_91 : memref<1x16x4992xf32, #tpu.memory_space<hbm>> -> memref<16x4992xf32, #tpu.memory_space<hbm>>
      %dma_start3A_93 = arith.constant 32 : i32
      %dma_start3A_94 = arith.constant 0 : i32
      %dma_start3A_95 = tpu.memref_slice %arg8[%add3A, %dma_start3A_93, %dma_start3A_94] : memref<32x96x4992xf32, #tpu.memory_space<hbm>> -> memref<1x16x4992xf32, #tpu.memory_space<hbm>>
      %dma_start3A_96 = tpu.memref_squeeze %dma_start3A_95 : memref<1x16x4992xf32, #tpu.memory_space<hbm>> -> memref<16x4992xf32, #tpu.memory_space<hbm>>
      tpu.enqueue_dma source(%arg13 : memref<16x4992xf32, #tpu.memory_space<vmem>>) target(%dma_start3A_96 : memref<16x4992xf32, #tpu.memory_space<hbm>>) target_semaphore(%run_scoped3A : memref<!tpu.dma_semaphore, #tpu.memory_space<semaphore_mem>>)
      %dma_wait3A_97 = arith.constant 32 : i32
      %dma_wait3A_98 = arith.constant 0 : i32
      %dma_wait3A_99 = tpu.memref_slice %arg8[%add3A, %dma_wait3A_97, %dma_wait3A_98] : memref<32x96x4992xf32, #tpu.memory_space<hbm>> -> memref<1x16x4992xf32, #tpu.memory_space<hbm>>
      %dma_wait3A_100 = tpu.memref_squeeze %dma_wait3A_99 : memref<1x16x4992xf32, #tpu.memory_space<hbm>> -> memref<16x4992xf32, #tpu.memory_space<hbm>>
      %dma_wait3A_101 = arith.constant 32 : i32
      %dma_wait3A_102 = arith.constant 0 : i32
      %dma_wait3A_103 = tpu.memref_slice %arg8[%add3A, %dma_wait3A_101, %dma_wait3A_102] : memref<32x96x4992xf32, #tpu.memory_space<hbm>> -> memref<1x16x4992xf32, #tpu.memory_space<hbm>>
      %dma_wait3A_104 = tpu.memref_squeeze %dma_wait3A_103 : memref<1x16x4992xf32, #tpu.memory_space<hbm>> -> memref<16x4992xf32, #tpu.memory_space<hbm>>
      tpu.wait_dma2 semaphore(%run_scoped3A : memref<!tpu.dma_semaphore, #tpu.memory_space<semaphore_mem>>) src(%arg13 : memref<16x4992xf32, #tpu.memory_space<vmem>>) dst(%dma_wait3A_104 : memref<16x4992xf32, #tpu.memory_space<hbm>>)
      tpu.yield
    }) : () -> ()
    %dma_start3A_59 = arith.constant 16 : i32
    %dma_start3A_60 = tpu.memref_slice %arg12[%dma_start3A_59] : memref<64xi32, #tpu.memory_space<vmem>> -> memref<16xi32, #tpu.memory_space<vmem>>
    %dma_start3A_61 = arith.constant 0 : i32
    %dma_start3A_62 = arith.constant 0 : i32
    %dma_start3A_63 = tpu.memref_slice %arg4[%dma_start3A_61, %dma_start3A_62] : memref<4880x4992xf32, #tpu.memory_space<hbm>> -> memref<4880x4992xf32, #tpu.memory_space<hbm>>
    tpu.enqueue_indirect_dma source(%dma_start3A_63 : memref<4880x4992xf32, #tpu.memory_space<hbm>>) target(%arg13 : memref<16x4992xf32, #tpu.memory_space<vmem>>) offsets(%dma_start3A_60 : memref<16xi32, #tpu.memory_space<vmem>>) semaphore(%arg16 : memref<!tpu.dma_semaphore, #tpu.memory_space<semaphore_mem>>)
    %dma_wait3A_64 = arith.constant 16 : i32
    %dma_wait3A_65 = tpu.memref_slice %arg12[%dma_wait3A_64] : memref<64xi32, #tpu.memory_space<vmem>> -> memref<16xi32, #tpu.memory_space<vmem>>
    %dma_wait3A_66 = arith.constant 0 : i32
    %dma_wait3A_67 = arith.constant 0 : i32
    %dma_wait3A_68 = tpu.memref_slice %arg4[%dma_wait3A_66, %dma_wait3A_67] : memref<4880x4992xf32, #tpu.memory_space<hbm>> -> memref<4880x4992xf32, #tpu.memory_space<hbm>>
    tpu.wait_indirect_dma semaphore(%arg16 : memref<!tpu.dma_semaphore, #tpu.memory_space<semaphore_mem>>) src(%dma_wait3A_68 : memref<4880x4992xf32, #tpu.memory_space<hbm>>) dst(%arg13 : memref<16x4992xf32, #tpu.memory_space<vmem>>)
    "tpu.region"() ({
      %run_scoped3A = tpu.sem_alloc : memref<!tpu.dma_semaphore, #tpu.memory_space<semaphore_mem>>
      %dma_start3A_89 = arith.constant 48 : i32
      %dma_start3A_90 = arith.constant 0 : i32
      %dma_start3A_91 = tpu.memref_slice %arg8[%add3A, %dma_start3A_89, %dma_start3A_90] : memref<32x96x4992xf32, #tpu.memory_space<hbm>> -> memref<1x16x4992xf32, #tpu.memory_space<hbm>>
      %dma_start3A_92 = tpu.memref_squeeze %dma_start3A_91 : memref<1x16x4992xf32, #tpu.memory_space<hbm>> -> memref<16x4992xf32, #tpu.memory_space<hbm>>
      %dma_start3A_93 = arith.constant 48 : i32
      %dma_start3A_94 = arith.constant 0 : i32
      %dma_start3A_95 = tpu.memref_slice %arg8[%add3A, %dma_start3A_93, %dma_start3A_94] : memref<32x96x4992xf32, #tpu.memory_space<hbm>> -> memref<1x16x4992xf32, #tpu.memory_space<hbm>>
      %dma_start3A_96 = tpu.memref_squeeze %dma_start3A_95 : memref<1x16x4992xf32, #tpu.memory_space<hbm>> -> memref<16x4992xf32, #tpu.memory_space<hbm>>
      tpu.enqueue_dma source(%arg13 : memref<16x4992xf32, #tpu.memory_space<vmem>>) target(%dma_start3A_96 : memref<16x4992xf32, #tpu.memory_space<hbm>>) target_semaphore(%run_scoped3A : memref<!tpu.dma_semaphore, #tpu.memory_space<semaphore_mem>>)
      %dma_wait3A_97 = arith.constant 48 : i32
      %dma_wait3A_98 = arith.constant 0 : i32
      %dma_wait3A_99 = tpu.memref_slice %arg8[%add3A, %dma_wait3A_97, %dma_wait3A_98] : memref<32x96x4992xf32, #tpu.memory_space<hbm>> -> memref<1x16x4992xf32, #tpu.memory_space<hbm>>
      %dma_wait3A_100 = tpu.memref_squeeze %dma_wait3A_99 : memref<1x16x4992xf32, #tpu.memory_space<hbm>> -> memref<16x4992xf32, #tpu.memory_space<hbm>>
      %dma_wait3A_101 = arith.constant 48 : i32
      %dma_wait3A_102 = arith.constant 0 : i32
      %dma_wait3A_103 = tpu.memref_slice %arg8[%add3A, %dma_wait3A_101, %dma_wait3A_102] : memref<32x96x4992xf32, #tpu.memory_space<hbm>> -> memref<1x16x4992xf32, #tpu.memory_space<hbm>>
      %dma_wait3A_104 = tpu.memref_squeeze %dma_wait3A_103 : memref<1x16x4992xf32, #tpu.memory_space<hbm>> -> memref<16x4992xf32, #tpu.memory_space<hbm>>
      tpu.wait_dma2 semaphore(%run_scoped3A : memref<!tpu.dma_semaphore, #tpu.memory_space<semaphore_mem>>) src(%arg13 : memref<16x4992xf32, #tpu.memory_space<vmem>>) dst(%dma_wait3A_104 : memref<16x4992xf32, #tpu.memory_space<hbm>>)
      tpu.yield
    }) : () -> ()
    %dma_start3A_69 = arith.constant 32 : i32
    %dma_start3A_70 = tpu.memref_slice %arg12[%dma_start3A_69] : memref<64xi32, #tpu.memory_space<vmem>> -> memref<16xi32, #tpu.memory_space<vmem>>
    %dma_start3A_71 = arith.constant 0 : i32
    %dma_start3A_72 = arith.constant 0 : i32
    %dma_start3A_73 = tpu.memref_slice %arg4[%dma_start3A_71, %dma_start3A_72] : memref<4880x4992xf32, #tpu.memory_space<hbm>> -> memref<4880x4992xf32, #tpu.memory_space<hbm>>
    tpu.enqueue_indirect_dma source(%dma_start3A_73 : memref<4880x4992xf32, #tpu.memory_space<hbm>>) target(%arg13 : memref<16x4992xf32, #tpu.memory_space<vmem>>) offsets(%dma_start3A_70 : memref<16xi32, #tpu.memory_space<vmem>>) semaphore(%arg16 : memref<!tpu.dma_semaphore, #tpu.memory_space<semaphore_mem>>)
    %dma_wait3A_74 = arith.constant 32 : i32
    %dma_wait3A_75 = tpu.memref_slice %arg12[%dma_wait3A_74] : memref<64xi32, #tpu.memory_space<vmem>> -> memref<16xi32, #tpu.memory_space<vmem>>
    %dma_wait3A_76 = arith.constant 0 : i32
    %dma_wait3A_77 = arith.constant 0 : i32
    %dma_wait3A_78 = tpu.memref_slice %arg4[%dma_wait3A_76, %dma_wait3A_77] : memref<4880x4992xf32, #tpu.memory_space<hbm>> -> memref<4880x4992xf32, #tpu.memory_space<hbm>>
    tpu.wait_indirect_dma semaphore(%arg16 : memref<!tpu.dma_semaphore, #tpu.memory_space<semaphore_mem>>) src(%dma_wait3A_78 : memref<4880x4992xf32, #tpu.memory_space<hbm>>) dst(%arg13 : memref<16x4992xf32, #tpu.memory_space<vmem>>)
    "tpu.region"() ({
      %run_scoped3A = tpu.sem_alloc : memref<!tpu.dma_semaphore, #tpu.memory_space<semaphore_mem>>
      %dma_start3A_89 = arith.constant 64 : i32
      %dma_start3A_90 = arith.constant 0 : i32
      %dma_start3A_91 = tpu.memref_slice %arg8[%add3A, %dma_start3A_89, %dma_start3A_90] : memref<32x96x4992xf32, #tpu.memory_space<hbm>> -> memref<1x16x4992xf32, #tpu.memory_space<hbm>>
      %dma_start3A_92 = tpu.memref_squeeze %dma_start3A_91 : memref<1x16x4992xf32, #tpu.memory_space<hbm>> -> memref<16x4992xf32, #tpu.memory_space<hbm>>
      %dma_start3A_93 = arith.constant 64 : i32
      %dma_start3A_94 = arith.constant 0 : i32
      %dma_start3A_95 = tpu.memref_slice %arg8[%add3A, %dma_start3A_93, %dma_start3A_94] : memref<32x96x4992xf32, #tpu.memory_space<hbm>> -> memref<1x16x4992xf32, #tpu.memory_space<hbm>>
      %dma_start3A_96 = tpu.memref_squeeze %dma_start3A_95 : memref<1x16x4992xf32, #tpu.memory_space<hbm>> -> memref<16x4992xf32, #tpu.memory_space<hbm>>
      tpu.enqueue_dma source(%arg13 : memref<16x4992xf32, #tpu.memory_space<vmem>>) target(%dma_start3A_96 : memref<16x4992xf32, #tpu.memory_space<hbm>>) target_semaphore(%run_scoped3A : memref<!tpu.dma_semaphore, #tpu.memory_space<semaphore_mem>>)
      %dma_wait3A_97 = arith.constant 64 : i32
      %dma_wait3A_98 = arith.constant 0 : i32
      %dma_wait3A_99 = tpu.memref_slice %arg8[%add3A, %dma_wait3A_97, %dma_wait3A_98] : memref<32x96x4992xf32, #tpu.memory_space<hbm>> -> memref<1x16x4992xf32, #tpu.memory_space<hbm>>
      %dma_wait3A_100 = tpu.memref_squeeze %dma_wait3A_99 : memref<1x16x4992xf32, #tpu.memory_space<hbm>> -> memref<16x4992xf32, #tpu.memory_space<hbm>>
      %dma_wait3A_101 = arith.constant 64 : i32
      %dma_wait3A_102 = arith.constant 0 : i32
      %dma_wait3A_103 = tpu.memref_slice %arg8[%add3A, %dma_wait3A_101, %dma_wait3A_102] : memref<32x96x4992xf32, #tpu.memory_space<hbm>> -> memref<1x16x4992xf32, #tpu.memory_space<hbm>>
      %dma_wait3A_104 = tpu.memref_squeeze %dma_wait3A_103 : memref<1x16x4992xf32, #tpu.memory_space<hbm>> -> memref<16x4992xf32, #tpu.memory_space<hbm>>
      tpu.wait_dma2 semaphore(%run_scoped3A : memref<!tpu.dma_semaphore, #tpu.memory_space<semaphore_mem>>) src(%arg13 : memref<16x4992xf32, #tpu.memory_space<vmem>>) dst(%dma_wait3A_104 : memref<16x4992xf32, #tpu.memory_space<hbm>>)
      tpu.yield
    }) : () -> ()
    %dma_start3A_79 = arith.constant 48 : i32
    %dma_start3A_80 = tpu.memref_slice %arg12[%dma_start3A_79] : memref<64xi32, #tpu.memory_space<vmem>> -> memref<16xi32, #tpu.memory_space<vmem>>
    %dma_start3A_81 = arith.constant 0 : i32
    %dma_start3A_82 = arith.constant 0 : i32
    %dma_start3A_83 = tpu.memref_slice %arg4[%dma_start3A_81, %dma_start3A_82] : memref<4880x4992xf32, #tpu.memory_space<hbm>> -> memref<4880x4992xf32, #tpu.memory_space<hbm>>
    tpu.enqueue_indirect_dma source(%dma_start3A_83 : memref<4880x4992xf32, #tpu.memory_space<hbm>>) target(%arg13 : memref<16x4992xf32, #tpu.memory_space<vmem>>) offsets(%dma_start3A_80 : memref<16xi32, #tpu.memory_space<vmem>>) semaphore(%arg16 : memref<!tpu.dma_semaphore, #tpu.memory_space<semaphore_mem>>)
    %dma_wait3A_84 = arith.constant 48 : i32
    %dma_wait3A_85 = tpu.memref_slice %arg12[%dma_wait3A_84] : memref<64xi32, #tpu.memory_space<vmem>> -> memref<16xi32, #tpu.memory_space<vmem>>
    %dma_wait3A_86 = arith.constant 0 : i32
    %dma_wait3A_87 = arith.constant 0 : i32
    %dma_wait3A_88 = tpu.memref_slice %arg4[%dma_wait3A_86, %dma_wait3A_87] : memref<4880x4992xf32, #tpu.memory_space<hbm>> -> memref<4880x4992xf32, #tpu.memory_space<hbm>>
    tpu.wait_indirect_dma semaphore(%arg16 : memref<!tpu.dma_semaphore, #tpu.memory_space<semaphore_mem>>) src(%dma_wait3A_88 : memref<4880x4992xf32, #tpu.memory_space<hbm>>) dst(%arg13 : memref<16x4992xf32, #tpu.memory_space<vmem>>)
    "tpu.region"() ({
      %run_scoped3A = tpu.sem_alloc : memref<!tpu.dma_semaphore, #tpu.memory_space<semaphore_mem>>
      %dma_start3A_89 = arith.constant 80 : i32
      %dma_start3A_90 = arith.constant 0 : i32
      %dma_start3A_91 = tpu.memref_slice %arg8[%add3A, %dma_start3A_89, %dma_start3A_90] : memref<32x96x4992xf32, #tpu.memory_space<hbm>> -> memref<1x16x4992xf32, #tpu.memory_space<hbm>>
      %dma_start3A_92 = tpu.memref_squeeze %dma_start3A_91 : memref<1x16x4992xf32, #tpu.memory_space<hbm>> -> memref<16x4992xf32, #tpu.memory_space<hbm>>
      %dma_start3A_93 = arith.constant 80 : i32
      %dma_start3A_94 = arith.constant 0 : i32
      %dma_start3A_95 = tpu.memref_slice %arg8[%add3A, %dma_start3A_93, %dma_start3A_94] : memref<32x96x4992xf32, #tpu.memory_space<hbm>> -> memref<1x16x4992xf32, #tpu.memory_space<hbm>>
      %dma_start3A_96 = tpu.memref_squeeze %dma_start3A_95 : memref<1x16x4992xf32, #tpu.memory_space<hbm>> -> memref<16x4992xf32, #tpu.memory_space<hbm>>
      tpu.enqueue_dma source(%arg13 : memref<16x4992xf32, #tpu.memory_space<vmem>>) target(%dma_start3A_96 : memref<16x4992xf32, #tpu.memory_space<hbm>>) target_semaphore(%run_scoped3A : memref<!tpu.dma_semaphore, #tpu.memory_space<semaphore_mem>>)
      %dma_wait3A_97 = arith.constant 80 : i32
      %dma_wait3A_98 = arith.constant 0 : i32
      %dma_wait3A_99 = tpu.memref_slice %arg8[%add3A, %dma_wait3A_97, %dma_wait3A_98] : memref<32x96x4992xf32, #tpu.memory_space<hbm>> -> memref<1x16x4992xf32, #tpu.memory_space<hbm>>
      %dma_wait3A_100 = tpu.memref_squeeze %dma_wait3A_99 : memref<1x16x4992xf32, #tpu.memory_space<hbm>> -> memref<16x4992xf32, #tpu.memory_space<hbm>>
      %dma_wait3A_101 = arith.constant 80 : i32
      %dma_wait3A_102 = arith.constant 0 : i32
      %dma_wait3A_103 = tpu.memref_slice %arg8[%add3A, %dma_wait3A_101, %dma_wait3A_102] : memref<32x96x4992xf32, #tpu.memory_space<hbm>> -> memref<1x16x4992xf32, #tpu.memory_space<hbm>>
      %dma_wait3A_104 = tpu.memref_squeeze %dma_wait3A_103 : memref<1x16x4992xf32, #tpu.memory_space<hbm>> -> memref<16x4992xf32, #tpu.memory_space<hbm>>
      tpu.wait_dma2 semaphore(%run_scoped3A : memref<!tpu.dma_semaphore, #tpu.memory_space<semaphore_mem>>) src(%arg13 : memref<16x4992xf32, #tpu.memory_space<vmem>>) dst(%dma_wait3A_104 : memref<16x4992xf32, #tpu.memory_space<hbm>>)
      tpu.yield
    }) : () -> ()
    return
  }
}

module attributes {stable_mosaic.version = 14 : i64} {
  func.func @_sparse_body(%arg0: i32, %arg1: memref<1x96x4992xf32, #tpu.memory_space<vmem>>, %arg2: memref<1x96x128xf32, #tpu.memory_space<vmem>>, %arg3: memref<1x64x128xf32, #tpu.memory_space<vmem>>, %arg4: memref<1x1x64xf32, #tpu.memory_space<vmem>>, %arg5: memref<1x1x16xi32, #tpu.memory_space<vmem>>, %arg6: memref<1x1x4880xf32, #tpu.memory_space<vmem>>, %arg7: memref<1x1x4880xf32, #tpu.memory_space<vmem>>, %arg8: memref<1x1x4880xf32, #tpu.memory_space<vmem>>, %arg9: memref<4880x48xf32, #tpu.memory_space<vmem>>, %arg10: memref<4880x48xf32, #tpu.memory_space<vmem>>, %arg11: memref<48x32xf32, #tpu.memory_space<vmem>>, %arg12: memref<32x32xf32, #tpu.memory_space<vmem>>, %arg13: memref<32x32xf32, #tpu.memory_space<vmem>>, %arg14: memref<1x1x32xf32, #tpu.memory_space<vmem>>, %arg15: memref<1x1x32xf32, #tpu.memory_space<vmem>>, %arg16: memref<1x1x32xf32, #tpu.memory_space<vmem>>, %arg17: memref<1x1x32xf32, #tpu.memory_space<vmem>>, %arg18: memref<1x1x32xf32, #tpu.memory_space<vmem>>) attributes {dimension_semantics = [#tpu.dimension_semantics<arbitrary>], iteration_bounds = array<i64: 32>, scalar_prefetch = 0 : i64, scratch_operands = 0 : i64, tpu.core_type = #tpu.core_type<tc>, window_params = [{transform_indices = @transform_0, window_bounds = array<i64: 1, 96, 4992>}, {transform_indices = @transform_1, window_bounds = array<i64: 1, 96, 128>}, {transform_indices = @transform_2, window_bounds = array<i64: 1, 64, 128>}, {transform_indices = @transform_3, window_bounds = array<i64: 1, 1, 64>}, {transform_indices = @transform_4, window_bounds = array<i64: 1, 1, 16>}, {transform_indices = @transform_5, window_bounds = array<i64: 1, 1, 4880>}, {transform_indices = @transform_6, window_bounds = array<i64: 1, 1, 4880>}, {transform_indices = @transform_7, window_bounds = array<i64: 1, 1, 4880>}, {pipeline_mode = #tpu.pipeline_mode<synchronous>, transform_indices = @transform_8, window_bounds = array<i64: 4880, 48>}, {pipeline_mode = #tpu.pipeline_mode<synchronous>, transform_indices = @transform_9, window_bounds = array<i64: 4880, 48>}, {pipeline_mode = #tpu.pipeline_mode<synchronous>, transform_indices = @transform_10, window_bounds = array<i64: 48, 32>}, {pipeline_mode = #tpu.pipeline_mode<synchronous>, transform_indices = @transform_11, window_bounds = array<i64: 32, 32>}, {pipeline_mode = #tpu.pipeline_mode<synchronous>, transform_indices = @transform_12, window_bounds = array<i64: 32, 32>}, {transform_indices = @transform_13, window_bounds = array<i64: 1, 1, 32>}, {transform_indices = @transform_14, window_bounds = array<i64: 1, 1, 32>}, {transform_indices = @transform_15, window_bounds = array<i64: 1, 1, 32>}, {transform_indices = @transform_16, window_bounds = array<i64: 1, 1, 32>}, {transform_indices = @transform_17, window_bounds = array<i64: 1, 1, 32>}]} {
    %get3A = arith.constant 0 : index
    %get3A_0 = arith.constant 0 : index
    %get3A_1 = arith.constant 0 : index
    %get3A_2 = vector.load %arg1[%get3A, %get3A_0, %get3A_1] : memref<1x96x4992xf32, #tpu.memory_space<vmem>>, vector<1x96x4880xf32>
    %get3A_3 = vector.shape_cast %get3A_2 : vector<1x96x4880xf32> to vector<96x4880xf32>
    %get3A_4 = arith.constant 0 : index
    %get3A_5 = arith.constant 0 : index
    %get3A_6 = arith.constant 0 : index
    %get3A_7 = vector.load %arg5[%get3A_4, %get3A_5, %get3A_6] : memref<1x1x16xi32, #tpu.memory_space<vmem>>, vector<1x1x1xi32>
    %get3A_8 = vector.extract %get3A_7[0, 0, 0] : i32 from vector<1x1x1xi32>
    %get3A_9 = arith.constant 0 : index
    %get3A_10 = arith.constant 0 : index
    %get3A_11 = arith.constant 1 : index
    %get3A_12 = vector.load %arg5[%get3A_9, %get3A_10, %get3A_11] : memref<1x1x16xi32, #tpu.memory_space<vmem>>, vector<1x1x1xi32>
    %get3A_13 = vector.extract %get3A_12[0, 0, 0] : i32 from vector<1x1x1xi32>
    %get3A_14 = arith.constant 0 : index
    %get3A_15 = arith.constant 0 : index
    %get3A_16 = arith.constant 0 : index
    %get3A_17 = vector.load %arg6[%get3A_14, %get3A_15, %get3A_16] : memref<1x1x4880xf32, #tpu.memory_space<vmem>>, vector<1x1x4880xf32>
    %get3A_18 = vector.shape_cast %get3A_17 : vector<1x1x4880xf32> to vector<4880xf32>
    %get3A_19 = arith.constant 0 : index
    %get3A_20 = arith.constant 0 : index
    %get3A_21 = arith.constant 0 : index
    %get3A_22 = vector.load %arg7[%get3A_19, %get3A_20, %get3A_21] : memref<1x1x4880xf32, #tpu.memory_space<vmem>>, vector<1x1x4880xf32>
    %get3A_23 = vector.shape_cast %get3A_22 : vector<1x1x4880xf32> to vector<4880xf32>
    %broadcast_in_dim3A = vector.shape_cast %get3A_18 : vector<4880xf32> to vector<4880x1xf32>
    %get3A_24 = arith.constant 0 : index
    %get3A_25 = arith.constant 0 : index
    %get3A_26 = vector.load %arg10[%get3A_24, %get3A_25] : memref<4880x48xf32, #tpu.memory_space<vmem>>, vector<4880x48xf32>
    %mul3A = vector.broadcast %broadcast_in_dim3A : vector<4880x1xf32> to vector<4880x48xf32>
    %mul3A_27 = arith.mulf %mul3A, %get3A_26 : vector<4880x48xf32>
    %broadcast_in_dim3A_28 = vector.shape_cast %get3A_23 : vector<4880xf32> to vector<4880x1xf32>
    %get3A_29 = arith.constant 0 : index
    %get3A_30 = arith.constant 0 : index
    %get3A_31 = vector.load %arg9[%get3A_29, %get3A_30] : memref<4880x48xf32, #tpu.memory_space<vmem>>, vector<4880x48xf32>
    %mul3A_32 = vector.broadcast %broadcast_in_dim3A_28 : vector<4880x1xf32> to vector<4880x48xf32>
    %mul3A_33 = arith.mulf %mul3A_32, %get3A_31 : vector<4880x48xf32>
    %concatenate3A = tpu.concatenate %mul3A_27, %mul3A_33 in 1 : vector<4880x48xf32>, vector<4880x48xf32> -> vector<4880x96xf32>
    %dot_general3A = arith.constant dense<0.000000e+00> : vector<96x96xf32>
    %dot_general3A_34 = tpu.matmul %get3A_3, %concatenate3A, %dot_general3A {dimension_numbers = #tpu.dot_dimension_numbers<[1], [0], [0], [1], [0, 0, 1, 1], [], []>, transpose_lhs_hint = false} : vector<96x4880xf32>, vector<4880x96xf32>, vector<96x96xf32> -> vector<96x96xf32>
    %get3A_35 = arith.constant 0 : index
    %get3A_36 = arith.constant 0 : index
    %get3A_37 = arith.constant 0 : index
    %get3A_38 = vector.load %arg2[%get3A_35, %get3A_36, %get3A_37] : memref<1x96x128xf32, #tpu.memory_space<vmem>>, vector<1x96x48xf32>
    %get3A_39 = vector.shape_cast %get3A_38 : vector<1x96x48xf32> to vector<96x48xf32>
    %get3A_40 = arith.constant 0 : index
    %get3A_41 = arith.constant 0 : index
    %get3A_42 = vector.load %arg11[%get3A_40, %get3A_41] : memref<48x32xf32, #tpu.memory_space<vmem>>, vector<48x32xf32>
    %slice3A = vector.extract_strided_slice %dot_general3A_34 {offsets = [0, 0], sizes = [32, 48], strides = [1, 1]} : vector<96x96xf32> to vector<32x48xf32>
    %slice3A_43 = vector.extract_strided_slice %get3A_39 {offsets = [0, 0], sizes = [32, 48], strides = [1, 1]} : vector<96x48xf32> to vector<32x48xf32>
    %add3A = arith.addf %slice3A, %slice3A_43 : vector<32x48xf32>
    %max3A = arith.constant 0.000000e+00 : f32
    %max3A_44 = vector.broadcast %max3A : f32 to vector<32x48xf32>
    %max3A_45 = arith.maximumf %add3A, %max3A_44 : vector<32x48xf32>
    %dot_general3A_46 = arith.constant dense<0.000000e+00> : vector<32x32xf32>
    %dot_general3A_47 = tpu.matmul %max3A_45, %get3A_42, %dot_general3A_46 {dimension_numbers = #tpu.dot_dimension_numbers<[1], [0], [0], [1], [0, 0, 1, 1], [], []>, transpose_lhs_hint = false} : vector<32x48xf32>, vector<48x32xf32>, vector<32x32xf32> -> vector<32x32xf32>
    %max3A_48 = arith.constant 0.000000e+00 : f32
    %max3A_49 = vector.broadcast %max3A_48 : f32 to vector<32x32xf32>
    %max3A_50 = arith.maximumf %dot_general3A_47, %max3A_49 : vector<32x32xf32>
    %iota3A = tpu.iota {dimensions = array<i32: 0>} : vector<32x32xi32>
    %lt3A = vector.broadcast %get3A_8 : i32 to vector<32x32xi32>
    %lt3A_51 = arith.cmpi slt, %iota3A, %lt3A : vector<32x32xi32>
    %jit3A = arith.constant 0.000000e+00 : f32
    %broadcast_in_dim3A_52 = vector.broadcast %jit3A : f32 to vector<32x32xf32>
    %select_n3A = arith.select %lt3A_51, %max3A_50, %broadcast_in_dim3A_52 : vector<32x32xi1>, vector<32x32xf32>
    %reduce_sum3A = arith.constant dense<0.000000e+00> : vector<32xf32>
    %reduce_sum3A_53 = vector.multi_reduction <add>, %select_n3A, %reduce_sum3A [0] : vector<32x32xf32> to vector<32xf32>
    %swap3A = arith.constant 0 : index
    %swap3A_54 = arith.constant 0 : index
    %swap3A_55 = arith.constant 0 : index
    %swap3A_56 = vector.load %arg14[%swap3A, %swap3A_54, %swap3A_55] : memref<1x1x32xf32, #tpu.memory_space<vmem>>, vector<1x1x32xf32>
    %swap3A_57 = vector.shape_cast %swap3A_56 : vector<1x1x32xf32> to vector<32xf32>
    %swap3A_58 = vector.shape_cast %reduce_sum3A_53 : vector<32xf32> to vector<1x1x32xf32>
    tpu.vector_store %arg14[%swap3A, %swap3A_54, %swap3A_55], %swap3A_58 {strides = array<i32>} : memref<1x1x32xf32, #tpu.memory_space<vmem>>, vector<1x1x32xf32>,
    %convert_element_type3A = arith.sitofp %get3A_8 : i32 to f32
    %broadcast_in_dim3A_59 = vector.broadcast %convert_element_type3A : f32 to vector<32xf32>
    %swap3A_60 = arith.constant 0 : index
    %swap3A_61 = arith.constant 0 : index
    %swap3A_62 = arith.constant 0 : index
    %swap3A_63 = vector.load %arg15[%swap3A_60, %swap3A_61, %swap3A_62] : memref<1x1x32xf32, #tpu.memory_space<vmem>>, vector<1x1x32xf32>
    %swap3A_64 = vector.shape_cast %swap3A_63 : vector<1x1x32xf32> to vector<32xf32>
    %swap3A_65 = vector.shape_cast %broadcast_in_dim3A_59 : vector<32xf32> to vector<1x1x32xf32>
    tpu.vector_store %arg15[%swap3A_60, %swap3A_61, %swap3A_62], %swap3A_65 {strides = array<i32>} : memref<1x1x32xf32, #tpu.memory_space<vmem>>, vector<1x1x32xf32>,
    %slice3A_66 = vector.extract_strided_slice %dot_general3A_34 {offsets = [32, 48], sizes = [64, 48], strides = [1, 1]} : vector<96x96xf32> to vector<64x48xf32>
    %slice3A_67 = vector.extract_strided_slice %get3A_39 {offsets = [32, 0], sizes = [64, 48], strides = [1, 1]} : vector<96x48xf32> to vector<64x48xf32>
    %add3A_68 = arith.addf %slice3A_66, %slice3A_67 : vector<64x48xf32>
    %max3A_69 = arith.constant 0.000000e+00 : f32
    %max3A_70 = vector.broadcast %max3A_69 : f32 to vector<64x48xf32>
    %max3A_71 = arith.maximumf %add3A_68, %max3A_70 : vector<64x48xf32>
    %dot_general3A_72 = arith.constant dense<0.000000e+00> : vector<64x32xf32>
    %dot_general3A_73 = tpu.matmul %max3A_71, %get3A_42, %dot_general3A_72 {dimension_numbers = #tpu.dot_dimension_numbers<[1], [0], [0], [1], [0, 0, 1, 1], [], []>, transpose_lhs_hint = false} : vector<64x48xf32>, vector<48x32xf32>, vector<64x32xf32> -> vector<64x32xf32>
    %max3A_74 = arith.constant 0.000000e+00 : f32
    %max3A_75 = vector.broadcast %max3A_74 : f32 to vector<64x32xf32>
    %max3A_76 = arith.maximumf %dot_general3A_73, %max3A_75 : vector<64x32xf32>
    %iota3A_77 = tpu.iota {dimensions = array<i32: 0>} : vector<64x32xi32>
    %lt3A_78 = vector.broadcast %get3A_13 : i32 to vector<64x32xi32>
    %lt3A_79 = arith.cmpi slt, %iota3A_77, %lt3A_78 : vector<64x32xi32>
    %jit3A_80 = arith.constant 0.000000e+00 : f32
    %broadcast_in_dim3A_81 = vector.broadcast %jit3A_80 : f32 to vector<64x32xf32>
    %select_n3A_82 = arith.select %lt3A_79, %max3A_76, %broadcast_in_dim3A_81 : vector<64x32xi1>, vector<64x32xf32>
    %get3A_83 = arith.constant 0 : index
    %get3A_84 = arith.constant 0 : index
    %get3A_85 = arith.constant 0 : index
    %get3A_86 = vector.load %arg3[%get3A_83, %get3A_84, %get3A_85] : memref<1x64x128xf32, #tpu.memory_space<vmem>>, vector<1x64x32xf32>
    %get3A_87 = vector.shape_cast %get3A_86 : vector<1x64x32xf32> to vector<64x32xf32>
    %get3A_88 = arith.constant 0 : index
    %get3A_89 = arith.constant 0 : index
    %get3A_90 = vector.load %arg12[%get3A_88, %get3A_89] : memref<32x32xf32, #tpu.memory_space<vmem>>, vector<32x32xf32>
    %dot_general3A_91 = arith.constant dense<0.000000e+00> : vector<64x32xf32>
    %dot_general3A_92 = tpu.matmul %get3A_87, %get3A_90, %dot_general3A_91 {dimension_numbers = #tpu.dot_dimension_numbers<[1], [0], [0], [1], [0, 0, 1, 1], [], []>, transpose_lhs_hint = false} : vector<64x32xf32>, vector<32x32xf32>, vector<64x32xf32> -> vector<64x32xf32>
    %get3A_93 = arith.constant 0 : index
    %get3A_94 = arith.constant 0 : index
    %get3A_95 = vector.load %arg13[%get3A_93, %get3A_94] : memref<32x32xf32, #tpu.memory_space<vmem>>, vector<32x32xf32>
    %dot_general3A_96 = arith.constant dense<0.000000e+00> : vector<64x32xf32>
    %dot_general3A_97 = tpu.matmul %select_n3A_82, %get3A_95, %dot_general3A_96 {dimension_numbers = #tpu.dot_dimension_numbers<[1], [0], [0], [1], [0, 0, 1, 1], [], []>, transpose_lhs_hint = false} : vector<64x32xf32>, vector<32x32xf32>, vector<64x32xf32> -> vector<64x32xf32>
    %mul3A_98 = arith.mulf %dot_general3A_92, %dot_general3A_97 : vector<64x32xf32>
    %reduce_sum3A_99 = arith.constant dense<0.000000e+00> : vector<64xf32>
    %reduce_sum3A_100 = vector.multi_reduction <add>, %mul3A_98, %reduce_sum3A_99 [1] : vector<64x32xf32> to vector<64xf32>
    %mul3A_101 = arith.constant 0.176776692 : f32
    %mul3A_102 = vector.broadcast %mul3A_101 : f32 to vector<64xf32>
    %mul3A_103 = arith.mulf %reduce_sum3A_100, %mul3A_102 : vector<64xf32>
    %iota3A_104 = tpu.iota {dimensions = array<i32: 1>} : vector<1x64xi32>
    %iota3A_105 = vector.shape_cast %iota3A_104 : vector<1x64xi32> to vector<64xi32>
    %lt3A_106 = vector.broadcast %get3A_13 : i32 to vector<64xi32>
    %lt3A_107 = arith.cmpi slt, %iota3A_105, %lt3A_106 : vector<64xi32>
    %get3A_108 = arith.constant 0 : index
    %get3A_109 = arith.constant 0 : index
    %get3A_110 = arith.constant 0 : index
    %get3A_111 = vector.load %arg4[%get3A_108, %get3A_109, %get3A_110] : memref<1x1x64xf32, #tpu.memory_space<vmem>>, vector<1x1x64xf32>
    %get3A_112 = vector.shape_cast %get3A_111 : vector<1x1x64xf32> to vector<64xf32>
    %jit3A_113 = arith.constant 0.000000e+00 : f32
    %broadcast_in_dim3A_114 = vector.broadcast %jit3A_113 : f32 to vector<64xf32>
    %select_n3A_115 = arith.select %lt3A_107, %get3A_112, %broadcast_in_dim3A_114 : vector<64xi1>, vector<64xf32>
    %exp3A = math.exp %mul3A_103 : vector<64xf32>
    %mul3A_116 = arith.mulf %select_n3A_115, %exp3A : vector<64xf32>
    %broadcast_in_dim3A_117 = vector.shape_cast %mul3A_116 : vector<64xf32> to vector<1x64xf32>
    %dot_general3A_118 = arith.constant dense<0.000000e+00> : vector<1x32xf32>
    %dot_general3A_119 = tpu.matmul %broadcast_in_dim3A_117, %select_n3A_82, %dot_general3A_118 {dimension_numbers = #tpu.dot_dimension_numbers<[1], [0], [0], [1], [0, 0, 1, 1], [], []>, transpose_lhs_hint = false} : vector<1x64xf32>, vector<64x32xf32>, vector<1x32xf32> -> vector<1x32xf32>
    %squeeze3A = vector.shape_cast %dot_general3A_119 : vector<1x32xf32> to vector<32xf32>
    %swap3A_120 = arith.constant 0 : index
    %swap3A_121 = arith.constant 0 : index
    %swap3A_122 = arith.constant 0 : index
    %swap3A_123 = vector.load %arg16[%swap3A_120, %swap3A_121, %swap3A_122] : memref<1x1x32xf32, #tpu.memory_space<vmem>>, vector<1x1x32xf32>
    %swap3A_124 = vector.shape_cast %swap3A_123 : vector<1x1x32xf32> to vector<32xf32>
    %swap3A_125 = vector.shape_cast %squeeze3A : vector<32xf32> to vector<1x1x32xf32>
    tpu.vector_store %arg16[%swap3A_120, %swap3A_121, %swap3A_122], %swap3A_125 {strides = array<i32>} : memref<1x1x32xf32, #tpu.memory_space<vmem>>, vector<1x1x32xf32>,
    %get3A_126 = arith.constant 0 : index
    %get3A_127 = arith.constant 0 : index
    %get3A_128 = arith.constant 0 : index
    %get3A_129 = vector.load %arg8[%get3A_126, %get3A_127, %get3A_128] : memref<1x1x4880xf32, #tpu.memory_space<vmem>>, vector<1x1x4880xf32>
    %get3A_130 = vector.shape_cast %get3A_129 : vector<1x1x4880xf32> to vector<4880xf32>
    %reduce_sum3A_131 = vector.shape_cast %get3A_130 : vector<4880xf32> to vector<1x4880xf32>
    %reduce_sum3A_132 = arith.constant dense<0.000000e+00> : vector<1xf32>
    %reduce_sum3A_133 = vector.multi_reduction <add>, %reduce_sum3A_131, %reduce_sum3A_132 [1] : vector<1x4880xf32> to vector<1xf32>
    %reduce_sum3A_134 = vector.shape_cast %reduce_sum3A_133 : vector<1xf32> to vector<1x1xf32>
    %reduce_sum3A_135 = vector.extract %reduce_sum3A_134[0, 0] : f32 from vector<1x1xf32>
    %reduce_sum3A_136 = vector.shape_cast %mul3A_116 : vector<64xf32> to vector<1x64xf32>
    %reduce_sum3A_137 = arith.constant dense<0.000000e+00> : vector<1xf32>
    %reduce_sum3A_138 = vector.multi_reduction <add>, %reduce_sum3A_136, %reduce_sum3A_137 [1] : vector<1x64xf32> to vector<1xf32>
    %reduce_sum3A_139 = vector.shape_cast %reduce_sum3A_138 : vector<1xf32> to vector<1x1xf32>
    %reduce_sum3A_140 = vector.extract %reduce_sum3A_139[0, 0] : f32 from vector<1x1xf32>
    %reduce_sum3A_141 = vector.shape_cast %select_n3A_115 : vector<64xf32> to vector<1x64xf32>
    %reduce_sum3A_142 = arith.constant dense<0.000000e+00> : vector<1xf32>
    %reduce_sum3A_143 = vector.multi_reduction <add>, %reduce_sum3A_141, %reduce_sum3A_142 [1] : vector<1x64xf32> to vector<1xf32>
    %reduce_sum3A_144 = vector.shape_cast %reduce_sum3A_143 : vector<1xf32> to vector<1x1xf32>
    %reduce_sum3A_145 = vector.extract %reduce_sum3A_144[0, 0] : f32 from vector<1x1xf32>
    %sub3A = arith.subf %reduce_sum3A_135, %reduce_sum3A_145 : f32
    %add3A_146 = arith.addf %reduce_sum3A_140, %sub3A : f32
    %broadcast_in_dim3A_147 = vector.broadcast %add3A_146 : f32 to vector<32xf32>
    %swap3A_148 = arith.constant 0 : index
    %swap3A_149 = arith.constant 0 : index
    %swap3A_150 = arith.constant 0 : index
    %swap3A_151 = vector.load %arg17[%swap3A_148, %swap3A_149, %swap3A_150] : memref<1x1x32xf32, #tpu.memory_space<vmem>>, vector<1x1x32xf32>
    %swap3A_152 = vector.shape_cast %swap3A_151 : vector<1x1x32xf32> to vector<32xf32>
    %swap3A_153 = vector.shape_cast %broadcast_in_dim3A_147 : vector<32xf32> to vector<1x1x32xf32>
    tpu.vector_store %arg17[%swap3A_148, %swap3A_149, %swap3A_150], %swap3A_153 {strides = array<i32>} : memref<1x1x32xf32, #tpu.memory_space<vmem>>, vector<1x1x32xf32>,
    %reduce_sum3A_154 = arith.constant dense<0.000000e+00> : vector<32xf32>
    %reduce_sum3A_155 = vector.multi_reduction <add>, %select_n3A_82, %reduce_sum3A_154 [0] : vector<64x32xf32> to vector<32xf32>
    %swap3A_156 = arith.constant 0 : index
    %swap3A_157 = arith.constant 0 : index
    %swap3A_158 = arith.constant 0 : index
    %swap3A_159 = vector.load %arg18[%swap3A_156, %swap3A_157, %swap3A_158] : memref<1x1x32xf32, #tpu.memory_space<vmem>>, vector<1x1x32xf32>
    %swap3A_160 = vector.shape_cast %swap3A_159 : vector<1x1x32xf32> to vector<32xf32>
    %swap3A_161 = vector.shape_cast %reduce_sum3A_155 : vector<32xf32> to vector<1x1x32xf32>
    tpu.vector_store %arg18[%swap3A_156, %swap3A_157, %swap3A_158], %swap3A_161 {strides = array<i32>} : memref<1x1x32xf32, #tpu.memory_space<vmem>>, vector<1x1x32xf32>,
    return
  }
  func.func @transform_0(%arg0: i32) -> (i32, i32, i32) {
    %c0_i32 = arith.constant 0 : i32
    %c0_i32_0 = arith.constant 0 : i32
    %c0_i32_1 = arith.constant 0 : i32
    return %arg0, %c0_i32, %c0_i32_0 : i32, i32, i32
  }
  func.func @transform_1(%arg0: i32) -> (i32, i32, i32) {
    %c0_i32 = arith.constant 0 : i32
    %c0_i32_0 = arith.constant 0 : i32
    %c0_i32_1 = arith.constant 0 : i32
    return %arg0, %c0_i32, %c0_i32_0 : i32, i32, i32
  }
  func.func @transform_2(%arg0: i32) -> (i32, i32, i32) {
    %c0_i32 = arith.constant 0 : i32
    %c0_i32_0 = arith.constant 0 : i32
    %c0_i32_1 = arith.constant 0 : i32
    return %arg0, %c0_i32, %c0_i32_0 : i32, i32, i32
  }
  func.func @transform_3(%arg0: i32) -> (i32, i32, i32) {
    %c0_i32 = arith.constant 0 : i32
    %c0_i32_0 = arith.constant 0 : i32
    %c0_i32_1 = arith.constant 0 : i32
    return %arg0, %c0_i32, %c0_i32_0 : i32, i32, i32
  }
  func.func @transform_4(%arg0: i32) -> (i32, i32, i32) {
    %c0_i32 = arith.constant 0 : i32
    %c0_i32_0 = arith.constant 0 : i32
    %c0_i32_1 = arith.constant 0 : i32
    return %arg0, %c0_i32, %c0_i32_0 : i32, i32, i32
  }
  func.func @transform_5(%arg0: i32) -> (i32, i32, i32) {
    %c0_i32 = arith.constant 0 : i32
    %c0_i32_0 = arith.constant 0 : i32
    %c0_i32_1 = arith.constant 0 : i32
    return %arg0, %c0_i32, %c0_i32_0 : i32, i32, i32
  }
  func.func @transform_6(%arg0: i32) -> (i32, i32, i32) {
    %c0_i32 = arith.constant 0 : i32
    %c0_i32_0 = arith.constant 0 : i32
    %c0_i32_1 = arith.constant 0 : i32
    return %arg0, %c0_i32, %c0_i32_0 : i32, i32, i32
  }
  func.func @transform_7(%arg0: i32) -> (i32, i32, i32) {
    %c0_i32 = arith.constant 0 : i32
    %c0_i32_0 = arith.constant 0 : i32
    %c0_i32_1 = arith.constant 0 : i32
    return %arg0, %c0_i32, %c0_i32_0 : i32, i32, i32
  }
  func.func @transform_8(%arg0: i32) -> (i32, i32) {
    %c0_i32 = arith.constant 0 : i32
    %c0_i32_0 = arith.constant 0 : i32
    %c0_i32_1 = arith.constant 0 : i32
    return %c0_i32, %c0_i32_0 : i32, i32
  }
  func.func @transform_9(%arg0: i32) -> (i32, i32) {
    %c0_i32 = arith.constant 0 : i32
    %c0_i32_0 = arith.constant 0 : i32
    %c0_i32_1 = arith.constant 0 : i32
    return %c0_i32, %c0_i32_0 : i32, i32
  }
  func.func @transform_10(%arg0: i32) -> (i32, i32) {
    %c0_i32 = arith.constant 0 : i32
    %c0_i32_0 = arith.constant 0 : i32
    %c0_i32_1 = arith.constant 0 : i32
    return %c0_i32, %c0_i32_0 : i32, i32
  }
  func.func @transform_11(%arg0: i32) -> (i32, i32) {
    %c0_i32 = arith.constant 0 : i32
    %c0_i32_0 = arith.constant 0 : i32
    %c0_i32_1 = arith.constant 0 : i32
    return %c0_i32, %c0_i32_0 : i32, i32
  }
  func.func @transform_12(%arg0: i32) -> (i32, i32) {
    %c0_i32 = arith.constant 0 : i32
    %c0_i32_0 = arith.constant 0 : i32
    %c0_i32_1 = arith.constant 0 : i32
    return %c0_i32, %c0_i32_0 : i32, i32
  }
  func.func @transform_13(%arg0: i32) -> (i32, i32, i32) {
    %c0_i32 = arith.constant 0 : i32
    %c0_i32_0 = arith.constant 0 : i32
    %c0_i32_1 = arith.constant 0 : i32
    return %arg0, %c0_i32, %c0_i32_0 : i32, i32, i32
  }
  func.func @transform_14(%arg0: i32) -> (i32, i32, i32) {
    %c0_i32 = arith.constant 0 : i32
    %c0_i32_0 = arith.constant 0 : i32
    %c0_i32_1 = arith.constant 0 : i32
    return %arg0, %c0_i32, %c0_i32_0 : i32, i32, i32
  }
  func.func @transform_15(%arg0: i32) -> (i32, i32, i32) {
    %c0_i32 = arith.constant 0 : i32
    %c0_i32_0 = arith.constant 0 : i32
    %c0_i32_1 = arith.constant 0 : i32
    return %arg0, %c0_i32, %c0_i32_0 : i32, i32, i32
  }
  func.func @transform_16(%arg0: i32) -> (i32, i32, i32) {
    %c0_i32 = arith.constant 0 : i32
    %c0_i32_0 = arith.constant 0 : i32
    %c0_i32_1 = arith.constant 0 : i32
    return %arg0, %c0_i32, %c0_i32_0 : i32, i32, i32
  }
  func.func @transform_17(%arg0: i32) -> (i32, i32, i32) {
    %c0_i32 = arith.constant 0 : i32
    %c0_i32_0 = arith.constant 0 : i32
    %c0_i32_1 = arith.constant 0 : i32
    return %arg0, %c0_i32, %c0_i32_0 : i32, i32, i32
  }
}

module attributes {stable_mosaic.version = 14 : i64} {
  func.func @_seq_body(%arg0: memref<8x4x32xf32, #tpu.memory_space<vmem>>, %arg1: memref<8x4x32xf32, #tpu.memory_space<vmem>>, %arg2: memref<8x4x32xf32, #tpu.memory_space<vmem>>, %arg3: memref<8x4x32xf32, #tpu.memory_space<vmem>>, %arg4: memref<8x4x32xf32, #tpu.memory_space<vmem>>, %arg5: memref<8x4x6x40xi32, #tpu.memory_space<vmem>>, %arg6: memref<32x810xf32, #tpu.memory_space<vmem>>, %arg7: memref<270x810xf32, #tpu.memory_space<vmem>>, %arg8: memref<1x810xf32, #tpu.memory_space<vmem>>, %arg9: memref<32x270xf32, #tpu.memory_space<vmem>>, %arg10: memref<270x64xf32, #tpu.memory_space<vmem>>, %arg11: memref<1x64xf32, #tpu.memory_space<vmem>>, %arg12: memref<1x64xf32, #tpu.memory_space<vmem>>, %arg13: memref<400x400xf32, #tpu.memory_space<vmem>>, %arg14: memref<400x270xf32, #tpu.memory_space<vmem>>, %arg15: memref<1x270xf32, #tpu.memory_space<vmem>>, %arg16: memref<270x1xf32, #tpu.memory_space<vmem>>, %arg17: memref<1x1xf32, #tpu.memory_space<vmem>>, %arg18: memref<8x1xf32, #tpu.memory_space<vmem>>) attributes {dimension_semantics = [], scalar_prefetch = 0 : i64, scratch_operands = 0 : i64, tpu.core_type = #tpu.core_type<tc>} {
    %get3A = arith.constant 0 : index
    %get3A_0 = arith.constant 0 : index
    %get3A_1 = vector.load %arg9[%get3A, %get3A_0] : memref<32x270xf32, #tpu.memory_space<vmem>>, vector<32x270xf32>
    %get3A_2 = arith.constant 0 : index
    %get3A_3 = arith.constant 0 : index
    %get3A_4 = vector.load %arg10[%get3A_2, %get3A_3] : memref<270x64xf32, #tpu.memory_space<vmem>>, vector<270x64xf32>
    %get3A_5 = arith.constant 0 : index
    %get3A_6 = arith.constant 0 : index
    %get3A_7 = vector.load %arg11[%get3A_5, %get3A_6] : memref<1x64xf32, #tpu.memory_space<vmem>>, vector<1x64xf32>
    %get3A_8 = arith.constant 0 : index
    %get3A_9 = arith.constant 0 : index
    %get3A_10 = vector.load %arg12[%get3A_8, %get3A_9] : memref<1x64xf32, #tpu.memory_space<vmem>>, vector<1x64xf32>
    %get3A_11 = arith.constant 0 : index
    %get3A_12 = arith.constant 0 : index
    %get3A_13 = vector.load %arg13[%get3A_11, %get3A_12] : memref<400x400xf32, #tpu.memory_space<vmem>>, vector<400x400xf32>
    %get3A_14 = arith.constant 0 : index
    %get3A_15 = arith.constant 0 : index
    %get3A_16 = vector.load %arg14[%get3A_14, %get3A_15] : memref<400x270xf32, #tpu.memory_space<vmem>>, vector<400x270xf32>
    %get3A_17 = arith.constant 0 : index
    %get3A_18 = arith.constant 0 : index
    %get3A_19 = vector.load %arg15[%get3A_17, %get3A_18] : memref<1x270xf32, #tpu.memory_space<vmem>>, vector<1x270xf32>
    %get3A_20 = arith.constant 0 : index
    %get3A_21 = arith.constant 0 : index
    %get3A_22 = vector.load %arg6[%get3A_20, %get3A_21] : memref<32x810xf32, #tpu.memory_space<vmem>>, vector<32x810xf32>
    %get3A_23 = arith.constant 0 : index
    %get3A_24 = arith.constant 0 : index
    %get3A_25 = vector.load %arg7[%get3A_23, %get3A_24] : memref<270x810xf32, #tpu.memory_space<vmem>>, vector<270x810xf32>
    %get3A_26 = arith.constant 0 : index
    %get3A_27 = arith.constant 0 : index
    %get3A_28 = vector.load %arg8[%get3A_26, %get3A_27] : memref<1x810xf32, #tpu.memory_space<vmem>>, vector<1x810xf32>
    %broadcast_in_dim3A = arith.constant 0.000000e+00 : f32
    %broadcast_in_dim3A_29 = vector.broadcast %broadcast_in_dim3A : f32 to vector<8x270xf32>
    %get3A_30 = arith.constant 0 : index
    %get3A_31 = arith.constant 0 : index
    %get3A_32 = arith.constant 0 : index
    %get3A_33 = vector.load %arg0[%get3A_30, %get3A_31, %get3A_32] : memref<8x4x32xf32, #tpu.memory_space<vmem>>, vector<8x1x32xf32>
    %get3A_34 = vector.shape_cast %get3A_33 : vector<8x1x32xf32> to vector<8x32xf32>
    %get3A_35 = arith.constant 0 : index
    %get3A_36 = arith.constant 0 : index
    %get3A_37 = arith.constant 0 : index
    %get3A_38 = vector.load %arg1[%get3A_35, %get3A_36, %get3A_37] : memref<8x4x32xf32, #tpu.memory_space<vmem>>, vector<8x1x32xf32>
    %get3A_39 = vector.shape_cast %get3A_38 : vector<8x1x32xf32> to vector<8x32xf32>
    %max3A = arith.constant 1.000000e+00 : f32
    %max3A_40 = vector.broadcast %max3A : f32 to vector<8x32xf32>
    %max3A_41 = arith.maximumf %get3A_39, %max3A_40 : vector<8x32xf32>
    %div3A = arith.divf %get3A_34, %max3A_41 : vector<8x32xf32>
    %dot_general3A = arith.constant dense<0.000000e+00> : vector<8x810xf32>
    %dot_general3A_42 = tpu.matmul %div3A, %get3A_22, %dot_general3A {dimension_numbers = #tpu.dot_dimension_numbers<[1], [0], [0], [1], [0, 0, 1, 1], [], []>, transpose_lhs_hint = false} : vector<8x32xf32>, vector<32x810xf32>, vector<8x810xf32> -> vector<8x810xf32>
    %add3A = vector.broadcast %get3A_28 : vector<1x810xf32> to vector<8x810xf32>
    %add3A_43 = arith.addf %dot_general3A_42, %add3A : vector<8x810xf32>
    %dot_general3A_44 = arith.constant dense<0.000000e+00> : vector<8x810xf32>
    %dot_general3A_45 = tpu.matmul %broadcast_in_dim3A_29, %get3A_25, %dot_general3A_44 {dimension_numbers = #tpu.dot_dimension_numbers<[1], [0], [0], [1], [0, 0, 1, 1], [], []>, transpose_lhs_hint = false} : vector<8x270xf32>, vector<270x810xf32>, vector<8x810xf32> -> vector<8x810xf32>
    %slice3A = vector.extract_strided_slice %add3A_43 {offsets = [0, 0], sizes = [8, 270], strides = [1, 1]} : vector<8x810xf32> to vector<8x270xf32>
    %slice3A_46 = vector.extract_strided_slice %dot_general3A_45 {offsets = [0, 0], sizes = [8, 270], strides = [1, 1]} : vector<8x810xf32> to vector<8x270xf32>
    %add3A_47 = arith.addf %slice3A, %slice3A_46 : vector<8x270xf32>
    %logistic3A = arith.negf %add3A_47 : vector<8x270xf32>
    %logistic3A_48 = math.exp %logistic3A : vector<8x270xf32>
    %logistic3A_49 = arith.constant 1.000000e+00 : f32
    %logistic3A_50 = vector.broadcast %logistic3A_49 : f32 to vector<8x270xf32>
    %logistic3A_51 = arith.addf %logistic3A_50, %logistic3A_48 : vector<8x270xf32>
    %logistic3A_52 = arith.divf %logistic3A_50, %logistic3A_51 : vector<8x270xf32>
    %slice3A_53 = vector.extract_strided_slice %add3A_43 {offsets = [0, 270], sizes = [8, 270], strides = [1, 1]} : vector<8x810xf32> to vector<8x270xf32>
    %slice3A_54 = vector.extract_strided_slice %dot_general3A_45 {offsets = [0, 270], sizes = [8, 270], strides = [1, 1]} : vector<8x810xf32> to vector<8x270xf32>
    %add3A_55 = arith.addf %slice3A_53, %slice3A_54 : vector<8x270xf32>
    %logistic3A_56 = arith.negf %add3A_55 : vector<8x270xf32>
    %logistic3A_57 = math.exp %logistic3A_56 : vector<8x270xf32>
    %logistic3A_58 = arith.constant 1.000000e+00 : f32
    %logistic3A_59 = vector.broadcast %logistic3A_58 : f32 to vector<8x270xf32>
    %logistic3A_60 = arith.addf %logistic3A_59, %logistic3A_57 : vector<8x270xf32>
    %logistic3A_61 = arith.divf %logistic3A_59, %logistic3A_60 : vector<8x270xf32>
    %slice3A_62 = vector.extract_strided_slice %add3A_43 {offsets = [0, 540], sizes = [8, 270], strides = [1, 1]} : vector<8x810xf32> to vector<8x270xf32>
    %slice3A_63 = vector.extract_strided_slice %dot_general3A_45 {offsets = [0, 540], sizes = [8, 270], strides = [1, 1]} : vector<8x810xf32> to vector<8x270xf32>
    %mul3A = arith.mulf %logistic3A_52, %slice3A_63 : vector<8x270xf32>
    %add3A_64 = arith.addf %slice3A_62, %mul3A : vector<8x270xf32>
    %tanh3A = math.tanh %add3A_64 : vector<8x270xf32>
    %sub3A = arith.constant 1.000000e+00 : f32
    %sub3A_65 = vector.broadcast %sub3A : f32 to vector<8x270xf32>
    %sub3A_66 = arith.subf %sub3A_65, %logistic3A_61 : vector<8x270xf32>
    %mul3A_67 = arith.mulf %sub3A_66, %tanh3A : vector<8x270xf32>
    %mul3A_68 = arith.mulf %logistic3A_61, %broadcast_in_dim3A_29 : vector<8x270xf32>
    %add3A_69 = arith.addf %mul3A_67, %mul3A_68 : vector<8x270xf32>
    %get3A_70 = arith.constant 0 : index
    %get3A_71 = arith.constant 0 : index
    %get3A_72 = arith.constant 0 : index
    %get3A_73 = arith.constant 0 : index
    %get3A_74 = vector.load %arg5[%get3A_70, %get3A_71, %get3A_72, %get3A_73] : memref<8x4x6x40xi32, #tpu.memory_space<vmem>>, vector<8x1x6x40xi32>
    %get3A_75 = vector.shape_cast %get3A_74 : vector<8x1x6x40xi32> to vector<8x6x40xi32>
    %iota3A = tpu.iota {dimensions = array<i32: 3>} : vector<8x6x40x400xi32>
    %broadcast_in_dim3A_76 = vector.shape_cast %get3A_75 : vector<8x6x40xi32> to vector<8x6x40x1xi32>
    %eq3A = vector.broadcast %broadcast_in_dim3A_76 : vector<8x6x40x1xi32> to vector<8x6x40x400xi32>
    %eq3A_77 = arith.cmpi eq, %eq3A, %iota3A : vector<8x6x40x400xi32>
    %convert_element_type3A = arith.extui %eq3A_77 : vector<8x6x40x400xi1> to vector<8x6x40x400xi32>
    %convert_element_type3A_78 = arith.sitofp %convert_element_type3A : vector<8x6x40x400xi32> to vector<8x6x40x400xf32>
    %reduce_sum3A = arith.constant dense<0.000000e+00> : vector<8x6x400xf32>
    %reduce_sum3A_79 = vector.multi_reduction <add>, %convert_element_type3A_78, %reduce_sum3A [2] : vector<8x6x40x400xf32> to vector<8x6x400xf32>
    %reshape3A = vector.shape_cast %reduce_sum3A_79 : vector<8x6x400xf32> to vector<48x400xf32>
    %dot_general3A_80 = arith.constant dense<0.000000e+00> : vector<48x400xf32>
    %dot_general3A_81 = tpu.matmul %reshape3A, %get3A_13, %dot_general3A_80 {dimension_numbers = #tpu.dot_dimension_numbers<[1], [0], [0], [1], [0, 0, 1, 1], [], []>, transpose_lhs_hint = false} : vector<48x400xf32>, vector<400x400xf32>, vector<48x400xf32> -> vector<48x400xf32>
    %mul3A_82 = arith.constant 2.500000e-02 : f32
    %mul3A_83 = vector.broadcast %mul3A_82 : f32 to vector<48x400xf32>
    %mul3A_84 = arith.mulf %dot_general3A_81, %mul3A_83 : vector<48x400xf32>
    %dot_general3A_85 = arith.constant dense<0.000000e+00> : vector<48x270xf32>
    %dot_general3A_86 = tpu.matmul %mul3A_84, %get3A_16, %dot_general3A_85 {dimension_numbers = #tpu.dot_dimension_numbers<[1], [0], [0], [1], [0, 0, 1, 1], [], []>, transpose_lhs_hint = false} : vector<48x400xf32>, vector<400x270xf32>, vector<48x270xf32> -> vector<48x270xf32>
    %add3A_87 = vector.broadcast %get3A_19 : vector<1x270xf32> to vector<48x270xf32>
    %add3A_88 = arith.addf %dot_general3A_86, %add3A_87 : vector<48x270xf32>
    %tanh3A_89 = math.tanh %add3A_88 : vector<48x270xf32>
    %slice3A_90 = vector.extract_strided_slice %add3A_69 {offsets = [0, 0], sizes = [1, 270], strides = [1, 1]} : vector<8x270xf32> to vector<1x270xf32>
    %slice3A_91 = vector.extract_strided_slice %tanh3A_89 {offsets = [0, 0], sizes = [6, 270], strides = [1, 1]} : vector<48x270xf32> to vector<6x270xf32>
    %concatenate3A = tpu.concatenate %slice3A_90, %slice3A_91 in 0 : vector<1x270xf32>, vector<6x270xf32> -> vector<7x270xf32>
    %dot_general3A_92 = arith.constant dense<0.000000e+00> : vector<7x64xf32>
    %dot_general3A_93 = tpu.matmul %concatenate3A, %get3A_4, %dot_general3A_92 {dimension_numbers = #tpu.dot_dimension_numbers<[1], [0], [0], [1], [0, 0, 1, 1], [], []>, transpose_lhs_hint = false} : vector<7x270xf32>, vector<270x64xf32>, vector<7x64xf32> -> vector<7x64xf32>
    %add3A_94 = vector.broadcast %get3A_7 : vector<1x64xf32> to vector<7x64xf32>
    %add3A_95 = arith.addf %dot_general3A_93, %add3A_94 : vector<7x64xf32>
    %tanh3A_96 = math.tanh %add3A_95 : vector<7x64xf32>
    %mul3A_97 = vector.broadcast %get3A_10 : vector<1x64xf32> to vector<7x64xf32>
    %mul3A_98 = arith.mulf %tanh3A_96, %mul3A_97 : vector<7x64xf32>
    %reduce_sum3A_99 = arith.constant dense<0.000000e+00> : vector<7xf32>
    %reduce_sum3A_100 = vector.multi_reduction <add>, %mul3A_98, %reduce_sum3A_99 [1] : vector<7x64xf32> to vector<7xf32>
    %reduce_max3A = vector.shape_cast %reduce_sum3A_100 : vector<7xf32> to vector<1x7xf32>
    %reduce_max3A_101 = arith.constant dense<0xFF800000> : vector<1xf32>
    %reduce_max3A_102 = vector.multi_reduction <maximumf>, %reduce_max3A, %reduce_max3A_101 [1] : vector<1x7xf32> to vector<1xf32>
    %reduce_max3A_103 = vector.shape_cast %reduce_max3A_102 : vector<1xf32> to vector<1x1xf32>
    %reduce_max3A_104 = vector.extract %reduce_max3A_103[0, 0] : f32 from vector<1x1xf32>
    %sub3A_105 = vector.broadcast %reduce_max3A_104 : f32 to vector<7xf32>
    %sub3A_106 = arith.subf %reduce_sum3A_100, %sub3A_105 : vector<7xf32>
    %exp3A = math.exp %sub3A_106 : vector<7xf32>
    %reduce_sum3A_107 = vector.shape_cast %exp3A : vector<7xf32> to vector<1x7xf32>
    %reduce_sum3A_108 = arith.constant dense<0.000000e+00> : vector<1xf32>
    %reduce_sum3A_109 = vector.multi_reduction <add>, %reduce_sum3A_107, %reduce_sum3A_108 [1] : vector<1x7xf32> to vector<1xf32>
    %reduce_sum3A_110 = vector.shape_cast %reduce_sum3A_109 : vector<1xf32> to vector<1x1xf32>
    %reduce_sum3A_111 = vector.extract %reduce_sum3A_110[0, 0] : f32 from vector<1x1xf32>
    %div3A_112 = vector.broadcast %reduce_sum3A_111 : f32 to vector<7xf32>
    %div3A_113 = arith.divf %exp3A, %div3A_112 : vector<7xf32>
    %broadcast_in_dim3A_114 = vector.shape_cast %div3A_113 : vector<7xf32> to vector<7x1xf32>
    %mul3A_115 = vector.broadcast %broadcast_in_dim3A_114 : vector<7x1xf32> to vector<7x270xf32>
    %mul3A_116 = arith.mulf %mul3A_115, %concatenate3A : vector<7x270xf32>
    %reduce_sum3A_117 = arith.constant dense<0.000000e+00> : vector<270xf32>
    %reduce_sum3A_118 = vector.multi_reduction <add>, %mul3A_116, %reduce_sum3A_117 [0] : vector<7x270xf32> to vector<270xf32>
    %broadcast_in_dim3A_119 = vector.shape_cast %reduce_sum3A_118 : vector<270xf32> to vector<1x270xf32>
    %slice3A_120 = vector.extract_strided_slice %add3A_69 {offsets = [1, 0], sizes = [1, 270], strides = [1, 1]} : vector<8x270xf32> to vector<1x270xf32>
    %slice3A_121 = vector.extract_strided_slice %tanh3A_89 {offsets = [6, 0], sizes = [6, 270], strides = [1, 1]} : vector<48x270xf32> to vector<6x270xf32>
    %concatenate3A_122 = tpu.concatenate %slice3A_120, %slice3A_121 in 0 : vector<1x270xf32>, vector<6x270xf32> -> vector<7x270xf32>
    %dot_general3A_123 = arith.constant dense<0.000000e+00> : vector<7x64xf32>
    %dot_general3A_124 = tpu.matmul %concatenate3A_122, %get3A_4, %dot_general3A_123 {dimension_numbers = #tpu.dot_dimension_numbers<[1], [0], [0], [1], [0, 0, 1, 1], [], []>, transpose_lhs_hint = false} : vector<7x270xf32>, vector<270x64xf32>, vector<7x64xf32> -> vector<7x64xf32>
    %add3A_125 = vector.broadcast %get3A_7 : vector<1x64xf32> to vector<7x64xf32>
    %add3A_126 = arith.addf %dot_general3A_124, %add3A_125 : vector<7x64xf32>
    %tanh3A_127 = math.tanh %add3A_126 : vector<7x64xf32>
    %mul3A_128 = vector.broadcast %get3A_10 : vector<1x64xf32> to vector<7x64xf32>
    %mul3A_129 = arith.mulf %tanh3A_127, %mul3A_128 : vector<7x64xf32>
    %reduce_sum3A_130 = arith.constant dense<0.000000e+00> : vector<7xf32>
    %reduce_sum3A_131 = vector.multi_reduction <add>, %mul3A_129, %reduce_sum3A_130 [1] : vector<7x64xf32> to vector<7xf32>
    %reduce_max3A_132 = vector.shape_cast %reduce_sum3A_131 : vector<7xf32> to vector<1x7xf32>
    %reduce_max3A_133 = arith.constant dense<0xFF800000> : vector<1xf32>
    %reduce_max3A_134 = vector.multi_reduction <maximumf>, %reduce_max3A_132, %reduce_max3A_133 [1] : vector<1x7xf32> to vector<1xf32>
    %reduce_max3A_135 = vector.shape_cast %reduce_max3A_134 : vector<1xf32> to vector<1x1xf32>
    %reduce_max3A_136 = vector.extract %reduce_max3A_135[0, 0] : f32 from vector<1x1xf32>
    %sub3A_137 = vector.broadcast %reduce_max3A_136 : f32 to vector<7xf32>
    %sub3A_138 = arith.subf %reduce_sum3A_131, %sub3A_137 : vector<7xf32>
    %exp3A_139 = math.exp %sub3A_138 : vector<7xf32>
    %reduce_sum3A_140 = vector.shape_cast %exp3A_139 : vector<7xf32> to vector<1x7xf32>
    %reduce_sum3A_141 = arith.constant dense<0.000000e+00> : vector<1xf32>
    %reduce_sum3A_142 = vector.multi_reduction <add>, %reduce_sum3A_140, %reduce_sum3A_141 [1] : vector<1x7xf32> to vector<1xf32>
    %reduce_sum3A_143 = vector.shape_cast %reduce_sum3A_142 : vector<1xf32> to vector<1x1xf32>
    %reduce_sum3A_144 = vector.extract %reduce_sum3A_143[0, 0] : f32 from vector<1x1xf32>
    %div3A_145 = vector.broadcast %reduce_sum3A_144 : f32 to vector<7xf32>
    %div3A_146 = arith.divf %exp3A_139, %div3A_145 : vector<7xf32>
    %broadcast_in_dim3A_147 = vector.shape_cast %div3A_146 : vector<7xf32> to vector<7x1xf32>
    %mul3A_148 = vector.broadcast %broadcast_in_dim3A_147 : vector<7x1xf32> to vector<7x270xf32>
    %mul3A_149 = arith.mulf %mul3A_148, %concatenate3A_122 : vector<7x270xf32>
    %reduce_sum3A_150 = arith.constant dense<0.000000e+00> : vector<270xf32>
    %reduce_sum3A_151 = vector.multi_reduction <add>, %mul3A_149, %reduce_sum3A_150 [0] : vector<7x270xf32> to vector<270xf32>
    %broadcast_in_dim3A_152 = vector.shape_cast %reduce_sum3A_151 : vector<270xf32> to vector<1x270xf32>
    %slice3A_153 = vector.extract_strided_slice %add3A_69 {offsets = [2, 0], sizes = [1, 270], strides = [1, 1]} : vector<8x270xf32> to vector<1x270xf32>
    %slice3A_154 = vector.extract_strided_slice %tanh3A_89 {offsets = [12, 0], sizes = [6, 270], strides = [1, 1]} : vector<48x270xf32> to vector<6x270xf32>
    %concatenate3A_155 = tpu.concatenate %slice3A_153, %slice3A_154 in 0 : vector<1x270xf32>, vector<6x270xf32> -> vector<7x270xf32>
    %dot_general3A_156 = arith.constant dense<0.000000e+00> : vector<7x64xf32>
    %dot_general3A_157 = tpu.matmul %concatenate3A_155, %get3A_4, %dot_general3A_156 {dimension_numbers = #tpu.dot_dimension_numbers<[1], [0], [0], [1], [0, 0, 1, 1], [], []>, transpose_lhs_hint = false} : vector<7x270xf32>, vector<270x64xf32>, vector<7x64xf32> -> vector<7x64xf32>
    %add3A_158 = vector.broadcast %get3A_7 : vector<1x64xf32> to vector<7x64xf32>
    %add3A_159 = arith.addf %dot_general3A_157, %add3A_158 : vector<7x64xf32>
    %tanh3A_160 = math.tanh %add3A_159 : vector<7x64xf32>
    %mul3A_161 = vector.broadcast %get3A_10 : vector<1x64xf32> to vector<7x64xf32>
    %mul3A_162 = arith.mulf %tanh3A_160, %mul3A_161 : vector<7x64xf32>
    %reduce_sum3A_163 = arith.constant dense<0.000000e+00> : vector<7xf32>
    %reduce_sum3A_164 = vector.multi_reduction <add>, %mul3A_162, %reduce_sum3A_163 [1] : vector<7x64xf32> to vector<7xf32>
    %reduce_max3A_165 = vector.shape_cast %reduce_sum3A_164 : vector<7xf32> to vector<1x7xf32>
    %reduce_max3A_166 = arith.constant dense<0xFF800000> : vector<1xf32>
    %reduce_max3A_167 = vector.multi_reduction <maximumf>, %reduce_max3A_165, %reduce_max3A_166 [1] : vector<1x7xf32> to vector<1xf32>
    %reduce_max3A_168 = vector.shape_cast %reduce_max3A_167 : vector<1xf32> to vector<1x1xf32>
    %reduce_max3A_169 = vector.extract %reduce_max3A_168[0, 0] : f32 from vector<1x1xf32>
    %sub3A_170 = vector.broadcast %reduce_max3A_169 : f32 to vector<7xf32>
    %sub3A_171 = arith.subf %reduce_sum3A_164, %sub3A_170 : vector<7xf32>
    %exp3A_172 = math.exp %sub3A_171 : vector<7xf32>
    %reduce_sum3A_173 = vector.shape_cast %exp3A_172 : vector<7xf32> to vector<1x7xf32>
    %reduce_sum3A_174 = arith.constant dense<0.000000e+00> : vector<1xf32>
    %reduce_sum3A_175 = vector.multi_reduction <add>, %reduce_sum3A_173, %reduce_sum3A_174 [1] : vector<1x7xf32> to vector<1xf32>
    %reduce_sum3A_176 = vector.shape_cast %reduce_sum3A_175 : vector<1xf32> to vector<1x1xf32>
    %reduce_sum3A_177 = vector.extract %reduce_sum3A_176[0, 0] : f32 from vector<1x1xf32>
    %div3A_178 = vector.broadcast %reduce_sum3A_177 : f32 to vector<7xf32>
    %div3A_179 = arith.divf %exp3A_172, %div3A_178 : vector<7xf32>
    %broadcast_in_dim3A_180 = vector.shape_cast %div3A_179 : vector<7xf32> to vector<7x1xf32>
    %mul3A_181 = vector.broadcast %broadcast_in_dim3A_180 : vector<7x1xf32> to vector<7x270xf32>
    %mul3A_182 = arith.mulf %mul3A_181, %concatenate3A_155 : vector<7x270xf32>
    %reduce_sum3A_183 = arith.constant dense<0.000000e+00> : vector<270xf32>
    %reduce_sum3A_184 = vector.multi_reduction <add>, %mul3A_182, %reduce_sum3A_183 [0] : vector<7x270xf32> to vector<270xf32>
    %broadcast_in_dim3A_185 = vector.shape_cast %reduce_sum3A_184 : vector<270xf32> to vector<1x270xf32>
    %slice3A_186 = vector.extract_strided_slice %add3A_69 {offsets = [3, 0], sizes = [1, 270], strides = [1, 1]} : vector<8x270xf32> to vector<1x270xf32>
    %slice3A_187 = vector.extract_strided_slice %tanh3A_89 {offsets = [18, 0], sizes = [6, 270], strides = [1, 1]} : vector<48x270xf32> to vector<6x270xf32>
    %concatenate3A_188 = tpu.concatenate %slice3A_186, %slice3A_187 in 0 : vector<1x270xf32>, vector<6x270xf32> -> vector<7x270xf32>
    %dot_general3A_189 = arith.constant dense<0.000000e+00> : vector<7x64xf32>
    %dot_general3A_190 = tpu.matmul %concatenate3A_188, %get3A_4, %dot_general3A_189 {dimension_numbers = #tpu.dot_dimension_numbers<[1], [0], [0], [1], [0, 0, 1, 1], [], []>, transpose_lhs_hint = false} : vector<7x270xf32>, vector<270x64xf32>, vector<7x64xf32> -> vector<7x64xf32>
    %add3A_191 = vector.broadcast %get3A_7 : vector<1x64xf32> to vector<7x64xf32>
    %add3A_192 = arith.addf %dot_general3A_190, %add3A_191 : vector<7x64xf32>
    %tanh3A_193 = math.tanh %add3A_192 : vector<7x64xf32>
    %mul3A_194 = vector.broadcast %get3A_10 : vector<1x64xf32> to vector<7x64xf32>
    %mul3A_195 = arith.mulf %tanh3A_193, %mul3A_194 : vector<7x64xf32>
    %reduce_sum3A_196 = arith.constant dense<0.000000e+00> : vector<7xf32>
    %reduce_sum3A_197 = vector.multi_reduction <add>, %mul3A_195, %reduce_sum3A_196 [1] : vector<7x64xf32> to vector<7xf32>
    %reduce_max3A_198 = vector.shape_cast %reduce_sum3A_197 : vector<7xf32> to vector<1x7xf32>
    %reduce_max3A_199 = arith.constant dense<0xFF800000> : vector<1xf32>
    %reduce_max3A_200 = vector.multi_reduction <maximumf>, %reduce_max3A_198, %reduce_max3A_199 [1] : vector<1x7xf32> to vector<1xf32>
    %reduce_max3A_201 = vector.shape_cast %reduce_max3A_200 : vector<1xf32> to vector<1x1xf32>
    %reduce_max3A_202 = vector.extract %reduce_max3A_201[0, 0] : f32 from vector<1x1xf32>
    %sub3A_203 = vector.broadcast %reduce_max3A_202 : f32 to vector<7xf32>
    %sub3A_204 = arith.subf %reduce_sum3A_197, %sub3A_203 : vector<7xf32>
    %exp3A_205 = math.exp %sub3A_204 : vector<7xf32>
    %reduce_sum3A_206 = vector.shape_cast %exp3A_205 : vector<7xf32> to vector<1x7xf32>
    %reduce_sum3A_207 = arith.constant dense<0.000000e+00> : vector<1xf32>
    %reduce_sum3A_208 = vector.multi_reduction <add>, %reduce_sum3A_206, %reduce_sum3A_207 [1] : vector<1x7xf32> to vector<1xf32>
    %reduce_sum3A_209 = vector.shape_cast %reduce_sum3A_208 : vector<1xf32> to vector<1x1xf32>
    %reduce_sum3A_210 = vector.extract %reduce_sum3A_209[0, 0] : f32 from vector<1x1xf32>
    %div3A_211 = vector.broadcast %reduce_sum3A_210 : f32 to vector<7xf32>
    %div3A_212 = arith.divf %exp3A_205, %div3A_211 : vector<7xf32>
    %broadcast_in_dim3A_213 = vector.shape_cast %div3A_212 : vector<7xf32> to vector<7x1xf32>
    %mul3A_214 = vector.broadcast %broadcast_in_dim3A_213 : vector<7x1xf32> to vector<7x270xf32>
    %mul3A_215 = arith.mulf %mul3A_214, %concatenate3A_188 : vector<7x270xf32>
    %reduce_sum3A_216 = arith.constant dense<0.000000e+00> : vector<270xf32>
    %reduce_sum3A_217 = vector.multi_reduction <add>, %mul3A_215, %reduce_sum3A_216 [0] : vector<7x270xf32> to vector<270xf32>
    %broadcast_in_dim3A_218 = vector.shape_cast %reduce_sum3A_217 : vector<270xf32> to vector<1x270xf32>
    %slice3A_219 = vector.extract_strided_slice %add3A_69 {offsets = [4, 0], sizes = [1, 270], strides = [1, 1]} : vector<8x270xf32> to vector<1x270xf32>
    %slice3A_220 = vector.extract_strided_slice %tanh3A_89 {offsets = [24, 0], sizes = [6, 270], strides = [1, 1]} : vector<48x270xf32> to vector<6x270xf32>
    %concatenate3A_221 = tpu.concatenate %slice3A_219, %slice3A_220 in 0 : vector<1x270xf32>, vector<6x270xf32> -> vector<7x270xf32>
    %dot_general3A_222 = arith.constant dense<0.000000e+00> : vector<7x64xf32>
    %dot_general3A_223 = tpu.matmul %concatenate3A_221, %get3A_4, %dot_general3A_222 {dimension_numbers = #tpu.dot_dimension_numbers<[1], [0], [0], [1], [0, 0, 1, 1], [], []>, transpose_lhs_hint = false} : vector<7x270xf32>, vector<270x64xf32>, vector<7x64xf32> -> vector<7x64xf32>
    %add3A_224 = vector.broadcast %get3A_7 : vector<1x64xf32> to vector<7x64xf32>
    %add3A_225 = arith.addf %dot_general3A_223, %add3A_224 : vector<7x64xf32>
    %tanh3A_226 = math.tanh %add3A_225 : vector<7x64xf32>
    %mul3A_227 = vector.broadcast %get3A_10 : vector<1x64xf32> to vector<7x64xf32>
    %mul3A_228 = arith.mulf %tanh3A_226, %mul3A_227 : vector<7x64xf32>
    %reduce_sum3A_229 = arith.constant dense<0.000000e+00> : vector<7xf32>
    %reduce_sum3A_230 = vector.multi_reduction <add>, %mul3A_228, %reduce_sum3A_229 [1] : vector<7x64xf32> to vector<7xf32>
    %reduce_max3A_231 = vector.shape_cast %reduce_sum3A_230 : vector<7xf32> to vector<1x7xf32>
    %reduce_max3A_232 = arith.constant dense<0xFF800000> : vector<1xf32>
    %reduce_max3A_233 = vector.multi_reduction <maximumf>, %reduce_max3A_231, %reduce_max3A_232 [1] : vector<1x7xf32> to vector<1xf32>
    %reduce_max3A_234 = vector.shape_cast %reduce_max3A_233 : vector<1xf32> to vector<1x1xf32>
    %reduce_max3A_235 = vector.extract %reduce_max3A_234[0, 0] : f32 from vector<1x1xf32>
    %sub3A_236 = vector.broadcast %reduce_max3A_235 : f32 to vector<7xf32>
    %sub3A_237 = arith.subf %reduce_sum3A_230, %sub3A_236 : vector<7xf32>
    %exp3A_238 = math.exp %sub3A_237 : vector<7xf32>
    %reduce_sum3A_239 = vector.shape_cast %exp3A_238 : vector<7xf32> to vector<1x7xf32>
    %reduce_sum3A_240 = arith.constant dense<0.000000e+00> : vector<1xf32>
    %reduce_sum3A_241 = vector.multi_reduction <add>, %reduce_sum3A_239, %reduce_sum3A_240 [1] : vector<1x7xf32> to vector<1xf32>
    %reduce_sum3A_242 = vector.shape_cast %reduce_sum3A_241 : vector<1xf32> to vector<1x1xf32>
    %reduce_sum3A_243 = vector.extract %reduce_sum3A_242[0, 0] : f32 from vector<1x1xf32>
    %div3A_244 = vector.broadcast %reduce_sum3A_243 : f32 to vector<7xf32>
    %div3A_245 = arith.divf %exp3A_238, %div3A_244 : vector<7xf32>
    %broadcast_in_dim3A_246 = vector.shape_cast %div3A_245 : vector<7xf32> to vector<7x1xf32>
    %mul3A_247 = vector.broadcast %broadcast_in_dim3A_246 : vector<7x1xf32> to vector<7x270xf32>
    %mul3A_248 = arith.mulf %mul3A_247, %concatenate3A_221 : vector<7x270xf32>
    %reduce_sum3A_249 = arith.constant dense<0.000000e+00> : vector<270xf32>
    %reduce_sum3A_250 = vector.multi_reduction <add>, %mul3A_248, %reduce_sum3A_249 [0] : vector<7x270xf32> to vector<270xf32>
    %broadcast_in_dim3A_251 = vector.shape_cast %reduce_sum3A_250 : vector<270xf32> to vector<1x270xf32>
    %slice3A_252 = vector.extract_strided_slice %add3A_69 {offsets = [5, 0], sizes = [1, 270], strides = [1, 1]} : vector<8x270xf32> to vector<1x270xf32>
    %slice3A_253 = vector.extract_strided_slice %tanh3A_89 {offsets = [30, 0], sizes = [6, 270], strides = [1, 1]} : vector<48x270xf32> to vector<6x270xf32>
    %concatenate3A_254 = tpu.concatenate %slice3A_252, %slice3A_253 in 0 : vector<1x270xf32>, vector<6x270xf32> -> vector<7x270xf32>
    %dot_general3A_255 = arith.constant dense<0.000000e+00> : vector<7x64xf32>
    %dot_general3A_256 = tpu.matmul %concatenate3A_254, %get3A_4, %dot_general3A_255 {dimension_numbers = #tpu.dot_dimension_numbers<[1], [0], [0], [1], [0, 0, 1, 1], [], []>, transpose_lhs_hint = false} : vector<7x270xf32>, vector<270x64xf32>, vector<7x64xf32> -> vector<7x64xf32>
    %add3A_257 = vector.broadcast %get3A_7 : vector<1x64xf32> to vector<7x64xf32>
    %add3A_258 = arith.addf %dot_general3A_256, %add3A_257 : vector<7x64xf32>
    %tanh3A_259 = math.tanh %add3A_258 : vector<7x64xf32>
    %mul3A_260 = vector.broadcast %get3A_10 : vector<1x64xf32> to vector<7x64xf32>
    %mul3A_261 = arith.mulf %tanh3A_259, %mul3A_260 : vector<7x64xf32>
    %reduce_sum3A_262 = arith.constant dense<0.000000e+00> : vector<7xf32>
    %reduce_sum3A_263 = vector.multi_reduction <add>, %mul3A_261, %reduce_sum3A_262 [1] : vector<7x64xf32> to vector<7xf32>
    %reduce_max3A_264 = vector.shape_cast %reduce_sum3A_263 : vector<7xf32> to vector<1x7xf32>
    %reduce_max3A_265 = arith.constant dense<0xFF800000> : vector<1xf32>
    %reduce_max3A_266 = vector.multi_reduction <maximumf>, %reduce_max3A_264, %reduce_max3A_265 [1] : vector<1x7xf32> to vector<1xf32>
    %reduce_max3A_267 = vector.shape_cast %reduce_max3A_266 : vector<1xf32> to vector<1x1xf32>
    %reduce_max3A_268 = vector.extract %reduce_max3A_267[0, 0] : f32 from vector<1x1xf32>
    %sub3A_269 = vector.broadcast %reduce_max3A_268 : f32 to vector<7xf32>
    %sub3A_270 = arith.subf %reduce_sum3A_263, %sub3A_269 : vector<7xf32>
    %exp3A_271 = math.exp %sub3A_270 : vector<7xf32>
    %reduce_sum3A_272 = vector.shape_cast %exp3A_271 : vector<7xf32> to vector<1x7xf32>
    %reduce_sum3A_273 = arith.constant dense<0.000000e+00> : vector<1xf32>
    %reduce_sum3A_274 = vector.multi_reduction <add>, %reduce_sum3A_272, %reduce_sum3A_273 [1] : vector<1x7xf32> to vector<1xf32>
    %reduce_sum3A_275 = vector.shape_cast %reduce_sum3A_274 : vector<1xf32> to vector<1x1xf32>
    %reduce_sum3A_276 = vector.extract %reduce_sum3A_275[0, 0] : f32 from vector<1x1xf32>
    %div3A_277 = vector.broadcast %reduce_sum3A_276 : f32 to vector<7xf32>
    %div3A_278 = arith.divf %exp3A_271, %div3A_277 : vector<7xf32>
    %broadcast_in_dim3A_279 = vector.shape_cast %div3A_278 : vector<7xf32> to vector<7x1xf32>
    %mul3A_280 = vector.broadcast %broadcast_in_dim3A_279 : vector<7x1xf32> to vector<7x270xf32>
    %mul3A_281 = arith.mulf %mul3A_280, %concatenate3A_254 : vector<7x270xf32>
    %reduce_sum3A_282 = arith.constant dense<0.000000e+00> : vector<270xf32>
    %reduce_sum3A_283 = vector.multi_reduction <add>, %mul3A_281, %reduce_sum3A_282 [0] : vector<7x270xf32> to vector<270xf32>
    %broadcast_in_dim3A_284 = vector.shape_cast %reduce_sum3A_283 : vector<270xf32> to vector<1x270xf32>
    %slice3A_285 = vector.extract_strided_slice %add3A_69 {offsets = [6, 0], sizes = [1, 270], strides = [1, 1]} : vector<8x270xf32> to vector<1x270xf32>
    %slice3A_286 = vector.extract_strided_slice %tanh3A_89 {offsets = [36, 0], sizes = [6, 270], strides = [1, 1]} : vector<48x270xf32> to vector<6x270xf32>
    %concatenate3A_287 = tpu.concatenate %slice3A_285, %slice3A_286 in 0 : vector<1x270xf32>, vector<6x270xf32> -> vector<7x270xf32>
    %dot_general3A_288 = arith.constant dense<0.000000e+00> : vector<7x64xf32>
    %dot_general3A_289 = tpu.matmul %concatenate3A_287, %get3A_4, %dot_general3A_288 {dimension_numbers = #tpu.dot_dimension_numbers<[1], [0], [0], [1], [0, 0, 1, 1], [], []>, transpose_lhs_hint = false} : vector<7x270xf32>, vector<270x64xf32>, vector<7x64xf32> -> vector<7x64xf32>
    %add3A_290 = vector.broadcast %get3A_7 : vector<1x64xf32> to vector<7x64xf32>
    %add3A_291 = arith.addf %dot_general3A_289, %add3A_290 : vector<7x64xf32>
    %tanh3A_292 = math.tanh %add3A_291 : vector<7x64xf32>
    %mul3A_293 = vector.broadcast %get3A_10 : vector<1x64xf32> to vector<7x64xf32>
    %mul3A_294 = arith.mulf %tanh3A_292, %mul3A_293 : vector<7x64xf32>
    %reduce_sum3A_295 = arith.constant dense<0.000000e+00> : vector<7xf32>
    %reduce_sum3A_296 = vector.multi_reduction <add>, %mul3A_294, %reduce_sum3A_295 [1] : vector<7x64xf32> to vector<7xf32>
    %reduce_max3A_297 = vector.shape_cast %reduce_sum3A_296 : vector<7xf32> to vector<1x7xf32>
    %reduce_max3A_298 = arith.constant dense<0xFF800000> : vector<1xf32>
    %reduce_max3A_299 = vector.multi_reduction <maximumf>, %reduce_max3A_297, %reduce_max3A_298 [1] : vector<1x7xf32> to vector<1xf32>
    %reduce_max3A_300 = vector.shape_cast %reduce_max3A_299 : vector<1xf32> to vector<1x1xf32>
    %reduce_max3A_301 = vector.extract %reduce_max3A_300[0, 0] : f32 from vector<1x1xf32>
    %sub3A_302 = vector.broadcast %reduce_max3A_301 : f32 to vector<7xf32>
    %sub3A_303 = arith.subf %reduce_sum3A_296, %sub3A_302 : vector<7xf32>
    %exp3A_304 = math.exp %sub3A_303 : vector<7xf32>
    %reduce_sum3A_305 = vector.shape_cast %exp3A_304 : vector<7xf32> to vector<1x7xf32>
    %reduce_sum3A_306 = arith.constant dense<0.000000e+00> : vector<1xf32>
    %reduce_sum3A_307 = vector.multi_reduction <add>, %reduce_sum3A_305, %reduce_sum3A_306 [1] : vector<1x7xf32> to vector<1xf32>
    %reduce_sum3A_308 = vector.shape_cast %reduce_sum3A_307 : vector<1xf32> to vector<1x1xf32>
    %reduce_sum3A_309 = vector.extract %reduce_sum3A_308[0, 0] : f32 from vector<1x1xf32>
    %div3A_310 = vector.broadcast %reduce_sum3A_309 : f32 to vector<7xf32>
    %div3A_311 = arith.divf %exp3A_304, %div3A_310 : vector<7xf32>
    %broadcast_in_dim3A_312 = vector.shape_cast %div3A_311 : vector<7xf32> to vector<7x1xf32>
    %mul3A_313 = vector.broadcast %broadcast_in_dim3A_312 : vector<7x1xf32> to vector<7x270xf32>
    %mul3A_314 = arith.mulf %mul3A_313, %concatenate3A_287 : vector<7x270xf32>
    %reduce_sum3A_315 = arith.constant dense<0.000000e+00> : vector<270xf32>
    %reduce_sum3A_316 = vector.multi_reduction <add>, %mul3A_314, %reduce_sum3A_315 [0] : vector<7x270xf32> to vector<270xf32>
    %broadcast_in_dim3A_317 = vector.shape_cast %reduce_sum3A_316 : vector<270xf32> to vector<1x270xf32>
    %slice3A_318 = vector.extract_strided_slice %add3A_69 {offsets = [7, 0], sizes = [1, 270], strides = [1, 1]} : vector<8x270xf32> to vector<1x270xf32>
    %slice3A_319 = vector.extract_strided_slice %tanh3A_89 {offsets = [42, 0], sizes = [6, 270], strides = [1, 1]} : vector<48x270xf32> to vector<6x270xf32>
    %concatenate3A_320 = tpu.concatenate %slice3A_318, %slice3A_319 in 0 : vector<1x270xf32>, vector<6x270xf32> -> vector<7x270xf32>
    %dot_general3A_321 = arith.constant dense<0.000000e+00> : vector<7x64xf32>
    %dot_general3A_322 = tpu.matmul %concatenate3A_320, %get3A_4, %dot_general3A_321 {dimension_numbers = #tpu.dot_dimension_numbers<[1], [0], [0], [1], [0, 0, 1, 1], [], []>, transpose_lhs_hint = false} : vector<7x270xf32>, vector<270x64xf32>, vector<7x64xf32> -> vector<7x64xf32>
    %add3A_323 = vector.broadcast %get3A_7 : vector<1x64xf32> to vector<7x64xf32>
    %add3A_324 = arith.addf %dot_general3A_322, %add3A_323 : vector<7x64xf32>
    %tanh3A_325 = math.tanh %add3A_324 : vector<7x64xf32>
    %mul3A_326 = vector.broadcast %get3A_10 : vector<1x64xf32> to vector<7x64xf32>
    %mul3A_327 = arith.mulf %tanh3A_325, %mul3A_326 : vector<7x64xf32>
    %reduce_sum3A_328 = arith.constant dense<0.000000e+00> : vector<7xf32>
    %reduce_sum3A_329 = vector.multi_reduction <add>, %mul3A_327, %reduce_sum3A_328 [1] : vector<7x64xf32> to vector<7xf32>
    %reduce_max3A_330 = vector.shape_cast %reduce_sum3A_329 : vector<7xf32> to vector<1x7xf32>
    %reduce_max3A_331 = arith.constant dense<0xFF800000> : vector<1xf32>
    %reduce_max3A_332 = vector.multi_reduction <maximumf>, %reduce_max3A_330, %reduce_max3A_331 [1] : vector<1x7xf32> to vector<1xf32>
    %reduce_max3A_333 = vector.shape_cast %reduce_max3A_332 : vector<1xf32> to vector<1x1xf32>
    %reduce_max3A_334 = vector.extract %reduce_max3A_333[0, 0] : f32 from vector<1x1xf32>
    %sub3A_335 = vector.broadcast %reduce_max3A_334 : f32 to vector<7xf32>
    %sub3A_336 = arith.subf %reduce_sum3A_329, %sub3A_335 : vector<7xf32>
    %exp3A_337 = math.exp %sub3A_336 : vector<7xf32>
    %reduce_sum3A_338 = vector.shape_cast %exp3A_337 : vector<7xf32> to vector<1x7xf32>
    %reduce_sum3A_339 = arith.constant dense<0.000000e+00> : vector<1xf32>
    %reduce_sum3A_340 = vector.multi_reduction <add>, %reduce_sum3A_338, %reduce_sum3A_339 [1] : vector<1x7xf32> to vector<1xf32>
    %reduce_sum3A_341 = vector.shape_cast %reduce_sum3A_340 : vector<1xf32> to vector<1x1xf32>
    %reduce_sum3A_342 = vector.extract %reduce_sum3A_341[0, 0] : f32 from vector<1x1xf32>
    %div3A_343 = vector.broadcast %reduce_sum3A_342 : f32 to vector<7xf32>
    %div3A_344 = arith.divf %exp3A_337, %div3A_343 : vector<7xf32>
    %broadcast_in_dim3A_345 = vector.shape_cast %div3A_344 : vector<7xf32> to vector<7x1xf32>
    %mul3A_346 = vector.broadcast %broadcast_in_dim3A_345 : vector<7x1xf32> to vector<7x270xf32>
    %mul3A_347 = arith.mulf %mul3A_346, %concatenate3A_320 : vector<7x270xf32>
    %reduce_sum3A_348 = arith.constant dense<0.000000e+00> : vector<270xf32>
    %reduce_sum3A_349 = vector.multi_reduction <add>, %mul3A_347, %reduce_sum3A_348 [0] : vector<7x270xf32> to vector<270xf32>
    %broadcast_in_dim3A_350 = vector.shape_cast %reduce_sum3A_349 : vector<270xf32> to vector<1x270xf32>
    %get3A_351 = arith.constant 0 : index
    %get3A_352 = arith.constant 1 : index
    %get3A_353 = arith.constant 0 : index
    %get3A_354 = vector.load %arg0[%get3A_351, %get3A_352, %get3A_353] : memref<8x4x32xf32, #tpu.memory_space<vmem>>, vector<8x1x32xf32>
    %get3A_355 = vector.shape_cast %get3A_354 : vector<8x1x32xf32> to vector<8x32xf32>
    %get3A_356 = arith.constant 0 : index
    %get3A_357 = arith.constant 1 : index
    %get3A_358 = arith.constant 0 : index
    %get3A_359 = vector.load %arg1[%get3A_356, %get3A_357, %get3A_358] : memref<8x4x32xf32, #tpu.memory_space<vmem>>, vector<8x1x32xf32>
    %get3A_360 = vector.shape_cast %get3A_359 : vector<8x1x32xf32> to vector<8x32xf32>
    %max3A_361 = arith.constant 1.000000e+00 : f32
    %max3A_362 = vector.broadcast %max3A_361 : f32 to vector<8x32xf32>
    %max3A_363 = arith.maximumf %get3A_360, %max3A_362 : vector<8x32xf32>
    %div3A_364 = arith.divf %get3A_355, %max3A_363 : vector<8x32xf32>
    %dot_general3A_365 = arith.constant dense<0.000000e+00> : vector<8x810xf32>
    %dot_general3A_366 = tpu.matmul %div3A_364, %get3A_22, %dot_general3A_365 {dimension_numbers = #tpu.dot_dimension_numbers<[1], [0], [0], [1], [0, 0, 1, 1], [], []>, transpose_lhs_hint = false} : vector<8x32xf32>, vector<32x810xf32>, vector<8x810xf32> -> vector<8x810xf32>
    %add3A_367 = vector.broadcast %get3A_28 : vector<1x810xf32> to vector<8x810xf32>
    %add3A_368 = arith.addf %dot_general3A_366, %add3A_367 : vector<8x810xf32>
    %dot_general3A_369 = arith.constant dense<0.000000e+00> : vector<8x810xf32>
    %dot_general3A_370 = tpu.matmul %add3A_69, %get3A_25, %dot_general3A_369 {dimension_numbers = #tpu.dot_dimension_numbers<[1], [0], [0], [1], [0, 0, 1, 1], [], []>, transpose_lhs_hint = false} : vector<8x270xf32>, vector<270x810xf32>, vector<8x810xf32> -> vector<8x810xf32>
    %slice3A_371 = vector.extract_strided_slice %add3A_368 {offsets = [0, 0], sizes = [8, 270], strides = [1, 1]} : vector<8x810xf32> to vector<8x270xf32>
    %slice3A_372 = vector.extract_strided_slice %dot_general3A_370 {offsets = [0, 0], sizes = [8, 270], strides = [1, 1]} : vector<8x810xf32> to vector<8x270xf32>
    %add3A_373 = arith.addf %slice3A_371, %slice3A_372 : vector<8x270xf32>
    %logistic3A_374 = arith.negf %add3A_373 : vector<8x270xf32>
    %logistic3A_375 = math.exp %logistic3A_374 : vector<8x270xf32>
    %logistic3A_376 = arith.constant 1.000000e+00 : f32
    %logistic3A_377 = vector.broadcast %logistic3A_376 : f32 to vector<8x270xf32>
    %logistic3A_378 = arith.addf %logistic3A_377, %logistic3A_375 : vector<8x270xf32>
    %logistic3A_379 = arith.divf %logistic3A_377, %logistic3A_378 : vector<8x270xf32>
    %slice3A_380 = vector.extract_strided_slice %add3A_368 {offsets = [0, 270], sizes = [8, 270], strides = [1, 1]} : vector<8x810xf32> to vector<8x270xf32>
    %slice3A_381 = vector.extract_strided_slice %dot_general3A_370 {offsets = [0, 270], sizes = [8, 270], strides = [1, 1]} : vector<8x810xf32> to vector<8x270xf32>
    %add3A_382 = arith.addf %slice3A_380, %slice3A_381 : vector<8x270xf32>
    %logistic3A_383 = arith.negf %add3A_382 : vector<8x270xf32>
    %logistic3A_384 = math.exp %logistic3A_383 : vector<8x270xf32>
    %logistic3A_385 = arith.constant 1.000000e+00 : f32
    %logistic3A_386 = vector.broadcast %logistic3A_385 : f32 to vector<8x270xf32>
    %logistic3A_387 = arith.addf %logistic3A_386, %logistic3A_384 : vector<8x270xf32>
    %logistic3A_388 = arith.divf %logistic3A_386, %logistic3A_387 : vector<8x270xf32>
    %slice3A_389 = vector.extract_strided_slice %add3A_368 {offsets = [0, 540], sizes = [8, 270], strides = [1, 1]} : vector<8x810xf32> to vector<8x270xf32>
    %slice3A_390 = vector.extract_strided_slice %dot_general3A_370 {offsets = [0, 540], sizes = [8, 270], strides = [1, 1]} : vector<8x810xf32> to vector<8x270xf32>
    %mul3A_391 = arith.mulf %logistic3A_379, %slice3A_390 : vector<8x270xf32>
    %add3A_392 = arith.addf %slice3A_389, %mul3A_391 : vector<8x270xf32>
    %tanh3A_393 = math.tanh %add3A_392 : vector<8x270xf32>
    %sub3A_394 = arith.constant 1.000000e+00 : f32
    %sub3A_395 = vector.broadcast %sub3A_394 : f32 to vector<8x270xf32>
    %sub3A_396 = arith.subf %sub3A_395, %logistic3A_388 : vector<8x270xf32>
    %mul3A_397 = arith.mulf %sub3A_396, %tanh3A_393 : vector<8x270xf32>
    %mul3A_398 = arith.mulf %logistic3A_388, %add3A_69 : vector<8x270xf32>
    %add3A_399 = arith.addf %mul3A_397, %mul3A_398 : vector<8x270xf32>
    %get3A_400 = arith.constant 0 : index
    %get3A_401 = arith.constant 0 : index
    %get3A_402 = arith.constant 0 : index
    %get3A_403 = vector.load %arg2[%get3A_400, %get3A_401, %get3A_402] : memref<8x4x32xf32, #tpu.memory_space<vmem>>, vector<8x1x32xf32>
    %get3A_404 = vector.shape_cast %get3A_403 : vector<8x1x32xf32> to vector<8x32xf32>
    %get3A_405 = arith.constant 0 : index
    %get3A_406 = arith.constant 0 : index
    %get3A_407 = arith.constant 0 : index
    %get3A_408 = vector.load %arg3[%get3A_405, %get3A_406, %get3A_407] : memref<8x4x32xf32, #tpu.memory_space<vmem>>, vector<8x1x32xf32>
    %get3A_409 = vector.shape_cast %get3A_408 : vector<8x1x32xf32> to vector<8x32xf32>
    %get3A_410 = arith.constant 0 : index
    %get3A_411 = arith.constant 0 : index
    %get3A_412 = arith.constant 0 : index
    %get3A_413 = vector.load %arg4[%get3A_410, %get3A_411, %get3A_412] : memref<8x4x32xf32, #tpu.memory_space<vmem>>, vector<8x1x32xf32>
    %get3A_414 = vector.shape_cast %get3A_413 : vector<8x1x32xf32> to vector<8x32xf32>
    %gt3A = arith.constant 0.000000e+00 : f32
    %gt3A_415 = vector.broadcast %gt3A : f32 to vector<8x32xf32>
    %gt3A_416 = arith.cmpf ogt, %get3A_409, %gt3A_415 : vector<8x32xf32>
    %max3A_417 = arith.constant 1.000000e-30 : f32
    %max3A_418 = vector.broadcast %max3A_417 : f32 to vector<8x32xf32>
    %max3A_419 = arith.maximumf %get3A_409, %max3A_418 : vector<8x32xf32>
    %div3A_420 = arith.divf %get3A_404, %max3A_419 : vector<8x32xf32>
    %div3A_421 = arith.constant 4.880000e+03 : f32
    %div3A_422 = vector.broadcast %div3A_421 : f32 to vector<8x32xf32>
    %div3A_423 = arith.divf %get3A_414, %div3A_422 : vector<8x32xf32>
    %select_n3A = arith.select %gt3A_416, %div3A_420, %div3A_423 : vector<8x32xi1>, vector<8x32xf32>
    %dot_general3A_424 = arith.constant dense<0.000000e+00> : vector<8x270xf32>
    %dot_general3A_425 = tpu.matmul %select_n3A, %get3A_1, %dot_general3A_424 {dimension_numbers = #tpu.dot_dimension_numbers<[1], [0], [0], [1], [0, 0, 1, 1], [], []>, transpose_lhs_hint = false} : vector<8x32xf32>, vector<32x270xf32>, vector<8x270xf32> -> vector<8x270xf32>
    %add3A_426 = arith.addf %add3A_399, %dot_general3A_425 : vector<8x270xf32>
    %get3A_427 = arith.constant 0 : index
    %get3A_428 = arith.constant 1 : index
    %get3A_429 = arith.constant 0 : index
    %get3A_430 = arith.constant 0 : index
    %get3A_431 = vector.load %arg5[%get3A_427, %get3A_428, %get3A_429, %get3A_430] : memref<8x4x6x40xi32, #tpu.memory_space<vmem>>, vector<8x1x6x40xi32>
    %get3A_432 = vector.shape_cast %get3A_431 : vector<8x1x6x40xi32> to vector<8x6x40xi32>
    %iota3A_433 = tpu.iota {dimensions = array<i32: 3>} : vector<8x6x40x400xi32>
    %broadcast_in_dim3A_434 = vector.shape_cast %get3A_432 : vector<8x6x40xi32> to vector<8x6x40x1xi32>
    %eq3A_435 = vector.broadcast %broadcast_in_dim3A_434 : vector<8x6x40x1xi32> to vector<8x6x40x400xi32>
    %eq3A_436 = arith.cmpi eq, %eq3A_435, %iota3A_433 : vector<8x6x40x400xi32>
    %convert_element_type3A_437 = arith.extui %eq3A_436 : vector<8x6x40x400xi1> to vector<8x6x40x400xi32>
    %convert_element_type3A_438 = arith.sitofp %convert_element_type3A_437 : vector<8x6x40x400xi32> to vector<8x6x40x400xf32>
    %reduce_sum3A_439 = arith.constant dense<0.000000e+00> : vector<8x6x400xf32>
    %reduce_sum3A_440 = vector.multi_reduction <add>, %convert_element_type3A_438, %reduce_sum3A_439 [2] : vector<8x6x40x400xf32> to vector<8x6x400xf32>
    %reshape3A_441 = vector.shape_cast %reduce_sum3A_440 : vector<8x6x400xf32> to vector<48x400xf32>
    %dot_general3A_442 = arith.constant dense<0.000000e+00> : vector<48x400xf32>
    %dot_general3A_443 = tpu.matmul %reshape3A_441, %get3A_13, %dot_general3A_442 {dimension_numbers = #tpu.dot_dimension_numbers<[1], [0], [0], [1], [0, 0, 1, 1], [], []>, transpose_lhs_hint = false} : vector<48x400xf32>, vector<400x400xf32>, vector<48x400xf32> -> vector<48x400xf32>
    %mul3A_444 = arith.constant 2.500000e-02 : f32
    %mul3A_445 = vector.broadcast %mul3A_444 : f32 to vector<48x400xf32>
    %mul3A_446 = arith.mulf %dot_general3A_443, %mul3A_445 : vector<48x400xf32>
    %dot_general3A_447 = arith.constant dense<0.000000e+00> : vector<48x270xf32>
    %dot_general3A_448 = tpu.matmul %mul3A_446, %get3A_16, %dot_general3A_447 {dimension_numbers = #tpu.dot_dimension_numbers<[1], [0], [0], [1], [0, 0, 1, 1], [], []>, transpose_lhs_hint = false} : vector<48x400xf32>, vector<400x270xf32>, vector<48x270xf32> -> vector<48x270xf32>
    %add3A_449 = vector.broadcast %get3A_19 : vector<1x270xf32> to vector<48x270xf32>
    %add3A_450 = arith.addf %dot_general3A_448, %add3A_449 : vector<48x270xf32>
    %tanh3A_451 = math.tanh %add3A_450 : vector<48x270xf32>
    %slice3A_452 = vector.extract_strided_slice %add3A_426 {offsets = [0, 0], sizes = [1, 270], strides = [1, 1]} : vector<8x270xf32> to vector<1x270xf32>
    %slice3A_453 = vector.extract_strided_slice %tanh3A_451 {offsets = [0, 0], sizes = [6, 270], strides = [1, 1]} : vector<48x270xf32> to vector<6x270xf32>
    %concatenate3A_454 = tpu.concatenate %slice3A_452, %slice3A_453 in 0 : vector<1x270xf32>, vector<6x270xf32> -> vector<7x270xf32>
    %dot_general3A_455 = arith.constant dense<0.000000e+00> : vector<7x64xf32>
    %dot_general3A_456 = tpu.matmul %concatenate3A_454, %get3A_4, %dot_general3A_455 {dimension_numbers = #tpu.dot_dimension_numbers<[1], [0], [0], [1], [0, 0, 1, 1], [], []>, transpose_lhs_hint = false} : vector<7x270xf32>, vector<270x64xf32>, vector<7x64xf32> -> vector<7x64xf32>
    %add3A_457 = vector.broadcast %get3A_7 : vector<1x64xf32> to vector<7x64xf32>
    %add3A_458 = arith.addf %dot_general3A_456, %add3A_457 : vector<7x64xf32>
    %tanh3A_459 = math.tanh %add3A_458 : vector<7x64xf32>
    %mul3A_460 = vector.broadcast %get3A_10 : vector<1x64xf32> to vector<7x64xf32>
    %mul3A_461 = arith.mulf %tanh3A_459, %mul3A_460 : vector<7x64xf32>
    %reduce_sum3A_462 = arith.constant dense<0.000000e+00> : vector<7xf32>
    %reduce_sum3A_463 = vector.multi_reduction <add>, %mul3A_461, %reduce_sum3A_462 [1] : vector<7x64xf32> to vector<7xf32>
    %reduce_max3A_464 = vector.shape_cast %reduce_sum3A_463 : vector<7xf32> to vector<1x7xf32>
    %reduce_max3A_465 = arith.constant dense<0xFF800000> : vector<1xf32>
    %reduce_max3A_466 = vector.multi_reduction <maximumf>, %reduce_max3A_464, %reduce_max3A_465 [1] : vector<1x7xf32> to vector<1xf32>
    %reduce_max3A_467 = vector.shape_cast %reduce_max3A_466 : vector<1xf32> to vector<1x1xf32>
    %reduce_max3A_468 = vector.extract %reduce_max3A_467[0, 0] : f32 from vector<1x1xf32>
    %sub3A_469 = vector.broadcast %reduce_max3A_468 : f32 to vector<7xf32>
    %sub3A_470 = arith.subf %reduce_sum3A_463, %sub3A_469 : vector<7xf32>
    %exp3A_471 = math.exp %sub3A_470 : vector<7xf32>
    %reduce_sum3A_472 = vector.shape_cast %exp3A_471 : vector<7xf32> to vector<1x7xf32>
    %reduce_sum3A_473 = arith.constant dense<0.000000e+00> : vector<1xf32>
    %reduce_sum3A_474 = vector.multi_reduction <add>, %reduce_sum3A_472, %reduce_sum3A_473 [1] : vector<1x7xf32> to vector<1xf32>
    %reduce_sum3A_475 = vector.shape_cast %reduce_sum3A_474 : vector<1xf32> to vector<1x1xf32>
    %reduce_sum3A_476 = vector.extract %reduce_sum3A_475[0, 0] : f32 from vector<1x1xf32>
    %div3A_477 = vector.broadcast %reduce_sum3A_476 : f32 to vector<7xf32>
    %div3A_478 = arith.divf %exp3A_471, %div3A_477 : vector<7xf32>
    %broadcast_in_dim3A_479 = vector.shape_cast %div3A_478 : vector<7xf32> to vector<7x1xf32>
    %mul3A_480 = vector.broadcast %broadcast_in_dim3A_479 : vector<7x1xf32> to vector<7x270xf32>
    %mul3A_481 = arith.mulf %mul3A_480, %concatenate3A_454 : vector<7x270xf32>
    %reduce_sum3A_482 = arith.constant dense<0.000000e+00> : vector<270xf32>
    %reduce_sum3A_483 = vector.multi_reduction <add>, %mul3A_481, %reduce_sum3A_482 [0] : vector<7x270xf32> to vector<270xf32>
    %broadcast_in_dim3A_484 = vector.shape_cast %reduce_sum3A_483 : vector<270xf32> to vector<1x270xf32>
    %slice3A_485 = vector.extract_strided_slice %add3A_426 {offsets = [1, 0], sizes = [1, 270], strides = [1, 1]} : vector<8x270xf32> to vector<1x270xf32>
    %slice3A_486 = vector.extract_strided_slice %tanh3A_451 {offsets = [6, 0], sizes = [6, 270], strides = [1, 1]} : vector<48x270xf32> to vector<6x270xf32>
    %concatenate3A_487 = tpu.concatenate %slice3A_485, %slice3A_486 in 0 : vector<1x270xf32>, vector<6x270xf32> -> vector<7x270xf32>
    %dot_general3A_488 = arith.constant dense<0.000000e+00> : vector<7x64xf32>
    %dot_general3A_489 = tpu.matmul %concatenate3A_487, %get3A_4, %dot_general3A_488 {dimension_numbers = #tpu.dot_dimension_numbers<[1], [0], [0], [1], [0, 0, 1, 1], [], []>, transpose_lhs_hint = false} : vector<7x270xf32>, vector<270x64xf32>, vector<7x64xf32> -> vector<7x64xf32>
    %add3A_490 = vector.broadcast %get3A_7 : vector<1x64xf32> to vector<7x64xf32>
    %add3A_491 = arith.addf %dot_general3A_489, %add3A_490 : vector<7x64xf32>
    %tanh3A_492 = math.tanh %add3A_491 : vector<7x64xf32>
    %mul3A_493 = vector.broadcast %get3A_10 : vector<1x64xf32> to vector<7x64xf32>
    %mul3A_494 = arith.mulf %tanh3A_492, %mul3A_493 : vector<7x64xf32>
    %reduce_sum3A_495 = arith.constant dense<0.000000e+00> : vector<7xf32>
    %reduce_sum3A_496 = vector.multi_reduction <add>, %mul3A_494, %reduce_sum3A_495 [1] : vector<7x64xf32> to vector<7xf32>
    %reduce_max3A_497 = vector.shape_cast %reduce_sum3A_496 : vector<7xf32> to vector<1x7xf32>
    %reduce_max3A_498 = arith.constant dense<0xFF800000> : vector<1xf32>
    %reduce_max3A_499 = vector.multi_reduction <maximumf>, %reduce_max3A_497, %reduce_max3A_498 [1] : vector<1x7xf32> to vector<1xf32>
    %reduce_max3A_500 = vector.shape_cast %reduce_max3A_499 : vector<1xf32> to vector<1x1xf32>
    %reduce_max3A_501 = vector.extract %reduce_max3A_500[0, 0] : f32 from vector<1x1xf32>
    %sub3A_502 = vector.broadcast %reduce_max3A_501 : f32 to vector<7xf32>
    %sub3A_503 = arith.subf %reduce_sum3A_496, %sub3A_502 : vector<7xf32>
    %exp3A_504 = math.exp %sub3A_503 : vector<7xf32>
    %reduce_sum3A_505 = vector.shape_cast %exp3A_504 : vector<7xf32> to vector<1x7xf32>
    %reduce_sum3A_506 = arith.constant dense<0.000000e+00> : vector<1xf32>
    %reduce_sum3A_507 = vector.multi_reduction <add>, %reduce_sum3A_505, %reduce_sum3A_506 [1] : vector<1x7xf32> to vector<1xf32>
    %reduce_sum3A_508 = vector.shape_cast %reduce_sum3A_507 : vector<1xf32> to vector<1x1xf32>
    %reduce_sum3A_509 = vector.extract %reduce_sum3A_508[0, 0] : f32 from vector<1x1xf32>
    %div3A_510 = vector.broadcast %reduce_sum3A_509 : f32 to vector<7xf32>
    %div3A_511 = arith.divf %exp3A_504, %div3A_510 : vector<7xf32>
    %broadcast_in_dim3A_512 = vector.shape_cast %div3A_511 : vector<7xf32> to vector<7x1xf32>
    %mul3A_513 = vector.broadcast %broadcast_in_dim3A_512 : vector<7x1xf32> to vector<7x270xf32>
    %mul3A_514 = arith.mulf %mul3A_513, %concatenate3A_487 : vector<7x270xf32>
    %reduce_sum3A_515 = arith.constant dense<0.000000e+00> : vector<270xf32>
    %reduce_sum3A_516 = vector.multi_reduction <add>, %mul3A_514, %reduce_sum3A_515 [0] : vector<7x270xf32> to vector<270xf32>
    %broadcast_in_dim3A_517 = vector.shape_cast %reduce_sum3A_516 : vector<270xf32> to vector<1x270xf32>
    %slice3A_518 = vector.extract_strided_slice %add3A_426 {offsets = [2, 0], sizes = [1, 270], strides = [1, 1]} : vector<8x270xf32> to vector<1x270xf32>
    %slice3A_519 = vector.extract_strided_slice %tanh3A_451 {offsets = [12, 0], sizes = [6, 270], strides = [1, 1]} : vector<48x270xf32> to vector<6x270xf32>
    %concatenate3A_520 = tpu.concatenate %slice3A_518, %slice3A_519 in 0 : vector<1x270xf32>, vector<6x270xf32> -> vector<7x270xf32>
    %dot_general3A_521 = arith.constant dense<0.000000e+00> : vector<7x64xf32>
    %dot_general3A_522 = tpu.matmul %concatenate3A_520, %get3A_4, %dot_general3A_521 {dimension_numbers = #tpu.dot_dimension_numbers<[1], [0], [0], [1], [0, 0, 1, 1], [], []>, transpose_lhs_hint = false} : vector<7x270xf32>, vector<270x64xf32>, vector<7x64xf32> -> vector<7x64xf32>
    %add3A_523 = vector.broadcast %get3A_7 : vector<1x64xf32> to vector<7x64xf32>
    %add3A_524 = arith.addf %dot_general3A_522, %add3A_523 : vector<7x64xf32>
    %tanh3A_525 = math.tanh %add3A_524 : vector<7x64xf32>
    %mul3A_526 = vector.broadcast %get3A_10 : vector<1x64xf32> to vector<7x64xf32>
    %mul3A_527 = arith.mulf %tanh3A_525, %mul3A_526 : vector<7x64xf32>
    %reduce_sum3A_528 = arith.constant dense<0.000000e+00> : vector<7xf32>
    %reduce_sum3A_529 = vector.multi_reduction <add>, %mul3A_527, %reduce_sum3A_528 [1] : vector<7x64xf32> to vector<7xf32>
    %reduce_max3A_530 = vector.shape_cast %reduce_sum3A_529 : vector<7xf32> to vector<1x7xf32>
    %reduce_max3A_531 = arith.constant dense<0xFF800000> : vector<1xf32>
    %reduce_max3A_532 = vector.multi_reduction <maximumf>, %reduce_max3A_530, %reduce_max3A_531 [1] : vector<1x7xf32> to vector<1xf32>
    %reduce_max3A_533 = vector.shape_cast %reduce_max3A_532 : vector<1xf32> to vector<1x1xf32>
    %reduce_max3A_534 = vector.extract %reduce_max3A_533[0, 0] : f32 from vector<1x1xf32>
    %sub3A_535 = vector.broadcast %reduce_max3A_534 : f32 to vector<7xf32>
    %sub3A_536 = arith.subf %reduce_sum3A_529, %sub3A_535 : vector<7xf32>
    %exp3A_537 = math.exp %sub3A_536 : vector<7xf32>
    %reduce_sum3A_538 = vector.shape_cast %exp3A_537 : vector<7xf32> to vector<1x7xf32>
    %reduce_sum3A_539 = arith.constant dense<0.000000e+00> : vector<1xf32>
    %reduce_sum3A_540 = vector.multi_reduction <add>, %reduce_sum3A_538, %reduce_sum3A_539 [1] : vector<1x7xf32> to vector<1xf32>
    %reduce_sum3A_541 = vector.shape_cast %reduce_sum3A_540 : vector<1xf32> to vector<1x1xf32>
    %reduce_sum3A_542 = vector.extract %reduce_sum3A_541[0, 0] : f32 from vector<1x1xf32>
    %div3A_543 = vector.broadcast %reduce_sum3A_542 : f32 to vector<7xf32>
    %div3A_544 = arith.divf %exp3A_537, %div3A_543 : vector<7xf32>
    %broadcast_in_dim3A_545 = vector.shape_cast %div3A_544 : vector<7xf32> to vector<7x1xf32>
    %mul3A_546 = vector.broadcast %broadcast_in_dim3A_545 : vector<7x1xf32> to vector<7x270xf32>
    %mul3A_547 = arith.mulf %mul3A_546, %concatenate3A_520 : vector<7x270xf32>
    %reduce_sum3A_548 = arith.constant dense<0.000000e+00> : vector<270xf32>
    %reduce_sum3A_549 = vector.multi_reduction <add>, %mul3A_547, %reduce_sum3A_548 [0] : vector<7x270xf32> to vector<270xf32>
    %broadcast_in_dim3A_550 = vector.shape_cast %reduce_sum3A_549 : vector<270xf32> to vector<1x270xf32>
    %slice3A_551 = vector.extract_strided_slice %add3A_426 {offsets = [3, 0], sizes = [1, 270], strides = [1, 1]} : vector<8x270xf32> to vector<1x270xf32>
    %slice3A_552 = vector.extract_strided_slice %tanh3A_451 {offsets = [18, 0], sizes = [6, 270], strides = [1, 1]} : vector<48x270xf32> to vector<6x270xf32>
    %concatenate3A_553 = tpu.concatenate %slice3A_551, %slice3A_552 in 0 : vector<1x270xf32>, vector<6x270xf32> -> vector<7x270xf32>
    %dot_general3A_554 = arith.constant dense<0.000000e+00> : vector<7x64xf32>
    %dot_general3A_555 = tpu.matmul %concatenate3A_553, %get3A_4, %dot_general3A_554 {dimension_numbers = #tpu.dot_dimension_numbers<[1], [0], [0], [1], [0, 0, 1, 1], [], []>, transpose_lhs_hint = false} : vector<7x270xf32>, vector<270x64xf32>, vector<7x64xf32> -> vector<7x64xf32>
    %add3A_556 = vector.broadcast %get3A_7 : vector<1x64xf32> to vector<7x64xf32>
    %add3A_557 = arith.addf %dot_general3A_555, %add3A_556 : vector<7x64xf32>
    %tanh3A_558 = math.tanh %add3A_557 : vector<7x64xf32>
    %mul3A_559 = vector.broadcast %get3A_10 : vector<1x64xf32> to vector<7x64xf32>
    %mul3A_560 = arith.mulf %tanh3A_558, %mul3A_559 : vector<7x64xf32>
    %reduce_sum3A_561 = arith.constant dense<0.000000e+00> : vector<7xf32>
    %reduce_sum3A_562 = vector.multi_reduction <add>, %mul3A_560, %reduce_sum3A_561 [1] : vector<7x64xf32> to vector<7xf32>
    %reduce_max3A_563 = vector.shape_cast %reduce_sum3A_562 : vector<7xf32> to vector<1x7xf32>
    %reduce_max3A_564 = arith.constant dense<0xFF800000> : vector<1xf32>
    %reduce_max3A_565 = vector.multi_reduction <maximumf>, %reduce_max3A_563, %reduce_max3A_564 [1] : vector<1x7xf32> to vector<1xf32>
    %reduce_max3A_566 = vector.shape_cast %reduce_max3A_565 : vector<1xf32> to vector<1x1xf32>
    %reduce_max3A_567 = vector.extract %reduce_max3A_566[0, 0] : f32 from vector<1x1xf32>
    %sub3A_568 = vector.broadcast %reduce_max3A_567 : f32 to vector<7xf32>
    %sub3A_569 = arith.subf %reduce_sum3A_562, %sub3A_568 : vector<7xf32>
    %exp3A_570 = math.exp %sub3A_569 : vector<7xf32>
    %reduce_sum3A_571 = vector.shape_cast %exp3A_570 : vector<7xf32> to vector<1x7xf32>
    %reduce_sum3A_572 = arith.constant dense<0.000000e+00> : vector<1xf32>
    %reduce_sum3A_573 = vector.multi_reduction <add>, %reduce_sum3A_571, %reduce_sum3A_572 [1] : vector<1x7xf32> to vector<1xf32>
    %reduce_sum3A_574 = vector.shape_cast %reduce_sum3A_573 : vector<1xf32> to vector<1x1xf32>
    %reduce_sum3A_575 = vector.extract %reduce_sum3A_574[0, 0] : f32 from vector<1x1xf32>
    %div3A_576 = vector.broadcast %reduce_sum3A_575 : f32 to vector<7xf32>
    %div3A_577 = arith.divf %exp3A_570, %div3A_576 : vector<7xf32>
    %broadcast_in_dim3A_578 = vector.shape_cast %div3A_577 : vector<7xf32> to vector<7x1xf32>
    %mul3A_579 = vector.broadcast %broadcast_in_dim3A_578 : vector<7x1xf32> to vector<7x270xf32>
    %mul3A_580 = arith.mulf %mul3A_579, %concatenate3A_553 : vector<7x270xf32>
    %reduce_sum3A_581 = arith.constant dense<0.000000e+00> : vector<270xf32>
    %reduce_sum3A_582 = vector.multi_reduction <add>, %mul3A_580, %reduce_sum3A_581 [0] : vector<7x270xf32> to vector<270xf32>
    %broadcast_in_dim3A_583 = vector.shape_cast %reduce_sum3A_582 : vector<270xf32> to vector<1x270xf32>
    %slice3A_584 = vector.extract_strided_slice %add3A_426 {offsets = [4, 0], sizes = [1, 270], strides = [1, 1]} : vector<8x270xf32> to vector<1x270xf32>
    %slice3A_585 = vector.extract_strided_slice %tanh3A_451 {offsets = [24, 0], sizes = [6, 270], strides = [1, 1]} : vector<48x270xf32> to vector<6x270xf32>
    %concatenate3A_586 = tpu.concatenate %slice3A_584, %slice3A_585 in 0 : vector<1x270xf32>, vector<6x270xf32> -> vector<7x270xf32>
    %dot_general3A_587 = arith.constant dense<0.000000e+00> : vector<7x64xf32>
    %dot_general3A_588 = tpu.matmul %concatenate3A_586, %get3A_4, %dot_general3A_587 {dimension_numbers = #tpu.dot_dimension_numbers<[1], [0], [0], [1], [0, 0, 1, 1], [], []>, transpose_lhs_hint = false} : vector<7x270xf32>, vector<270x64xf32>, vector<7x64xf32> -> vector<7x64xf32>
    %add3A_589 = vector.broadcast %get3A_7 : vector<1x64xf32> to vector<7x64xf32>
    %add3A_590 = arith.addf %dot_general3A_588, %add3A_589 : vector<7x64xf32>
    %tanh3A_591 = math.tanh %add3A_590 : vector<7x64xf32>
    %mul3A_592 = vector.broadcast %get3A_10 : vector<1x64xf32> to vector<7x64xf32>
    %mul3A_593 = arith.mulf %tanh3A_591, %mul3A_592 : vector<7x64xf32>
    %reduce_sum3A_594 = arith.constant dense<0.000000e+00> : vector<7xf32>
    %reduce_sum3A_595 = vector.multi_reduction <add>, %mul3A_593, %reduce_sum3A_594 [1] : vector<7x64xf32> to vector<7xf32>
    %reduce_max3A_596 = vector.shape_cast %reduce_sum3A_595 : vector<7xf32> to vector<1x7xf32>
    %reduce_max3A_597 = arith.constant dense<0xFF800000> : vector<1xf32>
    %reduce_max3A_598 = vector.multi_reduction <maximumf>, %reduce_max3A_596, %reduce_max3A_597 [1] : vector<1x7xf32> to vector<1xf32>
    %reduce_max3A_599 = vector.shape_cast %reduce_max3A_598 : vector<1xf32> to vector<1x1xf32>
    %reduce_max3A_600 = vector.extract %reduce_max3A_599[0, 0] : f32 from vector<1x1xf32>
    %sub3A_601 = vector.broadcast %reduce_max3A_600 : f32 to vector<7xf32>
    %sub3A_602 = arith.subf %reduce_sum3A_595, %sub3A_601 : vector<7xf32>
    %exp3A_603 = math.exp %sub3A_602 : vector<7xf32>
    %reduce_sum3A_604 = vector.shape_cast %exp3A_603 : vector<7xf32> to vector<1x7xf32>
    %reduce_sum3A_605 = arith.constant dense<0.000000e+00> : vector<1xf32>
    %reduce_sum3A_606 = vector.multi_reduction <add>, %reduce_sum3A_604, %reduce_sum3A_605 [1] : vector<1x7xf32> to vector<1xf32>
    %reduce_sum3A_607 = vector.shape_cast %reduce_sum3A_606 : vector<1xf32> to vector<1x1xf32>
    %reduce_sum3A_608 = vector.extract %reduce_sum3A_607[0, 0] : f32 from vector<1x1xf32>
    %div3A_609 = vector.broadcast %reduce_sum3A_608 : f32 to vector<7xf32>
    %div3A_610 = arith.divf %exp3A_603, %div3A_609 : vector<7xf32>
    %broadcast_in_dim3A_611 = vector.shape_cast %div3A_610 : vector<7xf32> to vector<7x1xf32>
    %mul3A_612 = vector.broadcast %broadcast_in_dim3A_611 : vector<7x1xf32> to vector<7x270xf32>
    %mul3A_613 = arith.mulf %mul3A_612, %concatenate3A_586 : vector<7x270xf32>
    %reduce_sum3A_614 = arith.constant dense<0.000000e+00> : vector<270xf32>
    %reduce_sum3A_615 = vector.multi_reduction <add>, %mul3A_613, %reduce_sum3A_614 [0] : vector<7x270xf32> to vector<270xf32>
    %broadcast_in_dim3A_616 = vector.shape_cast %reduce_sum3A_615 : vector<270xf32> to vector<1x270xf32>
    %slice3A_617 = vector.extract_strided_slice %add3A_426 {offsets = [5, 0], sizes = [1, 270], strides = [1, 1]} : vector<8x270xf32> to vector<1x270xf32>
    %slice3A_618 = vector.extract_strided_slice %tanh3A_451 {offsets = [30, 0], sizes = [6, 270], strides = [1, 1]} : vector<48x270xf32> to vector<6x270xf32>
    %concatenate3A_619 = tpu.concatenate %slice3A_617, %slice3A_618 in 0 : vector<1x270xf32>, vector<6x270xf32> -> vector<7x270xf32>
    %dot_general3A_620 = arith.constant dense<0.000000e+00> : vector<7x64xf32>
    %dot_general3A_621 = tpu.matmul %concatenate3A_619, %get3A_4, %dot_general3A_620 {dimension_numbers = #tpu.dot_dimension_numbers<[1], [0], [0], [1], [0, 0, 1, 1], [], []>, transpose_lhs_hint = false} : vector<7x270xf32>, vector<270x64xf32>, vector<7x64xf32> -> vector<7x64xf32>
    %add3A_622 = vector.broadcast %get3A_7 : vector<1x64xf32> to vector<7x64xf32>
    %add3A_623 = arith.addf %dot_general3A_621, %add3A_622 : vector<7x64xf32>
    %tanh3A_624 = math.tanh %add3A_623 : vector<7x64xf32>
    %mul3A_625 = vector.broadcast %get3A_10 : vector<1x64xf32> to vector<7x64xf32>
    %mul3A_626 = arith.mulf %tanh3A_624, %mul3A_625 : vector<7x64xf32>
    %reduce_sum3A_627 = arith.constant dense<0.000000e+00> : vector<7xf32>
    %reduce_sum3A_628 = vector.multi_reduction <add>, %mul3A_626, %reduce_sum3A_627 [1] : vector<7x64xf32> to vector<7xf32>
    %reduce_max3A_629 = vector.shape_cast %reduce_sum3A_628 : vector<7xf32> to vector<1x7xf32>
    %reduce_max3A_630 = arith.constant dense<0xFF800000> : vector<1xf32>
    %reduce_max3A_631 = vector.multi_reduction <maximumf>, %reduce_max3A_629, %reduce_max3A_630 [1] : vector<1x7xf32> to vector<1xf32>
    %reduce_max3A_632 = vector.shape_cast %reduce_max3A_631 : vector<1xf32> to vector<1x1xf32>
    %reduce_max3A_633 = vector.extract %reduce_max3A_632[0, 0] : f32 from vector<1x1xf32>
    %sub3A_634 = vector.broadcast %reduce_max3A_633 : f32 to vector<7xf32>
    %sub3A_635 = arith.subf %reduce_sum3A_628, %sub3A_634 : vector<7xf32>
    %exp3A_636 = math.exp %sub3A_635 : vector<7xf32>
    %reduce_sum3A_637 = vector.shape_cast %exp3A_636 : vector<7xf32> to vector<1x7xf32>
    %reduce_sum3A_638 = arith.constant dense<0.000000e+00> : vector<1xf32>
    %reduce_sum3A_639 = vector.multi_reduction <add>, %reduce_sum3A_637, %reduce_sum3A_638 [1] : vector<1x7xf32> to vector<1xf32>
    %reduce_sum3A_640 = vector.shape_cast %reduce_sum3A_639 : vector<1xf32> to vector<1x1xf32>
    %reduce_sum3A_641 = vector.extract %reduce_sum3A_640[0, 0] : f32 from vector<1x1xf32>
    %div3A_642 = vector.broadcast %reduce_sum3A_641 : f32 to vector<7xf32>
    %div3A_643 = arith.divf %exp3A_636, %div3A_642 : vector<7xf32>
    %broadcast_in_dim3A_644 = vector.shape_cast %div3A_643 : vector<7xf32> to vector<7x1xf32>
    %mul3A_645 = vector.broadcast %broadcast_in_dim3A_644 : vector<7x1xf32> to vector<7x270xf32>
    %mul3A_646 = arith.mulf %mul3A_645, %concatenate3A_619 : vector<7x270xf32>
    %reduce_sum3A_647 = arith.constant dense<0.000000e+00> : vector<270xf32>
    %reduce_sum3A_648 = vector.multi_reduction <add>, %mul3A_646, %reduce_sum3A_647 [0] : vector<7x270xf32> to vector<270xf32>
    %broadcast_in_dim3A_649 = vector.shape_cast %reduce_sum3A_648 : vector<270xf32> to vector<1x270xf32>
    %slice3A_650 = vector.extract_strided_slice %add3A_426 {offsets = [6, 0], sizes = [1, 270], strides = [1, 1]} : vector<8x270xf32> to vector<1x270xf32>
    %slice3A_651 = vector.extract_strided_slice %tanh3A_451 {offsets = [36, 0], sizes = [6, 270], strides = [1, 1]} : vector<48x270xf32> to vector<6x270xf32>
    %concatenate3A_652 = tpu.concatenate %slice3A_650, %slice3A_651 in 0 : vector<1x270xf32>, vector<6x270xf32> -> vector<7x270xf32>
    %dot_general3A_653 = arith.constant dense<0.000000e+00> : vector<7x64xf32>
    %dot_general3A_654 = tpu.matmul %concatenate3A_652, %get3A_4, %dot_general3A_653 {dimension_numbers = #tpu.dot_dimension_numbers<[1], [0], [0], [1], [0, 0, 1, 1], [], []>, transpose_lhs_hint = false} : vector<7x270xf32>, vector<270x64xf32>, vector<7x64xf32> -> vector<7x64xf32>
    %add3A_655 = vector.broadcast %get3A_7 : vector<1x64xf32> to vector<7x64xf32>
    %add3A_656 = arith.addf %dot_general3A_654, %add3A_655 : vector<7x64xf32>
    %tanh3A_657 = math.tanh %add3A_656 : vector<7x64xf32>
    %mul3A_658 = vector.broadcast %get3A_10 : vector<1x64xf32> to vector<7x64xf32>
    %mul3A_659 = arith.mulf %tanh3A_657, %mul3A_658 : vector<7x64xf32>
    %reduce_sum3A_660 = arith.constant dense<0.000000e+00> : vector<7xf32>
    %reduce_sum3A_661 = vector.multi_reduction <add>, %mul3A_659, %reduce_sum3A_660 [1] : vector<7x64xf32> to vector<7xf32>
    %reduce_max3A_662 = vector.shape_cast %reduce_sum3A_661 : vector<7xf32> to vector<1x7xf32>
    %reduce_max3A_663 = arith.constant dense<0xFF800000> : vector<1xf32>
    %reduce_max3A_664 = vector.multi_reduction <maximumf>, %reduce_max3A_662, %reduce_max3A_663 [1] : vector<1x7xf32> to vector<1xf32>
    %reduce_max3A_665 = vector.shape_cast %reduce_max3A_664 : vector<1xf32> to vector<1x1xf32>
    %reduce_max3A_666 = vector.extract %reduce_max3A_665[0, 0] : f32 from vector<1x1xf32>
    %sub3A_667 = vector.broadcast %reduce_max3A_666 : f32 to vector<7xf32>
    %sub3A_668 = arith.subf %reduce_sum3A_661, %sub3A_667 : vector<7xf32>
    %exp3A_669 = math.exp %sub3A_668 : vector<7xf32>
    %reduce_sum3A_670 = vector.shape_cast %exp3A_669 : vector<7xf32> to vector<1x7xf32>
    %reduce_sum3A_671 = arith.constant dense<0.000000e+00> : vector<1xf32>
    %reduce_sum3A_672 = vector.multi_reduction <add>, %reduce_sum3A_670, %reduce_sum3A_671 [1] : vector<1x7xf32> to vector<1xf32>
    %reduce_sum3A_673 = vector.shape_cast %reduce_sum3A_672 : vector<1xf32> to vector<1x1xf32>
    %reduce_sum3A_674 = vector.extract %reduce_sum3A_673[0, 0] : f32 from vector<1x1xf32>
    %div3A_675 = vector.broadcast %reduce_sum3A_674 : f32 to vector<7xf32>
    %div3A_676 = arith.divf %exp3A_669, %div3A_675 : vector<7xf32>
    %broadcast_in_dim3A_677 = vector.shape_cast %div3A_676 : vector<7xf32> to vector<7x1xf32>
    %mul3A_678 = vector.broadcast %broadcast_in_dim3A_677 : vector<7x1xf32> to vector<7x270xf32>
    %mul3A_679 = arith.mulf %mul3A_678, %concatenate3A_652 : vector<7x270xf32>
    %reduce_sum3A_680 = arith.constant dense<0.000000e+00> : vector<270xf32>
    %reduce_sum3A_681 = vector.multi_reduction <add>, %mul3A_679, %reduce_sum3A_680 [0] : vector<7x270xf32> to vector<270xf32>
    %broadcast_in_dim3A_682 = vector.shape_cast %reduce_sum3A_681 : vector<270xf32> to vector<1x270xf32>
    %slice3A_683 = vector.extract_strided_slice %add3A_426 {offsets = [7, 0], sizes = [1, 270], strides = [1, 1]} : vector<8x270xf32> to vector<1x270xf32>
    %slice3A_684 = vector.extract_strided_slice %tanh3A_451 {offsets = [42, 0], sizes = [6, 270], strides = [1, 1]} : vector<48x270xf32> to vector<6x270xf32>
    %concatenate3A_685 = tpu.concatenate %slice3A_683, %slice3A_684 in 0 : vector<1x270xf32>, vector<6x270xf32> -> vector<7x270xf32>
    %dot_general3A_686 = arith.constant dense<0.000000e+00> : vector<7x64xf32>
    %dot_general3A_687 = tpu.matmul %concatenate3A_685, %get3A_4, %dot_general3A_686 {dimension_numbers = #tpu.dot_dimension_numbers<[1], [0], [0], [1], [0, 0, 1, 1], [], []>, transpose_lhs_hint = false} : vector<7x270xf32>, vector<270x64xf32>, vector<7x64xf32> -> vector<7x64xf32>
    %add3A_688 = vector.broadcast %get3A_7 : vector<1x64xf32> to vector<7x64xf32>
    %add3A_689 = arith.addf %dot_general3A_687, %add3A_688 : vector<7x64xf32>
    %tanh3A_690 = math.tanh %add3A_689 : vector<7x64xf32>
    %mul3A_691 = vector.broadcast %get3A_10 : vector<1x64xf32> to vector<7x64xf32>
    %mul3A_692 = arith.mulf %tanh3A_690, %mul3A_691 : vector<7x64xf32>
    %reduce_sum3A_693 = arith.constant dense<0.000000e+00> : vector<7xf32>
    %reduce_sum3A_694 = vector.multi_reduction <add>, %mul3A_692, %reduce_sum3A_693 [1] : vector<7x64xf32> to vector<7xf32>
    %reduce_max3A_695 = vector.shape_cast %reduce_sum3A_694 : vector<7xf32> to vector<1x7xf32>
    %reduce_max3A_696 = arith.constant dense<0xFF800000> : vector<1xf32>
    %reduce_max3A_697 = vector.multi_reduction <maximumf>, %reduce_max3A_695, %reduce_max3A_696 [1] : vector<1x7xf32> to vector<1xf32>
    %reduce_max3A_698 = vector.shape_cast %reduce_max3A_697 : vector<1xf32> to vector<1x1xf32>
    %reduce_max3A_699 = vector.extract %reduce_max3A_698[0, 0] : f32 from vector<1x1xf32>
    %sub3A_700 = vector.broadcast %reduce_max3A_699 : f32 to vector<7xf32>
    %sub3A_701 = arith.subf %reduce_sum3A_694, %sub3A_700 : vector<7xf32>
    %exp3A_702 = math.exp %sub3A_701 : vector<7xf32>
    %reduce_sum3A_703 = vector.shape_cast %exp3A_702 : vector<7xf32> to vector<1x7xf32>
    %reduce_sum3A_704 = arith.constant dense<0.000000e+00> : vector<1xf32>
    %reduce_sum3A_705 = vector.multi_reduction <add>, %reduce_sum3A_703, %reduce_sum3A_704 [1] : vector<1x7xf32> to vector<1xf32>
    %reduce_sum3A_706 = vector.shape_cast %reduce_sum3A_705 : vector<1xf32> to vector<1x1xf32>
    %reduce_sum3A_707 = vector.extract %reduce_sum3A_706[0, 0] : f32 from vector<1x1xf32>
    %div3A_708 = vector.broadcast %reduce_sum3A_707 : f32 to vector<7xf32>
    %div3A_709 = arith.divf %exp3A_702, %div3A_708 : vector<7xf32>
    %broadcast_in_dim3A_710 = vector.shape_cast %div3A_709 : vector<7xf32> to vector<7x1xf32>
    %mul3A_711 = vector.broadcast %broadcast_in_dim3A_710 : vector<7x1xf32> to vector<7x270xf32>
    %mul3A_712 = arith.mulf %mul3A_711, %concatenate3A_685 : vector<7x270xf32>
    %reduce_sum3A_713 = arith.constant dense<0.000000e+00> : vector<270xf32>
    %reduce_sum3A_714 = vector.multi_reduction <add>, %mul3A_712, %reduce_sum3A_713 [0] : vector<7x270xf32> to vector<270xf32>
    %broadcast_in_dim3A_715 = vector.shape_cast %reduce_sum3A_714 : vector<270xf32> to vector<1x270xf32>
    %get3A_716 = arith.constant 0 : index
    %get3A_717 = arith.constant 2 : index
    %get3A_718 = arith.constant 0 : index
    %get3A_719 = vector.load %arg0[%get3A_716, %get3A_717, %get3A_718] : memref<8x4x32xf32, #tpu.memory_space<vmem>>, vector<8x1x32xf32>
    %get3A_720 = vector.shape_cast %get3A_719 : vector<8x1x32xf32> to vector<8x32xf32>
    %get3A_721 = arith.constant 0 : index
    %get3A_722 = arith.constant 2 : index
    %get3A_723 = arith.constant 0 : index
    %get3A_724 = vector.load %arg1[%get3A_721, %get3A_722, %get3A_723] : memref<8x4x32xf32, #tpu.memory_space<vmem>>, vector<8x1x32xf32>
    %get3A_725 = vector.shape_cast %get3A_724 : vector<8x1x32xf32> to vector<8x32xf32>
    %max3A_726 = arith.constant 1.000000e+00 : f32
    %max3A_727 = vector.broadcast %max3A_726 : f32 to vector<8x32xf32>
    %max3A_728 = arith.maximumf %get3A_725, %max3A_727 : vector<8x32xf32>
    %div3A_729 = arith.divf %get3A_720, %max3A_728 : vector<8x32xf32>
    %dot_general3A_730 = arith.constant dense<0.000000e+00> : vector<8x810xf32>
    %dot_general3A_731 = tpu.matmul %div3A_729, %get3A_22, %dot_general3A_730 {dimension_numbers = #tpu.dot_dimension_numbers<[1], [0], [0], [1], [0, 0, 1, 1], [], []>, transpose_lhs_hint = false} : vector<8x32xf32>, vector<32x810xf32>, vector<8x810xf32> -> vector<8x810xf32>
    %add3A_732 = vector.broadcast %get3A_28 : vector<1x810xf32> to vector<8x810xf32>
    %add3A_733 = arith.addf %dot_general3A_731, %add3A_732 : vector<8x810xf32>
    %dot_general3A_734 = arith.constant dense<0.000000e+00> : vector<8x810xf32>
    %dot_general3A_735 = tpu.matmul %add3A_399, %get3A_25, %dot_general3A_734 {dimension_numbers = #tpu.dot_dimension_numbers<[1], [0], [0], [1], [0, 0, 1, 1], [], []>, transpose_lhs_hint = false} : vector<8x270xf32>, vector<270x810xf32>, vector<8x810xf32> -> vector<8x810xf32>
    %slice3A_736 = vector.extract_strided_slice %add3A_733 {offsets = [0, 0], sizes = [8, 270], strides = [1, 1]} : vector<8x810xf32> to vector<8x270xf32>
    %slice3A_737 = vector.extract_strided_slice %dot_general3A_735 {offsets = [0, 0], sizes = [8, 270], strides = [1, 1]} : vector<8x810xf32> to vector<8x270xf32>
    %add3A_738 = arith.addf %slice3A_736, %slice3A_737 : vector<8x270xf32>
    %logistic3A_739 = arith.negf %add3A_738 : vector<8x270xf32>
    %logistic3A_740 = math.exp %logistic3A_739 : vector<8x270xf32>
    %logistic3A_741 = arith.constant 1.000000e+00 : f32
    %logistic3A_742 = vector.broadcast %logistic3A_741 : f32 to vector<8x270xf32>
    %logistic3A_743 = arith.addf %logistic3A_742, %logistic3A_740 : vector<8x270xf32>
    %logistic3A_744 = arith.divf %logistic3A_742, %logistic3A_743 : vector<8x270xf32>
    %slice3A_745 = vector.extract_strided_slice %add3A_733 {offsets = [0, 270], sizes = [8, 270], strides = [1, 1]} : vector<8x810xf32> to vector<8x270xf32>
    %slice3A_746 = vector.extract_strided_slice %dot_general3A_735 {offsets = [0, 270], sizes = [8, 270], strides = [1, 1]} : vector<8x810xf32> to vector<8x270xf32>
    %add3A_747 = arith.addf %slice3A_745, %slice3A_746 : vector<8x270xf32>
    %logistic3A_748 = arith.negf %add3A_747 : vector<8x270xf32>
    %logistic3A_749 = math.exp %logistic3A_748 : vector<8x270xf32>
    %logistic3A_750 = arith.constant 1.000000e+00 : f32
    %logistic3A_751 = vector.broadcast %logistic3A_750 : f32 to vector<8x270xf32>
    %logistic3A_752 = arith.addf %logistic3A_751, %logistic3A_749 : vector<8x270xf32>
    %logistic3A_753 = arith.divf %logistic3A_751, %logistic3A_752 : vector<8x270xf32>
    %slice3A_754 = vector.extract_strided_slice %add3A_733 {offsets = [0, 540], sizes = [8, 270], strides = [1, 1]} : vector<8x810xf32> to vector<8x270xf32>
    %slice3A_755 = vector.extract_strided_slice %dot_general3A_735 {offsets = [0, 540], sizes = [8, 270], strides = [1, 1]} : vector<8x810xf32> to vector<8x270xf32>
    %mul3A_756 = arith.mulf %logistic3A_744, %slice3A_755 : vector<8x270xf32>
    %add3A_757 = arith.addf %slice3A_754, %mul3A_756 : vector<8x270xf32>
    %tanh3A_758 = math.tanh %add3A_757 : vector<8x270xf32>
    %sub3A_759 = arith.constant 1.000000e+00 : f32
    %sub3A_760 = vector.broadcast %sub3A_759 : f32 to vector<8x270xf32>
    %sub3A_761 = arith.subf %sub3A_760, %logistic3A_753 : vector<8x270xf32>
    %mul3A_762 = arith.mulf %sub3A_761, %tanh3A_758 : vector<8x270xf32>
    %mul3A_763 = arith.mulf %logistic3A_753, %add3A_399 : vector<8x270xf32>
    %add3A_764 = arith.addf %mul3A_762, %mul3A_763 : vector<8x270xf32>
    %get3A_765 = arith.constant 0 : index
    %get3A_766 = arith.constant 1 : index
    %get3A_767 = arith.constant 0 : index
    %get3A_768 = vector.load %arg2[%get3A_765, %get3A_766, %get3A_767] : memref<8x4x32xf32, #tpu.memory_space<vmem>>, vector<8x1x32xf32>
    %get3A_769 = vector.shape_cast %get3A_768 : vector<8x1x32xf32> to vector<8x32xf32>
    %get3A_770 = arith.constant 0 : index
    %get3A_771 = arith.constant 1 : index
    %get3A_772 = arith.constant 0 : index
    %get3A_773 = vector.load %arg3[%get3A_770, %get3A_771, %get3A_772] : memref<8x4x32xf32, #tpu.memory_space<vmem>>, vector<8x1x32xf32>
    %get3A_774 = vector.shape_cast %get3A_773 : vector<8x1x32xf32> to vector<8x32xf32>
    %get3A_775 = arith.constant 0 : index
    %get3A_776 = arith.constant 1 : index
    %get3A_777 = arith.constant 0 : index
    %get3A_778 = vector.load %arg4[%get3A_775, %get3A_776, %get3A_777] : memref<8x4x32xf32, #tpu.memory_space<vmem>>, vector<8x1x32xf32>
    %get3A_779 = vector.shape_cast %get3A_778 : vector<8x1x32xf32> to vector<8x32xf32>
    %gt3A_780 = arith.constant 0.000000e+00 : f32
    %gt3A_781 = vector.broadcast %gt3A_780 : f32 to vector<8x32xf32>
    %gt3A_782 = arith.cmpf ogt, %get3A_774, %gt3A_781 : vector<8x32xf32>
    %max3A_783 = arith.constant 1.000000e-30 : f32
    %max3A_784 = vector.broadcast %max3A_783 : f32 to vector<8x32xf32>
    %max3A_785 = arith.maximumf %get3A_774, %max3A_784 : vector<8x32xf32>
    %div3A_786 = arith.divf %get3A_769, %max3A_785 : vector<8x32xf32>
    %div3A_787 = arith.constant 4.880000e+03 : f32
    %div3A_788 = vector.broadcast %div3A_787 : f32 to vector<8x32xf32>
    %div3A_789 = arith.divf %get3A_779, %div3A_788 : vector<8x32xf32>
    %select_n3A_790 = arith.select %gt3A_782, %div3A_786, %div3A_789 : vector<8x32xi1>, vector<8x32xf32>
    %dot_general3A_791 = arith.constant dense<0.000000e+00> : vector<8x270xf32>
    %dot_general3A_792 = tpu.matmul %select_n3A_790, %get3A_1, %dot_general3A_791 {dimension_numbers = #tpu.dot_dimension_numbers<[1], [0], [0], [1], [0, 0, 1, 1], [], []>, transpose_lhs_hint = false} : vector<8x32xf32>, vector<32x270xf32>, vector<8x270xf32> -> vector<8x270xf32>
    %add3A_793 = arith.addf %add3A_764, %dot_general3A_792 : vector<8x270xf32>
    %get3A_794 = arith.constant 0 : index
    %get3A_795 = arith.constant 2 : index
    %get3A_796 = arith.constant 0 : index
    %get3A_797 = arith.constant 0 : index
    %get3A_798 = vector.load %arg5[%get3A_794, %get3A_795, %get3A_796, %get3A_797] : memref<8x4x6x40xi32, #tpu.memory_space<vmem>>, vector<8x1x6x40xi32>
    %get3A_799 = vector.shape_cast %get3A_798 : vector<8x1x6x40xi32> to vector<8x6x40xi32>
    %iota3A_800 = tpu.iota {dimensions = array<i32: 3>} : vector<8x6x40x400xi32>
    %broadcast_in_dim3A_801 = vector.shape_cast %get3A_799 : vector<8x6x40xi32> to vector<8x6x40x1xi32>
    %eq3A_802 = vector.broadcast %broadcast_in_dim3A_801 : vector<8x6x40x1xi32> to vector<8x6x40x400xi32>
    %eq3A_803 = arith.cmpi eq, %eq3A_802, %iota3A_800 : vector<8x6x40x400xi32>
    %convert_element_type3A_804 = arith.extui %eq3A_803 : vector<8x6x40x400xi1> to vector<8x6x40x400xi32>
    %convert_element_type3A_805 = arith.sitofp %convert_element_type3A_804 : vector<8x6x40x400xi32> to vector<8x6x40x400xf32>
    %reduce_sum3A_806 = arith.constant dense<0.000000e+00> : vector<8x6x400xf32>
    %reduce_sum3A_807 = vector.multi_reduction <add>, %convert_element_type3A_805, %reduce_sum3A_806 [2] : vector<8x6x40x400xf32> to vector<8x6x400xf32>
    %reshape3A_808 = vector.shape_cast %reduce_sum3A_807 : vector<8x6x400xf32> to vector<48x400xf32>
    %dot_general3A_809 = arith.constant dense<0.000000e+00> : vector<48x400xf32>
    %dot_general3A_810 = tpu.matmul %reshape3A_808, %get3A_13, %dot_general3A_809 {dimension_numbers = #tpu.dot_dimension_numbers<[1], [0], [0], [1], [0, 0, 1, 1], [], []>, transpose_lhs_hint = false} : vector<48x400xf32>, vector<400x400xf32>, vector<48x400xf32> -> vector<48x400xf32>
    %mul3A_811 = arith.constant 2.500000e-02 : f32
    %mul3A_812 = vector.broadcast %mul3A_811 : f32 to vector<48x400xf32>
    %mul3A_813 = arith.mulf %dot_general3A_810, %mul3A_812 : vector<48x400xf32>
    %dot_general3A_814 = arith.constant dense<0.000000e+00> : vector<48x270xf32>
    %dot_general3A_815 = tpu.matmul %mul3A_813, %get3A_16, %dot_general3A_814 {dimension_numbers = #tpu.dot_dimension_numbers<[1], [0], [0], [1], [0, 0, 1, 1], [], []>, transpose_lhs_hint = false} : vector<48x400xf32>, vector<400x270xf32>, vector<48x270xf32> -> vector<48x270xf32>
    %add3A_816 = vector.broadcast %get3A_19 : vector<1x270xf32> to vector<48x270xf32>
    %add3A_817 = arith.addf %dot_general3A_815, %add3A_816 : vector<48x270xf32>
    %tanh3A_818 = math.tanh %add3A_817 : vector<48x270xf32>
    %slice3A_819 = vector.extract_strided_slice %add3A_793 {offsets = [0, 0], sizes = [1, 270], strides = [1, 1]} : vector<8x270xf32> to vector<1x270xf32>
    %slice3A_820 = vector.extract_strided_slice %tanh3A_818 {offsets = [0, 0], sizes = [6, 270], strides = [1, 1]} : vector<48x270xf32> to vector<6x270xf32>
    %concatenate3A_821 = tpu.concatenate %slice3A_819, %slice3A_820 in 0 : vector<1x270xf32>, vector<6x270xf32> -> vector<7x270xf32>
    %dot_general3A_822 = arith.constant dense<0.000000e+00> : vector<7x64xf32>
    %dot_general3A_823 = tpu.matmul %concatenate3A_821, %get3A_4, %dot_general3A_822 {dimension_numbers = #tpu.dot_dimension_numbers<[1], [0], [0], [1], [0, 0, 1, 1], [], []>, transpose_lhs_hint = false} : vector<7x270xf32>, vector<270x64xf32>, vector<7x64xf32> -> vector<7x64xf32>
    %add3A_824 = vector.broadcast %get3A_7 : vector<1x64xf32> to vector<7x64xf32>
    %add3A_825 = arith.addf %dot_general3A_823, %add3A_824 : vector<7x64xf32>
    %tanh3A_826 = math.tanh %add3A_825 : vector<7x64xf32>
    %mul3A_827 = vector.broadcast %get3A_10 : vector<1x64xf32> to vector<7x64xf32>
    %mul3A_828 = arith.mulf %tanh3A_826, %mul3A_827 : vector<7x64xf32>
    %reduce_sum3A_829 = arith.constant dense<0.000000e+00> : vector<7xf32>
    %reduce_sum3A_830 = vector.multi_reduction <add>, %mul3A_828, %reduce_sum3A_829 [1] : vector<7x64xf32> to vector<7xf32>
    %reduce_max3A_831 = vector.shape_cast %reduce_sum3A_830 : vector<7xf32> to vector<1x7xf32>
    %reduce_max3A_832 = arith.constant dense<0xFF800000> : vector<1xf32>
    %reduce_max3A_833 = vector.multi_reduction <maximumf>, %reduce_max3A_831, %reduce_max3A_832 [1] : vector<1x7xf32> to vector<1xf32>
    %reduce_max3A_834 = vector.shape_cast %reduce_max3A_833 : vector<1xf32> to vector<1x1xf32>
    %reduce_max3A_835 = vector.extract %reduce_max3A_834[0, 0] : f32 from vector<1x1xf32>
    %sub3A_836 = vector.broadcast %reduce_max3A_835 : f32 to vector<7xf32>
    %sub3A_837 = arith.subf %reduce_sum3A_830, %sub3A_836 : vector<7xf32>
    %exp3A_838 = math.exp %sub3A_837 : vector<7xf32>
    %reduce_sum3A_839 = vector.shape_cast %exp3A_838 : vector<7xf32> to vector<1x7xf32>
    %reduce_sum3A_840 = arith.constant dense<0.000000e+00> : vector<1xf32>
    %reduce_sum3A_841 = vector.multi_reduction <add>, %reduce_sum3A_839, %reduce_sum3A_840 [1] : vector<1x7xf32> to vector<1xf32>
    %reduce_sum3A_842 = vector.shape_cast %reduce_sum3A_841 : vector<1xf32> to vector<1x1xf32>
    %reduce_sum3A_843 = vector.extract %reduce_sum3A_842[0, 0] : f32 from vector<1x1xf32>
    %div3A_844 = vector.broadcast %reduce_sum3A_843 : f32 to vector<7xf32>
    %div3A_845 = arith.divf %exp3A_838, %div3A_844 : vector<7xf32>
    %broadcast_in_dim3A_846 = vector.shape_cast %div3A_845 : vector<7xf32> to vector<7x1xf32>
    %mul3A_847 = vector.broadcast %broadcast_in_dim3A_846 : vector<7x1xf32> to vector<7x270xf32>
    %mul3A_848 = arith.mulf %mul3A_847, %concatenate3A_821 : vector<7x270xf32>
    %reduce_sum3A_849 = arith.constant dense<0.000000e+00> : vector<270xf32>
    %reduce_sum3A_850 = vector.multi_reduction <add>, %mul3A_848, %reduce_sum3A_849 [0] : vector<7x270xf32> to vector<270xf32>
    %broadcast_in_dim3A_851 = vector.shape_cast %reduce_sum3A_850 : vector<270xf32> to vector<1x270xf32>
    %slice3A_852 = vector.extract_strided_slice %add3A_793 {offsets = [1, 0], sizes = [1, 270], strides = [1, 1]} : vector<8x270xf32> to vector<1x270xf32>
    %slice3A_853 = vector.extract_strided_slice %tanh3A_818 {offsets = [6, 0], sizes = [6, 270], strides = [1, 1]} : vector<48x270xf32> to vector<6x270xf32>
    %concatenate3A_854 = tpu.concatenate %slice3A_852, %slice3A_853 in 0 : vector<1x270xf32>, vector<6x270xf32> -> vector<7x270xf32>
    %dot_general3A_855 = arith.constant dense<0.000000e+00> : vector<7x64xf32>
    %dot_general3A_856 = tpu.matmul %concatenate3A_854, %get3A_4, %dot_general3A_855 {dimension_numbers = #tpu.dot_dimension_numbers<[1], [0], [0], [1], [0, 0, 1, 1], [], []>, transpose_lhs_hint = false} : vector<7x270xf32>, vector<270x64xf32>, vector<7x64xf32> -> vector<7x64xf32>
    %add3A_857 = vector.broadcast %get3A_7 : vector<1x64xf32> to vector<7x64xf32>
    %add3A_858 = arith.addf %dot_general3A_856, %add3A_857 : vector<7x64xf32>
    %tanh3A_859 = math.tanh %add3A_858 : vector<7x64xf32>
    %mul3A_860 = vector.broadcast %get3A_10 : vector<1x64xf32> to vector<7x64xf32>
    %mul3A_861 = arith.mulf %tanh3A_859, %mul3A_860 : vector<7x64xf32>
    %reduce_sum3A_862 = arith.constant dense<0.000000e+00> : vector<7xf32>
    %reduce_sum3A_863 = vector.multi_reduction <add>, %mul3A_861, %reduce_sum3A_862 [1] : vector<7x64xf32> to vector<7xf32>
    %reduce_max3A_864 = vector.shape_cast %reduce_sum3A_863 : vector<7xf32> to vector<1x7xf32>
    %reduce_max3A_865 = arith.constant dense<0xFF800000> : vector<1xf32>
    %reduce_max3A_866 = vector.multi_reduction <maximumf>, %reduce_max3A_864, %reduce_max3A_865 [1] : vector<1x7xf32> to vector<1xf32>
    %reduce_max3A_867 = vector.shape_cast %reduce_max3A_866 : vector<1xf32> to vector<1x1xf32>
    %reduce_max3A_868 = vector.extract %reduce_max3A_867[0, 0] : f32 from vector<1x1xf32>
    %sub3A_869 = vector.broadcast %reduce_max3A_868 : f32 to vector<7xf32>
    %sub3A_870 = arith.subf %reduce_sum3A_863, %sub3A_869 : vector<7xf32>
    %exp3A_871 = math.exp %sub3A_870 : vector<7xf32>
    %reduce_sum3A_872 = vector.shape_cast %exp3A_871 : vector<7xf32> to vector<1x7xf32>
    %reduce_sum3A_873 = arith.constant dense<0.000000e+00> : vector<1xf32>
    %reduce_sum3A_874 = vector.multi_reduction <add>, %reduce_sum3A_872, %reduce_sum3A_873 [1] : vector<1x7xf32> to vector<1xf32>
    %reduce_sum3A_875 = vector.shape_cast %reduce_sum3A_874 : vector<1xf32> to vector<1x1xf32>
    %reduce_sum3A_876 = vector.extract %reduce_sum3A_875[0, 0] : f32 from vector<1x1xf32>
    %div3A_877 = vector.broadcast %reduce_sum3A_876 : f32 to vector<7xf32>
    %div3A_878 = arith.divf %exp3A_871, %div3A_877 : vector<7xf32>
    %broadcast_in_dim3A_879 = vector.shape_cast %div3A_878 : vector<7xf32> to vector<7x1xf32>
    %mul3A_880 = vector.broadcast %broadcast_in_dim3A_879 : vector<7x1xf32> to vector<7x270xf32>
    %mul3A_881 = arith.mulf %mul3A_880, %concatenate3A_854 : vector<7x270xf32>
    %reduce_sum3A_882 = arith.constant dense<0.000000e+00> : vector<270xf32>
    %reduce_sum3A_883 = vector.multi_reduction <add>, %mul3A_881, %reduce_sum3A_882 [0] : vector<7x270xf32> to vector<270xf32>
    %broadcast_in_dim3A_884 = vector.shape_cast %reduce_sum3A_883 : vector<270xf32> to vector<1x270xf32>
    %slice3A_885 = vector.extract_strided_slice %add3A_793 {offsets = [2, 0], sizes = [1, 270], strides = [1, 1]} : vector<8x270xf32> to vector<1x270xf32>
    %slice3A_886 = vector.extract_strided_slice %tanh3A_818 {offsets = [12, 0], sizes = [6, 270], strides = [1, 1]} : vector<48x270xf32> to vector<6x270xf32>
    %concatenate3A_887 = tpu.concatenate %slice3A_885, %slice3A_886 in 0 : vector<1x270xf32>, vector<6x270xf32> -> vector<7x270xf32>
    %dot_general3A_888 = arith.constant dense<0.000000e+00> : vector<7x64xf32>
    %dot_general3A_889 = tpu.matmul %concatenate3A_887, %get3A_4, %dot_general3A_888 {dimension_numbers = #tpu.dot_dimension_numbers<[1], [0], [0], [1], [0, 0, 1, 1], [], []>, transpose_lhs_hint = false} : vector<7x270xf32>, vector<270x64xf32>, vector<7x64xf32> -> vector<7x64xf32>
    %add3A_890 = vector.broadcast %get3A_7 : vector<1x64xf32> to vector<7x64xf32>
    %add3A_891 = arith.addf %dot_general3A_889, %add3A_890 : vector<7x64xf32>
    %tanh3A_892 = math.tanh %add3A_891 : vector<7x64xf32>
    %mul3A_893 = vector.broadcast %get3A_10 : vector<1x64xf32> to vector<7x64xf32>
    %mul3A_894 = arith.mulf %tanh3A_892, %mul3A_893 : vector<7x64xf32>
    %reduce_sum3A_895 = arith.constant dense<0.000000e+00> : vector<7xf32>
    %reduce_sum3A_896 = vector.multi_reduction <add>, %mul3A_894, %reduce_sum3A_895 [1] : vector<7x64xf32> to vector<7xf32>
    %reduce_max3A_897 = vector.shape_cast %reduce_sum3A_896 : vector<7xf32> to vector<1x7xf32>
    %reduce_max3A_898 = arith.constant dense<0xFF800000> : vector<1xf32>
    %reduce_max3A_899 = vector.multi_reduction <maximumf>, %reduce_max3A_897, %reduce_max3A_898 [1] : vector<1x7xf32> to vector<1xf32>
    %reduce_max3A_900 = vector.shape_cast %reduce_max3A_899 : vector<1xf32> to vector<1x1xf32>
    %reduce_max3A_901 = vector.extract %reduce_max3A_900[0, 0] : f32 from vector<1x1xf32>
    %sub3A_902 = vector.broadcast %reduce_max3A_901 : f32 to vector<7xf32>
    %sub3A_903 = arith.subf %reduce_sum3A_896, %sub3A_902 : vector<7xf32>
    %exp3A_904 = math.exp %sub3A_903 : vector<7xf32>
    %reduce_sum3A_905 = vector.shape_cast %exp3A_904 : vector<7xf32> to vector<1x7xf32>
    %reduce_sum3A_906 = arith.constant dense<0.000000e+00> : vector<1xf32>
    %reduce_sum3A_907 = vector.multi_reduction <add>, %reduce_sum3A_905, %reduce_sum3A_906 [1] : vector<1x7xf32> to vector<1xf32>
    %reduce_sum3A_908 = vector.shape_cast %reduce_sum3A_907 : vector<1xf32> to vector<1x1xf32>
    %reduce_sum3A_909 = vector.extract %reduce_sum3A_908[0, 0] : f32 from vector<1x1xf32>
    %div3A_910 = vector.broadcast %reduce_sum3A_909 : f32 to vector<7xf32>
    %div3A_911 = arith.divf %exp3A_904, %div3A_910 : vector<7xf32>
    %broadcast_in_dim3A_912 = vector.shape_cast %div3A_911 : vector<7xf32> to vector<7x1xf32>
    %mul3A_913 = vector.broadcast %broadcast_in_dim3A_912 : vector<7x1xf32> to vector<7x270xf32>
    %mul3A_914 = arith.mulf %mul3A_913, %concatenate3A_887 : vector<7x270xf32>
    %reduce_sum3A_915 = arith.constant dense<0.000000e+00> : vector<270xf32>
    %reduce_sum3A_916 = vector.multi_reduction <add>, %mul3A_914, %reduce_sum3A_915 [0] : vector<7x270xf32> to vector<270xf32>
    %broadcast_in_dim3A_917 = vector.shape_cast %reduce_sum3A_916 : vector<270xf32> to vector<1x270xf32>
    %slice3A_918 = vector.extract_strided_slice %add3A_793 {offsets = [3, 0], sizes = [1, 270], strides = [1, 1]} : vector<8x270xf32> to vector<1x270xf32>
    %slice3A_919 = vector.extract_strided_slice %tanh3A_818 {offsets = [18, 0], sizes = [6, 270], strides = [1, 1]} : vector<48x270xf32> to vector<6x270xf32>
    %concatenate3A_920 = tpu.concatenate %slice3A_918, %slice3A_919 in 0 : vector<1x270xf32>, vector<6x270xf32> -> vector<7x270xf32>
    %dot_general3A_921 = arith.constant dense<0.000000e+00> : vector<7x64xf32>
    %dot_general3A_922 = tpu.matmul %concatenate3A_920, %get3A_4, %dot_general3A_921 {dimension_numbers = #tpu.dot_dimension_numbers<[1], [0], [0], [1], [0, 0, 1, 1], [], []>, transpose_lhs_hint = false} : vector<7x270xf32>, vector<270x64xf32>, vector<7x64xf32> -> vector<7x64xf32>
    %add3A_923 = vector.broadcast %get3A_7 : vector<1x64xf32> to vector<7x64xf32>
    %add3A_924 = arith.addf %dot_general3A_922, %add3A_923 : vector<7x64xf32>
    %tanh3A_925 = math.tanh %add3A_924 : vector<7x64xf32>
    %mul3A_926 = vector.broadcast %get3A_10 : vector<1x64xf32> to vector<7x64xf32>
    %mul3A_927 = arith.mulf %tanh3A_925, %mul3A_926 : vector<7x64xf32>
    %reduce_sum3A_928 = arith.constant dense<0.000000e+00> : vector<7xf32>
    %reduce_sum3A_929 = vector.multi_reduction <add>, %mul3A_927, %reduce_sum3A_928 [1] : vector<7x64xf32> to vector<7xf32>
    %reduce_max3A_930 = vector.shape_cast %reduce_sum3A_929 : vector<7xf32> to vector<1x7xf32>
    %reduce_max3A_931 = arith.constant dense<0xFF800000> : vector<1xf32>
    %reduce_max3A_932 = vector.multi_reduction <maximumf>, %reduce_max3A_930, %reduce_max3A_931 [1] : vector<1x7xf32> to vector<1xf32>
    %reduce_max3A_933 = vector.shape_cast %reduce_max3A_932 : vector<1xf32> to vector<1x1xf32>
    %reduce_max3A_934 = vector.extract %reduce_max3A_933[0, 0] : f32 from vector<1x1xf32>
    %sub3A_935 = vector.broadcast %reduce_max3A_934 : f32 to vector<7xf32>
    %sub3A_936 = arith.subf %reduce_sum3A_929, %sub3A_935 : vector<7xf32>
    %exp3A_937 = math.exp %sub3A_936 : vector<7xf32>
    %reduce_sum3A_938 = vector.shape_cast %exp3A_937 : vector<7xf32> to vector<1x7xf32>
    %reduce_sum3A_939 = arith.constant dense<0.000000e+00> : vector<1xf32>
    %reduce_sum3A_940 = vector.multi_reduction <add>, %reduce_sum3A_938, %reduce_sum3A_939 [1] : vector<1x7xf32> to vector<1xf32>
    %reduce_sum3A_941 = vector.shape_cast %reduce_sum3A_940 : vector<1xf32> to vector<1x1xf32>
    %reduce_sum3A_942 = vector.extract %reduce_sum3A_941[0, 0] : f32 from vector<1x1xf32>
    %div3A_943 = vector.broadcast %reduce_sum3A_942 : f32 to vector<7xf32>
    %div3A_944 = arith.divf %exp3A_937, %div3A_943 : vector<7xf32>
    %broadcast_in_dim3A_945 = vector.shape_cast %div3A_944 : vector<7xf32> to vector<7x1xf32>
    %mul3A_946 = vector.broadcast %broadcast_in_dim3A_945 : vector<7x1xf32> to vector<7x270xf32>
    %mul3A_947 = arith.mulf %mul3A_946, %concatenate3A_920 : vector<7x270xf32>
    %reduce_sum3A_948 = arith.constant dense<0.000000e+00> : vector<270xf32>
    %reduce_sum3A_949 = vector.multi_reduction <add>, %mul3A_947, %reduce_sum3A_948 [0] : vector<7x270xf32> to vector<270xf32>
    %broadcast_in_dim3A_950 = vector.shape_cast %reduce_sum3A_949 : vector<270xf32> to vector<1x270xf32>
    %slice3A_951 = vector.extract_strided_slice %add3A_793 {offsets = [4, 0], sizes = [1, 270], strides = [1, 1]} : vector<8x270xf32> to vector<1x270xf32>
    %slice3A_952 = vector.extract_strided_slice %tanh3A_818 {offsets = [24, 0], sizes = [6, 270], strides = [1, 1]} : vector<48x270xf32> to vector<6x270xf32>
    %concatenate3A_953 = tpu.concatenate %slice3A_951, %slice3A_952 in 0 : vector<1x270xf32>, vector<6x270xf32> -> vector<7x270xf32>
    %dot_general3A_954 = arith.constant dense<0.000000e+00> : vector<7x64xf32>
    %dot_general3A_955 = tpu.matmul %concatenate3A_953, %get3A_4, %dot_general3A_954 {dimension_numbers = #tpu.dot_dimension_numbers<[1], [0], [0], [1], [0, 0, 1, 1], [], []>, transpose_lhs_hint = false} : vector<7x270xf32>, vector<270x64xf32>, vector<7x64xf32> -> vector<7x64xf32>
    %add3A_956 = vector.broadcast %get3A_7 : vector<1x64xf32> to vector<7x64xf32>
    %add3A_957 = arith.addf %dot_general3A_955, %add3A_956 : vector<7x64xf32>
    %tanh3A_958 = math.tanh %add3A_957 : vector<7x64xf32>
    %mul3A_959 = vector.broadcast %get3A_10 : vector<1x64xf32> to vector<7x64xf32>
    %mul3A_960 = arith.mulf %tanh3A_958, %mul3A_959 : vector<7x64xf32>
    %reduce_sum3A_961 = arith.constant dense<0.000000e+00> : vector<7xf32>
    %reduce_sum3A_962 = vector.multi_reduction <add>, %mul3A_960, %reduce_sum3A_961 [1] : vector<7x64xf32> to vector<7xf32>
    %reduce_max3A_963 = vector.shape_cast %reduce_sum3A_962 : vector<7xf32> to vector<1x7xf32>
    %reduce_max3A_964 = arith.constant dense<0xFF800000> : vector<1xf32>
    %reduce_max3A_965 = vector.multi_reduction <maximumf>, %reduce_max3A_963, %reduce_max3A_964 [1] : vector<1x7xf32> to vector<1xf32>
    %reduce_max3A_966 = vector.shape_cast %reduce_max3A_965 : vector<1xf32> to vector<1x1xf32>
    %reduce_max3A_967 = vector.extract %reduce_max3A_966[0, 0] : f32 from vector<1x1xf32>
    %sub3A_968 = vector.broadcast %reduce_max3A_967 : f32 to vector<7xf32>
    %sub3A_969 = arith.subf %reduce_sum3A_962, %sub3A_968 : vector<7xf32>
    %exp3A_970 = math.exp %sub3A_969 : vector<7xf32>
    %reduce_sum3A_971 = vector.shape_cast %exp3A_970 : vector<7xf32> to vector<1x7xf32>
    %reduce_sum3A_972 = arith.constant dense<0.000000e+00> : vector<1xf32>
    %reduce_sum3A_973 = vector.multi_reduction <add>, %reduce_sum3A_971, %reduce_sum3A_972 [1] : vector<1x7xf32> to vector<1xf32>
    %reduce_sum3A_974 = vector.shape_cast %reduce_sum3A_973 : vector<1xf32> to vector<1x1xf32>
    %reduce_sum3A_975 = vector.extract %reduce_sum3A_974[0, 0] : f32 from vector<1x1xf32>
    %div3A_976 = vector.broadcast %reduce_sum3A_975 : f32 to vector<7xf32>
    %div3A_977 = arith.divf %exp3A_970, %div3A_976 : vector<7xf32>
    %broadcast_in_dim3A_978 = vector.shape_cast %div3A_977 : vector<7xf32> to vector<7x1xf32>
    %mul3A_979 = vector.broadcast %broadcast_in_dim3A_978 : vector<7x1xf32> to vector<7x270xf32>
    %mul3A_980 = arith.mulf %mul3A_979, %concatenate3A_953 : vector<7x270xf32>
    %reduce_sum3A_981 = arith.constant dense<0.000000e+00> : vector<270xf32>
    %reduce_sum3A_982 = vector.multi_reduction <add>, %mul3A_980, %reduce_sum3A_981 [0] : vector<7x270xf32> to vector<270xf32>
    %broadcast_in_dim3A_983 = vector.shape_cast %reduce_sum3A_982 : vector<270xf32> to vector<1x270xf32>
    %slice3A_984 = vector.extract_strided_slice %add3A_793 {offsets = [5, 0], sizes = [1, 270], strides = [1, 1]} : vector<8x270xf32> to vector<1x270xf32>
    %slice3A_985 = vector.extract_strided_slice %tanh3A_818 {offsets = [30, 0], sizes = [6, 270], strides = [1, 1]} : vector<48x270xf32> to vector<6x270xf32>
    %concatenate3A_986 = tpu.concatenate %slice3A_984, %slice3A_985 in 0 : vector<1x270xf32>, vector<6x270xf32> -> vector<7x270xf32>
    %dot_general3A_987 = arith.constant dense<0.000000e+00> : vector<7x64xf32>
    %dot_general3A_988 = tpu.matmul %concatenate3A_986, %get3A_4, %dot_general3A_987 {dimension_numbers = #tpu.dot_dimension_numbers<[1], [0], [0], [1], [0, 0, 1, 1], [], []>, transpose_lhs_hint = false} : vector<7x270xf32>, vector<270x64xf32>, vector<7x64xf32> -> vector<7x64xf32>
    %add3A_989 = vector.broadcast %get3A_7 : vector<1x64xf32> to vector<7x64xf32>
    %add3A_990 = arith.addf %dot_general3A_988, %add3A_989 : vector<7x64xf32>
    %tanh3A_991 = math.tanh %add3A_990 : vector<7x64xf32>
    %mul3A_992 = vector.broadcast %get3A_10 : vector<1x64xf32> to vector<7x64xf32>
    %mul3A_993 = arith.mulf %tanh3A_991, %mul3A_992 : vector<7x64xf32>
    %reduce_sum3A_994 = arith.constant dense<0.000000e+00> : vector<7xf32>
    %reduce_sum3A_995 = vector.multi_reduction <add>, %mul3A_993, %reduce_sum3A_994 [1] : vector<7x64xf32> to vector<7xf32>
    %reduce_max3A_996 = vector.shape_cast %reduce_sum3A_995 : vector<7xf32> to vector<1x7xf32>
    %reduce_max3A_997 = arith.constant dense<0xFF800000> : vector<1xf32>
    %reduce_max3A_998 = vector.multi_reduction <maximumf>, %reduce_max3A_996, %reduce_max3A_997 [1] : vector<1x7xf32> to vector<1xf32>
    %reduce_max3A_999 = vector.shape_cast %reduce_max3A_998 : vector<1xf32> to vector<1x1xf32>
    %reduce_max3A_1000 = vector.extract %reduce_max3A_999[0, 0] : f32 from vector<1x1xf32>
    %sub3A_1001 = vector.broadcast %reduce_max3A_1000 : f32 to vector<7xf32>
    %sub3A_1002 = arith.subf %reduce_sum3A_995, %sub3A_1001 : vector<7xf32>
    %exp3A_1003 = math.exp %sub3A_1002 : vector<7xf32>
    %reduce_sum3A_1004 = vector.shape_cast %exp3A_1003 : vector<7xf32> to vector<1x7xf32>
    %reduce_sum3A_1005 = arith.constant dense<0.000000e+00> : vector<1xf32>
    %reduce_sum3A_1006 = vector.multi_reduction <add>, %reduce_sum3A_1004, %reduce_sum3A_1005 [1] : vector<1x7xf32> to vector<1xf32>
    %reduce_sum3A_1007 = vector.shape_cast %reduce_sum3A_1006 : vector<1xf32> to vector<1x1xf32>
    %reduce_sum3A_1008 = vector.extract %reduce_sum3A_1007[0, 0] : f32 from vector<1x1xf32>
    %div3A_1009 = vector.broadcast %reduce_sum3A_1008 : f32 to vector<7xf32>
    %div3A_1010 = arith.divf %exp3A_1003, %div3A_1009 : vector<7xf32>
    %broadcast_in_dim3A_1011 = vector.shape_cast %div3A_1010 : vector<7xf32> to vector<7x1xf32>
    %mul3A_1012 = vector.broadcast %broadcast_in_dim3A_1011 : vector<7x1xf32> to vector<7x270xf32>
    %mul3A_1013 = arith.mulf %mul3A_1012, %concatenate3A_986 : vector<7x270xf32>
    %reduce_sum3A_1014 = arith.constant dense<0.000000e+00> : vector<270xf32>
    %reduce_sum3A_1015 = vector.multi_reduction <add>, %mul3A_1013, %reduce_sum3A_1014 [0] : vector<7x270xf32> to vector<270xf32>
    %broadcast_in_dim3A_1016 = vector.shape_cast %reduce_sum3A_1015 : vector<270xf32> to vector<1x270xf32>
    %slice3A_1017 = vector.extract_strided_slice %add3A_793 {offsets = [6, 0], sizes = [1, 270], strides = [1, 1]} : vector<8x270xf32> to vector<1x270xf32>
    %slice3A_1018 = vector.extract_strided_slice %tanh3A_818 {offsets = [36, 0], sizes = [6, 270], strides = [1, 1]} : vector<48x270xf32> to vector<6x270xf32>
    %concatenate3A_1019 = tpu.concatenate %slice3A_1017, %slice3A_1018 in 0 : vector<1x270xf32>, vector<6x270xf32> -> vector<7x270xf32>
    %dot_general3A_1020 = arith.constant dense<0.000000e+00> : vector<7x64xf32>
    %dot_general3A_1021 = tpu.matmul %concatenate3A_1019, %get3A_4, %dot_general3A_1020 {dimension_numbers = #tpu.dot_dimension_numbers<[1], [0], [0], [1], [0, 0, 1, 1], [], []>, transpose_lhs_hint = false} : vector<7x270xf32>, vector<270x64xf32>, vector<7x64xf32> -> vector<7x64xf32>
    %add3A_1022 = vector.broadcast %get3A_7 : vector<1x64xf32> to vector<7x64xf32>
    %add3A_1023 = arith.addf %dot_general3A_1021, %add3A_1022 : vector<7x64xf32>
    %tanh3A_1024 = math.tanh %add3A_1023 : vector<7x64xf32>
    %mul3A_1025 = vector.broadcast %get3A_10 : vector<1x64xf32> to vector<7x64xf32>
    %mul3A_1026 = arith.mulf %tanh3A_1024, %mul3A_1025 : vector<7x64xf32>
    %reduce_sum3A_1027 = arith.constant dense<0.000000e+00> : vector<7xf32>
    %reduce_sum3A_1028 = vector.multi_reduction <add>, %mul3A_1026, %reduce_sum3A_1027 [1] : vector<7x64xf32> to vector<7xf32>
    %reduce_max3A_1029 = vector.shape_cast %reduce_sum3A_1028 : vector<7xf32> to vector<1x7xf32>
    %reduce_max3A_1030 = arith.constant dense<0xFF800000> : vector<1xf32>
    %reduce_max3A_1031 = vector.multi_reduction <maximumf>, %reduce_max3A_1029, %reduce_max3A_1030 [1] : vector<1x7xf32> to vector<1xf32>
    %reduce_max3A_1032 = vector.shape_cast %reduce_max3A_1031 : vector<1xf32> to vector<1x1xf32>
    %reduce_max3A_1033 = vector.extract %reduce_max3A_1032[0, 0] : f32 from vector<1x1xf32>
    %sub3A_1034 = vector.broadcast %reduce_max3A_1033 : f32 to vector<7xf32>
    %sub3A_1035 = arith.subf %reduce_sum3A_1028, %sub3A_1034 : vector<7xf32>
    %exp3A_1036 = math.exp %sub3A_1035 : vector<7xf32>
    %reduce_sum3A_1037 = vector.shape_cast %exp3A_1036 : vector<7xf32> to vector<1x7xf32>
    %reduce_sum3A_1038 = arith.constant dense<0.000000e+00> : vector<1xf32>
    %reduce_sum3A_1039 = vector.multi_reduction <add>, %reduce_sum3A_1037, %reduce_sum3A_1038 [1] : vector<1x7xf32> to vector<1xf32>
    %reduce_sum3A_1040 = vector.shape_cast %reduce_sum3A_1039 : vector<1xf32> to vector<1x1xf32>
    %reduce_sum3A_1041 = vector.extract %reduce_sum3A_1040[0, 0] : f32 from vector<1x1xf32>
    %div3A_1042 = vector.broadcast %reduce_sum3A_1041 : f32 to vector<7xf32>
    %div3A_1043 = arith.divf %exp3A_1036, %div3A_1042 : vector<7xf32>
    %broadcast_in_dim3A_1044 = vector.shape_cast %div3A_1043 : vector<7xf32> to vector<7x1xf32>
    %mul3A_1045 = vector.broadcast %broadcast_in_dim3A_1044 : vector<7x1xf32> to vector<7x270xf32>
    %mul3A_1046 = arith.mulf %mul3A_1045, %concatenate3A_1019 : vector<7x270xf32>
    %reduce_sum3A_1047 = arith.constant dense<0.000000e+00> : vector<270xf32>
    %reduce_sum3A_1048 = vector.multi_reduction <add>, %mul3A_1046, %reduce_sum3A_1047 [0] : vector<7x270xf32> to vector<270xf32>
    %broadcast_in_dim3A_1049 = vector.shape_cast %reduce_sum3A_1048 : vector<270xf32> to vector<1x270xf32>
    %slice3A_1050 = vector.extract_strided_slice %add3A_793 {offsets = [7, 0], sizes = [1, 270], strides = [1, 1]} : vector<8x270xf32> to vector<1x270xf32>
    %slice3A_1051 = vector.extract_strided_slice %tanh3A_818 {offsets = [42, 0], sizes = [6, 270], strides = [1, 1]} : vector<48x270xf32> to vector<6x270xf32>
    %concatenate3A_1052 = tpu.concatenate %slice3A_1050, %slice3A_1051 in 0 : vector<1x270xf32>, vector<6x270xf32> -> vector<7x270xf32>
    %dot_general3A_1053 = arith.constant dense<0.000000e+00> : vector<7x64xf32>
    %dot_general3A_1054 = tpu.matmul %concatenate3A_1052, %get3A_4, %dot_general3A_1053 {dimension_numbers = #tpu.dot_dimension_numbers<[1], [0], [0], [1], [0, 0, 1, 1], [], []>, transpose_lhs_hint = false} : vector<7x270xf32>, vector<270x64xf32>, vector<7x64xf32> -> vector<7x64xf32>
    %add3A_1055 = vector.broadcast %get3A_7 : vector<1x64xf32> to vector<7x64xf32>
    %add3A_1056 = arith.addf %dot_general3A_1054, %add3A_1055 : vector<7x64xf32>
    %tanh3A_1057 = math.tanh %add3A_1056 : vector<7x64xf32>
    %mul3A_1058 = vector.broadcast %get3A_10 : vector<1x64xf32> to vector<7x64xf32>
    %mul3A_1059 = arith.mulf %tanh3A_1057, %mul3A_1058 : vector<7x64xf32>
    %reduce_sum3A_1060 = arith.constant dense<0.000000e+00> : vector<7xf32>
    %reduce_sum3A_1061 = vector.multi_reduction <add>, %mul3A_1059, %reduce_sum3A_1060 [1] : vector<7x64xf32> to vector<7xf32>
    %reduce_max3A_1062 = vector.shape_cast %reduce_sum3A_1061 : vector<7xf32> to vector<1x7xf32>
    %reduce_max3A_1063 = arith.constant dense<0xFF800000> : vector<1xf32>
    %reduce_max3A_1064 = vector.multi_reduction <maximumf>, %reduce_max3A_1062, %reduce_max3A_1063 [1] : vector<1x7xf32> to vector<1xf32>
    %reduce_max3A_1065 = vector.shape_cast %reduce_max3A_1064 : vector<1xf32> to vector<1x1xf32>
    %reduce_max3A_1066 = vector.extract %reduce_max3A_1065[0, 0] : f32 from vector<1x1xf32>
    %sub3A_1067 = vector.broadcast %reduce_max3A_1066 : f32 to vector<7xf32>
    %sub3A_1068 = arith.subf %reduce_sum3A_1061, %sub3A_1067 : vector<7xf32>
    %exp3A_1069 = math.exp %sub3A_1068 : vector<7xf32>
    %reduce_sum3A_1070 = vector.shape_cast %exp3A_1069 : vector<7xf32> to vector<1x7xf32>
    %reduce_sum3A_1071 = arith.constant dense<0.000000e+00> : vector<1xf32>
    %reduce_sum3A_1072 = vector.multi_reduction <add>, %reduce_sum3A_1070, %reduce_sum3A_1071 [1] : vector<1x7xf32> to vector<1xf32>
    %reduce_sum3A_1073 = vector.shape_cast %reduce_sum3A_1072 : vector<1xf32> to vector<1x1xf32>
    %reduce_sum3A_1074 = vector.extract %reduce_sum3A_1073[0, 0] : f32 from vector<1x1xf32>
    %div3A_1075 = vector.broadcast %reduce_sum3A_1074 : f32 to vector<7xf32>
    %div3A_1076 = arith.divf %exp3A_1069, %div3A_1075 : vector<7xf32>
    %broadcast_in_dim3A_1077 = vector.shape_cast %div3A_1076 : vector<7xf32> to vector<7x1xf32>
    %mul3A_1078 = vector.broadcast %broadcast_in_dim3A_1077 : vector<7x1xf32> to vector<7x270xf32>
    %mul3A_1079 = arith.mulf %mul3A_1078, %concatenate3A_1052 : vector<7x270xf32>
    %reduce_sum3A_1080 = arith.constant dense<0.000000e+00> : vector<270xf32>
    %reduce_sum3A_1081 = vector.multi_reduction <add>, %mul3A_1079, %reduce_sum3A_1080 [0] : vector<7x270xf32> to vector<270xf32>
    %broadcast_in_dim3A_1082 = vector.shape_cast %reduce_sum3A_1081 : vector<270xf32> to vector<1x270xf32>
    %get3A_1083 = arith.constant 0 : index
    %get3A_1084 = arith.constant 3 : index
    %get3A_1085 = arith.constant 0 : index
    %get3A_1086 = vector.load %arg0[%get3A_1083, %get3A_1084, %get3A_1085] : memref<8x4x32xf32, #tpu.memory_space<vmem>>, vector<8x1x32xf32>
    %get3A_1087 = vector.shape_cast %get3A_1086 : vector<8x1x32xf32> to vector<8x32xf32>
    %get3A_1088 = arith.constant 0 : index
    %get3A_1089 = arith.constant 3 : index
    %get3A_1090 = arith.constant 0 : index
    %get3A_1091 = vector.load %arg1[%get3A_1088, %get3A_1089, %get3A_1090] : memref<8x4x32xf32, #tpu.memory_space<vmem>>, vector<8x1x32xf32>
    %get3A_1092 = vector.shape_cast %get3A_1091 : vector<8x1x32xf32> to vector<8x32xf32>
    %max3A_1093 = arith.constant 1.000000e+00 : f32
    %max3A_1094 = vector.broadcast %max3A_1093 : f32 to vector<8x32xf32>
    %max3A_1095 = arith.maximumf %get3A_1092, %max3A_1094 : vector<8x32xf32>
    %div3A_1096 = arith.divf %get3A_1087, %max3A_1095 : vector<8x32xf32>
    %dot_general3A_1097 = arith.constant dense<0.000000e+00> : vector<8x810xf32>
    %dot_general3A_1098 = tpu.matmul %div3A_1096, %get3A_22, %dot_general3A_1097 {dimension_numbers = #tpu.dot_dimension_numbers<[1], [0], [0], [1], [0, 0, 1, 1], [], []>, transpose_lhs_hint = false} : vector<8x32xf32>, vector<32x810xf32>, vector<8x810xf32> -> vector<8x810xf32>
    %add3A_1099 = vector.broadcast %get3A_28 : vector<1x810xf32> to vector<8x810xf32>
    %add3A_1100 = arith.addf %dot_general3A_1098, %add3A_1099 : vector<8x810xf32>
    %dot_general3A_1101 = arith.constant dense<0.000000e+00> : vector<8x810xf32>
    %dot_general3A_1102 = tpu.matmul %add3A_764, %get3A_25, %dot_general3A_1101 {dimension_numbers = #tpu.dot_dimension_numbers<[1], [0], [0], [1], [0, 0, 1, 1], [], []>, transpose_lhs_hint = false} : vector<8x270xf32>, vector<270x810xf32>, vector<8x810xf32> -> vector<8x810xf32>
    %slice3A_1103 = vector.extract_strided_slice %add3A_1100 {offsets = [0, 0], sizes = [8, 270], strides = [1, 1]} : vector<8x810xf32> to vector<8x270xf32>
    %slice3A_1104 = vector.extract_strided_slice %dot_general3A_1102 {offsets = [0, 0], sizes = [8, 270], strides = [1, 1]} : vector<8x810xf32> to vector<8x270xf32>
    %add3A_1105 = arith.addf %slice3A_1103, %slice3A_1104 : vector<8x270xf32>
    %logistic3A_1106 = arith.negf %add3A_1105 : vector<8x270xf32>
    %logistic3A_1107 = math.exp %logistic3A_1106 : vector<8x270xf32>
    %logistic3A_1108 = arith.constant 1.000000e+00 : f32
    %logistic3A_1109 = vector.broadcast %logistic3A_1108 : f32 to vector<8x270xf32>
    %logistic3A_1110 = arith.addf %logistic3A_1109, %logistic3A_1107 : vector<8x270xf32>
    %logistic3A_1111 = arith.divf %logistic3A_1109, %logistic3A_1110 : vector<8x270xf32>
    %slice3A_1112 = vector.extract_strided_slice %add3A_1100 {offsets = [0, 270], sizes = [8, 270], strides = [1, 1]} : vector<8x810xf32> to vector<8x270xf32>
    %slice3A_1113 = vector.extract_strided_slice %dot_general3A_1102 {offsets = [0, 270], sizes = [8, 270], strides = [1, 1]} : vector<8x810xf32> to vector<8x270xf32>
    %add3A_1114 = arith.addf %slice3A_1112, %slice3A_1113 : vector<8x270xf32>
    %logistic3A_1115 = arith.negf %add3A_1114 : vector<8x270xf32>
    %logistic3A_1116 = math.exp %logistic3A_1115 : vector<8x270xf32>
    %logistic3A_1117 = arith.constant 1.000000e+00 : f32
    %logistic3A_1118 = vector.broadcast %logistic3A_1117 : f32 to vector<8x270xf32>
    %logistic3A_1119 = arith.addf %logistic3A_1118, %logistic3A_1116 : vector<8x270xf32>
    %logistic3A_1120 = arith.divf %logistic3A_1118, %logistic3A_1119 : vector<8x270xf32>
    %slice3A_1121 = vector.extract_strided_slice %add3A_1100 {offsets = [0, 540], sizes = [8, 270], strides = [1, 1]} : vector<8x810xf32> to vector<8x270xf32>
    %slice3A_1122 = vector.extract_strided_slice %dot_general3A_1102 {offsets = [0, 540], sizes = [8, 270], strides = [1, 1]} : vector<8x810xf32> to vector<8x270xf32>
    %mul3A_1123 = arith.mulf %logistic3A_1111, %slice3A_1122 : vector<8x270xf32>
    %add3A_1124 = arith.addf %slice3A_1121, %mul3A_1123 : vector<8x270xf32>
    %tanh3A_1125 = math.tanh %add3A_1124 : vector<8x270xf32>
    %sub3A_1126 = arith.constant 1.000000e+00 : f32
    %sub3A_1127 = vector.broadcast %sub3A_1126 : f32 to vector<8x270xf32>
    %sub3A_1128 = arith.subf %sub3A_1127, %logistic3A_1120 : vector<8x270xf32>
    %mul3A_1129 = arith.mulf %sub3A_1128, %tanh3A_1125 : vector<8x270xf32>
    %mul3A_1130 = arith.mulf %logistic3A_1120, %add3A_764 : vector<8x270xf32>
    %add3A_1131 = arith.addf %mul3A_1129, %mul3A_1130 : vector<8x270xf32>
    %get3A_1132 = arith.constant 0 : index
    %get3A_1133 = arith.constant 2 : index
    %get3A_1134 = arith.constant 0 : index
    %get3A_1135 = vector.load %arg2[%get3A_1132, %get3A_1133, %get3A_1134] : memref<8x4x32xf32, #tpu.memory_space<vmem>>, vector<8x1x32xf32>
    %get3A_1136 = vector.shape_cast %get3A_1135 : vector<8x1x32xf32> to vector<8x32xf32>
    %get3A_1137 = arith.constant 0 : index
    %get3A_1138 = arith.constant 2 : index
    %get3A_1139 = arith.constant 0 : index
    %get3A_1140 = vector.load %arg3[%get3A_1137, %get3A_1138, %get3A_1139] : memref<8x4x32xf32, #tpu.memory_space<vmem>>, vector<8x1x32xf32>
    %get3A_1141 = vector.shape_cast %get3A_1140 : vector<8x1x32xf32> to vector<8x32xf32>
    %get3A_1142 = arith.constant 0 : index
    %get3A_1143 = arith.constant 2 : index
    %get3A_1144 = arith.constant 0 : index
    %get3A_1145 = vector.load %arg4[%get3A_1142, %get3A_1143, %get3A_1144] : memref<8x4x32xf32, #tpu.memory_space<vmem>>, vector<8x1x32xf32>
    %get3A_1146 = vector.shape_cast %get3A_1145 : vector<8x1x32xf32> to vector<8x32xf32>
    %gt3A_1147 = arith.constant 0.000000e+00 : f32
    %gt3A_1148 = vector.broadcast %gt3A_1147 : f32 to vector<8x32xf32>
    %gt3A_1149 = arith.cmpf ogt, %get3A_1141, %gt3A_1148 : vector<8x32xf32>
    %max3A_1150 = arith.constant 1.000000e-30 : f32
    %max3A_1151 = vector.broadcast %max3A_1150 : f32 to vector<8x32xf32>
    %max3A_1152 = arith.maximumf %get3A_1141, %max3A_1151 : vector<8x32xf32>
    %div3A_1153 = arith.divf %get3A_1136, %max3A_1152 : vector<8x32xf32>
    %div3A_1154 = arith.constant 4.880000e+03 : f32
    %div3A_1155 = vector.broadcast %div3A_1154 : f32 to vector<8x32xf32>
    %div3A_1156 = arith.divf %get3A_1146, %div3A_1155 : vector<8x32xf32>
    %select_n3A_1157 = arith.select %gt3A_1149, %div3A_1153, %div3A_1156 : vector<8x32xi1>, vector<8x32xf32>
    %dot_general3A_1158 = arith.constant dense<0.000000e+00> : vector<8x270xf32>
    %dot_general3A_1159 = tpu.matmul %select_n3A_1157, %get3A_1, %dot_general3A_1158 {dimension_numbers = #tpu.dot_dimension_numbers<[1], [0], [0], [1], [0, 0, 1, 1], [], []>, transpose_lhs_hint = false} : vector<8x32xf32>, vector<32x270xf32>, vector<8x270xf32> -> vector<8x270xf32>
    %add3A_1160 = arith.addf %add3A_1131, %dot_general3A_1159 : vector<8x270xf32>
    %get3A_1161 = arith.constant 0 : index
    %get3A_1162 = arith.constant 3 : index
    %get3A_1163 = arith.constant 0 : index
    %get3A_1164 = arith.constant 0 : index
    %get3A_1165 = vector.load %arg5[%get3A_1161, %get3A_1162, %get3A_1163, %get3A_1164] : memref<8x4x6x40xi32, #tpu.memory_space<vmem>>, vector<8x1x6x40xi32>
    %get3A_1166 = vector.shape_cast %get3A_1165 : vector<8x1x6x40xi32> to vector<8x6x40xi32>
    %iota3A_1167 = tpu.iota {dimensions = array<i32: 3>} : vector<8x6x40x400xi32>
    %broadcast_in_dim3A_1168 = vector.shape_cast %get3A_1166 : vector<8x6x40xi32> to vector<8x6x40x1xi32>
    %eq3A_1169 = vector.broadcast %broadcast_in_dim3A_1168 : vector<8x6x40x1xi32> to vector<8x6x40x400xi32>
    %eq3A_1170 = arith.cmpi eq, %eq3A_1169, %iota3A_1167 : vector<8x6x40x400xi32>
    %convert_element_type3A_1171 = arith.extui %eq3A_1170 : vector<8x6x40x400xi1> to vector<8x6x40x400xi32>
    %convert_element_type3A_1172 = arith.sitofp %convert_element_type3A_1171 : vector<8x6x40x400xi32> to vector<8x6x40x400xf32>
    %reduce_sum3A_1173 = arith.constant dense<0.000000e+00> : vector<8x6x400xf32>
    %reduce_sum3A_1174 = vector.multi_reduction <add>, %convert_element_type3A_1172, %reduce_sum3A_1173 [2] : vector<8x6x40x400xf32> to vector<8x6x400xf32>
    %reshape3A_1175 = vector.shape_cast %reduce_sum3A_1174 : vector<8x6x400xf32> to vector<48x400xf32>
    %dot_general3A_1176 = arith.constant dense<0.000000e+00> : vector<48x400xf32>
    %dot_general3A_1177 = tpu.matmul %reshape3A_1175, %get3A_13, %dot_general3A_1176 {dimension_numbers = #tpu.dot_dimension_numbers<[1], [0], [0], [1], [0, 0, 1, 1], [], []>, transpose_lhs_hint = false} : vector<48x400xf32>, vector<400x400xf32>, vector<48x400xf32> -> vector<48x400xf32>
    %mul3A_1178 = arith.constant 2.500000e-02 : f32
    %mul3A_1179 = vector.broadcast %mul3A_1178 : f32 to vector<48x400xf32>
    %mul3A_1180 = arith.mulf %dot_general3A_1177, %mul3A_1179 : vector<48x400xf32>
    %dot_general3A_1181 = arith.constant dense<0.000000e+00> : vector<48x270xf32>
    %dot_general3A_1182 = tpu.matmul %mul3A_1180, %get3A_16, %dot_general3A_1181 {dimension_numbers = #tpu.dot_dimension_numbers<[1], [0], [0], [1], [0, 0, 1, 1], [], []>, transpose_lhs_hint = false} : vector<48x400xf32>, vector<400x270xf32>, vector<48x270xf32> -> vector<48x270xf32>
    %add3A_1183 = vector.broadcast %get3A_19 : vector<1x270xf32> to vector<48x270xf32>
    %add3A_1184 = arith.addf %dot_general3A_1182, %add3A_1183 : vector<48x270xf32>
    %tanh3A_1185 = math.tanh %add3A_1184 : vector<48x270xf32>
    %slice3A_1186 = vector.extract_strided_slice %add3A_1160 {offsets = [0, 0], sizes = [1, 270], strides = [1, 1]} : vector<8x270xf32> to vector<1x270xf32>
    %slice3A_1187 = vector.extract_strided_slice %tanh3A_1185 {offsets = [0, 0], sizes = [6, 270], strides = [1, 1]} : vector<48x270xf32> to vector<6x270xf32>
    %concatenate3A_1188 = tpu.concatenate %slice3A_1186, %slice3A_1187 in 0 : vector<1x270xf32>, vector<6x270xf32> -> vector<7x270xf32>
    %dot_general3A_1189 = arith.constant dense<0.000000e+00> : vector<7x64xf32>
    %dot_general3A_1190 = tpu.matmul %concatenate3A_1188, %get3A_4, %dot_general3A_1189 {dimension_numbers = #tpu.dot_dimension_numbers<[1], [0], [0], [1], [0, 0, 1, 1], [], []>, transpose_lhs_hint = false} : vector<7x270xf32>, vector<270x64xf32>, vector<7x64xf32> -> vector<7x64xf32>
    %add3A_1191 = vector.broadcast %get3A_7 : vector<1x64xf32> to vector<7x64xf32>
    %add3A_1192 = arith.addf %dot_general3A_1190, %add3A_1191 : vector<7x64xf32>
    %tanh3A_1193 = math.tanh %add3A_1192 : vector<7x64xf32>
    %mul3A_1194 = vector.broadcast %get3A_10 : vector<1x64xf32> to vector<7x64xf32>
    %mul3A_1195 = arith.mulf %tanh3A_1193, %mul3A_1194 : vector<7x64xf32>
    %reduce_sum3A_1196 = arith.constant dense<0.000000e+00> : vector<7xf32>
    %reduce_sum3A_1197 = vector.multi_reduction <add>, %mul3A_1195, %reduce_sum3A_1196 [1] : vector<7x64xf32> to vector<7xf32>
    %reduce_max3A_1198 = vector.shape_cast %reduce_sum3A_1197 : vector<7xf32> to vector<1x7xf32>
    %reduce_max3A_1199 = arith.constant dense<0xFF800000> : vector<1xf32>
    %reduce_max3A_1200 = vector.multi_reduction <maximumf>, %reduce_max3A_1198, %reduce_max3A_1199 [1] : vector<1x7xf32> to vector<1xf32>
    %reduce_max3A_1201 = vector.shape_cast %reduce_max3A_1200 : vector<1xf32> to vector<1x1xf32>
    %reduce_max3A_1202 = vector.extract %reduce_max3A_1201[0, 0] : f32 from vector<1x1xf32>
    %sub3A_1203 = vector.broadcast %reduce_max3A_1202 : f32 to vector<7xf32>
    %sub3A_1204 = arith.subf %reduce_sum3A_1197, %sub3A_1203 : vector<7xf32>
    %exp3A_1205 = math.exp %sub3A_1204 : vector<7xf32>
    %reduce_sum3A_1206 = vector.shape_cast %exp3A_1205 : vector<7xf32> to vector<1x7xf32>
    %reduce_sum3A_1207 = arith.constant dense<0.000000e+00> : vector<1xf32>
    %reduce_sum3A_1208 = vector.multi_reduction <add>, %reduce_sum3A_1206, %reduce_sum3A_1207 [1] : vector<1x7xf32> to vector<1xf32>
    %reduce_sum3A_1209 = vector.shape_cast %reduce_sum3A_1208 : vector<1xf32> to vector<1x1xf32>
    %reduce_sum3A_1210 = vector.extract %reduce_sum3A_1209[0, 0] : f32 from vector<1x1xf32>
    %div3A_1211 = vector.broadcast %reduce_sum3A_1210 : f32 to vector<7xf32>
    %div3A_1212 = arith.divf %exp3A_1205, %div3A_1211 : vector<7xf32>
    %broadcast_in_dim3A_1213 = vector.shape_cast %div3A_1212 : vector<7xf32> to vector<7x1xf32>
    %mul3A_1214 = vector.broadcast %broadcast_in_dim3A_1213 : vector<7x1xf32> to vector<7x270xf32>
    %mul3A_1215 = arith.mulf %mul3A_1214, %concatenate3A_1188 : vector<7x270xf32>
    %reduce_sum3A_1216 = arith.constant dense<0.000000e+00> : vector<270xf32>
    %reduce_sum3A_1217 = vector.multi_reduction <add>, %mul3A_1215, %reduce_sum3A_1216 [0] : vector<7x270xf32> to vector<270xf32>
    %broadcast_in_dim3A_1218 = vector.shape_cast %reduce_sum3A_1217 : vector<270xf32> to vector<1x270xf32>
    %slice3A_1219 = vector.extract_strided_slice %add3A_1160 {offsets = [1, 0], sizes = [1, 270], strides = [1, 1]} : vector<8x270xf32> to vector<1x270xf32>
    %slice3A_1220 = vector.extract_strided_slice %tanh3A_1185 {offsets = [6, 0], sizes = [6, 270], strides = [1, 1]} : vector<48x270xf32> to vector<6x270xf32>
    %concatenate3A_1221 = tpu.concatenate %slice3A_1219, %slice3A_1220 in 0 : vector<1x270xf32>, vector<6x270xf32> -> vector<7x270xf32>
    %dot_general3A_1222 = arith.constant dense<0.000000e+00> : vector<7x64xf32>
    %dot_general3A_1223 = tpu.matmul %concatenate3A_1221, %get3A_4, %dot_general3A_1222 {dimension_numbers = #tpu.dot_dimension_numbers<[1], [0], [0], [1], [0, 0, 1, 1], [], []>, transpose_lhs_hint = false} : vector<7x270xf32>, vector<270x64xf32>, vector<7x64xf32> -> vector<7x64xf32>
    %add3A_1224 = vector.broadcast %get3A_7 : vector<1x64xf32> to vector<7x64xf32>
    %add3A_1225 = arith.addf %dot_general3A_1223, %add3A_1224 : vector<7x64xf32>
    %tanh3A_1226 = math.tanh %add3A_1225 : vector<7x64xf32>
    %mul3A_1227 = vector.broadcast %get3A_10 : vector<1x64xf32> to vector<7x64xf32>
    %mul3A_1228 = arith.mulf %tanh3A_1226, %mul3A_1227 : vector<7x64xf32>
    %reduce_sum3A_1229 = arith.constant dense<0.000000e+00> : vector<7xf32>
    %reduce_sum3A_1230 = vector.multi_reduction <add>, %mul3A_1228, %reduce_sum3A_1229 [1] : vector<7x64xf32> to vector<7xf32>
    %reduce_max3A_1231 = vector.shape_cast %reduce_sum3A_1230 : vector<7xf32> to vector<1x7xf32>
    %reduce_max3A_1232 = arith.constant dense<0xFF800000> : vector<1xf32>
    %reduce_max3A_1233 = vector.multi_reduction <maximumf>, %reduce_max3A_1231, %reduce_max3A_1232 [1] : vector<1x7xf32> to vector<1xf32>
    %reduce_max3A_1234 = vector.shape_cast %reduce_max3A_1233 : vector<1xf32> to vector<1x1xf32>
    %reduce_max3A_1235 = vector.extract %reduce_max3A_1234[0, 0] : f32 from vector<1x1xf32>
    %sub3A_1236 = vector.broadcast %reduce_max3A_1235 : f32 to vector<7xf32>
    %sub3A_1237 = arith.subf %reduce_sum3A_1230, %sub3A_1236 : vector<7xf32>
    %exp3A_1238 = math.exp %sub3A_1237 : vector<7xf32>
    %reduce_sum3A_1239 = vector.shape_cast %exp3A_1238 : vector<7xf32> to vector<1x7xf32>
    %reduce_sum3A_1240 = arith.constant dense<0.000000e+00> : vector<1xf32>
    %reduce_sum3A_1241 = vector.multi_reduction <add>, %reduce_sum3A_1239, %reduce_sum3A_1240 [1] : vector<1x7xf32> to vector<1xf32>
    %reduce_sum3A_1242 = vector.shape_cast %reduce_sum3A_1241 : vector<1xf32> to vector<1x1xf32>
    %reduce_sum3A_1243 = vector.extract %reduce_sum3A_1242[0, 0] : f32 from vector<1x1xf32>
    %div3A_1244 = vector.broadcast %reduce_sum3A_1243 : f32 to vector<7xf32>
    %div3A_1245 = arith.divf %exp3A_1238, %div3A_1244 : vector<7xf32>
    %broadcast_in_dim3A_1246 = vector.shape_cast %div3A_1245 : vector<7xf32> to vector<7x1xf32>
    %mul3A_1247 = vector.broadcast %broadcast_in_dim3A_1246 : vector<7x1xf32> to vector<7x270xf32>
    %mul3A_1248 = arith.mulf %mul3A_1247, %concatenate3A_1221 : vector<7x270xf32>
    %reduce_sum3A_1249 = arith.constant dense<0.000000e+00> : vector<270xf32>
    %reduce_sum3A_1250 = vector.multi_reduction <add>, %mul3A_1248, %reduce_sum3A_1249 [0] : vector<7x270xf32> to vector<270xf32>
    %broadcast_in_dim3A_1251 = vector.shape_cast %reduce_sum3A_1250 : vector<270xf32> to vector<1x270xf32>
    %slice3A_1252 = vector.extract_strided_slice %add3A_1160 {offsets = [2, 0], sizes = [1, 270], strides = [1, 1]} : vector<8x270xf32> to vector<1x270xf32>
    %slice3A_1253 = vector.extract_strided_slice %tanh3A_1185 {offsets = [12, 0], sizes = [6, 270], strides = [1, 1]} : vector<48x270xf32> to vector<6x270xf32>
    %concatenate3A_1254 = tpu.concatenate %slice3A_1252, %slice3A_1253 in 0 : vector<1x270xf32>, vector<6x270xf32> -> vector<7x270xf32>
    %dot_general3A_1255 = arith.constant dense<0.000000e+00> : vector<7x64xf32>
    %dot_general3A_1256 = tpu.matmul %concatenate3A_1254, %get3A_4, %dot_general3A_1255 {dimension_numbers = #tpu.dot_dimension_numbers<[1], [0], [0], [1], [0, 0, 1, 1], [], []>, transpose_lhs_hint = false} : vector<7x270xf32>, vector<270x64xf32>, vector<7x64xf32> -> vector<7x64xf32>
    %add3A_1257 = vector.broadcast %get3A_7 : vector<1x64xf32> to vector<7x64xf32>
    %add3A_1258 = arith.addf %dot_general3A_1256, %add3A_1257 : vector<7x64xf32>
    %tanh3A_1259 = math.tanh %add3A_1258 : vector<7x64xf32>
    %mul3A_1260 = vector.broadcast %get3A_10 : vector<1x64xf32> to vector<7x64xf32>
    %mul3A_1261 = arith.mulf %tanh3A_1259, %mul3A_1260 : vector<7x64xf32>
    %reduce_sum3A_1262 = arith.constant dense<0.000000e+00> : vector<7xf32>
    %reduce_sum3A_1263 = vector.multi_reduction <add>, %mul3A_1261, %reduce_sum3A_1262 [1] : vector<7x64xf32> to vector<7xf32>
    %reduce_max3A_1264 = vector.shape_cast %reduce_sum3A_1263 : vector<7xf32> to vector<1x7xf32>
    %reduce_max3A_1265 = arith.constant dense<0xFF800000> : vector<1xf32>
    %reduce_max3A_1266 = vector.multi_reduction <maximumf>, %reduce_max3A_1264, %reduce_max3A_1265 [1] : vector<1x7xf32> to vector<1xf32>
    %reduce_max3A_1267 = vector.shape_cast %reduce_max3A_1266 : vector<1xf32> to vector<1x1xf32>
    %reduce_max3A_1268 = vector.extract %reduce_max3A_1267[0, 0] : f32 from vector<1x1xf32>
    %sub3A_1269 = vector.broadcast %reduce_max3A_1268 : f32 to vector<7xf32>
    %sub3A_1270 = arith.subf %reduce_sum3A_1263, %sub3A_1269 : vector<7xf32>
    %exp3A_1271 = math.exp %sub3A_1270 : vector<7xf32>
    %reduce_sum3A_1272 = vector.shape_cast %exp3A_1271 : vector<7xf32> to vector<1x7xf32>
    %reduce_sum3A_1273 = arith.constant dense<0.000000e+00> : vector<1xf32>
    %reduce_sum3A_1274 = vector.multi_reduction <add>, %reduce_sum3A_1272, %reduce_sum3A_1273 [1] : vector<1x7xf32> to vector<1xf32>
    %reduce_sum3A_1275 = vector.shape_cast %reduce_sum3A_1274 : vector<1xf32> to vector<1x1xf32>
    %reduce_sum3A_1276 = vector.extract %reduce_sum3A_1275[0, 0] : f32 from vector<1x1xf32>
    %div3A_1277 = vector.broadcast %reduce_sum3A_1276 : f32 to vector<7xf32>
    %div3A_1278 = arith.divf %exp3A_1271, %div3A_1277 : vector<7xf32>
    %broadcast_in_dim3A_1279 = vector.shape_cast %div3A_1278 : vector<7xf32> to vector<7x1xf32>
    %mul3A_1280 = vector.broadcast %broadcast_in_dim3A_1279 : vector<7x1xf32> to vector<7x270xf32>
    %mul3A_1281 = arith.mulf %mul3A_1280, %concatenate3A_1254 : vector<7x270xf32>
    %reduce_sum3A_1282 = arith.constant dense<0.000000e+00> : vector<270xf32>
    %reduce_sum3A_1283 = vector.multi_reduction <add>, %mul3A_1281, %reduce_sum3A_1282 [0] : vector<7x270xf32> to vector<270xf32>
    %broadcast_in_dim3A_1284 = vector.shape_cast %reduce_sum3A_1283 : vector<270xf32> to vector<1x270xf32>
    %slice3A_1285 = vector.extract_strided_slice %add3A_1160 {offsets = [3, 0], sizes = [1, 270], strides = [1, 1]} : vector<8x270xf32> to vector<1x270xf32>
    %slice3A_1286 = vector.extract_strided_slice %tanh3A_1185 {offsets = [18, 0], sizes = [6, 270], strides = [1, 1]} : vector<48x270xf32> to vector<6x270xf32>
    %concatenate3A_1287 = tpu.concatenate %slice3A_1285, %slice3A_1286 in 0 : vector<1x270xf32>, vector<6x270xf32> -> vector<7x270xf32>
    %dot_general3A_1288 = arith.constant dense<0.000000e+00> : vector<7x64xf32>
    %dot_general3A_1289 = tpu.matmul %concatenate3A_1287, %get3A_4, %dot_general3A_1288 {dimension_numbers = #tpu.dot_dimension_numbers<[1], [0], [0], [1], [0, 0, 1, 1], [], []>, transpose_lhs_hint = false} : vector<7x270xf32>, vector<270x64xf32>, vector<7x64xf32> -> vector<7x64xf32>
    %add3A_1290 = vector.broadcast %get3A_7 : vector<1x64xf32> to vector<7x64xf32>
    %add3A_1291 = arith.addf %dot_general3A_1289, %add3A_1290 : vector<7x64xf32>
    %tanh3A_1292 = math.tanh %add3A_1291 : vector<7x64xf32>
    %mul3A_1293 = vector.broadcast %get3A_10 : vector<1x64xf32> to vector<7x64xf32>
    %mul3A_1294 = arith.mulf %tanh3A_1292, %mul3A_1293 : vector<7x64xf32>
    %reduce_sum3A_1295 = arith.constant dense<0.000000e+00> : vector<7xf32>
    %reduce_sum3A_1296 = vector.multi_reduction <add>, %mul3A_1294, %reduce_sum3A_1295 [1] : vector<7x64xf32> to vector<7xf32>
    %reduce_max3A_1297 = vector.shape_cast %reduce_sum3A_1296 : vector<7xf32> to vector<1x7xf32>
    %reduce_max3A_1298 = arith.constant dense<0xFF800000> : vector<1xf32>
    %reduce_max3A_1299 = vector.multi_reduction <maximumf>, %reduce_max3A_1297, %reduce_max3A_1298 [1] : vector<1x7xf32> to vector<1xf32>
    %reduce_max3A_1300 = vector.shape_cast %reduce_max3A_1299 : vector<1xf32> to vector<1x1xf32>
    %reduce_max3A_1301 = vector.extract %reduce_max3A_1300[0, 0] : f32 from vector<1x1xf32>
    %sub3A_1302 = vector.broadcast %reduce_max3A_1301 : f32 to vector<7xf32>
    %sub3A_1303 = arith.subf %reduce_sum3A_1296, %sub3A_1302 : vector<7xf32>
    %exp3A_1304 = math.exp %sub3A_1303 : vector<7xf32>
    %reduce_sum3A_1305 = vector.shape_cast %exp3A_1304 : vector<7xf32> to vector<1x7xf32>
    %reduce_sum3A_1306 = arith.constant dense<0.000000e+00> : vector<1xf32>
    %reduce_sum3A_1307 = vector.multi_reduction <add>, %reduce_sum3A_1305, %reduce_sum3A_1306 [1] : vector<1x7xf32> to vector<1xf32>
    %reduce_sum3A_1308 = vector.shape_cast %reduce_sum3A_1307 : vector<1xf32> to vector<1x1xf32>
    %reduce_sum3A_1309 = vector.extract %reduce_sum3A_1308[0, 0] : f32 from vector<1x1xf32>
    %div3A_1310 = vector.broadcast %reduce_sum3A_1309 : f32 to vector<7xf32>
    %div3A_1311 = arith.divf %exp3A_1304, %div3A_1310 : vector<7xf32>
    %broadcast_in_dim3A_1312 = vector.shape_cast %div3A_1311 : vector<7xf32> to vector<7x1xf32>
    %mul3A_1313 = vector.broadcast %broadcast_in_dim3A_1312 : vector<7x1xf32> to vector<7x270xf32>
    %mul3A_1314 = arith.mulf %mul3A_1313, %concatenate3A_1287 : vector<7x270xf32>
    %reduce_sum3A_1315 = arith.constant dense<0.000000e+00> : vector<270xf32>
    %reduce_sum3A_1316 = vector.multi_reduction <add>, %mul3A_1314, %reduce_sum3A_1315 [0] : vector<7x270xf32> to vector<270xf32>
    %broadcast_in_dim3A_1317 = vector.shape_cast %reduce_sum3A_1316 : vector<270xf32> to vector<1x270xf32>
    %slice3A_1318 = vector.extract_strided_slice %add3A_1160 {offsets = [4, 0], sizes = [1, 270], strides = [1, 1]} : vector<8x270xf32> to vector<1x270xf32>
    %slice3A_1319 = vector.extract_strided_slice %tanh3A_1185 {offsets = [24, 0], sizes = [6, 270], strides = [1, 1]} : vector<48x270xf32> to vector<6x270xf32>
    %concatenate3A_1320 = tpu.concatenate %slice3A_1318, %slice3A_1319 in 0 : vector<1x270xf32>, vector<6x270xf32> -> vector<7x270xf32>
    %dot_general3A_1321 = arith.constant dense<0.000000e+00> : vector<7x64xf32>
    %dot_general3A_1322 = tpu.matmul %concatenate3A_1320, %get3A_4, %dot_general3A_1321 {dimension_numbers = #tpu.dot_dimension_numbers<[1], [0], [0], [1], [0, 0, 1, 1], [], []>, transpose_lhs_hint = false} : vector<7x270xf32>, vector<270x64xf32>, vector<7x64xf32> -> vector<7x64xf32>
    %add3A_1323 = vector.broadcast %get3A_7 : vector<1x64xf32> to vector<7x64xf32>
    %add3A_1324 = arith.addf %dot_general3A_1322, %add3A_1323 : vector<7x64xf32>
    %tanh3A_1325 = math.tanh %add3A_1324 : vector<7x64xf32>
    %mul3A_1326 = vector.broadcast %get3A_10 : vector<1x64xf32> to vector<7x64xf32>
    %mul3A_1327 = arith.mulf %tanh3A_1325, %mul3A_1326 : vector<7x64xf32>
    %reduce_sum3A_1328 = arith.constant dense<0.000000e+00> : vector<7xf32>
    %reduce_sum3A_1329 = vector.multi_reduction <add>, %mul3A_1327, %reduce_sum3A_1328 [1] : vector<7x64xf32> to vector<7xf32>
    %reduce_max3A_1330 = vector.shape_cast %reduce_sum3A_1329 : vector<7xf32> to vector<1x7xf32>
    %reduce_max3A_1331 = arith.constant dense<0xFF800000> : vector<1xf32>
    %reduce_max3A_1332 = vector.multi_reduction <maximumf>, %reduce_max3A_1330, %reduce_max3A_1331 [1] : vector<1x7xf32> to vector<1xf32>
    %reduce_max3A_1333 = vector.shape_cast %reduce_max3A_1332 : vector<1xf32> to vector<1x1xf32>
    %reduce_max3A_1334 = vector.extract %reduce_max3A_1333[0, 0] : f32 from vector<1x1xf32>
    %sub3A_1335 = vector.broadcast %reduce_max3A_1334 : f32 to vector<7xf32>
    %sub3A_1336 = arith.subf %reduce_sum3A_1329, %sub3A_1335 : vector<7xf32>
    %exp3A_1337 = math.exp %sub3A_1336 : vector<7xf32>
    %reduce_sum3A_1338 = vector.shape_cast %exp3A_1337 : vector<7xf32> to vector<1x7xf32>
    %reduce_sum3A_1339 = arith.constant dense<0.000000e+00> : vector<1xf32>
    %reduce_sum3A_1340 = vector.multi_reduction <add>, %reduce_sum3A_1338, %reduce_sum3A_1339 [1] : vector<1x7xf32> to vector<1xf32>
    %reduce_sum3A_1341 = vector.shape_cast %reduce_sum3A_1340 : vector<1xf32> to vector<1x1xf32>
    %reduce_sum3A_1342 = vector.extract %reduce_sum3A_1341[0, 0] : f32 from vector<1x1xf32>
    %div3A_1343 = vector.broadcast %reduce_sum3A_1342 : f32 to vector<7xf32>
    %div3A_1344 = arith.divf %exp3A_1337, %div3A_1343 : vector<7xf32>
    %broadcast_in_dim3A_1345 = vector.shape_cast %div3A_1344 : vector<7xf32> to vector<7x1xf32>
    %mul3A_1346 = vector.broadcast %broadcast_in_dim3A_1345 : vector<7x1xf32> to vector<7x270xf32>
    %mul3A_1347 = arith.mulf %mul3A_1346, %concatenate3A_1320 : vector<7x270xf32>
    %reduce_sum3A_1348 = arith.constant dense<0.000000e+00> : vector<270xf32>
    %reduce_sum3A_1349 = vector.multi_reduction <add>, %mul3A_1347, %reduce_sum3A_1348 [0] : vector<7x270xf32> to vector<270xf32>
    %broadcast_in_dim3A_1350 = vector.shape_cast %reduce_sum3A_1349 : vector<270xf32> to vector<1x270xf32>
    %slice3A_1351 = vector.extract_strided_slice %add3A_1160 {offsets = [5, 0], sizes = [1, 270], strides = [1, 1]} : vector<8x270xf32> to vector<1x270xf32>
    %slice3A_1352 = vector.extract_strided_slice %tanh3A_1185 {offsets = [30, 0], sizes = [6, 270], strides = [1, 1]} : vector<48x270xf32> to vector<6x270xf32>
    %concatenate3A_1353 = tpu.concatenate %slice3A_1351, %slice3A_1352 in 0 : vector<1x270xf32>, vector<6x270xf32> -> vector<7x270xf32>
    %dot_general3A_1354 = arith.constant dense<0.000000e+00> : vector<7x64xf32>
    %dot_general3A_1355 = tpu.matmul %concatenate3A_1353, %get3A_4, %dot_general3A_1354 {dimension_numbers = #tpu.dot_dimension_numbers<[1], [0], [0], [1], [0, 0, 1, 1], [], []>, transpose_lhs_hint = false} : vector<7x270xf32>, vector<270x64xf32>, vector<7x64xf32> -> vector<7x64xf32>
    %add3A_1356 = vector.broadcast %get3A_7 : vector<1x64xf32> to vector<7x64xf32>
    %add3A_1357 = arith.addf %dot_general3A_1355, %add3A_1356 : vector<7x64xf32>
    %tanh3A_1358 = math.tanh %add3A_1357 : vector<7x64xf32>
    %mul3A_1359 = vector.broadcast %get3A_10 : vector<1x64xf32> to vector<7x64xf32>
    %mul3A_1360 = arith.mulf %tanh3A_1358, %mul3A_1359 : vector<7x64xf32>
    %reduce_sum3A_1361 = arith.constant dense<0.000000e+00> : vector<7xf32>
    %reduce_sum3A_1362 = vector.multi_reduction <add>, %mul3A_1360, %reduce_sum3A_1361 [1] : vector<7x64xf32> to vector<7xf32>
    %reduce_max3A_1363 = vector.shape_cast %reduce_sum3A_1362 : vector<7xf32> to vector<1x7xf32>
    %reduce_max3A_1364 = arith.constant dense<0xFF800000> : vector<1xf32>
    %reduce_max3A_1365 = vector.multi_reduction <maximumf>, %reduce_max3A_1363, %reduce_max3A_1364 [1] : vector<1x7xf32> to vector<1xf32>
    %reduce_max3A_1366 = vector.shape_cast %reduce_max3A_1365 : vector<1xf32> to vector<1x1xf32>
    %reduce_max3A_1367 = vector.extract %reduce_max3A_1366[0, 0] : f32 from vector<1x1xf32>
    %sub3A_1368 = vector.broadcast %reduce_max3A_1367 : f32 to vector<7xf32>
    %sub3A_1369 = arith.subf %reduce_sum3A_1362, %sub3A_1368 : vector<7xf32>
    %exp3A_1370 = math.exp %sub3A_1369 : vector<7xf32>
    %reduce_sum3A_1371 = vector.shape_cast %exp3A_1370 : vector<7xf32> to vector<1x7xf32>
    %reduce_sum3A_1372 = arith.constant dense<0.000000e+00> : vector<1xf32>
    %reduce_sum3A_1373 = vector.multi_reduction <add>, %reduce_sum3A_1371, %reduce_sum3A_1372 [1] : vector<1x7xf32> to vector<1xf32>
    %reduce_sum3A_1374 = vector.shape_cast %reduce_sum3A_1373 : vector<1xf32> to vector<1x1xf32>
    %reduce_sum3A_1375 = vector.extract %reduce_sum3A_1374[0, 0] : f32 from vector<1x1xf32>
    %div3A_1376 = vector.broadcast %reduce_sum3A_1375 : f32 to vector<7xf32>
    %div3A_1377 = arith.divf %exp3A_1370, %div3A_1376 : vector<7xf32>
    %broadcast_in_dim3A_1378 = vector.shape_cast %div3A_1377 : vector<7xf32> to vector<7x1xf32>
    %mul3A_1379 = vector.broadcast %broadcast_in_dim3A_1378 : vector<7x1xf32> to vector<7x270xf32>
    %mul3A_1380 = arith.mulf %mul3A_1379, %concatenate3A_1353 : vector<7x270xf32>
    %reduce_sum3A_1381 = arith.constant dense<0.000000e+00> : vector<270xf32>
    %reduce_sum3A_1382 = vector.multi_reduction <add>, %mul3A_1380, %reduce_sum3A_1381 [0] : vector<7x270xf32> to vector<270xf32>
    %broadcast_in_dim3A_1383 = vector.shape_cast %reduce_sum3A_1382 : vector<270xf32> to vector<1x270xf32>
    %slice3A_1384 = vector.extract_strided_slice %add3A_1160 {offsets = [6, 0], sizes = [1, 270], strides = [1, 1]} : vector<8x270xf32> to vector<1x270xf32>
    %slice3A_1385 = vector.extract_strided_slice %tanh3A_1185 {offsets = [36, 0], sizes = [6, 270], strides = [1, 1]} : vector<48x270xf32> to vector<6x270xf32>
    %concatenate3A_1386 = tpu.concatenate %slice3A_1384, %slice3A_1385 in 0 : vector<1x270xf32>, vector<6x270xf32> -> vector<7x270xf32>
    %dot_general3A_1387 = arith.constant dense<0.000000e+00> : vector<7x64xf32>
    %dot_general3A_1388 = tpu.matmul %concatenate3A_1386, %get3A_4, %dot_general3A_1387 {dimension_numbers = #tpu.dot_dimension_numbers<[1], [0], [0], [1], [0, 0, 1, 1], [], []>, transpose_lhs_hint = false} : vector<7x270xf32>, vector<270x64xf32>, vector<7x64xf32> -> vector<7x64xf32>
    %add3A_1389 = vector.broadcast %get3A_7 : vector<1x64xf32> to vector<7x64xf32>
    %add3A_1390 = arith.addf %dot_general3A_1388, %add3A_1389 : vector<7x64xf32>
    %tanh3A_1391 = math.tanh %add3A_1390 : vector<7x64xf32>
    %mul3A_1392 = vector.broadcast %get3A_10 : vector<1x64xf32> to vector<7x64xf32>
    %mul3A_1393 = arith.mulf %tanh3A_1391, %mul3A_1392 : vector<7x64xf32>
    %reduce_sum3A_1394 = arith.constant dense<0.000000e+00> : vector<7xf32>
    %reduce_sum3A_1395 = vector.multi_reduction <add>, %mul3A_1393, %reduce_sum3A_1394 [1] : vector<7x64xf32> to vector<7xf32>
    %reduce_max3A_1396 = vector.shape_cast %reduce_sum3A_1395 : vector<7xf32> to vector<1x7xf32>
    %reduce_max3A_1397 = arith.constant dense<0xFF800000> : vector<1xf32>
    %reduce_max3A_1398 = vector.multi_reduction <maximumf>, %reduce_max3A_1396, %reduce_max3A_1397 [1] : vector<1x7xf32> to vector<1xf32>
    %reduce_max3A_1399 = vector.shape_cast %reduce_max3A_1398 : vector<1xf32> to vector<1x1xf32>
    %reduce_max3A_1400 = vector.extract %reduce_max3A_1399[0, 0] : f32 from vector<1x1xf32>
    %sub3A_1401 = vector.broadcast %reduce_max3A_1400 : f32 to vector<7xf32>
    %sub3A_1402 = arith.subf %reduce_sum3A_1395, %sub3A_1401 : vector<7xf32>
    %exp3A_1403 = math.exp %sub3A_1402 : vector<7xf32>
    %reduce_sum3A_1404 = vector.shape_cast %exp3A_1403 : vector<7xf32> to vector<1x7xf32>
    %reduce_sum3A_1405 = arith.constant dense<0.000000e+00> : vector<1xf32>
    %reduce_sum3A_1406 = vector.multi_reduction <add>, %reduce_sum3A_1404, %reduce_sum3A_1405 [1] : vector<1x7xf32> to vector<1xf32>
    %reduce_sum3A_1407 = vector.shape_cast %reduce_sum3A_1406 : vector<1xf32> to vector<1x1xf32>
    %reduce_sum3A_1408 = vector.extract %reduce_sum3A_1407[0, 0] : f32 from vector<1x1xf32>
    %div3A_1409 = vector.broadcast %reduce_sum3A_1408 : f32 to vector<7xf32>
    %div3A_1410 = arith.divf %exp3A_1403, %div3A_1409 : vector<7xf32>
    %broadcast_in_dim3A_1411 = vector.shape_cast %div3A_1410 : vector<7xf32> to vector<7x1xf32>
    %mul3A_1412 = vector.broadcast %broadcast_in_dim3A_1411 : vector<7x1xf32> to vector<7x270xf32>
    %mul3A_1413 = arith.mulf %mul3A_1412, %concatenate3A_1386 : vector<7x270xf32>
    %reduce_sum3A_1414 = arith.constant dense<0.000000e+00> : vector<270xf32>
    %reduce_sum3A_1415 = vector.multi_reduction <add>, %mul3A_1413, %reduce_sum3A_1414 [0] : vector<7x270xf32> to vector<270xf32>
    %broadcast_in_dim3A_1416 = vector.shape_cast %reduce_sum3A_1415 : vector<270xf32> to vector<1x270xf32>
    %slice3A_1417 = vector.extract_strided_slice %add3A_1160 {offsets = [7, 0], sizes = [1, 270], strides = [1, 1]} : vector<8x270xf32> to vector<1x270xf32>
    %slice3A_1418 = vector.extract_strided_slice %tanh3A_1185 {offsets = [42, 0], sizes = [6, 270], strides = [1, 1]} : vector<48x270xf32> to vector<6x270xf32>
    %concatenate3A_1419 = tpu.concatenate %slice3A_1417, %slice3A_1418 in 0 : vector<1x270xf32>, vector<6x270xf32> -> vector<7x270xf32>
    %dot_general3A_1420 = arith.constant dense<0.000000e+00> : vector<7x64xf32>
    %dot_general3A_1421 = tpu.matmul %concatenate3A_1419, %get3A_4, %dot_general3A_1420 {dimension_numbers = #tpu.dot_dimension_numbers<[1], [0], [0], [1], [0, 0, 1, 1], [], []>, transpose_lhs_hint = false} : vector<7x270xf32>, vector<270x64xf32>, vector<7x64xf32> -> vector<7x64xf32>
    %add3A_1422 = vector.broadcast %get3A_7 : vector<1x64xf32> to vector<7x64xf32>
    %add3A_1423 = arith.addf %dot_general3A_1421, %add3A_1422 : vector<7x64xf32>
    %tanh3A_1424 = math.tanh %add3A_1423 : vector<7x64xf32>
    %mul3A_1425 = vector.broadcast %get3A_10 : vector<1x64xf32> to vector<7x64xf32>
    %mul3A_1426 = arith.mulf %tanh3A_1424, %mul3A_1425 : vector<7x64xf32>
    %reduce_sum3A_1427 = arith.constant dense<0.000000e+00> : vector<7xf32>
    %reduce_sum3A_1428 = vector.multi_reduction <add>, %mul3A_1426, %reduce_sum3A_1427 [1] : vector<7x64xf32> to vector<7xf32>
    %reduce_max3A_1429 = vector.shape_cast %reduce_sum3A_1428 : vector<7xf32> to vector<1x7xf32>
    %reduce_max3A_1430 = arith.constant dense<0xFF800000> : vector<1xf32>
    %reduce_max3A_1431 = vector.multi_reduction <maximumf>, %reduce_max3A_1429, %reduce_max3A_1430 [1] : vector<1x7xf32> to vector<1xf32>
    %reduce_max3A_1432 = vector.shape_cast %reduce_max3A_1431 : vector<1xf32> to vector<1x1xf32>
    %reduce_max3A_1433 = vector.extract %reduce_max3A_1432[0, 0] : f32 from vector<1x1xf32>
    %sub3A_1434 = vector.broadcast %reduce_max3A_1433 : f32 to vector<7xf32>
    %sub3A_1435 = arith.subf %reduce_sum3A_1428, %sub3A_1434 : vector<7xf32>
    %exp3A_1436 = math.exp %sub3A_1435 : vector<7xf32>
    %reduce_sum3A_1437 = vector.shape_cast %exp3A_1436 : vector<7xf32> to vector<1x7xf32>
    %reduce_sum3A_1438 = arith.constant dense<0.000000e+00> : vector<1xf32>
    %reduce_sum3A_1439 = vector.multi_reduction <add>, %reduce_sum3A_1437, %reduce_sum3A_1438 [1] : vector<1x7xf32> to vector<1xf32>
    %reduce_sum3A_1440 = vector.shape_cast %reduce_sum3A_1439 : vector<1xf32> to vector<1x1xf32>
    %reduce_sum3A_1441 = vector.extract %reduce_sum3A_1440[0, 0] : f32 from vector<1x1xf32>
    %div3A_1442 = vector.broadcast %reduce_sum3A_1441 : f32 to vector<7xf32>
    %div3A_1443 = arith.divf %exp3A_1436, %div3A_1442 : vector<7xf32>
    %broadcast_in_dim3A_1444 = vector.shape_cast %div3A_1443 : vector<7xf32> to vector<7x1xf32>
    %mul3A_1445 = vector.broadcast %broadcast_in_dim3A_1444 : vector<7x1xf32> to vector<7x270xf32>
    %mul3A_1446 = arith.mulf %mul3A_1445, %concatenate3A_1419 : vector<7x270xf32>
    %reduce_sum3A_1447 = arith.constant dense<0.000000e+00> : vector<270xf32>
    %reduce_sum3A_1448 = vector.multi_reduction <add>, %mul3A_1446, %reduce_sum3A_1447 [0] : vector<7x270xf32> to vector<270xf32>
    %broadcast_in_dim3A_1449 = vector.shape_cast %reduce_sum3A_1448 : vector<270xf32> to vector<1x270xf32>
    %concatenate3A_1450 = tpu.concatenate %broadcast_in_dim3A_119, %broadcast_in_dim3A_484, %broadcast_in_dim3A_851, %broadcast_in_dim3A_1218 in 0 : vector<1x270xf32>, vector<1x270xf32>, vector<1x270xf32>, vector<1x270xf32> -> vector<4x270xf32>
    %dot_general3A_1451 = arith.constant dense<0.000000e+00> : vector<4x64xf32>
    %dot_general3A_1452 = tpu.matmul %concatenate3A_1450, %get3A_4, %dot_general3A_1451 {dimension_numbers = #tpu.dot_dimension_numbers<[1], [0], [0], [1], [0, 0, 1, 1], [], []>, transpose_lhs_hint = false} : vector<4x270xf32>, vector<270x64xf32>, vector<4x64xf32> -> vector<4x64xf32>
    %add3A_1453 = vector.broadcast %get3A_7 : vector<1x64xf32> to vector<4x64xf32>
    %add3A_1454 = arith.addf %dot_general3A_1452, %add3A_1453 : vector<4x64xf32>
    %tanh3A_1455 = math.tanh %add3A_1454 : vector<4x64xf32>
    %mul3A_1456 = vector.broadcast %get3A_10 : vector<1x64xf32> to vector<4x64xf32>
    %mul3A_1457 = arith.mulf %tanh3A_1455, %mul3A_1456 : vector<4x64xf32>
    %reduce_sum3A_1458 = arith.constant dense<0.000000e+00> : vector<4xf32>
    %reduce_sum3A_1459 = vector.multi_reduction <add>, %mul3A_1457, %reduce_sum3A_1458 [1] : vector<4x64xf32> to vector<4xf32>
    %reduce_max3A_1460 = vector.shape_cast %reduce_sum3A_1459 : vector<4xf32> to vector<1x4xf32>
    %reduce_max3A_1461 = arith.constant dense<0xFF800000> : vector<1xf32>
    %reduce_max3A_1462 = vector.multi_reduction <maximumf>, %reduce_max3A_1460, %reduce_max3A_1461 [1] : vector<1x4xf32> to vector<1xf32>
    %reduce_max3A_1463 = vector.shape_cast %reduce_max3A_1462 : vector<1xf32> to vector<1x1xf32>
    %reduce_max3A_1464 = vector.extract %reduce_max3A_1463[0, 0] : f32 from vector<1x1xf32>
    %sub3A_1465 = vector.broadcast %reduce_max3A_1464 : f32 to vector<4xf32>
    %sub3A_1466 = arith.subf %reduce_sum3A_1459, %sub3A_1465 : vector<4xf32>
    %exp3A_1467 = math.exp %sub3A_1466 : vector<4xf32>
    %reduce_sum3A_1468 = vector.shape_cast %exp3A_1467 : vector<4xf32> to vector<1x4xf32>
    %reduce_sum3A_1469 = arith.constant dense<0.000000e+00> : vector<1xf32>
    %reduce_sum3A_1470 = vector.multi_reduction <add>, %reduce_sum3A_1468, %reduce_sum3A_1469 [1] : vector<1x4xf32> to vector<1xf32>
    %reduce_sum3A_1471 = vector.shape_cast %reduce_sum3A_1470 : vector<1xf32> to vector<1x1xf32>
    %reduce_sum3A_1472 = vector.extract %reduce_sum3A_1471[0, 0] : f32 from vector<1x1xf32>
    %div3A_1473 = vector.broadcast %reduce_sum3A_1472 : f32 to vector<4xf32>
    %div3A_1474 = arith.divf %exp3A_1467, %div3A_1473 : vector<4xf32>
    %broadcast_in_dim3A_1475 = vector.shape_cast %div3A_1474 : vector<4xf32> to vector<4x1xf32>
    %mul3A_1476 = vector.broadcast %broadcast_in_dim3A_1475 : vector<4x1xf32> to vector<4x270xf32>
    %mul3A_1477 = arith.mulf %mul3A_1476, %concatenate3A_1450 : vector<4x270xf32>
    %reduce_sum3A_1478 = arith.constant dense<0.000000e+00> : vector<270xf32>
    %reduce_sum3A_1479 = vector.multi_reduction <add>, %mul3A_1477, %reduce_sum3A_1478 [0] : vector<4x270xf32> to vector<270xf32>
    %broadcast_in_dim3A_1480 = vector.shape_cast %reduce_sum3A_1479 : vector<270xf32> to vector<1x270xf32>
    %get3A_1481 = arith.constant 0 : index
    %get3A_1482 = arith.constant 0 : index
    %get3A_1483 = vector.load %arg16[%get3A_1481, %get3A_1482] : memref<270x1xf32, #tpu.memory_space<vmem>>, vector<270x1xf32>
    %dot_general3A_1484 = arith.constant dense<0.000000e+00> : vector<1x1xf32>
    %dot_general3A_1485 = tpu.matmul %broadcast_in_dim3A_1480, %get3A_1483, %dot_general3A_1484 {dimension_numbers = #tpu.dot_dimension_numbers<[1], [0], [0], [1], [0, 0, 1, 1], [], []>, transpose_lhs_hint = false} : vector<1x270xf32>, vector<270x1xf32>, vector<1x1xf32> -> vector<1x1xf32>
    %get3A_1486 = arith.constant 0 : index
    %get3A_1487 = arith.constant 0 : index
    %get3A_1488 = vector.load %arg17[%get3A_1486, %get3A_1487] : memref<1x1xf32, #tpu.memory_space<vmem>>, vector<1x1xf32>
    %add3A_1489 = arith.addf %dot_general3A_1485, %get3A_1488 : vector<1x1xf32>
    %concatenate3A_1490 = tpu.concatenate %broadcast_in_dim3A_152, %broadcast_in_dim3A_517, %broadcast_in_dim3A_884, %broadcast_in_dim3A_1251 in 0 : vector<1x270xf32>, vector<1x270xf32>, vector<1x270xf32>, vector<1x270xf32> -> vector<4x270xf32>
    %dot_general3A_1491 = arith.constant dense<0.000000e+00> : vector<4x64xf32>
    %dot_general3A_1492 = tpu.matmul %concatenate3A_1490, %get3A_4, %dot_general3A_1491 {dimension_numbers = #tpu.dot_dimension_numbers<[1], [0], [0], [1], [0, 0, 1, 1], [], []>, transpose_lhs_hint = false} : vector<4x270xf32>, vector<270x64xf32>, vector<4x64xf32> -> vector<4x64xf32>
    %add3A_1493 = vector.broadcast %get3A_7 : vector<1x64xf32> to vector<4x64xf32>
    %add3A_1494 = arith.addf %dot_general3A_1492, %add3A_1493 : vector<4x64xf32>
    %tanh3A_1495 = math.tanh %add3A_1494 : vector<4x64xf32>
    %mul3A_1496 = vector.broadcast %get3A_10 : vector<1x64xf32> to vector<4x64xf32>
    %mul3A_1497 = arith.mulf %tanh3A_1495, %mul3A_1496 : vector<4x64xf32>
    %reduce_sum3A_1498 = arith.constant dense<0.000000e+00> : vector<4xf32>
    %reduce_sum3A_1499 = vector.multi_reduction <add>, %mul3A_1497, %reduce_sum3A_1498 [1] : vector<4x64xf32> to vector<4xf32>
    %reduce_max3A_1500 = vector.shape_cast %reduce_sum3A_1499 : vector<4xf32> to vector<1x4xf32>
    %reduce_max3A_1501 = arith.constant dense<0xFF800000> : vector<1xf32>
    %reduce_max3A_1502 = vector.multi_reduction <maximumf>, %reduce_max3A_1500, %reduce_max3A_1501 [1] : vector<1x4xf32> to vector<1xf32>
    %reduce_max3A_1503 = vector.shape_cast %reduce_max3A_1502 : vector<1xf32> to vector<1x1xf32>
    %reduce_max3A_1504 = vector.extract %reduce_max3A_1503[0, 0] : f32 from vector<1x1xf32>
    %sub3A_1505 = vector.broadcast %reduce_max3A_1504 : f32 to vector<4xf32>
    %sub3A_1506 = arith.subf %reduce_sum3A_1499, %sub3A_1505 : vector<4xf32>
    %exp3A_1507 = math.exp %sub3A_1506 : vector<4xf32>
    %reduce_sum3A_1508 = vector.shape_cast %exp3A_1507 : vector<4xf32> to vector<1x4xf32>
    %reduce_sum3A_1509 = arith.constant dense<0.000000e+00> : vector<1xf32>
    %reduce_sum3A_1510 = vector.multi_reduction <add>, %reduce_sum3A_1508, %reduce_sum3A_1509 [1] : vector<1x4xf32> to vector<1xf32>
    %reduce_sum3A_1511 = vector.shape_cast %reduce_sum3A_1510 : vector<1xf32> to vector<1x1xf32>
    %reduce_sum3A_1512 = vector.extract %reduce_sum3A_1511[0, 0] : f32 from vector<1x1xf32>
    %div3A_1513 = vector.broadcast %reduce_sum3A_1512 : f32 to vector<4xf32>
    %div3A_1514 = arith.divf %exp3A_1507, %div3A_1513 : vector<4xf32>
    %broadcast_in_dim3A_1515 = vector.shape_cast %div3A_1514 : vector<4xf32> to vector<4x1xf32>
    %mul3A_1516 = vector.broadcast %broadcast_in_dim3A_1515 : vector<4x1xf32> to vector<4x270xf32>
    %mul3A_1517 = arith.mulf %mul3A_1516, %concatenate3A_1490 : vector<4x270xf32>
    %reduce_sum3A_1518 = arith.constant dense<0.000000e+00> : vector<270xf32>
    %reduce_sum3A_1519 = vector.multi_reduction <add>, %mul3A_1517, %reduce_sum3A_1518 [0] : vector<4x270xf32> to vector<270xf32>
    %broadcast_in_dim3A_1520 = vector.shape_cast %reduce_sum3A_1519 : vector<270xf32> to vector<1x270xf32>
    %get3A_1521 = arith.constant 0 : index
    %get3A_1522 = arith.constant 0 : index
    %get3A_1523 = vector.load %arg16[%get3A_1521, %get3A_1522] : memref<270x1xf32, #tpu.memory_space<vmem>>, vector<270x1xf32>
    %dot_general3A_1524 = arith.constant dense<0.000000e+00> : vector<1x1xf32>
    %dot_general3A_1525 = tpu.matmul %broadcast_in_dim3A_1520, %get3A_1523, %dot_general3A_1524 {dimension_numbers = #tpu.dot_dimension_numbers<[1], [0], [0], [1], [0, 0, 1, 1], [], []>, transpose_lhs_hint = false} : vector<1x270xf32>, vector<270x1xf32>, vector<1x1xf32> -> vector<1x1xf32>
    %get3A_1526 = arith.constant 0 : index
    %get3A_1527 = arith.constant 0 : index
    %get3A_1528 = vector.load %arg17[%get3A_1526, %get3A_1527] : memref<1x1xf32, #tpu.memory_space<vmem>>, vector<1x1xf32>
    %add3A_1529 = arith.addf %dot_general3A_1525, %get3A_1528 : vector<1x1xf32>
    %concatenate3A_1530 = tpu.concatenate %broadcast_in_dim3A_185, %broadcast_in_dim3A_550, %broadcast_in_dim3A_917, %broadcast_in_dim3A_1284 in 0 : vector<1x270xf32>, vector<1x270xf32>, vector<1x270xf32>, vector<1x270xf32> -> vector<4x270xf32>
    %dot_general3A_1531 = arith.constant dense<0.000000e+00> : vector<4x64xf32>
    %dot_general3A_1532 = tpu.matmul %concatenate3A_1530, %get3A_4, %dot_general3A_1531 {dimension_numbers = #tpu.dot_dimension_numbers<[1], [0], [0], [1], [0, 0, 1, 1], [], []>, transpose_lhs_hint = false} : vector<4x270xf32>, vector<270x64xf32>, vector<4x64xf32> -> vector<4x64xf32>
    %add3A_1533 = vector.broadcast %get3A_7 : vector<1x64xf32> to vector<4x64xf32>
    %add3A_1534 = arith.addf %dot_general3A_1532, %add3A_1533 : vector<4x64xf32>
    %tanh3A_1535 = math.tanh %add3A_1534 : vector<4x64xf32>
    %mul3A_1536 = vector.broadcast %get3A_10 : vector<1x64xf32> to vector<4x64xf32>
    %mul3A_1537 = arith.mulf %tanh3A_1535, %mul3A_1536 : vector<4x64xf32>
    %reduce_sum3A_1538 = arith.constant dense<0.000000e+00> : vector<4xf32>
    %reduce_sum3A_1539 = vector.multi_reduction <add>, %mul3A_1537, %reduce_sum3A_1538 [1] : vector<4x64xf32> to vector<4xf32>
    %reduce_max3A_1540 = vector.shape_cast %reduce_sum3A_1539 : vector<4xf32> to vector<1x4xf32>
    %reduce_max3A_1541 = arith.constant dense<0xFF800000> : vector<1xf32>
    %reduce_max3A_1542 = vector.multi_reduction <maximumf>, %reduce_max3A_1540, %reduce_max3A_1541 [1] : vector<1x4xf32> to vector<1xf32>
    %reduce_max3A_1543 = vector.shape_cast %reduce_max3A_1542 : vector<1xf32> to vector<1x1xf32>
    %reduce_max3A_1544 = vector.extract %reduce_max3A_1543[0, 0] : f32 from vector<1x1xf32>
    %sub3A_1545 = vector.broadcast %reduce_max3A_1544 : f32 to vector<4xf32>
    %sub3A_1546 = arith.subf %reduce_sum3A_1539, %sub3A_1545 : vector<4xf32>
    %exp3A_1547 = math.exp %sub3A_1546 : vector<4xf32>
    %reduce_sum3A_1548 = vector.shape_cast %exp3A_1547 : vector<4xf32> to vector<1x4xf32>
    %reduce_sum3A_1549 = arith.constant dense<0.000000e+00> : vector<1xf32>
    %reduce_sum3A_1550 = vector.multi_reduction <add>, %reduce_sum3A_1548, %reduce_sum3A_1549 [1] : vector<1x4xf32> to vector<1xf32>
    %reduce_sum3A_1551 = vector.shape_cast %reduce_sum3A_1550 : vector<1xf32> to vector<1x1xf32>
    %reduce_sum3A_1552 = vector.extract %reduce_sum3A_1551[0, 0] : f32 from vector<1x1xf32>
    %div3A_1553 = vector.broadcast %reduce_sum3A_1552 : f32 to vector<4xf32>
    %div3A_1554 = arith.divf %exp3A_1547, %div3A_1553 : vector<4xf32>
    %broadcast_in_dim3A_1555 = vector.shape_cast %div3A_1554 : vector<4xf32> to vector<4x1xf32>
    %mul3A_1556 = vector.broadcast %broadcast_in_dim3A_1555 : vector<4x1xf32> to vector<4x270xf32>
    %mul3A_1557 = arith.mulf %mul3A_1556, %concatenate3A_1530 : vector<4x270xf32>
    %reduce_sum3A_1558 = arith.constant dense<0.000000e+00> : vector<270xf32>
    %reduce_sum3A_1559 = vector.multi_reduction <add>, %mul3A_1557, %reduce_sum3A_1558 [0] : vector<4x270xf32> to vector<270xf32>
    %broadcast_in_dim3A_1560 = vector.shape_cast %reduce_sum3A_1559 : vector<270xf32> to vector<1x270xf32>
    %get3A_1561 = arith.constant 0 : index
    %get3A_1562 = arith.constant 0 : index
    %get3A_1563 = vector.load %arg16[%get3A_1561, %get3A_1562] : memref<270x1xf32, #tpu.memory_space<vmem>>, vector<270x1xf32>
    %dot_general3A_1564 = arith.constant dense<0.000000e+00> : vector<1x1xf32>
    %dot_general3A_1565 = tpu.matmul %broadcast_in_dim3A_1560, %get3A_1563, %dot_general3A_1564 {dimension_numbers = #tpu.dot_dimension_numbers<[1], [0], [0], [1], [0, 0, 1, 1], [], []>, transpose_lhs_hint = false} : vector<1x270xf32>, vector<270x1xf32>, vector<1x1xf32> -> vector<1x1xf32>
    %get3A_1566 = arith.constant 0 : index
    %get3A_1567 = arith.constant 0 : index
    %get3A_1568 = vector.load %arg17[%get3A_1566, %get3A_1567] : memref<1x1xf32, #tpu.memory_space<vmem>>, vector<1x1xf32>
    %add3A_1569 = arith.addf %dot_general3A_1565, %get3A_1568 : vector<1x1xf32>
    %concatenate3A_1570 = tpu.concatenate %broadcast_in_dim3A_218, %broadcast_in_dim3A_583, %broadcast_in_dim3A_950, %broadcast_in_dim3A_1317 in 0 : vector<1x270xf32>, vector<1x270xf32>, vector<1x270xf32>, vector<1x270xf32> -> vector<4x270xf32>
    %dot_general3A_1571 = arith.constant dense<0.000000e+00> : vector<4x64xf32>
    %dot_general3A_1572 = tpu.matmul %concatenate3A_1570, %get3A_4, %dot_general3A_1571 {dimension_numbers = #tpu.dot_dimension_numbers<[1], [0], [0], [1], [0, 0, 1, 1], [], []>, transpose_lhs_hint = false} : vector<4x270xf32>, vector<270x64xf32>, vector<4x64xf32> -> vector<4x64xf32>
    %add3A_1573 = vector.broadcast %get3A_7 : vector<1x64xf32> to vector<4x64xf32>
    %add3A_1574 = arith.addf %dot_general3A_1572, %add3A_1573 : vector<4x64xf32>
    %tanh3A_1575 = math.tanh %add3A_1574 : vector<4x64xf32>
    %mul3A_1576 = vector.broadcast %get3A_10 : vector<1x64xf32> to vector<4x64xf32>
    %mul3A_1577 = arith.mulf %tanh3A_1575, %mul3A_1576 : vector<4x64xf32>
    %reduce_sum3A_1578 = arith.constant dense<0.000000e+00> : vector<4xf32>
    %reduce_sum3A_1579 = vector.multi_reduction <add>, %mul3A_1577, %reduce_sum3A_1578 [1] : vector<4x64xf32> to vector<4xf32>
    %reduce_max3A_1580 = vector.shape_cast %reduce_sum3A_1579 : vector<4xf32> to vector<1x4xf32>
    %reduce_max3A_1581 = arith.constant dense<0xFF800000> : vector<1xf32>
    %reduce_max3A_1582 = vector.multi_reduction <maximumf>, %reduce_max3A_1580, %reduce_max3A_1581 [1] : vector<1x4xf32> to vector<1xf32>
    %reduce_max3A_1583 = vector.shape_cast %reduce_max3A_1582 : vector<1xf32> to vector<1x1xf32>
    %reduce_max3A_1584 = vector.extract %reduce_max3A_1583[0, 0] : f32 from vector<1x1xf32>
    %sub3A_1585 = vector.broadcast %reduce_max3A_1584 : f32 to vector<4xf32>
    %sub3A_1586 = arith.subf %reduce_sum3A_1579, %sub3A_1585 : vector<4xf32>
    %exp3A_1587 = math.exp %sub3A_1586 : vector<4xf32>
    %reduce_sum3A_1588 = vector.shape_cast %exp3A_1587 : vector<4xf32> to vector<1x4xf32>
    %reduce_sum3A_1589 = arith.constant dense<0.000000e+00> : vector<1xf32>
    %reduce_sum3A_1590 = vector.multi_reduction <add>, %reduce_sum3A_1588, %reduce_sum3A_1589 [1] : vector<1x4xf32> to vector<1xf32>
    %reduce_sum3A_1591 = vector.shape_cast %reduce_sum3A_1590 : vector<1xf32> to vector<1x1xf32>
    %reduce_sum3A_1592 = vector.extract %reduce_sum3A_1591[0, 0] : f32 from vector<1x1xf32>
    %div3A_1593 = vector.broadcast %reduce_sum3A_1592 : f32 to vector<4xf32>
    %div3A_1594 = arith.divf %exp3A_1587, %div3A_1593 : vector<4xf32>
    %broadcast_in_dim3A_1595 = vector.shape_cast %div3A_1594 : vector<4xf32> to vector<4x1xf32>
    %mul3A_1596 = vector.broadcast %broadcast_in_dim3A_1595 : vector<4x1xf32> to vector<4x270xf32>
    %mul3A_1597 = arith.mulf %mul3A_1596, %concatenate3A_1570 : vector<4x270xf32>
    %reduce_sum3A_1598 = arith.constant dense<0.000000e+00> : vector<270xf32>
    %reduce_sum3A_1599 = vector.multi_reduction <add>, %mul3A_1597, %reduce_sum3A_1598 [0] : vector<4x270xf32> to vector<270xf32>
    %broadcast_in_dim3A_1600 = vector.shape_cast %reduce_sum3A_1599 : vector<270xf32> to vector<1x270xf32>
    %get3A_1601 = arith.constant 0 : index
    %get3A_1602 = arith.constant 0 : index
    %get3A_1603 = vector.load %arg16[%get3A_1601, %get3A_1602] : memref<270x1xf32, #tpu.memory_space<vmem>>, vector<270x1xf32>
    %dot_general3A_1604 = arith.constant dense<0.000000e+00> : vector<1x1xf32>
    %dot_general3A_1605 = tpu.matmul %broadcast_in_dim3A_1600, %get3A_1603, %dot_general3A_1604 {dimension_numbers = #tpu.dot_dimension_numbers<[1], [0], [0], [1], [0, 0, 1, 1], [], []>, transpose_lhs_hint = false} : vector<1x270xf32>, vector<270x1xf32>, vector<1x1xf32> -> vector<1x1xf32>
    %get3A_1606 = arith.constant 0 : index
    %get3A_1607 = arith.constant 0 : index
    %get3A_1608 = vector.load %arg17[%get3A_1606, %get3A_1607] : memref<1x1xf32, #tpu.memory_space<vmem>>, vector<1x1xf32>
    %add3A_1609 = arith.addf %dot_general3A_1605, %get3A_1608 : vector<1x1xf32>
    %concatenate3A_1610 = tpu.concatenate %broadcast_in_dim3A_251, %broadcast_in_dim3A_616, %broadcast_in_dim3A_983, %broadcast_in_dim3A_1350 in 0 : vector<1x270xf32>, vector<1x270xf32>, vector<1x270xf32>, vector<1x270xf32> -> vector<4x270xf32>
    %dot_general3A_1611 = arith.constant dense<0.000000e+00> : vector<4x64xf32>
    %dot_general3A_1612 = tpu.matmul %concatenate3A_1610, %get3A_4, %dot_general3A_1611 {dimension_numbers = #tpu.dot_dimension_numbers<[1], [0], [0], [1], [0, 0, 1, 1], [], []>, transpose_lhs_hint = false} : vector<4x270xf32>, vector<270x64xf32>, vector<4x64xf32> -> vector<4x64xf32>
    %add3A_1613 = vector.broadcast %get3A_7 : vector<1x64xf32> to vector<4x64xf32>
    %add3A_1614 = arith.addf %dot_general3A_1612, %add3A_1613 : vector<4x64xf32>
    %tanh3A_1615 = math.tanh %add3A_1614 : vector<4x64xf32>
    %mul3A_1616 = vector.broadcast %get3A_10 : vector<1x64xf32> to vector<4x64xf32>
    %mul3A_1617 = arith.mulf %tanh3A_1615, %mul3A_1616 : vector<4x64xf32>
    %reduce_sum3A_1618 = arith.constant dense<0.000000e+00> : vector<4xf32>
    %reduce_sum3A_1619 = vector.multi_reduction <add>, %mul3A_1617, %reduce_sum3A_1618 [1] : vector<4x64xf32> to vector<4xf32>
    %reduce_max3A_1620 = vector.shape_cast %reduce_sum3A_1619 : vector<4xf32> to vector<1x4xf32>
    %reduce_max3A_1621 = arith.constant dense<0xFF800000> : vector<1xf32>
    %reduce_max3A_1622 = vector.multi_reduction <maximumf>, %reduce_max3A_1620, %reduce_max3A_1621 [1] : vector<1x4xf32> to vector<1xf32>
    %reduce_max3A_1623 = vector.shape_cast %reduce_max3A_1622 : vector<1xf32> to vector<1x1xf32>
    %reduce_max3A_1624 = vector.extract %reduce_max3A_1623[0, 0] : f32 from vector<1x1xf32>
    %sub3A_1625 = vector.broadcast %reduce_max3A_1624 : f32 to vector<4xf32>
    %sub3A_1626 = arith.subf %reduce_sum3A_1619, %sub3A_1625 : vector<4xf32>
    %exp3A_1627 = math.exp %sub3A_1626 : vector<4xf32>
    %reduce_sum3A_1628 = vector.shape_cast %exp3A_1627 : vector<4xf32> to vector<1x4xf32>
    %reduce_sum3A_1629 = arith.constant dense<0.000000e+00> : vector<1xf32>
    %reduce_sum3A_1630 = vector.multi_reduction <add>, %reduce_sum3A_1628, %reduce_sum3A_1629 [1] : vector<1x4xf32> to vector<1xf32>
    %reduce_sum3A_1631 = vector.shape_cast %reduce_sum3A_1630 : vector<1xf32> to vector<1x1xf32>
    %reduce_sum3A_1632 = vector.extract %reduce_sum3A_1631[0, 0] : f32 from vector<1x1xf32>
    %div3A_1633 = vector.broadcast %reduce_sum3A_1632 : f32 to vector<4xf32>
    %div3A_1634 = arith.divf %exp3A_1627, %div3A_1633 : vector<4xf32>
    %broadcast_in_dim3A_1635 = vector.shape_cast %div3A_1634 : vector<4xf32> to vector<4x1xf32>
    %mul3A_1636 = vector.broadcast %broadcast_in_dim3A_1635 : vector<4x1xf32> to vector<4x270xf32>
    %mul3A_1637 = arith.mulf %mul3A_1636, %concatenate3A_1610 : vector<4x270xf32>
    %reduce_sum3A_1638 = arith.constant dense<0.000000e+00> : vector<270xf32>
    %reduce_sum3A_1639 = vector.multi_reduction <add>, %mul3A_1637, %reduce_sum3A_1638 [0] : vector<4x270xf32> to vector<270xf32>
    %broadcast_in_dim3A_1640 = vector.shape_cast %reduce_sum3A_1639 : vector<270xf32> to vector<1x270xf32>
    %get3A_1641 = arith.constant 0 : index
    %get3A_1642 = arith.constant 0 : index
    %get3A_1643 = vector.load %arg16[%get3A_1641, %get3A_1642] : memref<270x1xf32, #tpu.memory_space<vmem>>, vector<270x1xf32>
    %dot_general3A_1644 = arith.constant dense<0.000000e+00> : vector<1x1xf32>
    %dot_general3A_1645 = tpu.matmul %broadcast_in_dim3A_1640, %get3A_1643, %dot_general3A_1644 {dimension_numbers = #tpu.dot_dimension_numbers<[1], [0], [0], [1], [0, 0, 1, 1], [], []>, transpose_lhs_hint = false} : vector<1x270xf32>, vector<270x1xf32>, vector<1x1xf32> -> vector<1x1xf32>
    %get3A_1646 = arith.constant 0 : index
    %get3A_1647 = arith.constant 0 : index
    %get3A_1648 = vector.load %arg17[%get3A_1646, %get3A_1647] : memref<1x1xf32, #tpu.memory_space<vmem>>, vector<1x1xf32>
    %add3A_1649 = arith.addf %dot_general3A_1645, %get3A_1648 : vector<1x1xf32>
    %concatenate3A_1650 = tpu.concatenate %broadcast_in_dim3A_284, %broadcast_in_dim3A_649, %broadcast_in_dim3A_1016, %broadcast_in_dim3A_1383 in 0 : vector<1x270xf32>, vector<1x270xf32>, vector<1x270xf32>, vector<1x270xf32> -> vector<4x270xf32>
    %dot_general3A_1651 = arith.constant dense<0.000000e+00> : vector<4x64xf32>
    %dot_general3A_1652 = tpu.matmul %concatenate3A_1650, %get3A_4, %dot_general3A_1651 {dimension_numbers = #tpu.dot_dimension_numbers<[1], [0], [0], [1], [0, 0, 1, 1], [], []>, transpose_lhs_hint = false} : vector<4x270xf32>, vector<270x64xf32>, vector<4x64xf32> -> vector<4x64xf32>
    %add3A_1653 = vector.broadcast %get3A_7 : vector<1x64xf32> to vector<4x64xf32>
    %add3A_1654 = arith.addf %dot_general3A_1652, %add3A_1653 : vector<4x64xf32>
    %tanh3A_1655 = math.tanh %add3A_1654 : vector<4x64xf32>
    %mul3A_1656 = vector.broadcast %get3A_10 : vector<1x64xf32> to vector<4x64xf32>
    %mul3A_1657 = arith.mulf %tanh3A_1655, %mul3A_1656 : vector<4x64xf32>
    %reduce_sum3A_1658 = arith.constant dense<0.000000e+00> : vector<4xf32>
    %reduce_sum3A_1659 = vector.multi_reduction <add>, %mul3A_1657, %reduce_sum3A_1658 [1] : vector<4x64xf32> to vector<4xf32>
    %reduce_max3A_1660 = vector.shape_cast %reduce_sum3A_1659 : vector<4xf32> to vector<1x4xf32>
    %reduce_max3A_1661 = arith.constant dense<0xFF800000> : vector<1xf32>
    %reduce_max3A_1662 = vector.multi_reduction <maximumf>, %reduce_max3A_1660, %reduce_max3A_1661 [1] : vector<1x4xf32> to vector<1xf32>
    %reduce_max3A_1663 = vector.shape_cast %reduce_max3A_1662 : vector<1xf32> to vector<1x1xf32>
    %reduce_max3A_1664 = vector.extract %reduce_max3A_1663[0, 0] : f32 from vector<1x1xf32>
    %sub3A_1665 = vector.broadcast %reduce_max3A_1664 : f32 to vector<4xf32>
    %sub3A_1666 = arith.subf %reduce_sum3A_1659, %sub3A_1665 : vector<4xf32>
    %exp3A_1667 = math.exp %sub3A_1666 : vector<4xf32>
    %reduce_sum3A_1668 = vector.shape_cast %exp3A_1667 : vector<4xf32> to vector<1x4xf32>
    %reduce_sum3A_1669 = arith.constant dense<0.000000e+00> : vector<1xf32>
    %reduce_sum3A_1670 = vector.multi_reduction <add>, %reduce_sum3A_1668, %reduce_sum3A_1669 [1] : vector<1x4xf32> to vector<1xf32>
    %reduce_sum3A_1671 = vector.shape_cast %reduce_sum3A_1670 : vector<1xf32> to vector<1x1xf32>
    %reduce_sum3A_1672 = vector.extract %reduce_sum3A_1671[0, 0] : f32 from vector<1x1xf32>
    %div3A_1673 = vector.broadcast %reduce_sum3A_1672 : f32 to vector<4xf32>
    %div3A_1674 = arith.divf %exp3A_1667, %div3A_1673 : vector<4xf32>
    %broadcast_in_dim3A_1675 = vector.shape_cast %div3A_1674 : vector<4xf32> to vector<4x1xf32>
    %mul3A_1676 = vector.broadcast %broadcast_in_dim3A_1675 : vector<4x1xf32> to vector<4x270xf32>
    %mul3A_1677 = arith.mulf %mul3A_1676, %concatenate3A_1650 : vector<4x270xf32>
    %reduce_sum3A_1678 = arith.constant dense<0.000000e+00> : vector<270xf32>
    %reduce_sum3A_1679 = vector.multi_reduction <add>, %mul3A_1677, %reduce_sum3A_1678 [0] : vector<4x270xf32> to vector<270xf32>
    %broadcast_in_dim3A_1680 = vector.shape_cast %reduce_sum3A_1679 : vector<270xf32> to vector<1x270xf32>
    %get3A_1681 = arith.constant 0 : index
    %get3A_1682 = arith.constant 0 : index
    %get3A_1683 = vector.load %arg16[%get3A_1681, %get3A_1682] : memref<270x1xf32, #tpu.memory_space<vmem>>, vector<270x1xf32>
    %dot_general3A_1684 = arith.constant dense<0.000000e+00> : vector<1x1xf32>
    %dot_general3A_1685 = tpu.matmul %broadcast_in_dim3A_1680, %get3A_1683, %dot_general3A_1684 {dimension_numbers = #tpu.dot_dimension_numbers<[1], [0], [0], [1], [0, 0, 1, 1], [], []>, transpose_lhs_hint = false} : vector<1x270xf32>, vector<270x1xf32>, vector<1x1xf32> -> vector<1x1xf32>
    %get3A_1686 = arith.constant 0 : index
    %get3A_1687 = arith.constant 0 : index
    %get3A_1688 = vector.load %arg17[%get3A_1686, %get3A_1687] : memref<1x1xf32, #tpu.memory_space<vmem>>, vector<1x1xf32>
    %add3A_1689 = arith.addf %dot_general3A_1685, %get3A_1688 : vector<1x1xf32>
    %concatenate3A_1690 = tpu.concatenate %broadcast_in_dim3A_317, %broadcast_in_dim3A_682, %broadcast_in_dim3A_1049, %broadcast_in_dim3A_1416 in 0 : vector<1x270xf32>, vector<1x270xf32>, vector<1x270xf32>, vector<1x270xf32> -> vector<4x270xf32>
    %dot_general3A_1691 = arith.constant dense<0.000000e+00> : vector<4x64xf32>
    %dot_general3A_1692 = tpu.matmul %concatenate3A_1690, %get3A_4, %dot_general3A_1691 {dimension_numbers = #tpu.dot_dimension_numbers<[1], [0], [0], [1], [0, 0, 1, 1], [], []>, transpose_lhs_hint = false} : vector<4x270xf32>, vector<270x64xf32>, vector<4x64xf32> -> vector<4x64xf32>
    %add3A_1693 = vector.broadcast %get3A_7 : vector<1x64xf32> to vector<4x64xf32>
    %add3A_1694 = arith.addf %dot_general3A_1692, %add3A_1693 : vector<4x64xf32>
    %tanh3A_1695 = math.tanh %add3A_1694 : vector<4x64xf32>
    %mul3A_1696 = vector.broadcast %get3A_10 : vector<1x64xf32> to vector<4x64xf32>
    %mul3A_1697 = arith.mulf %tanh3A_1695, %mul3A_1696 : vector<4x64xf32>
    %reduce_sum3A_1698 = arith.constant dense<0.000000e+00> : vector<4xf32>
    %reduce_sum3A_1699 = vector.multi_reduction <add>, %mul3A_1697, %reduce_sum3A_1698 [1] : vector<4x64xf32> to vector<4xf32>
    %reduce_max3A_1700 = vector.shape_cast %reduce_sum3A_1699 : vector<4xf32> to vector<1x4xf32>
    %reduce_max3A_1701 = arith.constant dense<0xFF800000> : vector<1xf32>
    %reduce_max3A_1702 = vector.multi_reduction <maximumf>, %reduce_max3A_1700, %reduce_max3A_1701 [1] : vector<1x4xf32> to vector<1xf32>
    %reduce_max3A_1703 = vector.shape_cast %reduce_max3A_1702 : vector<1xf32> to vector<1x1xf32>
    %reduce_max3A_1704 = vector.extract %reduce_max3A_1703[0, 0] : f32 from vector<1x1xf32>
    %sub3A_1705 = vector.broadcast %reduce_max3A_1704 : f32 to vector<4xf32>
    %sub3A_1706 = arith.subf %reduce_sum3A_1699, %sub3A_1705 : vector<4xf32>
    %exp3A_1707 = math.exp %sub3A_1706 : vector<4xf32>
    %reduce_sum3A_1708 = vector.shape_cast %exp3A_1707 : vector<4xf32> to vector<1x4xf32>
    %reduce_sum3A_1709 = arith.constant dense<0.000000e+00> : vector<1xf32>
    %reduce_sum3A_1710 = vector.multi_reduction <add>, %reduce_sum3A_1708, %reduce_sum3A_1709 [1] : vector<1x4xf32> to vector<1xf32>
    %reduce_sum3A_1711 = vector.shape_cast %reduce_sum3A_1710 : vector<1xf32> to vector<1x1xf32>
    %reduce_sum3A_1712 = vector.extract %reduce_sum3A_1711[0, 0] : f32 from vector<1x1xf32>
    %div3A_1713 = vector.broadcast %reduce_sum3A_1712 : f32 to vector<4xf32>
    %div3A_1714 = arith.divf %exp3A_1707, %div3A_1713 : vector<4xf32>
    %broadcast_in_dim3A_1715 = vector.shape_cast %div3A_1714 : vector<4xf32> to vector<4x1xf32>
    %mul3A_1716 = vector.broadcast %broadcast_in_dim3A_1715 : vector<4x1xf32> to vector<4x270xf32>
    %mul3A_1717 = arith.mulf %mul3A_1716, %concatenate3A_1690 : vector<4x270xf32>
    %reduce_sum3A_1718 = arith.constant dense<0.000000e+00> : vector<270xf32>
    %reduce_sum3A_1719 = vector.multi_reduction <add>, %mul3A_1717, %reduce_sum3A_1718 [0] : vector<4x270xf32> to vector<270xf32>
    %broadcast_in_dim3A_1720 = vector.shape_cast %reduce_sum3A_1719 : vector<270xf32> to vector<1x270xf32>
    %get3A_1721 = arith.constant 0 : index
    %get3A_1722 = arith.constant 0 : index
    %get3A_1723 = vector.load %arg16[%get3A_1721, %get3A_1722] : memref<270x1xf32, #tpu.memory_space<vmem>>, vector<270x1xf32>
    %dot_general3A_1724 = arith.constant dense<0.000000e+00> : vector<1x1xf32>
    %dot_general3A_1725 = tpu.matmul %broadcast_in_dim3A_1720, %get3A_1723, %dot_general3A_1724 {dimension_numbers = #tpu.dot_dimension_numbers<[1], [0], [0], [1], [0, 0, 1, 1], [], []>, transpose_lhs_hint = false} : vector<1x270xf32>, vector<270x1xf32>, vector<1x1xf32> -> vector<1x1xf32>
    %get3A_1726 = arith.constant 0 : index
    %get3A_1727 = arith.constant 0 : index
    %get3A_1728 = vector.load %arg17[%get3A_1726, %get3A_1727] : memref<1x1xf32, #tpu.memory_space<vmem>>, vector<1x1xf32>
    %add3A_1729 = arith.addf %dot_general3A_1725, %get3A_1728 : vector<1x1xf32>
    %concatenate3A_1730 = tpu.concatenate %broadcast_in_dim3A_350, %broadcast_in_dim3A_715, %broadcast_in_dim3A_1082, %broadcast_in_dim3A_1449 in 0 : vector<1x270xf32>, vector<1x270xf32>, vector<1x270xf32>, vector<1x270xf32> -> vector<4x270xf32>
    %dot_general3A_1731 = arith.constant dense<0.000000e+00> : vector<4x64xf32>
    %dot_general3A_1732 = tpu.matmul %concatenate3A_1730, %get3A_4, %dot_general3A_1731 {dimension_numbers = #tpu.dot_dimension_numbers<[1], [0], [0], [1], [0, 0, 1, 1], [], []>, transpose_lhs_hint = false} : vector<4x270xf32>, vector<270x64xf32>, vector<4x64xf32> -> vector<4x64xf32>
    %add3A_1733 = vector.broadcast %get3A_7 : vector<1x64xf32> to vector<4x64xf32>
    %add3A_1734 = arith.addf %dot_general3A_1732, %add3A_1733 : vector<4x64xf32>
    %tanh3A_1735 = math.tanh %add3A_1734 : vector<4x64xf32>
    %mul3A_1736 = vector.broadcast %get3A_10 : vector<1x64xf32> to vector<4x64xf32>
    %mul3A_1737 = arith.mulf %tanh3A_1735, %mul3A_1736 : vector<4x64xf32>
    %reduce_sum3A_1738 = arith.constant dense<0.000000e+00> : vector<4xf32>
    %reduce_sum3A_1739 = vector.multi_reduction <add>, %mul3A_1737, %reduce_sum3A_1738 [1] : vector<4x64xf32> to vector<4xf32>
    %reduce_max3A_1740 = vector.shape_cast %reduce_sum3A_1739 : vector<4xf32> to vector<1x4xf32>
    %reduce_max3A_1741 = arith.constant dense<0xFF800000> : vector<1xf32>
    %reduce_max3A_1742 = vector.multi_reduction <maximumf>, %reduce_max3A_1740, %reduce_max3A_1741 [1] : vector<1x4xf32> to vector<1xf32>
    %reduce_max3A_1743 = vector.shape_cast %reduce_max3A_1742 : vector<1xf32> to vector<1x1xf32>
    %reduce_max3A_1744 = vector.extract %reduce_max3A_1743[0, 0] : f32 from vector<1x1xf32>
    %sub3A_1745 = vector.broadcast %reduce_max3A_1744 : f32 to vector<4xf32>
    %sub3A_1746 = arith.subf %reduce_sum3A_1739, %sub3A_1745 : vector<4xf32>
    %exp3A_1747 = math.exp %sub3A_1746 : vector<4xf32>
    %reduce_sum3A_1748 = vector.shape_cast %exp3A_1747 : vector<4xf32> to vector<1x4xf32>
    %reduce_sum3A_1749 = arith.constant dense<0.000000e+00> : vector<1xf32>
    %reduce_sum3A_1750 = vector.multi_reduction <add>, %reduce_sum3A_1748, %reduce_sum3A_1749 [1] : vector<1x4xf32> to vector<1xf32>
    %reduce_sum3A_1751 = vector.shape_cast %reduce_sum3A_1750 : vector<1xf32> to vector<1x1xf32>
    %reduce_sum3A_1752 = vector.extract %reduce_sum3A_1751[0, 0] : f32 from vector<1x1xf32>
    %div3A_1753 = vector.broadcast %reduce_sum3A_1752 : f32 to vector<4xf32>
    %div3A_1754 = arith.divf %exp3A_1747, %div3A_1753 : vector<4xf32>
    %broadcast_in_dim3A_1755 = vector.shape_cast %div3A_1754 : vector<4xf32> to vector<4x1xf32>
    %mul3A_1756 = vector.broadcast %broadcast_in_dim3A_1755 : vector<4x1xf32> to vector<4x270xf32>
    %mul3A_1757 = arith.mulf %mul3A_1756, %concatenate3A_1730 : vector<4x270xf32>
    %reduce_sum3A_1758 = arith.constant dense<0.000000e+00> : vector<270xf32>
    %reduce_sum3A_1759 = vector.multi_reduction <add>, %mul3A_1757, %reduce_sum3A_1758 [0] : vector<4x270xf32> to vector<270xf32>
    %broadcast_in_dim3A_1760 = vector.shape_cast %reduce_sum3A_1759 : vector<270xf32> to vector<1x270xf32>
    %get3A_1761 = arith.constant 0 : index
    %get3A_1762 = arith.constant 0 : index
    %get3A_1763 = vector.load %arg16[%get3A_1761, %get3A_1762] : memref<270x1xf32, #tpu.memory_space<vmem>>, vector<270x1xf32>
    %dot_general3A_1764 = arith.constant dense<0.000000e+00> : vector<1x1xf32>
    %dot_general3A_1765 = tpu.matmul %broadcast_in_dim3A_1760, %get3A_1763, %dot_general3A_1764 {dimension_numbers = #tpu.dot_dimension_numbers<[1], [0], [0], [1], [0, 0, 1, 1], [], []>, transpose_lhs_hint = false} : vector<1x270xf32>, vector<270x1xf32>, vector<1x1xf32> -> vector<1x1xf32>
    %get3A_1766 = arith.constant 0 : index
    %get3A_1767 = arith.constant 0 : index
    %get3A_1768 = vector.load %arg17[%get3A_1766, %get3A_1767] : memref<1x1xf32, #tpu.memory_space<vmem>>, vector<1x1xf32>
    %add3A_1769 = arith.addf %dot_general3A_1765, %get3A_1768 : vector<1x1xf32>
    %concatenate3A_1770 = tpu.concatenate %add3A_1489, %add3A_1529, %add3A_1569, %add3A_1609, %add3A_1649, %add3A_1689, %add3A_1729, %add3A_1769 in 0 : vector<1x1xf32>, vector<1x1xf32>, vector<1x1xf32>, vector<1x1xf32>, vector<1x1xf32>, vector<1x1xf32>, vector<1x1xf32>, vector<1x1xf32> -> vector<8x1xf32>
    %swap3A = arith.constant 0 : index
    %swap3A_1771 = arith.constant 0 : index
    %swap3A_1772 = vector.load %arg18[%swap3A, %swap3A_1771] : memref<8x1xf32, #tpu.memory_space<vmem>>, vector<8x1xf32>
    tpu.vector_store %arg18[%swap3A, %swap3A_1771], %concatenate3A_1770 {strides = array<i32>} : memref<8x1xf32, #tpu.memory_space<vmem>>, vector<8x1xf32>,
    return
  }
}

</mosaic_0001>

<sc_bundles>
// kernel: gather_offload_async_start
scs
__scs_entry_jumppad:
0x0: {  	(pc) =	sbr.rel $0x88, $3  }
0x1: {  	(tag) =	ssettag $0x0;
	lr =	simm.s32 $0x1  }
0x2: {  	[smem:$0x3F8A] =	sst lr;
	_ =	strace $0xD0000000  }
0x3: {  	_ = 	snop  }
0x4: {  	_ = 	snop  }
0x5: {  	_ = 	snop  }
0x6: {  	_ = 	snop  }
0x7: {  	_ = 	snop  }
__scs_overlays_trampoline_lowered:
0x8: {  	[smem:$0x3F99] =	sst s0  }
0x9: {  	[smem:$0x3F9A] =	sst s1  }
0xa: {  	[smem:$0x3F9B] =	sst s2  }
0xb: {  	[smem:$0x3F9C] =	sst s3  }
0xc: {  	[smem:$0x3F9D] =	sst s4  }
0xd: {  	[smem:$0x3F9E] =	sst s5  }
0xe: {  	[smem:$0x3F9F] =	sst s6  }
0xf: {  	[smem:$0x3FA0] =	sst s7  }
0x10: {  	[smem:$0x3FA1] =	sst s8  }
0x11: {  	[smem:$0x3FA2] =	sst s9;
	s0 =	simm.s32 @!p0 $0x0  }
0x12: {  	s1 =	sld [smem:$0x3F88];
	s0 =	simm.s32 @p0 $0x1  }
0x13: {  	[smem:$0x3FA3] =	sst s0;
	s0 =	simm.s32 @!p1 $0x0  }
0x14: {  	s2 =	sld [smem:$0x3F87];
	s0 =	simm.s32 @p1 $0x1  }
0x15: {  	[smem:$0x3FA4] =	sst s0;
	s0 =	simm.s32 @!p2 $0x0  }
0x16: {  	s3 =	sld [smem:$0x3FDB];
	s0 =	simm.s32 @p2 $0x1  }
0x17: {  	s4 =	simm.s32 $0x1BF5;
	[smem:$0x3FA6] =	sst s0  }
0x18: {  	s0 =	sld [smem:$0x3F89];
	_ =	swait.ge [sflag:s4], $0x0  }
0x19: {  	s7 =	sld [smem:$0x3F8A]  }
0x1a: {  	s8 =	sadd.s32 $0xFFFFE003, lr  }
0x1b: {  	s9 =	sadd.s32 $0xFFFFFEF7, lr;
	s5 =	simm.s32 $0xFFFFFFFF;
	p2 =	slt.u32 s8, $0xFFFFF086  }
0x1c: {  	p1 =	slt.u32 s9, $0xF7A;
	s5 =	simm.s32 @!p2 $0x0  }
0x1d: {  	s5 =	simm.s32 @p1 $0x1;
	p0 =	seq.s32 s7, s2  }
0x1e: {  	s7 =	smul.u32 @!p0 $0xF7A, s2;
	p2 =	seq.s32 @!p0 s5, $0x0  }
0x1f: {  	s9 =	smul.u32 $0xF7A, s1;
	s8 =	simm.s32 @!p0 $0x1BF5;
	p2 =	por !p2, p0  }
0x20: {  	[sflag:s8] =	ssyncset.s32 @!p0 $0xFFFFF086;
	s6 =	sadd.s32 @!p0 s3, s7;
	s7 =	simm.s32 @!p0 $0x108  }
0x21: {  	s3 =	sadd.s32 s3, s9;
	s6 =	sadd.s32 @!p0 $0x88, s6;
	s7 =	simm.s32 @p2 $0x1082  }
0x22: {  	[simem:s7], [sflag:s8] =	dma.local @!p0 [hbm:s6], $0xF7A  }
0x23: {  	s9 =	sor.u32 $0xD0000000, s2;
	s6 =	simm.s32 $0x108;
	_ =	swait.ge @!p0 [sflag:s8], $0x0  }
0x24: {  	s3 =	sadd.s32 $0x88, s3;
	s6 =	simm.s32 @!p1 $0x1082;
	[sflag:s4] =	ssyncset.s32 $0xFFFFF086  }
0x25: {  	[simem:s6], [sflag:s4] =	dma.local [hbm:s3], $0xF7A  }
0x26: {  	[smem:$0x3F8A] =	sst s1;
	(tag) =	ssettag s2;
	_ =	strace s9  }
0x27: {  	s1 =	sld [smem:$0x3F9A]  }
0x28: {  	s2 =	sld [smem:$0x3F9B]  }
0x29: {  	s4 =	sld [smem:$0x3F9D]  }
0x2a: {  	p0 =	seq.s32 s5, $0x0;
	s5 =	sld [smem:$0x3F9E]  }
0x2b: {  	s6 =	sld [smem:$0x3F9F]  }
0x2c: {  	s7 =	sld [smem:$0x3FA0]  }
0x2d: {  	s3 =	simm.s32 $0x108;
	s8 =	sld [smem:$0x3FA1]  }
0x2e: {  	s3 =	simm.s32 @!p0 $0x1082;
	s9 =	sld [smem:$0x3FA2]  }
0x2f: {  	lr =	sadd.s32 s0, s3;
	s0 =	sld [smem:$0x3F99]  }
0x30: {  	s3 =	sld [smem:$0x3F9C]  }
0x31: {  	[smem:$0x3FA5] =	sst s10  }
0x32: {  	s10 =	sld [smem:$0x3FA3];
	_ =	sdelay $0x3  }
0x33: {  	p0 =	seq.s32 s10, $0x1;
	s10 =	sld [smem:$0x3FA5];
	_ =	sdelay $0x3  }
0x34: {  	[smem:$0x3FA5] =	sst s10  }
0x35: {  	s10 =	sld [smem:$0x3FA4];
	_ =	sdelay $0x3  }
0x36: {  	p1 =	seq.s32 s10, $0x1;
	s10 =	sld [smem:$0x3FA5];
	_ =	sdelay $0x3  }
0x37: {  	[smem:$0x3FA5] =	sst s10  }
0x38: {  	s10 =	sld [smem:$0x3FA6]  }
0x39: {  	_ = 	snop;
	(pc) =	sbr.ind lr, $3  }
0x3a: {  	_ = 	snop  }
0x3b: {  	_ = 	snop  }
0x3c: {  	p2 =	seq.s32 s10, $0x1;
	s10 =	sld [smem:$0x3FA5]  }
0x3d: {  	_ =	shalt  }
0x3e: {  	_ =	shalt  }
0x3f: {  	_ =	shalt  }
0x40: {  	_ =	shalt  }
0x41: {  	_ =	shalt  }
0x42: {  	_ =	shalt  }
0x43: {  	_ =	shalt  }
0x44: {  	_ =	shalt  }
0x45: {  	_ =	shalt  }
0x46: {  	_ =	shalt  }
0x47: {  	_ =	shalt  }
0x48: {  	_ =	shalt  }
0x49: {  	_ =	shalt  }
0x4a: {  	_ =	shalt  }
0x4b: {  	_ =	shalt  }
0x4c: {  	_ =	shalt  }
0x4d: {  	_ =	shalt  }
0x4e: {  	_ =	shalt  }
0x4f: {  	_ =	shalt  }
0x50: {  	_ =	shalt  }
0x51: {  	_ =	shalt  }
0x52: {  	_ =	shalt  }
0x53: {  	_ =	shalt  }
0x54: {  	_ =	shalt  }
0x55: {  	_ =	shalt  }
0x56: {  	_ =	shalt  }
0x57: {  	_ =	shalt  }
0x58: {  	_ =	shalt  }
0x59: {  	_ =	shalt  }
0x5a: {  	_ =	shalt  }
0x5b: {  	_ =	shalt  }
0x5c: {  	_ =	shalt  }
0x5d: {  	_ =	shalt  }
0x5e: {  	_ =	shalt  }
0x5f: {  	_ =	shalt  }
0x60: {  	_ =	shalt  }
0x61: {  	_ =	shalt  }
0x62: {  	_ =	shalt  }
0x63: {  	_ =	shalt  }
0x64: {  	_ =	shalt  }
0x65: {  	_ =	shalt  }
0x66: {  	_ =	shalt  }
0x67: {  	_ =	shalt  }
0x68: {  	_ =	shalt  }
0x69: {  	_ =	shalt  }
0x6a: {  	_ =	shalt  }
0x6b: {  	_ =	shalt  }
0x6c: {  	_ =	shalt  }
0x6d: {  	_ =	shalt  }
0x6e: {  	_ =	shalt  }
0x6f: {  	_ =	shalt  }
0x70: {  	_ =	shalt  }
0x71: {  	_ =	shalt  }
0x72: {  	_ =	shalt  }
0x73: {  	_ =	shalt  }
0x74: {  	_ =	shalt  }
0x75: {  	_ =	shalt  }
0x76: {  	_ =	shalt  }
0x77: {  	_ =	shalt  }
0x78: {  	_ =	shalt  }
0x79: {  	_ =	shalt  }
0x7a: {  	_ =	shalt  }
0x7b: {  	_ =	shalt  }
0x7c: {  	_ =	shalt  }
0x7d: {  	_ =	shalt  }
0x7e: {  	_ =	shalt  }
0x7f: {  	_ =	shalt  }
0x80: {  	_ =	shalt  }
0x81: {  	_ =	shalt  }
0x82: {  	_ =	shalt  }
0x83: {  	_ =	shalt  }
0x84: {  	_ =	shalt  }
0x85: {  	_ =	shalt  }
0x86: {  	_ =	shalt  }
0x87: {  	_ =	shalt  }
.Lfunc_end0:
.L_simem_size_0:
called_computation_lowered:
.L_overlay_start_0:
0x88: {  	s2 =	sld [smem:$0x3FD9]  }
0x89: {  	s3 =	sld [smem:$0x3FFE];
	_ =	sdelay $0x1  }
0x8a: {  	s1 =	srdreg.scid  }
0x8b: {  	s0 =	sand.u32 $0x1, s1  }
0x8c: {  	s16 =	sshll.u32 s0, $0xA;
	s2 =	sadd.s32 s3, s2  }
0x8d: {  	s2 =	sadd.s32 s2, s16  }
0x8e: {  	[smem:$0x3FB1] =	sst s2  }
0x8f: {  	_ = 	snop  }
0x90: {  	(tm) =	ssettm $0x1  }
0x91: {  	s17 =	sld [smem:$0x3FFB];
	_ =	sdelay $0x3  }
0x92: {  	_ =	strace s17  }
0x93: {  	s2 =	sld [smem:$0x3FFC];
	_ =	sdelay $0x3  }
0x94: {  	_ =	strace s2  }
0x95: {  	s2 =	sld [smem:$0x3FFD];
	_ =	sdelay $0x3  }
0x96: {  	_ =	strace s2  }
0x97: {  	_ =	strace $0x8FFFFFFF  }
0x98: {  	s18 =	sld [smem:$0x3FDB];
	_ =	sdelay $0x1  }
0x99: {  	s19 =	simm.s32 $_scs_section_size  }
0x9a: {  	s4 =	simm.s32 $_size__tile_overlayer_lowered;
	s5 =	simm.s32 $_tile_overlayer_lowered  }
0x9b: {  	s22 =	simm.s32 $0x1BFF;
	s21 =	sshll.u32 s5, $0x1;
	s2 =	sadd.s32 s19, s18  }
0x9c: {  	s6 =	simm.s32 $0x0;
	s20 =	sshll.u32 s4, $0x1;
	s4 =	sadd.s32 s21, s2  }
0x9d: {  	[timem:s6], [sflag:s22] =	dma.local [hbm:s4], s20  }
0x9e: {  	_ =	swait.ge [sflag:s22], s20  }
0x9f: {  	s3 =	ssub.s32 $0x0, s20;
	[sflag:s22] =	ssyncset.done $0x0  }
0xa0: {  	[sflag:s22] =	ssyncadd.s32 s3;
	_ =	sdelay $0x1  }
0xa1: {  	s23 =	simm.s32 $0x1B8B  }
0xa2: {  	_ =	swait.ge [sflag:s23], $0x1  }
0xa3: {  	[sflag:s23] =	ssyncset.done $0x0  }
0xa4: {  	s25 =	simm.s32 $0x1B8E;
	s24 =	sld [smem:$0x3FFE];
	[sflag:s23] =	ssyncadd.s32 $0xFFFFFFFF  }
0xa5: {  	s26 =	simm.s32 $execute0_lowered;
	[smem:$0x3FD2] =	sst s25  }
0xa6: {  	s4 =	sshll.u32 s26, $0x1;
	_ =	strace $0x80000046;
	[dreg:$0x1] =	wrdreg $0xFFFFFFFF  }
0xa7: {  	s28 =	simm.s32 $_size_execute0_lowered;
	s2 =	sadd.s32 s2, s4;
	[dreg:$0x0] =	wrdreg $0x0  }
0xa8: {  	s4 =	sshll.u32 s28, $0x1;
	[dreg:$0x2] =	wrdreg s2  }
0xa9: {  	[dreg:$0x3] =	wrdreg s4  }
0xaa: {  	[dreg:$0x4] =	wrdreg $0xC0  }
0xab: {  	_ =	task [dreg:s6], $0x5FFFF  }
0xac: {  	[dreg:$0x1] =	wrdreg $0xFFFFFFFF  }
0xad: {  	[dreg:$0x0] =	wrdreg $0x60  }
0xae: {  	[dreg:$0x2] =	wrdreg s24  }
0xaf: {  	[dreg:$0x3] =	wrdreg $0x9  }
0xb0: {  	_ =	task.clear_ibuf [dreg:s6], $0x4FFFF;
	_ =	strace $0x90000046  }
0xb1: {  	s29 =	simm.s32 $0x9;
	_ =	strace $0x80000048  }
0xb2: {  	_ =	swait.ge [sflag:s29], $0x1  }
0xb3: {  	[sflag:s29] =	ssyncadd.s32 $0xFFFFFFFF  }
0xb4: {  	_ =	strace $0x90000048  }
0xb5: {  	_ =	sfence  }
0xb6: {  	s30 =	sld [smem:$0x0];
	_ =	sdelay $0x2  }
0xb7: {  	s31 =	sshll.u32 s1, $0xD;
	s1 =	sshrl.u32 s1, $0x2  }
0xb8: {  	s3 =	sand.u32 $0x4000, s31;
	s1 =	sadd.s32 s1, s30  }
0xb9: {  	s0 =	sor.u32 s3, s0;
	s1 =	sshll.u32 s1, $0x11  }
0xba: {  	s0 =	sor.u32 s1, s0  }
0xbb: {  	s0 =	sadd.s32 $0x8F2B, s0  }
0xbc: {  	[sflag:s0] =	ssyncadd.remote.s32 $0x1  }
0xbd: {  	_ =	sfence.sel $0xFFFF  }
0xbe: {  	[dreg:$0x0] =	wrdreg $0xFFFFFFFF;
	(pc) =	sbr.abs _section_cstart, $3  }
0xbf: {  	[dreg:$0x1] =	wrdreg $0xFFFFFFFF  }
0xc0: {  	_ =	task.clear_ibuf [dreg:s6], $0x2FFFF;
	_ =	strace $0x9FFFFFFF  }
0xc1: {  	(tm) =	ssettm $0x7FFFFFFF  }
tec
execute0_lowered:
.L_overlay_start_1:
0x0: {  	(tag) =	ssettag $0x1  }
0x1: {  	s0 =	srdreg.scid  }
0x2: {  	s8 =	rddreg [dreg:$0x0];
	s1 =	stileid.u32;
	s5 =	simm.s32 $0x1  }
0x3: {  	s9 =	simm.s32 $0x1;
	s10 =	simm.s32 $0x3;
	s2 =	sshll.u32 s0, $0x5  }
0x4: {  	s13 =	simm.s32 $0x0;
	s3 =	sshll.u32 s1, $0x6;
	s2 =	sand.u32 $0x20, s2  }
0x5: {  	s12 =	simm.s32 $0x0;
	s0 =	rddreg [dreg:$0x1];
	s2 =	sor.u32 s3, s2  }
0x6: {  	_ =	strace $0x80000047;
	s4 =	sadd.s32 $0x34A000, s8;
	s7 =	ssub.s32 $0x800, s2  }
.Ltmp0:
0x7: {  	[sflag:s5] =	ssyncpa.u1 $0x0;
	s6 =	sand.u32 $0x3E0, s7;
	(pc) =	sbr.rel .LBB2_1-.Ltmp0, $4  }
0x8: {  	s3 =	sadd.s32 $0x34A200, s8;
	s8 =	sadd.s32 $0x34F200, s8;
	p0 =	sne.s32 s6, $0x0  }
0x9: {  	s7 =	sshrl.u32 s7, $0xA;
	s6 =	simm.s32 $0x2;
	s9 =	simm.s32 @!p0 $0x0  }
0xa: {  	s11 =	smov.u32 s2;
	[sflag:s6] =	ssyncpa.u1 $0x0;
	s7 =	sadd.s32 s9, s7  }
0xb: {  	vm0 =	vmmov $0xffff;
	[sflag:s10] =	ssyncpa.u1 $0x0;
	s10 =	simm.s32 $0x0;
	s9 =	sadd.s32 $0x1, s7  }
.LBB2_5:
0xc: {  	s15 =	sadd.s32 $0x400, s11  }
0xd: {  	p1 =	sgt.s32 s15, $0x7FF  }
0xe: {  	s15 =	smov.u32 @p1 s2;
	p1 =	sne.s32 s12, s9  }
.Ltmp1:
0xf: {  	p0 =	slt.u32 s12, $0x2;
	(pc) =	sbr.rel @!p1 .LBB2_6-.Ltmp1, $4  }
0x10: {  	s14 =	simm.s32 @!p0 $0x3  }
0x11: {  	_ =	swait.ge @!p0 [sflag:s14], $0x20  }
0x12: {  	s16 =	sadd.s32 $0x1, s12;
	s13 =	smov.u32 s11;
	[sflag:s14] =	ssyncset.done @!p0 $0x0  }
0x13: {  	s12 =	smov.u32 s16;
	s11 =	smov.u32 s15;
	[sflag:s14] =	ssyncadd.s32 @!p0 $0xFFFFFFE0  }
.LBB2_1:
0x14: {  	p0 =	sge.u32 s12, s7  }
0x15: {  	s14 =	sxor.u32 @!p0 $0xFFFFFFFF, s12  }
0x16: {  	s31 =	sadd.s32 $0xFFFFFFFF, s12;
	s15 =	sshrl.u32 @!p0 s11, $0x3;
	s14 =	sshll.u32 @!p0 s14, $0x5  }
0x17: {  	s16 =	sand.u32 @!p0 $0x7, s11;
	s15 =	sadd.s32 @!p0 s4, s15;
	s14 =	sand.u32 @!p0 $0x20, s14  }
0x18: {  	[tilespmem:s14], [sflag:$0x2] =	stream.linear.gather @!p0 [hbm4b:s15+s16], $0x20, $0x38;
	[tilespmem:$0x80] =	vst v63  }
0x19: {  	p0 =	sge.u32 s31, s7  }
.Ltmp2:
0x1a: {  	_ = 	snop;
	(pc) =	sbr.rel @p0 .LBB2_5-.Ltmp2, $1  }
0x1b: {  	_ =	sdelay $0x3  }
0x1c: {  	_ =	swait.ge [sflag:s6], $0x20;
	s14 =	sshll.u32 s12, $0x5;
	s16 =	simm.s32 $0x0  }
0x1d: {  	p0 =	por $0x1, $0x1;
	[sflag:s6] =	ssyncset.done $0x0;
	s15 =	sand.u32 $0x20, s14  }
0x1e: {  	[sflag:s6] =	ssyncadd.s32 $0xFFFFFFE0;
	(ifvalue) =	ssetifvalue $0x7FFFFFFF;
	s14 =	sor.u32 $0x40, s15  }
.LBB2_3:
0x1f: {  	s17 =	sadd.s32 s16, s15  }
0x20: {  	v0 =	vld.msk [tilespmem:s17+$0x0 ss:$0x1], $0xffff;
	_ =	sdelay $0x4  }
0x21: {  	vm1 =	veq.s32 v0, $0x80000000;
	v1 =	vand.u32 $0x1F, v0;
	v0 =	vshrl.u32 v0, $0x5  }
0x22: {  	v1 =	vsel vm1, $0xFFFFFFFF, v1;
	v0 =	vand.u32 $0x1FFF, v0  }
0x23: {  	v0 =	vsel vm1, $0xFFFFFFFF, v0;
	v2 =	vshrl.u32 v1, $0x3  }
0x24: {  	v2 =	vmul.u32 $0x9C00, v2;
	v3 =	vshll.u32 v0, $0x3  }
0x25: {  	v1 =	vshll.u32 v1, $0x7;
	v3 =	vand.u32 $0xFFFFFC00, v3  }
0x26: {  	v1 =	vand.u32 $0x380, v1;
	v2 =	vadd.s32 v2, v3  }
0x27: {  	v0 =	vand.u32 $0x7F, v0;
	v1 =	vor.u32 v1, v2  }
0x28: {  	p1 =	por p0, p0;
	v0 =	vor.u32 v0, v1  }
.Ltmp3:
0x29: {  	_ = 	snop;
	(pc) =	sbr.rel @p1 .LBB2_3-.Ltmp3, $4  }
0x2a: {  	_ = 	snop  }
0x2b: {  	s31 =	sadd.s32 s16, s14  }
0x2c: {  	s16 =	simm.s32 $0x10;
	p0 =	por $0x0, $0x0;
	(ifvalue) =	ssetifvalue $0x7FFFFFFF  }
0x2d: {  	[tilespmem:s31], [sflag:$0x1] =	stream.indirect_vreg.gather [hbm4b:s3+s10], $0x1, v0, vm0, $0x4038;
	[tilespmem:$0x80] =	vst v63  }
.Ltmp4:
0x2e: {  	(pc) =	sbr.rel .LBB2_5-.Ltmp4, $4  }
0x2f: {  	_ =	swait.ge [sflag:s5], $0x20  }
0x30: {  	s15 =	sshrl.u32 s13, $0x3;
	[sflag:s5] =	ssyncset.done $0x0  }
0x31: {  	s31 =	sand.u32 $0x7, s13;
	s15 =	sadd.s32 s8, s15;
	[sflag:s5] =	ssyncadd.s32 $0xFFFFFFE0  }
0x32: {  	[hbm4b:s15+s31] =	stream.linear.scatter [tilespmem:s14], [sflag:$0x3], $0x20, $0x38;
	[tilespmem:$0x80] =	vst v63  }
.LBB2_6:
0x33: {  	_ =	sfence.sel $0x180000  }
0x34: {  	s2 =	simm.s32 $0x2;
	[bflag:$0x0] =	sbarrier.arrive $0xFFFF  }
0x35: {  	s30 =	simm.s32 $0x3;
	[sflag:s2] =	ssyncpa.u1 $0x1  }
0x36: {  	s31 =	simm.s32 $0x1;
	[sflag:s30] =	ssyncpa.u1 $0x1  }
0x37: {  	[sflag:s31] =	ssyncpa.u1 $0x1  }
0x38: {  	p0 =	sne.s32 s1, $0x0;
	_ =	strace $0x90000047  }
0x39: {  	s0 =	sadd.s32 @!p0 $0x100000, s0;
	[bflag:$0x2] =	sbarrier.arrive $0xFFFF  }
0x3a: {  	[sflag:s0] =	ssyncadd.tile.s32 @!p0 $0x1;
	_ =	shalt  }
.Lfunc_end2:
_tile_overlayer_lowered:
.L_overlay_start_2:
0x3b: {  	(tag) =	ssettag $0x2  }
0x3c: {  	s0 =	rddreg [dreg:$0x0];
	s2 =	stileid.u32  }
0x3d: {  	s1 =	rddreg [dreg:$0x1];
	p0 =	sne.s32 s2, $0x0  }
0x3e: {  	s3 =	rddreg [dreg:$0x2];
	[bflag:$0x3] =	sbarrier.arrive $0xFFFF;
	s2 =	simm.s32 @!p0 $0x1C01  }
0x3f: {  	[timem:s3], [sflag:s2] =	dma.local @!p0 [hbm:s0], s1  }
0x40: {  	s0 =	simm.s32 @!p0 $0x1  }
0x41: {  	_ =	swait.ge @!p0 [sflag:s0], s1  }
0x42: {  	s1 =	ssub.s32 @!p0 $0x0, s1;
	[sflag:s0] =	ssyncset.done @!p0 $0x0  }
0x43: {  	[sflag:s0] =	ssyncadd.s32 @!p0 s1  }
0x44: {  	[bflag:$0x3] =	sbarrier.arrive $0xFFFF  }
0x45: {  	_ =	shalt  }

// kernel: kernel.5.cloned.1.call-start
scs
__scs_entry_jumppad:
0x0: {  	(pc) =	sbr.rel $0x88, $3  }
0x1: {  	(tag) =	ssettag $0x0;
	lr =	simm.s32 $0x1  }
0x2: {  	[smem:$0x3F8A] =	sst lr;
	_ =	strace $0xD0000000  }
0x3: {  	_ = 	snop  }
0x4: {  	_ = 	snop  }
0x5: {  	_ = 	snop  }
0x6: {  	_ = 	snop  }
0x7: {  	_ = 	snop  }
__scs_overlays_trampoline_lowered:
0x8: {  	[smem:$0x3F99] =	sst s0  }
0x9: {  	[smem:$0x3F9A] =	sst s1  }
0xa: {  	[smem:$0x3F9B] =	sst s2  }
0xb: {  	[smem:$0x3F9C] =	sst s3  }
0xc: {  	[smem:$0x3F9D] =	sst s4  }
0xd: {  	[smem:$0x3F9E] =	sst s5  }
0xe: {  	[smem:$0x3F9F] =	sst s6  }
0xf: {  	[smem:$0x3FA0] =	sst s7  }
0x10: {  	[smem:$0x3FA1] =	sst s8  }
0x11: {  	[smem:$0x3FA2] =	sst s9;
	s0 =	simm.s32 @!p0 $0x0  }
0x12: {  	s1 =	sld [smem:$0x3F88];
	s0 =	simm.s32 @p0 $0x1  }
0x13: {  	[smem:$0x3FA3] =	sst s0;
	s0 =	simm.s32 @!p1 $0x0  }
0x14: {  	s2 =	sld [smem:$0x3F87];
	s0 =	simm.s32 @p1 $0x1  }
0x15: {  	[smem:$0x3FA4] =	sst s0;
	s0 =	simm.s32 @!p2 $0x0  }
0x16: {  	s3 =	sld [smem:$0x3FDB];
	s0 =	simm.s32 @p2 $0x1  }
0x17: {  	s4 =	simm.s32 $0x1BF5;
	[smem:$0x3FA6] =	sst s0  }
0x18: {  	s0 =	sld [smem:$0x3F89];
	_ =	swait.ge [sflag:s4], $0x0  }
0x19: {  	s7 =	sld [smem:$0x3F8A]  }
0x1a: {  	s8 =	sadd.s32 $0xFFFFE003, lr  }
0x1b: {  	s9 =	sadd.s32 $0xFFFFFEF7, lr;
	s5 =	simm.s32 $0xFFFFFFFF;
	p2 =	slt.u32 s8, $0xFFFFF086  }
0x1c: {  	p1 =	slt.u32 s9, $0xF7A;
	s5 =	simm.s32 @!p2 $0x0  }
0x1d: {  	s5 =	simm.s32 @p1 $0x1;
	p0 =	seq.s32 s7, s2  }
0x1e: {  	s7 =	smul.u32 @!p0 $0xF7A, s2;
	p2 =	seq.s32 @!p0 s5, $0x0  }
0x1f: {  	s9 =	smul.u32 $0xF7A, s1;
	s8 =	simm.s32 @!p0 $0x1BF5;
	p2 =	por !p2, p0  }
0x20: {  	[sflag:s8] =	ssyncset.s32 @!p0 $0xFFFFF086;
	s6 =	sadd.s32 @!p0 s3, s7;
	s7 =	simm.s32 @!p0 $0x108  }
0x21: {  	s3 =	sadd.s32 s3, s9;
	s6 =	sadd.s32 @!p0 $0x88, s6;
	s7 =	simm.s32 @p2 $0x1082  }
0x22: {  	[simem:s7], [sflag:s8] =	dma.local @!p0 [hbm:s6], $0xF7A  }
0x23: {  	s9 =	sor.u32 $0xD0000000, s2;
	s6 =	simm.s32 $0x108;
	_ =	swait.ge @!p0 [sflag:s8], $0x0  }
0x24: {  	s3 =	sadd.s32 $0x88, s3;
	s6 =	simm.s32 @!p1 $0x1082;
	[sflag:s4] =	ssyncset.s32 $0xFFFFF086  }
0x25: {  	[simem:s6], [sflag:s4] =	dma.local [hbm:s3], $0xF7A  }
0x26: {  	[smem:$0x3F8A] =	sst s1;
	(tag) =	ssettag s2;
	_ =	strace s9  }
0x27: {  	s1 =	sld [smem:$0x3F9A]  }
0x28: {  	s2 =	sld [smem:$0x3F9B]  }
0x29: {  	s4 =	sld [smem:$0x3F9D]  }
0x2a: {  	p0 =	seq.s32 s5, $0x0;
	s5 =	sld [smem:$0x3F9E]  }
0x2b: {  	s6 =	sld [smem:$0x3F9F]  }
0x2c: {  	s7 =	sld [smem:$0x3FA0]  }
0x2d: {  	s3 =	simm.s32 $0x108;
	s8 =	sld [smem:$0x3FA1]  }
0x2e: {  	s3 =	simm.s32 @!p0 $0x1082;
	s9 =	sld [smem:$0x3FA2]  }
0x2f: {  	lr =	sadd.s32 s0, s3;
	s0 =	sld [smem:$0x3F99]  }
0x30: {  	s3 =	sld [smem:$0x3F9C]  }
0x31: {  	[smem:$0x3FA5] =	sst s10  }
0x32: {  	s10 =	sld [smem:$0x3FA3];
	_ =	sdelay $0x3  }
0x33: {  	p0 =	seq.s32 s10, $0x1;
	s10 =	sld [smem:$0x3FA5];
	_ =	sdelay $0x3  }
0x34: {  	[smem:$0x3FA5] =	sst s10  }
0x35: {  	s10 =	sld [smem:$0x3FA4];
	_ =	sdelay $0x3  }
0x36: {  	p1 =	seq.s32 s10, $0x1;
	s10 =	sld [smem:$0x3FA5];
	_ =	sdelay $0x3  }
0x37: {  	[smem:$0x3FA5] =	sst s10  }
0x38: {  	s10 =	sld [smem:$0x3FA6]  }
0x39: {  	_ = 	snop;
	(pc) =	sbr.ind lr, $3  }
0x3a: {  	_ = 	snop  }
0x3b: {  	_ = 	snop  }
0x3c: {  	p2 =	seq.s32 s10, $0x1;
	s10 =	sld [smem:$0x3FA5]  }
0x3d: {  	_ =	shalt  }
0x3e: {  	_ =	shalt  }
0x3f: {  	_ =	shalt  }
0x40: {  	_ =	shalt  }
0x41: {  	_ =	shalt  }
0x42: {  	_ =	shalt  }
0x43: {  	_ =	shalt  }
0x44: {  	_ =	shalt  }
0x45: {  	_ =	shalt  }
0x46: {  	_ =	shalt  }
0x47: {  	_ =	shalt  }
0x48: {  	_ =	shalt  }
0x49: {  	_ =	shalt  }
0x4a: {  	_ =	shalt  }
0x4b: {  	_ =	shalt  }
0x4c: {  	_ =	shalt  }
0x4d: {  	_ =	shalt  }
0x4e: {  	_ =	shalt  }
0x4f: {  	_ =	shalt  }
0x50: {  	_ =	shalt  }
0x51: {  	_ =	shalt  }
0x52: {  	_ =	shalt  }
0x53: {  	_ =	shalt  }
0x54: {  	_ =	shalt  }
0x55: {  	_ =	shalt  }
0x56: {  	_ =	shalt  }
0x57: {  	_ =	shalt  }
0x58: {  	_ =	shalt  }
0x59: {  	_ =	shalt  }
0x5a: {  	_ =	shalt  }
0x5b: {  	_ =	shalt  }
0x5c: {  	_ =	shalt  }
0x5d: {  	_ =	shalt  }
0x5e: {  	_ =	shalt  }
0x5f: {  	_ =	shalt  }
0x60: {  	_ =	shalt  }
0x61: {  	_ =	shalt  }
0x62: {  	_ =	shalt  }
0x63: {  	_ =	shalt  }
0x64: {  	_ =	shalt  }
0x65: {  	_ =	shalt  }
0x66: {  	_ =	shalt  }
0x67: {  	_ =	shalt  }
0x68: {  	_ =	shalt  }
0x69: {  	_ =	shalt  }
0x6a: {  	_ =	shalt  }
0x6b: {  	_ =	shalt  }
0x6c: {  	_ =	shalt  }
0x6d: {  	_ =	shalt  }
0x6e: {  	_ =	shalt  }
0x6f: {  	_ =	shalt  }
0x70: {  	_ =	shalt  }
0x71: {  	_ =	shalt  }
0x72: {  	_ =	shalt  }
0x73: {  	_ =	shalt  }
0x74: {  	_ =	shalt  }
0x75: {  	_ =	shalt  }
0x76: {  	_ =	shalt  }
0x77: {  	_ =	shalt  }
0x78: {  	_ =	shalt  }
0x79: {  	_ =	shalt  }
0x7a: {  	_ =	shalt  }
0x7b: {  	_ =	shalt  }
0x7c: {  	_ =	shalt  }
0x7d: {  	_ =	shalt  }
0x7e: {  	_ =	shalt  }
0x7f: {  	_ =	shalt  }
0x80: {  	_ =	shalt  }
0x81: {  	_ =	shalt  }
0x82: {  	_ =	shalt  }
0x83: {  	_ =	shalt  }
0x84: {  	_ =	shalt  }
0x85: {  	_ =	shalt  }
0x86: {  	_ =	shalt  }
0x87: {  	_ =	shalt  }
.Lfunc_end0:
.L_simem_size_0:
called_computation.1_lowered:
.L_overlay_start_0:
0x88: {  	s2 =	sld [smem:$0x3FD9]  }
0x89: {  	s3 =	sld [smem:$0x3FFE];
	_ =	sdelay $0x1  }
0x8a: {  	s1 =	srdreg.scid  }
0x8b: {  	s0 =	sand.u32 $0x1, s1  }
0x8c: {  	s17 =	sshll.u32 s0, $0xA;
	s2 =	sadd.s32 s3, s2  }
0x8d: {  	s2 =	sadd.s32 s2, s17  }
0x8e: {  	[smem:$0x3FB1] =	sst s2  }
0x8f: {  	_ = 	snop  }
0x90: {  	(tm) =	ssettm $0x1  }
0x91: {  	s18 =	sld [smem:$0x3FFB];
	_ =	sdelay $0x3  }
0x92: {  	_ =	strace s18  }
0x93: {  	s2 =	sld [smem:$0x3FFC];
	_ =	sdelay $0x3  }
0x94: {  	_ =	strace s2  }
0x95: {  	s2 =	sld [smem:$0x3FFD];
	_ =	sdelay $0x3  }
0x96: {  	_ =	strace s2  }
0x97: {  	_ =	strace $0x8FFFFFFF  }
0x98: {  	s19 =	sld [smem:$0x3FDB];
	_ =	sdelay $0x1  }
0x99: {  	s20 =	simm.s32 $_scs_section_size  }
0x9a: {  	s4 =	simm.s32 $_size__tile_overlayer_lowered;
	s5 =	simm.s32 $_tile_overlayer_lowered  }
0x9b: {  	s6 =	simm.s32 $0x1BFF;
	s21 =	sshll.u32 s5, $0x1;
	s3 =	sadd.s32 s20, s19  }
0x9c: {  	s22 =	simm.s32 $0x0;
	s4 =	sshll.u32 s4, $0x1;
	s5 =	sadd.s32 s21, s3  }
0x9d: {  	[timem:s22], [sflag:s6] =	dma.local [hbm:s5], s4  }
0x9e: {  	_ =	swait.ge [sflag:s6], s4  }
0x9f: {  	s4 =	ssub.s32 $0x0, s4;
	[sflag:s6] =	ssyncset.done $0x0  }
0xa0: {  	[sflag:s6] =	ssyncadd.s32 s4;
	_ =	sdelay $0x1  }
0xa1: {  	s23 =	simm.s32 $0x1B8B  }
0xa2: {  	_ =	swait.ge [sflag:s23], $0x1  }
0xa3: {  	[sflag:s23] =	ssyncset.done $0x0  }
0xa4: {  	[sflag:s23] =	ssyncadd.s32 $0xFFFFFFFF  }
0xa5: {  	s4 =	sld [smem:$0x0]  }
0xa6: {  	s5 =	sand.u32 $0xFFFFFFFE, s1  }
0xa7: {  	p0 =	sne.s32 s1, s5  }
0xa8: {  	s5 =	sshll.u32 @p0 s5, $0xE  }
0xa9: {  	s5 =	sadd.s32 @p0 $0x11B8D, s5;
	s6 =	sshll.u32 @p0 s4, $0x11  }
0xaa: {  	s5 =	sor.u32 @p0 s6, s5  }
0xab: {  	[sflag:s5] =	ssyncadd.remote.s32 @p0 $0x1;
	_ =	sdelay $0x1  }
0xac: {  	s5 =	simm.s32 @p0 $0x1B8D  }
0xad: {  	_ =	swait.eq @p0 [sflag:s5], $0x1  }
0xae: {  	[sflag:s5] =	ssyncadd.s32 @p0 $0xFFFFFFFF  }
0xaf: {  	s6 =	sshll.u32 @!p0 s1, $0xE  }
0xb0: {  	s6 =	sor.u32 @!p0 $0x4000, s6;
	s5 =	simm.s32 @!p0 $0x1B8D  }
0xb1: {  	s4 =	sshll.u32 @!p0 s4, $0x11;
	s6 =	sadd.s32 @!p0 $0x11B8D, s6;
	_ =	swait.eq @!p0 [sflag:s5], $0x1  }
0xb2: {  	s4 =	sor.u32 @!p0 s4, s6;
	[sflag:s5] =	ssyncadd.s32 @!p0 $0xFFFFFFFF  }
0xb3: {  	s25 =	simm.s32 $0x1B8E;
	s24 =	sld [smem:$0x3FFE];
	[sflag:s4] =	ssyncadd.remote.s32 @!p0 $0x1  }
0xb4: {  	s26 =	simm.s32 $execute0_lowered;
	[smem:$0x3FD2] =	sst s25  }
0xb5: {  	s5 =	sshll.u32 s26, $0x1;
	_ =	strace $0x80000049;
	[dreg:$0x1] =	wrdreg $0xFFFFFFFF  }
0xb6: {  	s28 =	simm.s32 $_size_execute0_lowered;
	s3 =	sadd.s32 s3, s5;
	[dreg:$0x0] =	wrdreg $0x0  }
0xb7: {  	s5 =	sshll.u32 s28, $0x1;
	[dreg:$0x2] =	wrdreg s3  }
0xb8: {  	[dreg:$0x3] =	wrdreg s5  }
0xb9: {  	[dreg:$0x4] =	wrdreg $0xC0  }
0xba: {  	_ =	task [dreg:s22], $0x5FFFF  }
0xbb: {  	[dreg:$0x1] =	wrdreg $0xFFFFFFFF  }
0xbc: {  	[dreg:$0x0] =	wrdreg $0x60  }
0xbd: {  	[dreg:$0x2] =	wrdreg s24  }
0xbe: {  	[dreg:$0x3] =	wrdreg $0xA  }
0xbf: {  	_ =	task.clear_ibuf [dreg:s22], $0x4FFFF;
	_ =	strace $0x90000049  }
0xc0: {  	s29 =	simm.s32 $0xA;
	_ =	strace $0x8000004B  }
0xc1: {  	_ =	swait.ge [sflag:s29], $0x1  }
0xc2: {  	[sflag:s29] =	ssyncadd.s32 $0xFFFFFFFF  }
0xc3: {  	_ =	strace $0x9000004B  }
0xc4: {  	_ =	sfence  }
0xc5: {  	s30 =	sld [smem:$0x0];
	_ =	sdelay $0x2  }
0xc6: {  	s31 =	sshll.u32 s1, $0xD;
	s1 =	sshrl.u32 s1, $0x2  }
0xc7: {  	s4 =	sand.u32 $0x4000, s31;
	s1 =	sadd.s32 s1, s30  }
0xc8: {  	s0 =	sor.u32 s4, s0;
	s1 =	sshll.u32 s1, $0x11  }
0xc9: {  	s0 =	sor.u32 s1, s0  }
0xca: {  	s0 =	sadd.s32 $0x8F2B, s0  }
0xcb: {  	[sflag:s0] =	ssyncadd.remote.s32 $0x1  }
0xcc: {  	_ =	sfence.sel $0xFFFF  }
0xcd: {  	[dreg:$0x0] =	wrdreg $0xFFFFFFFF;
	(pc) =	sbr.abs _section_cstart, $3  }
0xce: {  	[dreg:$0x1] =	wrdreg $0xFFFFFFFF  }
0xcf: {  	_ =	task.clear_ibuf [dreg:s22], $0x2FFFF;
	_ =	strace $0x9FFFFFFF  }
0xd0: {  	(tm) =	ssettm $0x7FFFFFFF  }
0xd1: {  	_ =	shalt  }
tec
execute0_lowered:
.L_overlay_start_1:
0x0: {  	(tag) =	ssettag $0x1  }
0x1: {  	s0 =	rddreg [dreg:$0x0]  }
0x2: {  	s1 =	srdreg.scid;
	s3 =	stileid.u32  }
0x3: {  	s2 =	simm.s32 $0x0;
	s31 =	simm.s32 $0x14900;
	s28 =	simm.s32 $0x1  }
0x4: {  	s1 =	sand.u32 $0x1, s1;
	s3 =	sshll.u32 s3, $0x1;
	[smem:$0x7FF] =	sst s2  }
0x5: {  	s5 =	sadd.s32 $0x15E00, s0;
	s22 =	sadd.s32 $0x3C200, s0;
	s23 =	sadd.s32 $0x336C00, s0  }
0x6: {  	s9 =	sadd.s32 $0x4FA00, s0;
	s10 =	sadd.s32 $0x4FB00, s0;
	s11 =	sadd.s32 $0x4FC00, s0  }
0x7: {  	s12 =	sadd.s32 $0x4FD00, s0;
	s13 =	sadd.s32 $0x4FE00, s0;
	s14 =	sadd.s32 $0x4FF00, s0  }
0x8: {  	s15 =	sadd.s32 $0x50000, s0;
	_ =	strace $0x8000004A;
	[dreg:$0x2] =	wrdreg s5  }
0x9: {  	s16 =	sadd.s32 $0x50100, s0;
	s4 =	sor.u32 s1, s3;
	[dreg:$0x3] =	wrdreg s22  }
0xa: {  	[dreg:$0x4] =	wrdreg s23;
	s1 =	ssub.s32 $0x2, s1;
	s23 =	simm.s32 $0x20  }
0xb: {  	[dreg:$0x10] =	wrdreg s31;
	s3 =	sshll.u32 s4, $0x4;
	s6 =	smul.u32 $0x75000, s4  }
0xc: {  	s8 =	smul.u32 $0x600, s4;
	s4 =	sshll.u32 s4, $0xA;
	s29 =	sshrl.u32 s1, $0x1  }
0xd: {  	[dreg:$0xf] =	wrdreg s23;
	s23 =	simm.s32 $0x100;
	s7 =	sadd.s32 s3, s0  }
0xe: {  	s3 =	sadd.s32 $0x4F400, s0;
	s4 =	sadd.s32 s4, s0;
	s1 =	ssub.s32 s1, s29  }
0xf: {  	s6 =	sshrl.u32 s6, $0x3;
	s24 =	sadd.s32 s8, s0;
	s26 =	sadd.s32 $0x349E00, s7  }
0x10: {  	s25 =	sadd.s32 $0x34F000, s7;
	s4 =	sadd.s32 $0x35B400, s4;
	s7 =	sadd.s32 $0x4F800, s0  }
0x11: {  	s8 =	sadd.s32 $0x4F900, s0;
	s1 =	smax.u32 s1, $0x1;
	[dreg:$0x5] =	wrdreg s25  }
0x12: {  	s21 =	sadd.s32 s6, s0;
	[dreg:$0x6] =	wrdreg s26;
	s5 =	sadd.s32 $0x34F400, s24  }
0x13: {  	[dreg:$0x8] =	wrdreg s4;
	s4 =	sadd.s32 $0x4F500, s0;
	s6 =	sadd.s32 $0x4F700, s0  }
0x14: {  	s24 =	simm.s32 $0x2;
	[dreg:$0x7] =	wrdreg s5;
	s17 =	sadd.s32 $0x363400, s21  }
0x15: {  	s5 =	sadd.s32 $0x4F600, s0;
	s18 =	sadd.s32 $0x365B00, s21;
	[dreg:$0x9] =	wrdreg s17  }
0x16: {  	s19 =	sadd.s32 $0x368200, s21;
	s20 =	sadd.s32 $0x36A900, s21;
	[dreg:$0xa] =	wrdreg s18  }
0x17: {  	s22 =	sadd.s32 $0x36D000, s21;
	s30 =	sadd.s32 $0x36F700, s21;
	[dreg:$0xb] =	wrdreg s19  }
0x18: {  	v2 =	vlaneseq.u32;
	s21 =	sadd.s32 $0x50600, s0;
	s17 =	sadd.s32 $0x50200, s0;
	[dreg:$0xc] =	wrdreg s20  }
0x19: {  	vm0 =	vmmov $0xffff;
	vm1 =	vmmov $0xff;
	v1 =	vshrl.u32 v2, $0x3;
	s18 =	sadd.s32 $0x50300, s0;
	s19 =	sadd.s32 $0x50400, s0;
	[dreg:$0xd] =	wrdreg s22  }
0x1a: {  	v0 =	vand.u32 $0x7, v2;
	v2 =	vor.u32 $0x8, v2;
	v1 =	vmul.u32 $0x8, v1;
	s20 =	sadd.s32 $0x50500, s0;
	[dreg:$0xe] =	wrdreg s30;
	s22 =	sadd.s32 $0x50700, s0  }
.LBB2_1:
0x1b: {  	[dreg:$0x11] =	wrdreg s1  }
0x1c: {  	s29 =	rddreg [dreg:$0x5]  }
0x1d: {  	[tilespmem:s2], [sflag:$0x2] =	stream.linear.gather [hbm4b:s29+s2], $0x80, $0x38;
	[tilespmem:$0x18900] =	vst v63  }
0x1e: {  	_ =	swait.ge [sflag:s24], $0x80  }
0x1f: {  	[sflag:s24] =	ssyncset.done $0x0  }
0x20: {  	s25 =	simm.s32 $0x80;
	s0 =	rddreg [dreg:$0x6];
	[sflag:s24] =	ssyncadd.s32 $0xFFFFFF80  }
0x21: {  	[tilespmem:s25], [sflag:$0x2] =	stream.linear.gather [hbm4b:s0+s2], $0x80, $0x38;
	[tilespmem:$0x18900] =	vst v63  }
0x22: {  	_ =	swait.ge [sflag:s24], $0x80  }
0x23: {  	s1 =	rddreg [dreg:$0x2];
	[sflag:s24] =	ssyncset.done $0x0  }
0x24: {  	s0 =	simm.s32 $0x13900;
	s30 =	rddreg [dreg:$0xf];
	[sflag:s24] =	ssyncadd.s32 $0xFFFFFF80  }
0x25: {  	[tilespmem:s0], [sflag:$0x1] =	stream.indirect.gather [hbm4b:s1+s30], $0x80, s2, s30, $0xb8;
	[tilespmem:$0x18900] =	vst v63  }
0x26: {  	_ =	swait.ge [sflag:s28], $0x1000  }
0x27: {  	s26 =	rddreg [dreg:$0x3];
	[sflag:s28] =	ssyncset.done $0x0  }
0x28: {  	s1 =	simm.s32 $0x40;
	s31 =	rddreg [dreg:$0x10];
	[sflag:s28] =	ssyncadd.s32 $0xFFFFF000  }
0x29: {  	[tilespmem:s31], [sflag:$0x1] =	stream.indirect.gather [hbm4b:s26+s1], $0x80, s25, s1, $0xb8;
	[tilespmem:$0x18900] =	vst v63  }
0x2a: {  	_ =	swait.ge [sflag:s28], $0x2000  }
0x2b: {  	[sflag:s28] =	ssyncset.done $0x0  }
0x2c: {  	s26 =	rddreg [dreg:$0x7];
	[sflag:s28] =	ssyncadd.s32 $0xFFFFE000  }
0x2d: {  	[hbm4b:s26+s2] =	stream.linear.scatter [tilespmem:s0], [sflag:$0x2], $0x3000, $0x38;
	[tilespmem:$0x18900] =	vst v63  }
0x2e: {  	_ =	swait.ge [sflag:s24], $0x3000  }
0x2f: {  	[sflag:s24] =	ssyncset.done $0x0  }
0x30: {  	s31 =	simm.s32 $0x16900;
	s30 =	rddreg [dreg:$0x4];
	[sflag:s24] =	ssyncadd.s32 $0xFFFFD000  }
0x31: {  	[tilespmem:s31], [sflag:$0x1] =	stream.indirect.gather [hbm4b:s30+s1], $0x80, s25, s1, $0xb8;
	[tilespmem:$0x18900] =	vst v63  }
0x32: {  	_ =	swait.ge [sflag:s28], $0x2000  }
0x33: {  	[sflag:s28] =	ssyncset.done $0x0  }
0x34: {  	s1 =	rddreg [dreg:$0x8];
	[sflag:s28] =	ssyncadd.s32 $0xFFFFE000  }
0x35: {  	[hbm4b:s1+s2] =	stream.linear.scatter [tilespmem:s31], [sflag:$0x2], $0x2000, $0x38;
	[tilespmem:$0x18900] =	vst v63  }
0x36: {  	_ =	swait.ge [sflag:s24], $0x2000  }
0x37: {  	[sflag:s24] =	ssyncset.done $0x0  }
0x38: {  	[sflag:s24] =	ssyncadd.s32 $0xFFFFE000  }
0x39: {  	v3 =	vld [tilespmem:$0x0];
	_ =	sdelay $0x4  }
0x3a: {  	v4 =	vshrl.u32 v3, $0x3  }
0x3b: {  	v4 =	vmul.u32 $0x138, v4  }
0x3c: {  	v3 =	vand.u32 $0x7, v3  }
0x3d: {  	v3 =	vor.u32 v3, v4  }
0x3e: {  	v4 =	vperm.xlane v3, v0;
	_ =	sdelay $0x1  }
0x3f: {  	v4 =	vadd.s32 v1, v4;
	_ =	sdelay $0x4  }
0x40: {  	[tilespmem:s23], [sflag:$0x1] =	stream.indirect_vreg.gather [hbm4b:s3+s2], $0x80, v4, vm0, $0xb8;
	[tilespmem:$0x18900] =	vst v63  }
0x41: {  	s25 =	simm.s32 $0x900  }
0x42: {  	[tilespmem:s25], [sflag:$0x1] =	stream.indirect_vreg.gather [hbm4b:s4+s2], $0x80, v4, vm0, $0xb8;
	[tilespmem:$0x18900] =	vst v63  }
0x43: {  	s26 =	simm.s32 $0x1100  }
0x44: {  	[tilespmem:s26], [sflag:$0x1] =	stream.indirect_vreg.gather [hbm4b:s5+s2], $0x80, v4, vm0, $0xb8;
	[tilespmem:$0x18900] =	vst v63  }
0x45: {  	s29 =	simm.s32 $0x1900  }
0x46: {  	[tilespmem:s29], [sflag:$0x1] =	stream.indirect_vreg.gather [hbm4b:s6+s2], $0x80, v4, vm0, $0xb8;
	[tilespmem:$0x18900] =	vst v63  }
0x47: {  	s30 =	simm.s32 $0x2100  }
0x48: {  	[tilespmem:s30], [sflag:$0x1] =	stream.indirect_vreg.gather [hbm4b:s7+s2], $0x80, v4, vm0, $0xb8;
	[tilespmem:$0x18900] =	vst v63  }
0x49: {  	s31 =	simm.s32 $0x2900  }
0x4a: {  	[tilespmem:s31], [sflag:$0x1] =	stream.indirect_vreg.gather [hbm4b:s8+s2], $0x80, v4, vm0, $0xb8;
	[tilespmem:$0x18900] =	vst v63  }
0x4b: {  	s0 =	simm.s32 $0x3100  }
0x4c: {  	[tilespmem:s0], [sflag:$0x1] =	stream.indirect_vreg.gather [hbm4b:s9+s2], $0x80, v4, vm0, $0xb8;
	[tilespmem:$0x18900] =	vst v63  }
0x4d: {  	s1 =	simm.s32 $0x3900  }
0x4e: {  	[tilespmem:s1], [sflag:$0x1] =	stream.indirect_vreg.gather [hbm4b:s10+s2], $0x80, v4, vm0, $0xb8;
	[tilespmem:$0x18900] =	vst v63  }
0x4f: {  	s25 =	simm.s32 $0x4100  }
0x50: {  	[tilespmem:s25], [sflag:$0x1] =	stream.indirect_vreg.gather [hbm4b:s11+s2], $0x80, v4, vm0, $0xb8;
	[tilespmem:$0x18900] =	vst v63  }
0x51: {  	s26 =	simm.s32 $0x4900  }
0x52: {  	[tilespmem:s26], [sflag:$0x1] =	stream.indirect_vreg.gather [hbm4b:s12+s2], $0x80, v4, vm0, $0xb8;
	[tilespmem:$0x18900] =	vst v63  }
0x53: {  	s30 =	simm.s32 $0x5100  }
0x54: {  	[tilespmem:s30], [sflag:$0x1] =	stream.indirect_vreg.gather [hbm4b:s13+s2], $0x80, v4, vm0, $0xb8;
	[tilespmem:$0x18900] =	vst v63  }
0x55: {  	s31 =	simm.s32 $0x5900  }
0x56: {  	[tilespmem:s31], [sflag:$0x1] =	stream.indirect_vreg.gather [hbm4b:s14+s2], $0x80, v4, vm0, $0xb8;
	[tilespmem:$0x18900] =	vst v63  }
0x57: {  	s0 =	simm.s32 $0x6100  }
0x58: {  	[tilespmem:s0], [sflag:$0x1] =	stream.indirect_vreg.gather [hbm4b:s15+s2], $0x80, v4, vm0, $0xb8;
	[tilespmem:$0x18900] =	vst v63  }
0x59: {  	s1 =	simm.s32 $0x6900  }
0x5a: {  	[tilespmem:s1], [sflag:$0x1] =	stream.indirect_vreg.gather [hbm4b:s16+s2], $0x80, v4, vm0, $0xb8;
	[tilespmem:$0x18900] =	vst v63  }
0x5b: {  	s25 =	simm.s32 $0x7100  }
0x5c: {  	[tilespmem:s25], [sflag:$0x1] =	stream.indirect_vreg.gather [hbm4b:s17+s2], $0x80, v4, vm0, $0xb8;
	[tilespmem:$0x18900] =	vst v63  }
0x5d: {  	s26 =	simm.s32 $0x7900  }
0x5e: {  	[tilespmem:s26], [sflag:$0x1] =	stream.indirect_vreg.gather [hbm4b:s18+s2], $0x80, v4, vm0, $0xb8;
	[tilespmem:$0x18900] =	vst v63  }
0x5f: {  	s30 =	simm.s32 $0x8100  }
0x60: {  	[tilespmem:s30], [sflag:$0x1] =	stream.indirect_vreg.gather [hbm4b:s19+s2], $0x80, v4, vm0, $0xb8;
	[tilespmem:$0x18900] =	vst v63  }
0x61: {  	v3 =	vperm.xlane v3, v2;
	s31 =	simm.s32 $0x8900  }
0x62: {  	[tilespmem:s31], [sflag:$0x1] =	stream.indirect_vreg.gather [hbm4b:s20+s2], $0x80, v4, vm0, $0xb8;
	[tilespmem:$0x18900] =	vst v63  }
0x63: {  	v3 =	vadd.s32 v1, v3;
	s0 =	simm.s32 $0x9100  }
0x64: {  	[tilespmem:s0], [sflag:$0x1] =	stream.indirect_vreg.gather [hbm4b:s21+s2], $0x80, v4, vm0, $0xb8;
	[tilespmem:$0x18900] =	vst v63  }
0x65: {  	s1 =	simm.s32 $0x9900  }
0x66: {  	[tilespmem:s1], [sflag:$0x1] =	stream.indirect_vreg.gather [hbm4b:s22+s2], $0x80, v4, vm1, $0xb8;
	[tilespmem:$0x18900] =	vst v63  }
0x67: {  	s26 =	simm.s32 $0x9D00  }
0x68: {  	[tilespmem:s26], [sflag:$0x1] =	stream.indirect_vreg.gather [hbm4b:s3+s2], $0x80, v3, vm0, $0xb8;
	[tilespmem:$0x18900] =	vst v63  }
0x69: {  	s31 =	simm.s32 $0xA500  }
0x6a: {  	[tilespmem:s31], [sflag:$0x1] =	stream.indirect_vreg.gather [hbm4b:s4+s2], $0x80, v3, vm0, $0xb8;
	[tilespmem:$0x18900] =	vst v63  }
0x6b: {  	s0 =	simm.s32 $0xAD00  }
0x6c: {  	[tilespmem:s0], [sflag:$0x1] =	stream.indirect_vreg.gather [hbm4b:s5+s2], $0x80, v3, vm0, $0xb8;
	[tilespmem:$0x18900] =	vst v63  }
0x6d: {  	s1 =	simm.s32 $0xB500  }
0x6e: {  	[tilespmem:s1], [sflag:$0x1] =	stream.indirect_vreg.gather [hbm4b:s6+s2], $0x80, v3, vm0, $0xb8;
	[tilespmem:$0x18900] =	vst v63  }
0x6f: {  	s26 =	simm.s32 $0xBD00  }
0x70: {  	[tilespmem:s26], [sflag:$0x1] =	stream.indirect_vreg.gather [hbm4b:s7+s2], $0x80, v3, vm0, $0xb8;
	[tilespmem:$0x18900] =	vst v63  }
0x71: {  	s31 =	simm.s32 $0xC500  }
0x72: {  	[tilespmem:s31], [sflag:$0x1] =	stream.indirect_vreg.gather [hbm4b:s8+s2], $0x80, v3, vm0, $0xb8;
	[tilespmem:$0x18900] =	vst v63  }
0x73: {  	s0 =	simm.s32 $0xCD00  }
0x74: {  	[tilespmem:s0], [sflag:$0x1] =	stream.indirect_vreg.gather [hbm4b:s9+s2], $0x80, v3, vm0, $0xb8;
	[tilespmem:$0x18900] =	vst v63  }
0x75: {  	s1 =	simm.s32 $0xD500  }
0x76: {  	[tilespmem:s1], [sflag:$0x1] =	stream.indirect_vreg.gather [hbm4b:s10+s2], $0x80, v3, vm0, $0xb8;
	[tilespmem:$0x18900] =	vst v63  }
0x77: {  	s26 =	simm.s32 $0xDD00  }
0x78: {  	[tilespmem:s26], [sflag:$0x1] =	stream.indirect_vreg.gather [hbm4b:s11+s2], $0x80, v3, vm0, $0xb8;
	[tilespmem:$0x18900] =	vst v63  }
0x79: {  	s31 =	simm.s32 $0xE500  }
0x7a: {  	[tilespmem:s31], [sflag:$0x1] =	stream.indirect_vreg.gather [hbm4b:s12+s2], $0x80, v3, vm0, $0xb8;
	[tilespmem:$0x18900] =	vst v63  }
0x7b: {  	s0 =	simm.s32 $0xED00  }
0x7c: {  	[tilespmem:s0], [sflag:$0x1] =	stream.indirect_vreg.gather [hbm4b:s13+s2], $0x80, v3, vm0, $0xb8;
	[tilespmem:$0x18900] =	vst v63  }
0x7d: {  	s1 =	simm.s32 $0xF500  }
0x7e: {  	[tilespmem:s1], [sflag:$0x1] =	stream.indirect_vreg.gather [hbm4b:s14+s2], $0x80, v3, vm0, $0xb8;
	[tilespmem:$0x18900] =	vst v63  }
0x7f: {  	s26 =	simm.s32 $0xFD00  }
0x80: {  	[tilespmem:s26], [sflag:$0x1] =	stream.indirect_vreg.gather [hbm4b:s15+s2], $0x80, v3, vm0, $0xb8;
	[tilespmem:$0x18900] =	vst v63  }
0x81: {  	s31 =	simm.s32 $0x10500  }
0x82: {  	[tilespmem:s31], [sflag:$0x1] =	stream.indirect_vreg.gather [hbm4b:s16+s2], $0x80, v3, vm0, $0xb8;
	[tilespmem:$0x18900] =	vst v63  }
0x83: {  	s0 =	simm.s32 $0x10D00  }
0x84: {  	[tilespmem:s0], [sflag:$0x1] =	stream.indirect_vreg.gather [hbm4b:s17+s2], $0x80, v3, vm0, $0xb8;
	[tilespmem:$0x18900] =	vst v63  }
0x85: {  	s1 =	simm.s32 $0x11500  }
0x86: {  	[tilespmem:s1], [sflag:$0x1] =	stream.indirect_vreg.gather [hbm4b:s18+s2], $0x80, v3, vm0, $0xb8;
	[tilespmem:$0x18900] =	vst v63  }
0x87: {  	s26 =	simm.s32 $0x11D00  }
0x88: {  	[tilespmem:s26], [sflag:$0x1] =	stream.indirect_vreg.gather [hbm4b:s19+s2], $0x80, v3, vm0, $0xb8;
	[tilespmem:$0x18900] =	vst v63  }
0x89: {  	s31 =	simm.s32 $0x12500  }
0x8a: {  	[tilespmem:s31], [sflag:$0x1] =	stream.indirect_vreg.gather [hbm4b:s20+s2], $0x80, v3, vm0, $0xb8;
	[tilespmem:$0x18900] =	vst v63  }
0x8b: {  	s0 =	simm.s32 $0x12D00  }
0x8c: {  	[tilespmem:s0], [sflag:$0x1] =	stream.indirect_vreg.gather [hbm4b:s21+s2], $0x80, v3, vm0, $0xb8;
	[tilespmem:$0x18900] =	vst v63  }
0x8d: {  	s1 =	simm.s32 $0x13500  }
0x8e: {  	[tilespmem:s1], [sflag:$0x1] =	stream.indirect_vreg.gather [hbm4b:s22+s2], $0x80, v3, vm1, $0xb8;
	[tilespmem:$0x18900] =	vst v63  }
0x8f: {  	_ =	swait.ge [sflag:s28], $0x13800  }
0x90: {  	[sflag:s28] =	ssyncset.done $0x0  }
0x91: {  	s26 =	rddreg [dreg:$0x9];
	[sflag:s28] =	ssyncadd.s32 $0xFFFEC800  }
0x92: {  	[hbm4b:s26+s2] =	stream.linear.scatter [tilespmem:s23], [sflag:$0x2], $0x13800, $0x38;
	[tilespmem:$0x18900] =	vst v63  }
0x93: {  	_ =	swait.ge [sflag:s24], $0x13800  }
0x94: {  	[sflag:s24] =	ssyncset.done $0x0  }
0x95: {  	[sflag:s24] =	ssyncadd.s32 $0xFFFEC800  }
0x96: {  	v3 =	vld [tilespmem:$0x10];
	_ =	sdelay $0x4  }
0x97: {  	v59 =	vshrl.u32 v3, $0x3  }
0x98: {  	v4 =	vmul.u32 $0x138, v59  }
0x99: {  	v3 =	vand.u32 $0x7, v3  }
0x9a: {  	v3 =	vor.u32 v3, v4  }
0x9b: {  	v4 =	vperm.xlane v3, v0;
	_ =	sdelay $0x1  }
0x9c: {  	v4 =	vadd.s32 v1, v4;
	_ =	sdelay $0x4  }
0x9d: {  	[tilespmem:s23], [sflag:$0x1] =	stream.indirect_vreg.gather [hbm4b:s3+s2], $0x80, v4, vm0, $0xb8;
	[tilespmem:$0x18900] =	vst v63  }
0x9e: {  	s0 =	simm.s32 $0x900  }
0x9f: {  	[tilespmem:s0], [sflag:$0x1] =	stream.indirect_vreg.gather [hbm4b:s4+s2], $0x80, v4, vm0, $0xb8;
	[tilespmem:$0x18900] =	vst v63  }
0xa0: {  	s1 =	simm.s32 $0x1100  }
0xa1: {  	[tilespmem:s1], [sflag:$0x1] =	stream.indirect_vreg.gather [hbm4b:s5+s2], $0x80, v4, vm0, $0xb8;
	[tilespmem:$0x18900] =	vst v63  }
0xa2: {  	s31 =	simm.s32 $0x1900  }
0xa3: {  	[tilespmem:s31], [sflag:$0x1] =	stream.indirect_vreg.gather [hbm4b:s6+s2], $0x80, v4, vm0, $0xb8;
	[tilespmem:$0x18900] =	vst v63  }
0xa4: {  	s26 =	simm.s32 $0x2100  }
0xa5: {  	[tilespmem:s26], [sflag:$0x1] =	stream.indirect_vreg.gather [hbm4b:s7+s2], $0x80, v4, vm0, $0xb8;
	[tilespmem:$0x18900] =	vst v63  }
0xa6: {  	s29 =	simm.s32 $0x2900  }
0xa7: {  	[tilespmem:s29], [sflag:$0x1] =	stream.indirect_vreg.gather [hbm4b:s8+s2], $0x80, v4, vm0, $0xb8;
	[tilespmem:$0x18900] =	vst v63  }
0xa8: {  	s29 =	simm.s32 $0x3100  }
0xa9: {  	[tilespmem:s29], [sflag:$0x1] =	stream.indirect_vreg.gather [hbm4b:s9+s2], $0x80, v4, vm0, $0xb8;
	[tilespmem:$0x18900] =	vst v63  }
0xaa: {  	s29 =	simm.s32 $0x3900  }
0xab: {  	[tilespmem:s29], [sflag:$0x1] =	stream.indirect_vreg.gather [hbm4b:s10+s2], $0x80, v4, vm0, $0xb8;
	[tilespmem:$0x18900] =	vst v63  }
0xac: {  	s29 =	simm.s32 $0x4100  }
0xad: {  	[tilespmem:s29], [sflag:$0x1] =	stream.indirect_vreg.gather [hbm4b:s11+s2], $0x80, v4, vm0, $0xb8;
	[tilespmem:$0x18900] =	vst v63  }
0xae: {  	s29 =	simm.s32 $0x4900  }
0xaf: {  	[tilespmem:s29], [sflag:$0x1] =	stream.indirect_vreg.gather [hbm4b:s12+s2], $0x80, v4, vm0, $0xb8;
	[tilespmem:$0x18900] =	vst v63  }
0xb0: {  	s29 =	simm.s32 $0x5100  }
0xb1: {  	[tilespmem:s29], [sflag:$0x1] =	stream.indirect_vreg.gather [hbm4b:s13+s2], $0x80, v4, vm0, $0xb8;
	[tilespmem:$0x18900] =	vst v63  }
0xb2: {  	s29 =	simm.s32 $0x5900  }
0xb3: {  	[tilespmem:s29], [sflag:$0x1] =	stream.indirect_vreg.gather [hbm4b:s14+s2], $0x80, v4, vm0, $0xb8;
	[tilespmem:$0x18900] =	vst v63  }
0xb4: {  	s29 =	simm.s32 $0x6100  }
0xb5: {  	[tilespmem:s29], [sflag:$0x1] =	stream.indirect_vreg.gather [hbm4b:s15+s2], $0x80, v4, vm0, $0xb8;
	[tilespmem:$0x18900] =	vst v63  }
0xb6: {  	s29 =	simm.s32 $0x6900  }
0xb7: {  	[tilespmem:s29], [sflag:$0x1] =	stream.indirect_vreg.gather [hbm4b:s16+s2], $0x80, v4, vm0, $0xb8;
	[tilespmem:$0x18900] =	vst v63  }
0xb8: {  	s29 =	simm.s32 $0x7100  }
0xb9: {  	[tilespmem:s29], [sflag:$0x1] =	stream.indirect_vreg.gather [hbm4b:s17+s2], $0x80, v4, vm0, $0xb8;
	[tilespmem:$0x18900] =	vst v63  }
0xba: {  	s29 =	simm.s32 $0x7900  }
0xbb: {  	[tilespmem:s29], [sflag:$0x1] =	stream.indirect_vreg.gather [hbm4b:s18+s2], $0x80, v4, vm0, $0xb8;
	[tilespmem:$0x18900] =	vst v63  }
0xbc: {  	s25 =	simm.s32 $0x8100  }
0xbd: {  	[tilespmem:s25], [sflag:$0x1] =	stream.indirect_vreg.gather [hbm4b:s19+s2], $0x80, v4, vm0, $0xb8;
	[tilespmem:$0x18900] =	vst v63  }
0xbe: {  	s30 =	simm.s32 $0x8900;
	v3 =	vperm.xlane v3, v2  }
0xbf: {  	[tilespmem:s30], [sflag:$0x1] =	stream.indirect_vreg.gather [hbm4b:s20+s2], $0x80, v4, vm0, $0xb8;
	[tilespmem:$0x18900] =	vst v63  }
0xc0: {  	v3 =	vadd.s32 v1, v3;
	s29 =	simm.s32 $0x9100  }
0xc1: {  	[tilespmem:s29], [sflag:$0x1] =	stream.indirect_vreg.gather [hbm4b:s21+s2], $0x80, v4, vm0, $0xb8;
	[tilespmem:$0x18900] =	vst v63  }
0xc2: {  	s30 =	simm.s32 $0x9900  }
0xc3: {  	[tilespmem:s30], [sflag:$0x1] =	stream.indirect_vreg.gather [hbm4b:s22+s2], $0x80, v4, vm1, $0xb8;
	[tilespmem:$0x18900] =	vst v63  }
0xc4: {  	s29 =	simm.s32 $0x9D00  }
0xc5: {  	[tilespmem:s29], [sflag:$0x1] =	stream.indirect_vreg.gather [hbm4b:s3+s2], $0x80, v3, vm0, $0xb8;
	[tilespmem:$0x18900] =	vst v63  }
0xc6: {  	s29 =	simm.s32 $0xA500  }
0xc7: {  	[tilespmem:s29], [sflag:$0x1] =	stream.indirect_vreg.gather [hbm4b:s4+s2], $0x80, v3, vm0, $0xb8;
	[tilespmem:$0x18900] =	vst v63  }
0xc8: {  	s29 =	simm.s32 $0xAD00  }
0xc9: {  	[tilespmem:s29], [sflag:$0x1] =	stream.indirect_vreg.gather [hbm4b:s5+s2], $0x80, v3, vm0, $0xb8;
	[tilespmem:$0x18900] =	vst v63  }
0xca: {  	s29 =	simm.s32 $0xB500  }
0xcb: {  	[tilespmem:s29], [sflag:$0x1] =	stream.indirect_vreg.gather [hbm4b:s6+s2], $0x80, v3, vm0, $0xb8;
	[tilespmem:$0x18900] =	vst v63  }
0xcc: {  	s29 =	simm.s32 $0xBD00  }
0xcd: {  	[tilespmem:s29], [sflag:$0x1] =	stream.indirect_vreg.gather [hbm4b:s7+s2], $0x80, v3, vm0, $0xb8;
	[tilespmem:$0x18900] =	vst v63  }
0xce: {  	s29 =	simm.s32 $0xC500  }
0xcf: {  	[tilespmem:s29], [sflag:$0x1] =	stream.indirect_vreg.gather [hbm4b:s8+s2], $0x80, v3, vm0, $0xb8;
	[tilespmem:$0x18900] =	vst v63  }
0xd0: {  	s29 =	simm.s32 $0xCD00  }
0xd1: {  	[tilespmem:s29], [sflag:$0x1] =	stream.indirect_vreg.gather [hbm4b:s9+s2], $0x80, v3, vm0, $0xb8;
	[tilespmem:$0x18900] =	vst v63  }
0xd2: {  	s29 =	simm.s32 $0xD500  }
0xd3: {  	[tilespmem:s29], [sflag:$0x1] =	stream.indirect_vreg.gather [hbm4b:s10+s2], $0x80, v3, vm0, $0xb8;
	[tilespmem:$0x18900] =	vst v63  }
0xd4: {  	s29 =	simm.s32 $0xDD00  }
0xd5: {  	[tilespmem:s29], [sflag:$0x1] =	stream.indirect_vreg.gather [hbm4b:s11+s2], $0x80, v3, vm0, $0xb8;
	[tilespmem:$0x18900] =	vst v63  }
0xd6: {  	s29 =	simm.s32 $0xE500  }
0xd7: {  	[tilespmem:s29], [sflag:$0x1] =	stream.indirect_vreg.gather [hbm4b:s12+s2], $0x80, v3, vm0, $0xb8;
	[tilespmem:$0x18900] =	vst v63  }
0xd8: {  	s29 =	simm.s32 $0xED00  }
0xd9: {  	[tilespmem:s29], [sflag:$0x1] =	stream.indirect_vreg.gather [hbm4b:s13+s2], $0x80, v3, vm0, $0xb8;
	[tilespmem:$0x18900] =	vst v63  }
0xda: {  	s29 =	simm.s32 $0xF500  }
0xdb: {  	[tilespmem:s29], [sflag:$0x1] =	stream.indirect_vreg.gather [hbm4b:s14+s2], $0x80, v3, vm0, $0xb8;
	[tilespmem:$0x18900] =	vst v63  }
0xdc: {  	s29 =	simm.s32 $0xFD00  }
0xdd: {  	[tilespmem:s29], [sflag:$0x1] =	stream.indirect_vreg.gather [hbm4b:s15+s2], $0x80, v3, vm0, $0xb8;
	[tilespmem:$0x18900] =	vst v63  }
0xde: {  	s29 =	simm.s32 $0x10500  }
0xdf: {  	[tilespmem:s29], [sflag:$0x1] =	stream.indirect_vreg.gather [hbm4b:s16+s2], $0x80, v3, vm0, $0xb8;
	[tilespmem:$0x18900] =	vst v63  }
0xe0: {  	s29 =	simm.s32 $0x10D00  }
0xe1: {  	[tilespmem:s29], [sflag:$0x1] =	stream.indirect_vreg.gather [hbm4b:s17+s2], $0x80, v3, vm0, $0xb8;
	[tilespmem:$0x18900] =	vst v63  }
0xe2: {  	s29 =	simm.s32 $0x11500  }
0xe3: {  	[tilespmem:s29], [sflag:$0x1] =	stream.indirect_vreg.gather [hbm4b:s18+s2], $0x80, v3, vm0, $0xb8;
	[tilespmem:$0x18900] =	vst v63  }
0xe4: {  	s29 =	simm.s32 $0x11D00  }
0xe5: {  	[tilespmem:s29], [sflag:$0x1] =	stream.indirect_vreg.gather [hbm4b:s19+s2], $0x80, v3, vm0, $0xb8;
	[tilespmem:$0x18900] =	vst v63  }
0xe6: {  	s29 =	simm.s32 $0x12500  }
0xe7: {  	[tilespmem:s29], [sflag:$0x1] =	stream.indirect_vreg.gather [hbm4b:s20+s2], $0x80, v3, vm0, $0xb8;
	[tilespmem:$0x18900] =	vst v63  }
0xe8: {  	s29 =	simm.s32 $0x12D00  }
0xe9: {  	[tilespmem:s29], [sflag:$0x1] =	stream.indirect_vreg.gather [hbm4b:s21+s2], $0x80, v3, vm0, $0xb8;
	[tilespmem:$0x18900] =	vst v63  }
0xea: {  	s29 =	simm.s32 $0x13500  }
0xeb: {  	[tilespmem:s29], [sflag:$0x1] =	stream.indirect_vreg.gather [hbm4b:s22+s2], $0x80, v3, vm1, $0xb8;
	[tilespmem:$0x18900] =	vst v63  }
0xec: {  	_ =	swait.ge [sflag:s28], $0x13800  }
0xed: {  	[sflag:s28] =	ssyncset.done $0x0  }
0xee: {  	s29 =	rddreg [dreg:$0xa];
	[sflag:s28] =	ssyncadd.s32 $0xFFFEC800  }
0xef: {  	[hbm4b:s29+s2] =	stream.linear.scatter [tilespmem:s23], [sflag:$0x2], $0x13800, $0x38;
	[tilespmem:$0x18900] =	vst v63  }
0xf0: {  	_ =	swait.ge [sflag:s24], $0x13800  }
0xf1: {  	[sflag:s24] =	ssyncset.done $0x0  }
0xf2: {  	[sflag:s24] =	ssyncadd.s32 $0xFFFEC800  }
0xf3: {  	v3 =	vld [tilespmem:$0x80];
	_ =	sdelay $0x4  }
0xf4: {  	v60 =	vshrl.u32 v3, $0x3  }
0xf5: {  	v4 =	vmul.u32 $0x138, v60  }
0xf6: {  	v3 =	vand.u32 $0x7, v3  }
0xf7: {  	v3 =	vor.u32 v3, v4  }
0xf8: {  	v4 =	vperm.xlane v3, v0;
	_ =	sdelay $0x1  }
0xf9: {  	v4 =	vadd.s32 v1, v4;
	_ =	sdelay $0x4  }
0xfa: {  	[tilespmem:s23], [sflag:$0x1] =	stream.indirect_vreg.gather [hbm4b:s3+s2], $0x80, v4, vm0, $0xb8;
	[tilespmem:$0x18900] =	vst v63  }
0xfb: {  	_ = 	snop  }
0xfc: {  	[tilespmem:s0], [sflag:$0x1] =	stream.indirect_vreg.gather [hbm4b:s4+s2], $0x80, v4, vm0, $0xb8;
	[tilespmem:$0x18900] =	vst v63  }
0xfd: {  	_ = 	snop  }
0xfe: {  	[tilespmem:s1], [sflag:$0x1] =	stream.indirect_vreg.gather [hbm4b:s5+s2], $0x80, v4, vm0, $0xb8;
	[tilespmem:$0x18900] =	vst v63  }
0xff: {  	_ = 	snop  }
0x100: {  	[tilespmem:s31], [sflag:$0x1] =	stream.indirect_vreg.gather [hbm4b:s6+s2], $0x80, v4, vm0, $0xb8;
	[tilespmem:$0x18900] =	vst v63  }
0x101: {  	_ = 	snop  }
0x102: {  	[tilespmem:s26], [sflag:$0x1] =	stream.indirect_vreg.gather [hbm4b:s7+s2], $0x80, v4, vm0, $0xb8;
	[tilespmem:$0x18900] =	vst v63  }
0x103: {  	s29 =	simm.s32 $0x2900  }
0x104: {  	[tilespmem:s29], [sflag:$0x1] =	stream.indirect_vreg.gather [hbm4b:s8+s2], $0x80, v4, vm0, $0xb8;
	[tilespmem:$0x18900] =	vst v63  }
0x105: {  	s29 =	simm.s32 $0x3100  }
0x106: {  	[tilespmem:s29], [sflag:$0x1] =	stream.indirect_vreg.gather [hbm4b:s9+s2], $0x80, v4, vm0, $0xb8;
	[tilespmem:$0x18900] =	vst v63  }
0x107: {  	s29 =	simm.s32 $0x3900  }
0x108: {  	[tilespmem:s29], [sflag:$0x1] =	stream.indirect_vreg.gather [hbm4b:s10+s2], $0x80, v4, vm0, $0xb8;
	[tilespmem:$0x18900] =	vst v63  }
0x109: {  	s29 =	simm.s32 $0x4100  }
0x10a: {  	[tilespmem:s29], [sflag:$0x1] =	stream.indirect_vreg.gather [hbm4b:s11+s2], $0x80, v4, vm0, $0xb8;
	[tilespmem:$0x18900] =	vst v63  }
0x10b: {  	s29 =	simm.s32 $0x4900  }
0x10c: {  	[tilespmem:s29], [sflag:$0x1] =	stream.indirect_vreg.gather [hbm4b:s12+s2], $0x80, v4, vm0, $0xb8;
	[tilespmem:$0x18900] =	vst v63  }
0x10d: {  	s29 =	simm.s32 $0x5100  }
0x10e: {  	[tilespmem:s29], [sflag:$0x1] =	stream.indirect_vreg.gather [hbm4b:s13+s2], $0x80, v4, vm0, $0xb8;
	[tilespmem:$0x18900] =	vst v63  }
0x10f: {  	s29 =	simm.s32 $0x5900  }
0x110: {  	[tilespmem:s29], [sflag:$0x1] =	stream.indirect_vreg.gather [hbm4b:s14+s2], $0x80, v4, vm0, $0xb8;
	[tilespmem:$0x18900] =	vst v63  }
0x111: {  	s29 =	simm.s32 $0x6100  }
0x112: {  	[tilespmem:s29], [sflag:$0x1] =	stream.indirect_vreg.gather [hbm4b:s15+s2], $0x80, v4, vm0, $0xb8;
	[tilespmem:$0x18900] =	vst v63  }
0x113: {  	s29 =	simm.s32 $0x6900  }
0x114: {  	[tilespmem:s29], [sflag:$0x1] =	stream.indirect_vreg.gather [hbm4b:s16+s2], $0x80, v4, vm0, $0xb8;
	[tilespmem:$0x18900] =	vst v63  }
0x115: {  	s29 =	simm.s32 $0x7100  }
0x116: {  	[tilespmem:s29], [sflag:$0x1] =	stream.indirect_vreg.gather [hbm4b:s17+s2], $0x80, v4, vm0, $0xb8;
	[tilespmem:$0x18900] =	vst v63  }
0x117: {  	s29 =	simm.s32 $0x7900  }
0x118: {  	[tilespmem:s29], [sflag:$0x1] =	stream.indirect_vreg.gather [hbm4b:s18+s2], $0x80, v4, vm0, $0xb8;
	[tilespmem:$0x18900] =	vst v63  }
0x119: {  	s29 =	simm.s32 $0x8100  }
0x11a: {  	[tilespmem:s29], [sflag:$0x1] =	stream.indirect_vreg.gather [hbm4b:s19+s2], $0x80, v4, vm0, $0xb8;
	[tilespmem:$0x18900] =	vst v63  }
0x11b: {  	v3 =	vperm.xlane v3, v2;
	s29 =	simm.s32 $0x8900  }
0x11c: {  	[tilespmem:s29], [sflag:$0x1] =	stream.indirect_vreg.gather [hbm4b:s20+s2], $0x80, v4, vm0, $0xb8;
	[tilespmem:$0x18900] =	vst v63  }
0x11d: {  	s25 =	simm.s32 $0x9100;
	v3 =	vadd.s32 v1, v3  }
0x11e: {  	[tilespmem:s25], [sflag:$0x1] =	stream.indirect_vreg.gather [hbm4b:s21+s2], $0x80, v4, vm0, $0xb8;
	[tilespmem:$0x18900] =	vst v63  }
0x11f: {  	s30 =	simm.s32 $0x9900  }
0x120: {  	[tilespmem:s30], [sflag:$0x1] =	stream.indirect_vreg.gather [hbm4b:s22+s2], $0x80, v4, vm1, $0xb8;
	[tilespmem:$0x18900] =	vst v63  }
0x121: {  	s29 =	simm.s32 $0x9D00  }
0x122: {  	[tilespmem:s29], [sflag:$0x1] =	stream.indirect_vreg.gather [hbm4b:s3+s2], $0x80, v3, vm0, $0xb8;
	[tilespmem:$0x18900] =	vst v63  }
0x123: {  	s29 =	simm.s32 $0xA500  }
0x124: {  	[tilespmem:s29], [sflag:$0x1] =	stream.indirect_vreg.gather [hbm4b:s4+s2], $0x80, v3, vm0, $0xb8;
	[tilespmem:$0x18900] =	vst v63  }
0x125: {  	s29 =	simm.s32 $0xAD00  }
0x126: {  	[tilespmem:s29], [sflag:$0x1] =	stream.indirect_vreg.gather [hbm4b:s5+s2], $0x80, v3, vm0, $0xb8;
	[tilespmem:$0x18900] =	vst v63  }
0x127: {  	s29 =	simm.s32 $0xB500  }
0x128: {  	[tilespmem:s29], [sflag:$0x1] =	stream.indirect_vreg.gather [hbm4b:s6+s2], $0x80, v3, vm0, $0xb8;
	[tilespmem:$0x18900] =	vst v63  }
0x129: {  	s29 =	simm.s32 $0xBD00  }
0x12a: {  	[tilespmem:s29], [sflag:$0x1] =	stream.indirect_vreg.gather [hbm4b:s7+s2], $0x80, v3, vm0, $0xb8;
	[tilespmem:$0x18900] =	vst v63  }
0x12b: {  	s29 =	simm.s32 $0xC500  }
0x12c: {  	[tilespmem:s29], [sflag:$0x1] =	stream.indirect_vreg.gather [hbm4b:s8+s2], $0x80, v3, vm0, $0xb8;
	[tilespmem:$0x18900] =	vst v63  }
0x12d: {  	s29 =	simm.s32 $0xCD00  }
0x12e: {  	[tilespmem:s29], [sflag:$0x1] =	stream.indirect_vreg.gather [hbm4b:s9+s2], $0x80, v3, vm0, $0xb8;
	[tilespmem:$0x18900] =	vst v63  }
0x12f: {  	s29 =	simm.s32 $0xD500  }
0x130: {  	[tilespmem:s29], [sflag:$0x1] =	stream.indirect_vreg.gather [hbm4b:s10+s2], $0x80, v3, vm0, $0xb8;
	[tilespmem:$0x18900] =	vst v63  }
0x131: {  	s29 =	simm.s32 $0xDD00  }
0x132: {  	[tilespmem:s29], [sflag:$0x1] =	stream.indirect_vreg.gather [hbm4b:s11+s2], $0x80, v3, vm0, $0xb8;
	[tilespmem:$0x18900] =	vst v63  }
0x133: {  	s29 =	simm.s32 $0xE500  }
0x134: {  	[tilespmem:s29], [sflag:$0x1] =	stream.indirect_vreg.gather [hbm4b:s12+s2], $0x80, v3, vm0, $0xb8;
	[tilespmem:$0x18900] =	vst v63  }
0x135: {  	s29 =	simm.s32 $0xED00  }
0x136: {  	[tilespmem:s29], [sflag:$0x1] =	stream.indirect_vreg.gather [hbm4b:s13+s2], $0x80, v3, vm0, $0xb8;
	[tilespmem:$0x18900] =	vst v63  }
0x137: {  	s29 =	simm.s32 $0xF500  }
0x138: {  	[tilespmem:s29], [sflag:$0x1] =	stream.indirect_vreg.gather [hbm4b:s14+s2], $0x80, v3, vm0, $0xb8;
	[tilespmem:$0x18900] =	vst v63  }
0x139: {  	s29 =	simm.s32 $0xFD00  }
0x13a: {  	[tilespmem:s29], [sflag:$0x1] =	stream.indirect_vreg.gather [hbm4b:s15+s2], $0x80, v3, vm0, $0xb8;
	[tilespmem:$0x18900] =	vst v63  }
0x13b: {  	s29 =	simm.s32 $0x10500  }
0x13c: {  	[tilespmem:s29], [sflag:$0x1] =	stream.indirect_vreg.gather [hbm4b:s16+s2], $0x80, v3, vm0, $0xb8;
	[tilespmem:$0x18900] =	vst v63  }
0x13d: {  	s29 =	simm.s32 $0x10D00  }
0x13e: {  	[tilespmem:s29], [sflag:$0x1] =	stream.indirect_vreg.gather [hbm4b:s17+s2], $0x80, v3, vm0, $0xb8;
	[tilespmem:$0x18900] =	vst v63  }
0x13f: {  	s29 =	simm.s32 $0x11500  }
0x140: {  	[tilespmem:s29], [sflag:$0x1] =	stream.indirect_vreg.gather [hbm4b:s18+s2], $0x80, v3, vm0, $0xb8;
	[tilespmem:$0x18900] =	vst v63  }
0x141: {  	s29 =	simm.s32 $0x11D00  }
0x142: {  	[tilespmem:s29], [sflag:$0x1] =	stream.indirect_vreg.gather [hbm4b:s19+s2], $0x80, v3, vm0, $0xb8;
	[tilespmem:$0x18900] =	vst v63  }
0x143: {  	s29 =	simm.s32 $0x12500  }
0x144: {  	[tilespmem:s29], [sflag:$0x1] =	stream.indirect_vreg.gather [hbm4b:s20+s2], $0x80, v3, vm0, $0xb8;
	[tilespmem:$0x18900] =	vst v63  }
0x145: {  	s29 =	simm.s32 $0x12D00  }
0x146: {  	[tilespmem:s29], [sflag:$0x1] =	stream.indirect_vreg.gather [hbm4b:s21+s2], $0x80, v3, vm0, $0xb8;
	[tilespmem:$0x18900] =	vst v63  }
0x147: {  	s29 =	simm.s32 $0x13500  }
0x148: {  	[tilespmem:s29], [sflag:$0x1] =	stream.indirect_vreg.gather [hbm4b:s22+s2], $0x80, v3, vm1, $0xb8;
	[tilespmem:$0x18900] =	vst v63  }
0x149: {  	_ =	swait.ge [sflag:s28], $0x13800  }
0x14a: {  	[sflag:s28] =	ssyncset.done $0x0  }
0x14b: {  	s29 =	rddreg [dreg:$0xb];
	[sflag:s28] =	ssyncadd.s32 $0xFFFEC800  }
0x14c: {  	[hbm4b:s29+s2] =	stream.linear.scatter [tilespmem:s23], [sflag:$0x2], $0x13800, $0x38;
	[tilespmem:$0x18900] =	vst v63  }
0x14d: {  	_ =	swait.ge [sflag:s24], $0x13800  }
0x14e: {  	[sflag:s24] =	ssyncset.done $0x0  }
0x14f: {  	[sflag:s24] =	ssyncadd.s32 $0xFFFEC800  }
0x150: {  	v3 =	vld [tilespmem:$0x90];
	_ =	sdelay $0x4  }
0x151: {  	v61 =	vshrl.u32 v3, $0x3  }
0x152: {  	v4 =	vmul.u32 $0x138, v61  }
0x153: {  	v3 =	vand.u32 $0x7, v3  }
0x154: {  	v3 =	vor.u32 v3, v4  }
0x155: {  	v4 =	vperm.xlane v3, v0;
	_ =	sdelay $0x1  }
0x156: {  	v4 =	vadd.s32 v1, v4;
	_ =	sdelay $0x4  }
0x157: {  	[tilespmem:s23], [sflag:$0x1] =	stream.indirect_vreg.gather [hbm4b:s3+s2], $0x80, v4, vm0, $0xb8;
	[tilespmem:$0x18900] =	vst v63  }
0x158: {  	s29 =	simm.s32 $0x900  }
0x159: {  	[tilespmem:s29], [sflag:$0x1] =	stream.indirect_vreg.gather [hbm4b:s4+s2], $0x80, v4, vm0, $0xb8;
	[tilespmem:$0x18900] =	vst v63  }
0x15a: {  	s1 =	simm.s32 $0x1100  }
0x15b: {  	[tilespmem:s1], [sflag:$0x1] =	stream.indirect_vreg.gather [hbm4b:s5+s2], $0x80, v4, vm0, $0xb8;
	[tilespmem:$0x18900] =	vst v63  }
0x15c: {  	s0 =	simm.s32 $0x1900  }
0x15d: {  	[tilespmem:s0], [sflag:$0x1] =	stream.indirect_vreg.gather [hbm4b:s6+s2], $0x80, v4, vm0, $0xb8;
	[tilespmem:$0x18900] =	vst v63  }
0x15e: {  	s31 =	simm.s32 $0x2100  }
0x15f: {  	[tilespmem:s31], [sflag:$0x1] =	stream.indirect_vreg.gather [hbm4b:s7+s2], $0x80, v4, vm0, $0xb8;
	[tilespmem:$0x18900] =	vst v63  }
0x160: {  	s31 =	simm.s32 $0x2900  }
0x161: {  	[tilespmem:s31], [sflag:$0x1] =	stream.indirect_vreg.gather [hbm4b:s8+s2], $0x80, v4, vm0, $0xb8;
	[tilespmem:$0x18900] =	vst v63  }
0x162: {  	s26 =	simm.s32 $0x3100  }
0x163: {  	[tilespmem:s26], [sflag:$0x1] =	stream.indirect_vreg.gather [hbm4b:s9+s2], $0x80, v4, vm0, $0xb8;
	[tilespmem:$0x18900] =	vst v63  }
0x164: {  	s29 =	simm.s32 $0x3900  }
0x165: {  	[tilespmem:s29], [sflag:$0x1] =	stream.indirect_vreg.gather [hbm4b:s10+s2], $0x80, v4, vm0, $0xb8;
	[tilespmem:$0x18900] =	vst v63  }
0x166: {  	s26 =	simm.s32 $0x4100  }
0x167: {  	[tilespmem:s26], [sflag:$0x1] =	stream.indirect_vreg.gather [hbm4b:s11+s2], $0x80, v4, vm0, $0xb8;
	[tilespmem:$0x18900] =	vst v63  }
0x168: {  	s29 =	simm.s32 $0x4900  }
0x169: {  	[tilespmem:s29], [sflag:$0x1] =	stream.indirect_vreg.gather [hbm4b:s12+s2], $0x80, v4, vm0, $0xb8;
	[tilespmem:$0x18900] =	vst v63  }
0x16a: {  	s26 =	simm.s32 $0x5100  }
0x16b: {  	[tilespmem:s26], [sflag:$0x1] =	stream.indirect_vreg.gather [hbm4b:s13+s2], $0x80, v4, vm0, $0xb8;
	[tilespmem:$0x18900] =	vst v63  }
0x16c: {  	s29 =	simm.s32 $0x5900  }
0x16d: {  	[tilespmem:s29], [sflag:$0x1] =	stream.indirect_vreg.gather [hbm4b:s14+s2], $0x80, v4, vm0, $0xb8;
	[tilespmem:$0x18900] =	vst v63  }
0x16e: {  	s26 =	simm.s32 $0x6100  }
0x16f: {  	[tilespmem:s26], [sflag:$0x1] =	stream.indirect_vreg.gather [hbm4b:s15+s2], $0x80, v4, vm0, $0xb8;
	[tilespmem:$0x18900] =	vst v63  }
0x170: {  	s29 =	simm.s32 $0x6900  }
0x171: {  	[tilespmem:s29], [sflag:$0x1] =	stream.indirect_vreg.gather [hbm4b:s16+s2], $0x80, v4, vm0, $0xb8;
	[tilespmem:$0x18900] =	vst v63  }
0x172: {  	s26 =	simm.s32 $0x7100  }
0x173: {  	[tilespmem:s26], [sflag:$0x1] =	stream.indirect_vreg.gather [hbm4b:s17+s2], $0x80, v4, vm0, $0xb8;
	[tilespmem:$0x18900] =	vst v63  }
0x174: {  	s29 =	simm.s32 $0x7900  }
0x175: {  	[tilespmem:s29], [sflag:$0x1] =	stream.indirect_vreg.gather [hbm4b:s18+s2], $0x80, v4, vm0, $0xb8;
	[tilespmem:$0x18900] =	vst v63  }
0x176: {  	s26 =	simm.s32 $0x8100  }
0x177: {  	[tilespmem:s26], [sflag:$0x1] =	stream.indirect_vreg.gather [hbm4b:s19+s2], $0x80, v4, vm0, $0xb8;
	[tilespmem:$0x18900] =	vst v63  }
0x178: {  	v3 =	vperm.xlane v3, v2;
	s29 =	simm.s32 $0x8900  }
0x179: {  	[tilespmem:s29], [sflag:$0x1] =	stream.indirect_vreg.gather [hbm4b:s20+s2], $0x80, v4, vm0, $0xb8;
	[tilespmem:$0x18900] =	vst v63  }
0x17a: {  	s25 =	simm.s32 $0x9100;
	v3 =	vadd.s32 v1, v3  }
0x17b: {  	[tilespmem:s25], [sflag:$0x1] =	stream.indirect_vreg.gather [hbm4b:s21+s2], $0x80, v4, vm0, $0xb8;
	[tilespmem:$0x18900] =	vst v63  }
0x17c: {  	s30 =	simm.s32 $0x9900  }
0x17d: {  	[tilespmem:s30], [sflag:$0x1] =	stream.indirect_vreg.gather [hbm4b:s22+s2], $0x80, v4, vm1, $0xb8;
	[tilespmem:$0x18900] =	vst v63  }
0x17e: {  	s25 =	simm.s32 $0x9D00  }
0x17f: {  	[tilespmem:s25], [sflag:$0x1] =	stream.indirect_vreg.gather [hbm4b:s3+s2], $0x80, v3, vm0, $0xb8;
	[tilespmem:$0x18900] =	vst v63  }
0x180: {  	s26 =	simm.s32 $0xA500  }
0x181: {  	[tilespmem:s26], [sflag:$0x1] =	stream.indirect_vreg.gather [hbm4b:s4+s2], $0x80, v3, vm0, $0xb8;
	[tilespmem:$0x18900] =	vst v63  }
0x182: {  	s29 =	simm.s32 $0xAD00  }
0x183: {  	[tilespmem:s29], [sflag:$0x1] =	stream.indirect_vreg.gather [hbm4b:s5+s2], $0x80, v3, vm0, $0xb8;
	[tilespmem:$0x18900] =	vst v63  }
0x184: {  	s30 =	simm.s32 $0xB500  }
0x185: {  	[tilespmem:s30], [sflag:$0x1] =	stream.indirect_vreg.gather [hbm4b:s6+s2], $0x80, v3, vm0, $0xb8;
	[tilespmem:$0x18900] =	vst v63  }
0x186: {  	s25 =	simm.s32 $0xBD00  }
0x187: {  	[tilespmem:s25], [sflag:$0x1] =	stream.indirect_vreg.gather [hbm4b:s7+s2], $0x80, v3, vm0, $0xb8;
	[tilespmem:$0x18900] =	vst v63  }
0x188: {  	s26 =	simm.s32 $0xC500  }
0x189: {  	[tilespmem:s26], [sflag:$0x1] =	stream.indirect_vreg.gather [hbm4b:s8+s2], $0x80, v3, vm0, $0xb8;
	[tilespmem:$0x18900] =	vst v63  }
0x18a: {  	s29 =	simm.s32 $0xCD00  }
0x18b: {  	[tilespmem:s29], [sflag:$0x1] =	stream.indirect_vreg.gather [hbm4b:s9+s2], $0x80, v3, vm0, $0xb8;
	[tilespmem:$0x18900] =	vst v63  }
0x18c: {  	s30 =	simm.s32 $0xD500  }
0x18d: {  	[tilespmem:s30], [sflag:$0x1] =	stream.indirect_vreg.gather [hbm4b:s10+s2], $0x80, v3, vm0, $0xb8;
	[tilespmem:$0x18900] =	vst v63  }
0x18e: {  	s25 =	simm.s32 $0xDD00  }
0x18f: {  	[tilespmem:s25], [sflag:$0x1] =	stream.indirect_vreg.gather [hbm4b:s11+s2], $0x80, v3, vm0, $0xb8;
	[tilespmem:$0x18900] =	vst v63  }
0x190: {  	s26 =	simm.s32 $0xE500  }
0x191: {  	[tilespmem:s26], [sflag:$0x1] =	stream.indirect_vreg.gather [hbm4b:s12+s2], $0x80, v3, vm0, $0xb8;
	[tilespmem:$0x18900] =	vst v63  }
0x192: {  	s29 =	simm.s32 $0xED00  }
0x193: {  	[tilespmem:s29], [sflag:$0x1] =	stream.indirect_vreg.gather [hbm4b:s13+s2], $0x80, v3, vm0, $0xb8;
	[tilespmem:$0x18900] =	vst v63  }
0x194: {  	s30 =	simm.s32 $0xF500  }
0x195: {  	[tilespmem:s30], [sflag:$0x1] =	stream.indirect_vreg.gather [hbm4b:s14+s2], $0x80, v3, vm0, $0xb8;
	[tilespmem:$0x18900] =	vst v63  }
0x196: {  	s25 =	simm.s32 $0xFD00  }
0x197: {  	[tilespmem:s25], [sflag:$0x1] =	stream.indirect_vreg.gather [hbm4b:s15+s2], $0x80, v3, vm0, $0xb8;
	[tilespmem:$0x18900] =	vst v63  }
0x198: {  	s26 =	simm.s32 $0x10500  }
0x199: {  	[tilespmem:s26], [sflag:$0x1] =	stream.indirect_vreg.gather [hbm4b:s16+s2], $0x80, v3, vm0, $0xb8;
	[tilespmem:$0x18900] =	vst v63  }
0x19a: {  	s29 =	simm.s32 $0x10D00  }
0x19b: {  	[tilespmem:s29], [sflag:$0x1] =	stream.indirect_vreg.gather [hbm4b:s17+s2], $0x80, v3, vm0, $0xb8;
	[tilespmem:$0x18900] =	vst v63  }
0x19c: {  	s30 =	simm.s32 $0x11500  }
0x19d: {  	[tilespmem:s30], [sflag:$0x1] =	stream.indirect_vreg.gather [hbm4b:s18+s2], $0x80, v3, vm0, $0xb8;
	[tilespmem:$0x18900] =	vst v63  }
0x19e: {  	s25 =	simm.s32 $0x11D00  }
0x19f: {  	[tilespmem:s25], [sflag:$0x1] =	stream.indirect_vreg.gather [hbm4b:s19+s2], $0x80, v3, vm0, $0xb8;
	[tilespmem:$0x18900] =	vst v63  }
0x1a0: {  	s26 =	simm.s32 $0x12500  }
0x1a1: {  	[tilespmem:s26], [sflag:$0x1] =	stream.indirect_vreg.gather [hbm4b:s20+s2], $0x80, v3, vm0, $0xb8;
	[tilespmem:$0x18900] =	vst v63  }
0x1a2: {  	s29 =	simm.s32 $0x12D00  }
0x1a3: {  	[tilespmem:s29], [sflag:$0x1] =	stream.indirect_vreg.gather [hbm4b:s21+s2], $0x80, v3, vm0, $0xb8;
	[tilespmem:$0x18900] =	vst v63  }
0x1a4: {  	s30 =	simm.s32 $0x13500  }
0x1a5: {  	[tilespmem:s30], [sflag:$0x1] =	stream.indirect_vreg.gather [hbm4b:s22+s2], $0x80, v3, vm1, $0xb8;
	[tilespmem:$0x18900] =	vst v63  }
0x1a6: {  	_ =	swait.ge [sflag:s28], $0x13800  }
0x1a7: {  	[sflag:s28] =	ssyncset.done $0x0  }
0x1a8: {  	s25 =	rddreg [dreg:$0xc];
	[sflag:s28] =	ssyncadd.s32 $0xFFFEC800  }
0x1a9: {  	[hbm4b:s25+s2] =	stream.linear.scatter [tilespmem:s23], [sflag:$0x2], $0x13800, $0x38;
	[tilespmem:$0x18900] =	vst v63  }
0x1aa: {  	_ =	swait.ge [sflag:s24], $0x13800  }
0x1ab: {  	[sflag:s24] =	ssyncset.done $0x0  }
0x1ac: {  	[sflag:s24] =	ssyncadd.s32 $0xFFFEC800  }
0x1ad: {  	v3 =	vld [tilespmem:$0xA0];
	_ =	sdelay $0x4  }
0x1ae: {  	v62 =	vshrl.u32 v3, $0x3  }
0x1af: {  	v4 =	vmul.u32 $0x138, v62  }
0x1b0: {  	v3 =	vand.u32 $0x7, v3  }
0x1b1: {  	v3 =	vor.u32 v3, v4  }
0x1b2: {  	v4 =	vperm.xlane v3, v0;
	_ =	sdelay $0x1  }
0x1b3: {  	v4 =	vadd.s32 v1, v4;
	_ =	sdelay $0x4  }
0x1b4: {  	[tilespmem:s23], [sflag:$0x1] =	stream.indirect_vreg.gather [hbm4b:s3+s2], $0x80, v4, vm0, $0xb8;
	[tilespmem:$0x18900] =	vst v63  }
0x1b5: {  	s26 =	simm.s32 $0x900  }
0x1b6: {  	[tilespmem:s26], [sflag:$0x1] =	stream.indirect_vreg.gather [hbm4b:s4+s2], $0x80, v4, vm0, $0xb8;
	[tilespmem:$0x18900] =	vst v63  }
0x1b7: {  	s29 =	simm.s32 $0x1100  }
0x1b8: {  	[tilespmem:s29], [sflag:$0x1] =	stream.indirect_vreg.gather [hbm4b:s5+s2], $0x80, v4, vm0, $0xb8;
	[tilespmem:$0x18900] =	vst v63  }
0x1b9: {  	s1 =	simm.s32 $0x1900  }
0x1ba: {  	[tilespmem:s1], [sflag:$0x1] =	stream.indirect_vreg.gather [hbm4b:s6+s2], $0x80, v4, vm0, $0xb8;
	[tilespmem:$0x18900] =	vst v63  }
0x1bb: {  	s30 =	simm.s32 $0x2100  }
0x1bc: {  	[tilespmem:s30], [sflag:$0x1] =	stream.indirect_vreg.gather [hbm4b:s7+s2], $0x80, v4, vm0, $0xb8;
	[tilespmem:$0x18900] =	vst v63  }
0x1bd: {  	s29 =	simm.s32 $0x2900  }
0x1be: {  	[tilespmem:s29], [sflag:$0x1] =	stream.indirect_vreg.gather [hbm4b:s8+s2], $0x80, v4, vm0, $0xb8;
	[tilespmem:$0x18900] =	vst v63  }
0x1bf: {  	s31 =	simm.s32 $0x3100  }
0x1c0: {  	[tilespmem:s31], [sflag:$0x1] =	stream.indirect_vreg.gather [hbm4b:s9+s2], $0x80, v4, vm0, $0xb8;
	[tilespmem:$0x18900] =	vst v63  }
0x1c1: {  	s29 =	simm.s32 $0x3900  }
0x1c2: {  	[tilespmem:s29], [sflag:$0x1] =	stream.indirect_vreg.gather [hbm4b:s10+s2], $0x80, v4, vm0, $0xb8;
	[tilespmem:$0x18900] =	vst v63  }
0x1c3: {  	s29 =	simm.s32 $0x4100  }
0x1c4: {  	[tilespmem:s29], [sflag:$0x1] =	stream.indirect_vreg.gather [hbm4b:s11+s2], $0x80, v4, vm0, $0xb8;
	[tilespmem:$0x18900] =	vst v63  }
0x1c5: {  	s29 =	simm.s32 $0x4900  }
0x1c6: {  	[tilespmem:s29], [sflag:$0x1] =	stream.indirect_vreg.gather [hbm4b:s12+s2], $0x80, v4, vm0, $0xb8;
	[tilespmem:$0x18900] =	vst v63  }
0x1c7: {  	s29 =	simm.s32 $0x5100  }
0x1c8: {  	[tilespmem:s29], [sflag:$0x1] =	stream.indirect_vreg.gather [hbm4b:s13+s2], $0x80, v4, vm0, $0xb8;
	[tilespmem:$0x18900] =	vst v63  }
0x1c9: {  	s29 =	simm.s32 $0x5900  }
0x1ca: {  	[tilespmem:s29], [sflag:$0x1] =	stream.indirect_vreg.gather [hbm4b:s14+s2], $0x80, v4, vm0, $0xb8;
	[tilespmem:$0x18900] =	vst v63  }
0x1cb: {  	s29 =	simm.s32 $0x6100  }
0x1cc: {  	[tilespmem:s29], [sflag:$0x1] =	stream.indirect_vreg.gather [hbm4b:s15+s2], $0x80, v4, vm0, $0xb8;
	[tilespmem:$0x18900] =	vst v63  }
0x1cd: {  	s29 =	simm.s32 $0x6900  }
0x1ce: {  	[tilespmem:s29], [sflag:$0x1] =	stream.indirect_vreg.gather [hbm4b:s16+s2], $0x80, v4, vm0, $0xb8;
	[tilespmem:$0x18900] =	vst v63  }
0x1cf: {  	s29 =	simm.s32 $0x7100  }
0x1d0: {  	[tilespmem:s29], [sflag:$0x1] =	stream.indirect_vreg.gather [hbm4b:s17+s2], $0x80, v4, vm0, $0xb8;
	[tilespmem:$0x18900] =	vst v63  }
0x1d1: {  	s29 =	simm.s32 $0x7900  }
0x1d2: {  	[tilespmem:s29], [sflag:$0x1] =	stream.indirect_vreg.gather [hbm4b:s18+s2], $0x80, v4, vm0, $0xb8;
	[tilespmem:$0x18900] =	vst v63  }
0x1d3: {  	s29 =	simm.s32 $0x8100  }
0x1d4: {  	[tilespmem:s29], [sflag:$0x1] =	stream.indirect_vreg.gather [hbm4b:s19+s2], $0x80, v4, vm0, $0xb8;
	[tilespmem:$0x18900] =	vst v63  }
0x1d5: {  	v3 =	vperm.xlane v3, v2;
	s29 =	simm.s32 $0x8900  }
0x1d6: {  	[tilespmem:s29], [sflag:$0x1] =	stream.indirect_vreg.gather [hbm4b:s20+s2], $0x80, v4, vm0, $0xb8;
	[tilespmem:$0x18900] =	vst v63  }
0x1d7: {  	v3 =	vadd.s32 v1, v3;
	s29 =	simm.s32 $0x9100  }
0x1d8: {  	[tilespmem:s29], [sflag:$0x1] =	stream.indirect_vreg.gather [hbm4b:s21+s2], $0x80, v4, vm0, $0xb8;
	[tilespmem:$0x18900] =	vst v63  }
0x1d9: {  	s29 =	simm.s32 $0x9900  }
0x1da: {  	[tilespmem:s29], [sflag:$0x1] =	stream.indirect_vreg.gather [hbm4b:s22+s2], $0x80, v4, vm1, $0xb8;
	[tilespmem:$0x18900] =	vst v63  }
0x1db: {  	s29 =	simm.s32 $0x9D00  }
0x1dc: {  	[tilespmem:s29], [sflag:$0x1] =	stream.indirect_vreg.gather [hbm4b:s3+s2], $0x80, v3, vm0, $0xb8;
	[tilespmem:$0x18900] =	vst v63  }
0x1dd: {  	s29 =	simm.s32 $0xA500  }
0x1de: {  	[tilespmem:s29], [sflag:$0x1] =	stream.indirect_vreg.gather [hbm4b:s4+s2], $0x80, v3, vm0, $0xb8;
	[tilespmem:$0x18900] =	vst v63  }
0x1df: {  	s29 =	simm.s32 $0xAD00  }
0x1e0: {  	[tilespmem:s29], [sflag:$0x1] =	stream.indirect_vreg.gather [hbm4b:s5+s2], $0x80, v3, vm0, $0xb8;
	[tilespmem:$0x18900] =	vst v63  }
0x1e1: {  	s29 =	simm.s32 $0xB500  }
0x1e2: {  	[tilespmem:s29], [sflag:$0x1] =	stream.indirect_vreg.gather [hbm4b:s6+s2], $0x80, v3, vm0, $0xb8;
	[tilespmem:$0x18900] =	vst v63  }
0x1e3: {  	s29 =	simm.s32 $0xBD00  }
0x1e4: {  	[tilespmem:s29], [sflag:$0x1] =	stream.indirect_vreg.gather [hbm4b:s7+s2], $0x80, v3, vm0, $0xb8;
	[tilespmem:$0x18900] =	vst v63  }
0x1e5: {  	s29 =	simm.s32 $0xC500  }
0x1e6: {  	[tilespmem:s29], [sflag:$0x1] =	stream.indirect_vreg.gather [hbm4b:s8+s2], $0x80, v3, vm0, $0xb8;
	[tilespmem:$0x18900] =	vst v63  }
0x1e7: {  	s29 =	simm.s32 $0xCD00  }
0x1e8: {  	[tilespmem:s29], [sflag:$0x1] =	stream.indirect_vreg.gather [hbm4b:s9+s2], $0x80, v3, vm0, $0xb8;
	[tilespmem:$0x18900] =	vst v63  }
0x1e9: {  	s29 =	simm.s32 $0xD500  }
0x1ea: {  	[tilespmem:s29], [sflag:$0x1] =	stream.indirect_vreg.gather [hbm4b:s10+s2], $0x80, v3, vm0, $0xb8;
	[tilespmem:$0x18900] =	vst v63  }
0x1eb: {  	s29 =	simm.s32 $0xDD00  }
0x1ec: {  	[tilespmem:s29], [sflag:$0x1] =	stream.indirect_vreg.gather [hbm4b:s11+s2], $0x80, v3, vm0, $0xb8;
	[tilespmem:$0x18900] =	vst v63  }
0x1ed: {  	s29 =	simm.s32 $0xE500  }
0x1ee: {  	[tilespmem:s29], [sflag:$0x1] =	stream.indirect_vreg.gather [hbm4b:s12+s2], $0x80, v3, vm0, $0xb8;
	[tilespmem:$0x18900] =	vst v63  }
0x1ef: {  	s29 =	simm.s32 $0xED00  }
0x1f0: {  	[tilespmem:s29], [sflag:$0x1] =	stream.indirect_vreg.gather [hbm4b:s13+s2], $0x80, v3, vm0, $0xb8;
	[tilespmem:$0x18900] =	vst v63  }
0x1f1: {  	s29 =	simm.s32 $0xF500  }
0x1f2: {  	[tilespmem:s29], [sflag:$0x1] =	stream.indirect_vreg.gather [hbm4b:s14+s2], $0x80, v3, vm0, $0xb8;
	[tilespmem:$0x18900] =	vst v63  }
0x1f3: {  	s29 =	simm.s32 $0xFD00  }
0x1f4: {  	[tilespmem:s29], [sflag:$0x1] =	stream.indirect_vreg.gather [hbm4b:s15+s2], $0x80, v3, vm0, $0xb8;
	[tilespmem:$0x18900] =	vst v63  }
0x1f5: {  	s29 =	simm.s32 $0x10500  }
0x1f6: {  	[tilespmem:s29], [sflag:$0x1] =	stream.indirect_vreg.gather [hbm4b:s16+s2], $0x80, v3, vm0, $0xb8;
	[tilespmem:$0x18900] =	vst v63  }
0x1f7: {  	s29 =	simm.s32 $0x10D00  }
0x1f8: {  	[tilespmem:s29], [sflag:$0x1] =	stream.indirect_vreg.gather [hbm4b:s17+s2], $0x80, v3, vm0, $0xb8;
	[tilespmem:$0x18900] =	vst v63  }
0x1f9: {  	s29 =	simm.s32 $0x11500  }
0x1fa: {  	[tilespmem:s29], [sflag:$0x1] =	stream.indirect_vreg.gather [hbm4b:s18+s2], $0x80, v3, vm0, $0xb8;
	[tilespmem:$0x18900] =	vst v63  }
0x1fb: {  	s29 =	simm.s32 $0x11D00  }
0x1fc: {  	[tilespmem:s29], [sflag:$0x1] =	stream.indirect_vreg.gather [hbm4b:s19+s2], $0x80, v3, vm0, $0xb8;
	[tilespmem:$0x18900] =	vst v63  }
0x1fd: {  	s29 =	simm.s32 $0x12500  }
0x1fe: {  	[tilespmem:s29], [sflag:$0x1] =	stream.indirect_vreg.gather [hbm4b:s20+s2], $0x80, v3, vm0, $0xb8;
	[tilespmem:$0x18900] =	vst v63  }
0x1ff: {  	s29 =	simm.s32 $0x12D00  }
0x200: {  	[tilespmem:s29], [sflag:$0x1] =	stream.indirect_vreg.gather [hbm4b:s21+s2], $0x80, v3, vm0, $0xb8;
	[tilespmem:$0x18900] =	vst v63  }
0x201: {  	s29 =	simm.s32 $0x13500  }
0x202: {  	[tilespmem:s29], [sflag:$0x1] =	stream.indirect_vreg.gather [hbm4b:s22+s2], $0x80, v3, vm1, $0xb8;
	[tilespmem:$0x18900] =	vst v63  }
0x203: {  	_ =	swait.ge [sflag:s28], $0x13800  }
0x204: {  	[sflag:s28] =	ssyncset.done $0x0  }
0x205: {  	s1 =	rddreg [dreg:$0xd];
	[sflag:s28] =	ssyncadd.s32 $0xFFFEC800  }
0x206: {  	[hbm4b:s1+s2] =	stream.linear.scatter [tilespmem:s23], [sflag:$0x2], $0x13800, $0x38;
	[tilespmem:$0x18900] =	vst v63  }
0x207: {  	_ =	swait.ge [sflag:s24], $0x13800  }
0x208: {  	[sflag:s24] =	ssyncset.done $0x0  }
0x209: {  	[sflag:s24] =	ssyncadd.s32 $0xFFFEC800  }
0x20a: {  	v3 =	vld [tilespmem:$0xB0];
	_ =	sdelay $0x4  }
0x20b: {  	v63 =	vshrl.u32 v3, $0x3  }
0x20c: {  	v4 =	vmul.u32 $0x138, v63  }
0x20d: {  	v3 =	vand.u32 $0x7, v3  }
0x20e: {  	v3 =	vor.u32 v3, v4  }
0x20f: {  	v4 =	vperm.xlane v3, v0;
	_ =	sdelay $0x1  }
0x210: {  	v4 =	vadd.s32 v1, v4;
	_ =	sdelay $0x4  }
0x211: {  	[tilespmem:s23], [sflag:$0x1] =	stream.indirect_vreg.gather [hbm4b:s3+s2], $0x80, v4, vm0, $0xb8;
	[tilespmem:$0x18900] =	vst v63  }
0x212: {  	s0 =	simm.s32 $0x900  }
0x213: {  	[tilespmem:s0], [sflag:$0x1] =	stream.indirect_vreg.gather [hbm4b:s4+s2], $0x80, v4, vm0, $0xb8;
	[tilespmem:$0x18900] =	vst v63  }
0x214: {  	s26 =	simm.s32 $0x1100  }
0x215: {  	[tilespmem:s26], [sflag:$0x1] =	stream.indirect_vreg.gather [hbm4b:s5+s2], $0x80, v4, vm0, $0xb8;
	[tilespmem:$0x18900] =	vst v63  }
0x216: {  	s25 =	simm.s32 $0x1900  }
0x217: {  	[tilespmem:s25], [sflag:$0x1] =	stream.indirect_vreg.gather [hbm4b:s6+s2], $0x80, v4, vm0, $0xb8;
	[tilespmem:$0x18900] =	vst v63  }
0x218: {  	s30 =	simm.s32 $0x2100  }
0x219: {  	[tilespmem:s30], [sflag:$0x1] =	stream.indirect_vreg.gather [hbm4b:s7+s2], $0x80, v4, vm0, $0xb8;
	[tilespmem:$0x18900] =	vst v63  }
0x21a: {  	s25 =	simm.s32 $0x2900  }
0x21b: {  	[tilespmem:s25], [sflag:$0x1] =	stream.indirect_vreg.gather [hbm4b:s8+s2], $0x80, v4, vm0, $0xb8;
	[tilespmem:$0x18900] =	vst v63  }
0x21c: {  	s31 =	simm.s32 $0x3100  }
0x21d: {  	[tilespmem:s31], [sflag:$0x1] =	stream.indirect_vreg.gather [hbm4b:s9+s2], $0x80, v4, vm0, $0xb8;
	[tilespmem:$0x18900] =	vst v63  }
0x21e: {  	s26 =	simm.s32 $0x3900  }
0x21f: {  	[tilespmem:s26], [sflag:$0x1] =	stream.indirect_vreg.gather [hbm4b:s10+s2], $0x80, v4, vm0, $0xb8;
	[tilespmem:$0x18900] =	vst v63  }
0x220: {  	s29 =	simm.s32 $0x4100  }
0x221: {  	[tilespmem:s29], [sflag:$0x1] =	stream.indirect_vreg.gather [hbm4b:s11+s2], $0x80, v4, vm0, $0xb8;
	[tilespmem:$0x18900] =	vst v63  }
0x222: {  	s30 =	simm.s32 $0x4900  }
0x223: {  	[tilespmem:s30], [sflag:$0x1] =	stream.indirect_vreg.gather [hbm4b:s12+s2], $0x80, v4, vm0, $0xb8;
	[tilespmem:$0x18900] =	vst v63  }
0x224: {  	s31 =	simm.s32 $0x5100  }
0x225: {  	[tilespmem:s31], [sflag:$0x1] =	stream.indirect_vreg.gather [hbm4b:s13+s2], $0x80, v4, vm0, $0xb8;
	[tilespmem:$0x18900] =	vst v63  }
0x226: {  	s25 =	simm.s32 $0x5900  }
0x227: {  	[tilespmem:s25], [sflag:$0x1] =	stream.indirect_vreg.gather [hbm4b:s14+s2], $0x80, v4, vm0, $0xb8;
	[tilespmem:$0x18900] =	vst v63  }
0x228: {  	s26 =	simm.s32 $0x6100  }
0x229: {  	[tilespmem:s26], [sflag:$0x1] =	stream.indirect_vreg.gather [hbm4b:s15+s2], $0x80, v4, vm0, $0xb8;
	[tilespmem:$0x18900] =	vst v63  }
0x22a: {  	s29 =	simm.s32 $0x6900  }
0x22b: {  	[tilespmem:s29], [sflag:$0x1] =	stream.indirect_vreg.gather [hbm4b:s16+s2], $0x80, v4, vm0, $0xb8;
	[tilespmem:$0x18900] =	vst v63  }
0x22c: {  	s30 =	simm.s32 $0x7100  }
0x22d: {  	[tilespmem:s30], [sflag:$0x1] =	stream.indirect_vreg.gather [hbm4b:s17+s2], $0x80, v4, vm0, $0xb8;
	[tilespmem:$0x18900] =	vst v63  }
0x22e: {  	s31 =	simm.s32 $0x7900  }
0x22f: {  	[tilespmem:s31], [sflag:$0x1] =	stream.indirect_vreg.gather [hbm4b:s18+s2], $0x80, v4, vm0, $0xb8;
	[tilespmem:$0x18900] =	vst v63  }
0x230: {  	s25 =	simm.s32 $0x8100  }
0x231: {  	[tilespmem:s25], [sflag:$0x1] =	stream.indirect_vreg.gather [hbm4b:s19+s2], $0x80, v4, vm0, $0xb8;
	[tilespmem:$0x18900] =	vst v63  }
0x232: {  	v3 =	vperm.xlane v3, v2;
	s26 =	simm.s32 $0x8900  }
0x233: {  	[tilespmem:s26], [sflag:$0x1] =	stream.indirect_vreg.gather [hbm4b:s20+s2], $0x80, v4, vm0, $0xb8;
	[tilespmem:$0x18900] =	vst v63  }
0x234: {  	v3 =	vadd.s32 v1, v3;
	s29 =	simm.s32 $0x9100  }
0x235: {  	[tilespmem:s29], [sflag:$0x1] =	stream.indirect_vreg.gather [hbm4b:s21+s2], $0x80, v4, vm0, $0xb8;
	[tilespmem:$0x18900] =	vst v63  }
0x236: {  	s30 =	simm.s32 $0x9900  }
0x237: {  	[tilespmem:s30], [sflag:$0x1] =	stream.indirect_vreg.gather [hbm4b:s22+s2], $0x80, v4, vm1, $0xb8;
	[tilespmem:$0x18900] =	vst v63  }
0x238: {  	s31 =	simm.s32 $0x9D00  }
0x239: {  	[tilespmem:s31], [sflag:$0x1] =	stream.indirect_vreg.gather [hbm4b:s3+s2], $0x80, v3, vm0, $0xb8;
	[tilespmem:$0x18900] =	vst v63  }
0x23a: {  	s25 =	simm.s32 $0xA500  }
0x23b: {  	[tilespmem:s25], [sflag:$0x1] =	stream.indirect_vreg.gather [hbm4b:s4+s2], $0x80, v3, vm0, $0xb8;
	[tilespmem:$0x18900] =	vst v63  }
0x23c: {  	s26 =	simm.s32 $0xAD00  }
0x23d: {  	[tilespmem:s26], [sflag:$0x1] =	stream.indirect_vreg.gather [hbm4b:s5+s2], $0x80, v3, vm0, $0xb8;
	[tilespmem:$0x18900] =	vst v63  }
0x23e: {  	s29 =	simm.s32 $0xB500  }
0x23f: {  	[tilespmem:s29], [sflag:$0x1] =	stream.indirect_vreg.gather [hbm4b:s6+s2], $0x80, v3, vm0, $0xb8;
	[tilespmem:$0x18900] =	vst v63  }
0x240: {  	s30 =	simm.s32 $0xBD00  }
0x241: {  	[tilespmem:s30], [sflag:$0x1] =	stream.indirect_vreg.gather [hbm4b:s7+s2], $0x80, v3, vm0, $0xb8;
	[tilespmem:$0x18900] =	vst v63  }
0x242: {  	s31 =	simm.s32 $0xC500  }
0x243: {  	[tilespmem:s31], [sflag:$0x1] =	stream.indirect_vreg.gather [hbm4b:s8+s2], $0x80, v3, vm0, $0xb8;
	[tilespmem:$0x18900] =	vst v63  }
0x244: {  	s25 =	simm.s32 $0xCD00  }
0x245: {  	[tilespmem:s25], [sflag:$0x1] =	stream.indirect_vreg.gather [hbm4b:s9+s2], $0x80, v3, vm0, $0xb8;
	[tilespmem:$0x18900] =	vst v63  }
0x246: {  	s26 =	simm.s32 $0xD500  }
0x247: {  	[tilespmem:s26], [sflag:$0x1] =	stream.indirect_vreg.gather [hbm4b:s10+s2], $0x80, v3, vm0, $0xb8;
	[tilespmem:$0x18900] =	vst v63  }
0x248: {  	s29 =	simm.s32 $0xDD00  }
0x249: {  	[tilespmem:s29], [sflag:$0x1] =	stream.indirect_vreg.gather [hbm4b:s11+s2], $0x80, v3, vm0, $0xb8;
	[tilespmem:$0x18900] =	vst v63  }
0x24a: {  	s30 =	simm.s32 $0xE500  }
0x24b: {  	[tilespmem:s30], [sflag:$0x1] =	stream.indirect_vreg.gather [hbm4b:s12+s2], $0x80, v3, vm0, $0xb8;
	[tilespmem:$0x18900] =	vst v63  }
0x24c: {  	s31 =	simm.s32 $0xED00  }
0x24d: {  	[tilespmem:s31], [sflag:$0x1] =	stream.indirect_vreg.gather [hbm4b:s13+s2], $0x80, v3, vm0, $0xb8;
	[tilespmem:$0x18900] =	vst v63  }
0x24e: {  	s25 =	simm.s32 $0xF500  }
0x24f: {  	[tilespmem:s25], [sflag:$0x1] =	stream.indirect_vreg.gather [hbm4b:s14+s2], $0x80, v3, vm0, $0xb8;
	[tilespmem:$0x18900] =	vst v63  }
0x250: {  	s26 =	simm.s32 $0xFD00  }
0x251: {  	[tilespmem:s26], [sflag:$0x1] =	stream.indirect_vreg.gather [hbm4b:s15+s2], $0x80, v3, vm0, $0xb8;
	[tilespmem:$0x18900] =	vst v63  }
0x252: {  	s29 =	simm.s32 $0x10500  }
0x253: {  	[tilespmem:s29], [sflag:$0x1] =	stream.indirect_vreg.gather [hbm4b:s16+s2], $0x80, v3, vm0, $0xb8;
	[tilespmem:$0x18900] =	vst v63  }
0x254: {  	s30 =	simm.s32 $0x10D00  }
0x255: {  	[tilespmem:s30], [sflag:$0x1] =	stream.indirect_vreg.gather [hbm4b:s17+s2], $0x80, v3, vm0, $0xb8;
	[tilespmem:$0x18900] =	vst v63  }
0x256: {  	s31 =	simm.s32 $0x11500  }
0x257: {  	[tilespmem:s31], [sflag:$0x1] =	stream.indirect_vreg.gather [hbm4b:s18+s2], $0x80, v3, vm0, $0xb8;
	[tilespmem:$0x18900] =	vst v63  }
0x258: {  	s25 =	simm.s32 $0x11D00  }
0x259: {  	[tilespmem:s25], [sflag:$0x1] =	stream.indirect_vreg.gather [hbm4b:s19+s2], $0x80, v3, vm0, $0xb8;
	[tilespmem:$0x18900] =	vst v63  }
0x25a: {  	s26 =	simm.s32 $0x12500  }
0x25b: {  	[tilespmem:s26], [sflag:$0x1] =	stream.indirect_vreg.gather [hbm4b:s20+s2], $0x80, v3, vm0, $0xb8;
	[tilespmem:$0x18900] =	vst v63  }
0x25c: {  	s29 =	simm.s32 $0x12D00  }
0x25d: {  	[tilespmem:s29], [sflag:$0x1] =	stream.indirect_vreg.gather [hbm4b:s21+s2], $0x80, v3, vm0, $0xb8;
	[tilespmem:$0x18900] =	vst v63  }
0x25e: {  	s30 =	simm.s32 $0x13500  }
0x25f: {  	[tilespmem:s30], [sflag:$0x1] =	stream.indirect_vreg.gather [hbm4b:s22+s2], $0x80, v3, vm1, $0xb8;
	[tilespmem:$0x18900] =	vst v63  }
0x260: {  	s1 =	rddreg [dreg:$0x11];
	_ =	swait.ge [sflag:s28], $0x13800  }
0x261: {  	p0 =	sne.s32 s1, $0x1;
	[sflag:s28] =	ssyncset.done $0x0  }
.Ltmp0:
0x262: {  	s31 =	rddreg [dreg:$0xe];
	[sflag:s28] =	ssyncadd.s32 $0xFFFEC800;
	(pc) =	sbr.rel @p0 .LBB2_1-.Ltmp0, $4  }
0x263: {  	[hbm4b:s31+s2] =	stream.linear.scatter [tilespmem:s23], [sflag:$0x2], $0x13800, $0x38;
	[tilespmem:$0x18900] =	vst v63  }
0x264: {  	_ =	swait.ge [sflag:s24], $0x13800  }
0x265: {  	[sflag:s24] =	ssyncset.done $0x0  }
0x266: {  	s1 =	sadd.s32 $0xFFFFFFFF, s1;
	[sflag:s24] =	ssyncadd.s32 $0xFFFEC800  }
0x267: {  	_ =	sfence.sel $0x180000  }
0x268: {  	[bflag:$0x0] =	sbarrier.arrive $0xFFFF  }
0x269: {  	_ =	strace $0x9000004A  }
0x26a: {  	s0 =	stileid.u32;
	[bflag:$0x2] =	sbarrier.arrive $0xFFFF  }
0x26b: {  	p0 =	sne.s32 s0, $0x0;
	s0 =	rddreg [dreg:$0x1]  }
0x26c: {  	s0 =	sadd.s32 @!p0 $0x100000, s0  }
0x26d: {  	[sflag:s0] =	ssyncadd.tile.s32 @!p0 $0x1;
	_ =	shalt  }
.Lfunc_end2:
_tile_overlayer_lowered:
.L_overlay_start_2:
0x26e: {  	(tag) =	ssettag $0x2  }
0x26f: {  	s0 =	rddreg [dreg:$0x0];
	s2 =	stileid.u32  }
0x270: {  	s1 =	rddreg [dreg:$0x1];
	p0 =	sne.s32 s2, $0x0  }
0x271: {  	s3 =	rddreg [dreg:$0x2];
	[bflag:$0x3] =	sbarrier.arrive $0xFFFF;
	s2 =	simm.s32 @!p0 $0x1C02  }
0x272: {  	[timem:s3], [sflag:s2] =	dma.local @!p0 [hbm:s0], s1  }
0x273: {  	s0 =	simm.s32 @!p0 $0x2  }
0x274: {  	_ =	swait.ge @!p0 [sflag:s0], s1  }
0x275: {  	s1 =	ssub.s32 @!p0 $0x0, s1;
	[sflag:s0] =	ssyncset.done @!p0 $0x0  }
0x276: {  	[sflag:s0] =	ssyncadd.s32 @!p0 s1  }
0x277: {  	[bflag:$0x3] =	sbarrier.arrive $0xFFFF  }
0x278: {  	_ =	shalt  }

</sc_bundles>
